<compile_context>
chip_gen: v7x
topology: tpu7x:2x2x1
jax: 0.10.2.dev20260603
libtpu: 0.0.44.dev20260713+nightly
codegen_flags: <defaults>
</compile_context>

<pallas_src>
import functools

import jax
import jax.numpy as jnp
from jax import lax
from jax.experimental import pallas as pl
from jax.experimental.pallas import tpu as pltpu
from jax.experimental.pallas import tpu_sc as plsc

N_NODES = 10000
HEADS = 2
D = 128
C = HEADS * D
E = 320000

NC, NS = 2, 16
NW = NC * NS
NROUND = 2
NPART = NW * NROUND
NPN = 157
CH = 64
SCAN = 3200
EID_BITS = 19
EID_MASK = (1 << EID_BITS) - 1
E_PAD = E + CH
PAGE = 96
NEG = -3.0e38


def _matmul_body(m_ref, w_ref, o_ref):
    o_ref[...] = jnp.dot(m_ref[...], w_ref[...],
                         preferred_element_type=jnp.float32)


def _logits(messages, W):
    BLK = 2000
    return pl.pallas_call(
        _matmul_body,
        grid=(E // BLK,),
        in_specs=[
            pl.BlockSpec((BLK, D), lambda i: (i, 0)),
            pl.BlockSpec((D, C), lambda i: (0, 0)),
        ],
        out_specs=pl.BlockSpec((BLK, C), lambda i: (i, 0)),
        out_shape=jax.ShapeDtypeStruct((E, C), jnp.float32),
    )(messages, W)


def _sc_body(src_hbm, logits_hbm, out_hbm,
             bins_hbm, scanbuf, page0, page1, pbuf, eid_buf, xbuf, obuf,
             mtab, stab, sem_scan, sem_g, sem_s):
    c = lax.axis_index("c")
    s = lax.axis_index("s")
    w = s * NC + c
    lane = lax.iota(jnp.int32, 16)

    lo0 = w * NPN
    lo1 = (NW + w) * NPN

    def scan_blk(b, carry):
        pltpu.sync_copy(src_hbm.at[pl.ds(b * SCAN, SCAN)], scanbuf)

        def scan_chunk(i, carry):
            f0, wo0, f1, wo1 = carry
            srcv = scanbuf[pl.ds(i * 16, 16)]
            eidv = (b * SCAN + i * 16) + lane

            def one_part(page, lo, part, f, wo):
                node = srcv - lo
                msk = (node >= 0) & (node < NPN)
                packed = (node << EID_BITS) | eidv
                plsc.store_compressed(page.at[pl.ds(f, 16)], packed, mask=msk)
                f = f + jnp.sum(msk.astype(jnp.int32))

                def flush():
                    pltpu.sync_copy(page.at[pl.ds(0, CH)],
                                    bins_hbm.at[pl.ds(pl.multiple_of(part * E_PAD + wo, CH), CH)])
                    page[pl.ds(0, 16)] = page[pl.ds(CH, 16)]
                pl.when(f >= CH)(flush)
                full = (f >= CH).astype(jnp.int32)
                return f - full * CH, wo + full * CH

            f0, wo0 = one_part(page0, lo0, w, f0, wo0)
            f1, wo1 = one_part(page1, lo1, NW + w, f1, wo1)
            return f0, wo0, f1, wo1

        return lax.fori_loop(0, SCAN // 16, scan_chunk, carry)

    with jax.named_scope("phase0_bin"):
        f0, wo0, f1, wo1 = lax.fori_loop(0, E // SCAN, scan_blk,
                                         (0, 0, 0, 0))
    pltpu.sync_copy(page0.at[pl.ds(0, CH)], bins_hbm.at[pl.ds(pl.multiple_of(w * E_PAD + wo0, CH), CH)])
    pltpu.sync_copy(page1.at[pl.ds(0, CH)],
                    bins_hbm.at[pl.ds(pl.multiple_of((NW + w) * E_PAD + wo1, CH), CH)])
    cnts = (wo0 + f0, wo1 + f1)

    for r in range(NROUND):
        p = r * NW + w
        cnt = cnts[r]

        def init_node(i, _):
            for j in range(C // 16):
                mtab[pl.ds(i * C + j * 16, 16)] = jnp.full((16,), NEG,
                                                           jnp.float32)
                stab[pl.ds(i * C + j * 16, 16)] = jnp.zeros((16,),
                                                            jnp.float32)
            return _
        lax.fori_loop(0, NPN, init_node, None)

        nchunks = (cnt + CH - 1) // CH

        def stage_chunk(ci):
            off = ci * CH
            pltpu.sync_copy(bins_hbm.at[pl.ds(pl.multiple_of(p * E_PAD + off, CH), CH)],
                            pbuf.at[pl.ds(0, CH)])
            nrem = cnt - off
            for q in range(CH // 16):
                pk = pbuf[pl.ds(q * 16, 16)]
                eidv = pk & EID_MASK
                valid = (q * 16 + lane) < nrem
                eidv = jnp.where(valid, eidv, E + q * 16 + lane)
                eid_buf[pl.ds(q * 16, 16)] = eidv
            return nrem

        def chunk_a(ci, _):
            nrem = stage_chunk(ci)
            pltpu.async_copy(logits_hbm.at[eid_buf], xbuf, sem_g).wait()

            def edge_a(e, _):
                pk = pbuf[pl.ds(e, 16)][0]
                base = (pk >> EID_BITS) * C
                for j in range(C // 16):
                    x = xbuf[e, pl.ds(j * 16, 16)]
                    mo = mtab[pl.ds(base + j * 16, 16)]
                    so = stab[pl.ds(base + j * 16, 16)]
                    mn = jnp.maximum(mo, x)
                    sn = so * jnp.exp(mo - mn) + jnp.exp(x - mn)
                    mtab[pl.ds(base + j * 16, 16)] = mn
                    stab[pl.ds(base + j * 16, 16)] = sn
                return _
            lax.fori_loop(0, jnp.minimum(nrem, CH), edge_a, None)
            return _
        with jax.named_scope("phaseA"):
            lax.fori_loop(0, nchunks, chunk_a, None)

        def chunk_b(ci, _):
            nrem = stage_chunk(ci)
            pltpu.async_copy(logits_hbm.at[eid_buf], xbuf, sem_g).wait()

            def edge_b(e, _):
                pk = pbuf[pl.ds(e, 16)][0]
                base = (pk >> EID_BITS) * C
                for j in range(C // 16):
                    x = xbuf[e, pl.ds(j * 16, 16)]
                    m = mtab[pl.ds(base + j * 16, 16)]
                    sm = stab[pl.ds(base + j * 16, 16)]
                    obuf[e, pl.ds(j * 16, 16)] = jnp.exp(x - m) / sm
                return _
            lax.fori_loop(0, jnp.minimum(nrem, CH), edge_b, None)
            pltpu.async_copy(obuf, out_hbm.at[eid_buf], sem_s).wait()
            return _
        with jax.named_scope("phaseB"):
            pass


def _edge_softmax(src, logits):
    mesh = plsc.VectorSubcoreMesh(core_axis_name="c", subcore_axis_name="s",
                                  num_cores=NC, num_subcores=NS)
    f = pl.kernel(
        _sc_body,
        out_type=jax.ShapeDtypeStruct((E + CH, C), jnp.float32),
        mesh=mesh,
        compiler_params=pltpu.CompilerParams(needs_layout_passes=False),
        scratch_types=[
            pltpu.HBM((NPART * E_PAD,), jnp.int32),
            pltpu.VMEM((SCAN,), jnp.int32),
            pltpu.VMEM((PAGE,), jnp.int32),
            pltpu.VMEM((PAGE,), jnp.int32),
            pltpu.VMEM((CH + 16,), jnp.int32),
            pltpu.VMEM((CH,), jnp.int32),
            pltpu.VMEM((CH, C), jnp.float32),
            pltpu.VMEM((CH, C), jnp.float32),
            pltpu.VMEM((NPN * C,), jnp.float32),
            pltpu.VMEM((NPN * C,), jnp.float32),
            pltpu.SemaphoreType.DMA,
            pltpu.SemaphoreType.DMA,
            pltpu.SemaphoreType.DMA,
        ],
    )
    return f(src, logits)


def kernel(messages, edge_index, W):
    logits = _logits(messages, W)
    src = edge_index[0].astype(jnp.int32)
    out = _edge_softmax(src, logits)
    return out[:E].reshape(E, HEADS, D)

# --- scband reference (transcript-rebuilt; emitter-appended) ---
"""Pipeline reference for scband-attention-mechanism-34832184770732 (READ-ONLY COPY).

The authoritative reference and input builder live on the scoring server;
editing this copy changes nothing except your own understanding.
"""

import jax, jax.numpy as jnp
import numpy as np

N_NODES = 10000
HEADS = 2
MSG_DIM = 128
N_EDGES = 320000

def setup_inputs(seed: int = 0) -> dict:
    key = jax.random.key(seed)
    k1, k2, k3 = jax.random.split(key, 3)
    messages = jax.random.normal(k1, (N_EDGES, MSG_DIM), dtype=jnp.float32)
    edge_index = jax.random.randint(k2, (2, N_EDGES), 0, N_NODES, dtype=jnp.int64)
    # Linear(message_dim, message_dim*heads, bias=False): weight [out,in] in torch; store as [in,out] for x @ W
    W = jax.random.normal(k3, (MSG_DIM, MSG_DIM * HEADS), dtype=jnp.float32) * (1.0 / np.sqrt(MSG_DIM))
    return {"messages": messages, "edge_index": edge_index, "W": W}

def reference(messages, edge_index, W):
    E = messages.shape[0]
    attn_logits = messages @ W  # [E, heads*message_dim]
    attn_logits = attn_logits.reshape(E, HEADS, -1)
    src = edge_index[0]
    attn_probs_list = []
    for i in range(HEADS):
        single_head_logits = attn_logits[:, i]  # [E, message_dim]
        max_per_source_node = jax.ops.segment_max(single_head_logits, src, num_segments=N_NODES)
        attn_logits_maxed = single_head_logits - max_per_source_node[src]
        attn_weights = jnp.exp(attn_logits_maxed)
        attn_sum = jax.ops.segment_sum(attn_weights, src, num_segments=N_NODES)
        attn_probs = attn_weights / attn_sum[src]
        attn_probs_list.append(attn_probs)
    attn_probs_stacked = jnp.stack(attn_probs_list, axis=1)  # [E, heads, message_dim]
    return attn_probs_stacked

if __name__ == "__main__":
    import jax
    _d = setup_inputs()
    print(jax.jit(kernel)(*tuple(_d.values())))

</pallas_src>

<mosaic_0001>
#map = affine_map<(d0, d1) -> (0)>
#map1 = affine_map<(d0, d1) -> (0, 0)>
module attributes {stable_mosaic.version = 14 : i64} {
  func.func @_sc_body(%arg0: i32, %arg1: i32, %arg2: memref<320000xi32, #tpu.memory_space<hbm>>, %arg3: memref<320000x256xf32, #tpu.memory_space<hbm>>, %arg4: memref<320064x256xf32, #tpu.memory_space<hbm>>, %arg5: memref<20484096xi32, #tpu.memory_space<hbm>>, %arg6: memref<3200xi32, #tpu.memory_space<vmem>>, %arg7: memref<96xi32, #tpu.memory_space<vmem>>, %arg8: memref<96xi32, #tpu.memory_space<vmem>>, %arg9: memref<80xi32, #tpu.memory_space<vmem>>, %arg10: memref<64xi32, #tpu.memory_space<vmem>>, %arg11: memref<64x256xf32, #tpu.memory_space<vmem>>, %arg12: memref<64x256xf32, #tpu.memory_space<vmem>>, %arg13: memref<40192xf32, #tpu.memory_space<vmem>>, %arg14: memref<40192xf32, #tpu.memory_space<vmem>>, %arg15: memref<!tpu.dma_semaphore, #tpu.memory_space<semaphore_mem>>, %arg16: memref<!tpu.dma_semaphore, #tpu.memory_space<semaphore_mem>>, %arg17: memref<!tpu.dma_semaphore, #tpu.memory_space<semaphore_mem>>) attributes {dimension_semantics = [#tpu.dimension_semantics<core_parallel>, #tpu.dimension_semantics<subcore_parallel>], iteration_bounds = array<i64: 2, 16>, scalar_prefetch = 0 : i64, scratch_operands = 13 : i64, tpu.core_type = #tpu.core_type<sc_vector_subcore>, window_params = [{transform_indices = #map}, {transform_indices = #map1}, {transform_indices = #map1}]} {
    %mul3A = arith.constant 2 : i32
    %mul3A_0 = arith.muli %arg1, %mul3A : i32
    %add3A = arith.addi %mul3A_0, %arg0 : i32
    %iota3A = tpu.iota {dimensions = array<i32: 0>} : vector<16xi32>
    %mul3A_1 = arith.constant 157 : i32
    %mul3A_2 = arith.muli %add3A, %mul3A_1 : i32
    %add3A_3 = arith.constant 32 : i32
    %add3A_4 = arith.addi %add3A_3, %add3A : i32
    %mul3A_5 = arith.constant 157 : i32
    %mul3A_6 = arith.muli %add3A_4, %mul3A_5 : i32
    "tpu.trace_start"() <{level = 10 : i32, message = "phase0_bin"}> : () -> ()
    %scan3A = arith.constant 0 : i32
    %scan3A_7 = arith.constant 0 : i32
    %scan3A_8 = arith.constant 0 : i32
    %scan3A_9 = arith.constant 0 : i32
    %scan3A_10 = arith.constant 0 : i32
    %scan3A_11 = arith.constant 100 : i32
    %scan3A_12 = arith.addi %scan3A_10, %scan3A_11 : i32
    %scan3A_13 = arith.constant 1 : i32
    %scan3A_14:4 = scf.for %scan3A_106 = %scan3A_10 to %scan3A_12 step %scan3A_13 iter_args(%scan3A_107 = %scan3A, %scan3A_108 = %scan3A_7, %scan3A_109 = %scan3A_8, %scan3A_110 = %scan3A_9) -> (i32, i32, i32, i32)  : i32 {
      %mul3A_111 = arith.constant 3200 : i32
      %mul3A_112 = arith.muli %scan3A_106, %mul3A_111 : i32
      "tpu.region"() ({
        %run_scoped3A = tpu.sem_alloc : memref<!tpu.dma_semaphore, #tpu.memory_space<semaphore_mem>>
        %dma_start3A = tpu.memref_slice %arg2[%mul3A_112] : memref<320000xi32, #tpu.memory_space<hbm>> -> memref<3200xi32, #tpu.memory_space<hbm>>
        %dma_start3A_119 = tpu.memref_slice %arg2[%mul3A_112] : memref<320000xi32, #tpu.memory_space<hbm>> -> memref<3200xi32, #tpu.memory_space<hbm>>
        tpu.enqueue_dma source(%dma_start3A_119 : memref<3200xi32, #tpu.memory_space<hbm>>) target(%arg6 : memref<3200xi32, #tpu.memory_space<vmem>>) target_semaphore(%run_scoped3A : memref<!tpu.dma_semaphore, #tpu.memory_space<semaphore_mem>>)
        %dma_wait3A = tpu.memref_slice %arg2[%mul3A_112] : memref<320000xi32, #tpu.memory_space<hbm>> -> memref<3200xi32, #tpu.memory_space<hbm>>
        %dma_wait3A_120 = tpu.memref_slice %arg2[%mul3A_112] : memref<320000xi32, #tpu.memory_space<hbm>> -> memref<3200xi32, #tpu.memory_space<hbm>>
        tpu.wait_dma2 semaphore(%run_scoped3A : memref<!tpu.dma_semaphore, #tpu.memory_space<semaphore_mem>>) src(%dma_wait3A_120 : memref<3200xi32, #tpu.memory_space<hbm>>) dst(%arg6 : memref<3200xi32, #tpu.memory_space<vmem>>)
        tpu.yield
      }) : () -> ()
      %scan3A_113 = arith.constant 0 : i32
      %scan3A_114 = arith.constant 200 : i32
      %scan3A_115 = arith.addi %scan3A_113, %scan3A_114 : i32
      %scan3A_116 = arith.constant 1 : i32
      %scan3A_117:4 = scf.for %scan3A_119 = %scan3A_113 to %scan3A_115 step %scan3A_116 iter_args(%scan3A_120 = %scan3A_107, %scan3A_121 = %scan3A_108, %scan3A_122 = %scan3A_109, %scan3A_123 = %scan3A_110) -> (i32, i32, i32, i32)  : i32 {
        %mul3A_124 = arith.constant 16 : i32
        %mul3A_125 = arith.muli %scan3A_119, %mul3A_124 : i32
        %get3A = arith.index_cast %mul3A_125 : i32 to index
        %get3A_126 = tpu.vector_load %arg6[%get3A] {strides = array<i32>} : memref<3200xi32, #tpu.memory_space<vmem>>, vector<16xi32>,
        %mul3A_127 = arith.constant 3200 : i32
        %mul3A_128 = arith.muli %scan3A_106, %mul3A_127 : i32
        %mul3A_129 = arith.constant 16 : i32
        %mul3A_130 = arith.muli %scan3A_119, %mul3A_129 : i32
        %add3A_131 = arith.addi %mul3A_128, %mul3A_130 : i32
        %add3A_132 = vector.broadcast %add3A_131 : i32 to vector<16xi32>
        %add3A_133 = arith.addi %add3A_132, %iota3A : vector<16xi32>
        %sub3A_134 = vector.broadcast %mul3A_2 : i32 to vector<16xi32>
        %sub3A_135 = arith.subi %get3A_126, %sub3A_134 : vector<16xi32>
        %ge3A = arith.constant 0 : i32
        %ge3A_136 = vector.broadcast %ge3A : i32 to vector<16xi32>
        %ge3A_137 = arith.cmpi sge, %sub3A_135, %ge3A_136 : vector<16xi32>
        %lt3A = arith.constant 157 : i32
        %lt3A_138 = vector.broadcast %lt3A : i32 to vector<16xi32>
        %lt3A_139 = arith.cmpi slt, %sub3A_135, %lt3A_138 : vector<16xi32>
        %and3A_140 = arith.andi %ge3A_137, %lt3A_139 : vector<16xi1>
        %shift_left3A = arith.constant 19 : i32
        %shift_left3A_141 = vector.broadcast %shift_left3A : i32 to vector<16xi32>
        %shift_left3A_142 = arith.shli %sub3A_135, %shift_left3A_141 : vector<16xi32>
        %or3A = arith.ori %shift_left3A_142, %add3A_133 : vector<16xi32>
        %swap3A = arith.index_cast %scan3A_120 : i32 to index
        %swap3A_143 = tpu.vector_load %arg7[%swap3A] masked %and3A_140 {strides = array<i32>} : memref<96xi32, #tpu.memory_space<vmem>>, vector<16xi32>, vector<16xi1>
        tpu.vector_store %arg7[%swap3A], %or3A masked %and3A_140 {strides = array<i32>} : memref<96xi32, #tpu.memory_space<vmem>>, vector<16xi32>, vector<16xi1>
        %convert_element_type3A = arith.extui %and3A_140 : vector<16xi1> to vector<16xi32>
        %reduce_sum3A = arith.constant true
        %reduce_sum3A_144 = vector.broadcast %reduce_sum3A : i1 to vector<16xi1>
        %reduce_sum3A_145 = tpu.scan <sum>, %convert_element_type3A masked %reduce_sum3A_144 : vector<16xi32>, vector<16xi1> -> vector<16xi32>
        %reduce_sum3A_146 = vector.extract %reduce_sum3A_145[15] : i32 from vector<16xi32>
        %add3A_147 = arith.addi %scan3A_120, %reduce_sum3A_146 : i32
        %ge3A_148 = arith.constant 64 : i32
        %ge3A_149 = arith.cmpi sge, %add3A_147, %ge3A_148 : i32
        %convert_element_type3A_150 = arith.extui %ge3A_149 : i1 to i32
        %cond3A = arith.constant 0 : i32
        %cond3A_151 = arith.cmpi ne, %convert_element_type3A_150, %cond3A : i32
        scf.if %cond3A_151 {
          %mul3A_198 = arith.constant 320064 : i32
          %mul3A_199 = arith.muli %add3A, %mul3A_198 : i32
          %add3A_200 = arith.addi %mul3A_199, %scan3A_121 : i32
          %multiple_of3A_201 = tpu.assume_multiple %add3A_200, 64 : i32
          "tpu.region"() ({
            %run_scoped3A = tpu.sem_alloc : memref<!tpu.dma_semaphore, #tpu.memory_space<semaphore_mem>>
            %dma_start3A = arith.constant 0 : i32
            %dma_start3A_206 = tpu.memref_slice %arg7[%dma_start3A] : memref<96xi32, #tpu.memory_space<vmem>> -> memref<64xi32, #tpu.memory_space<vmem>>
            %dma_start3A_207 = tpu.memref_slice %arg5[%multiple_of3A_201] : memref<20484096xi32, #tpu.memory_space<hbm>> -> memref<64xi32, #tpu.memory_space<hbm>>
            %dma_start3A_208 = tpu.memref_slice %arg5[%multiple_of3A_201] : memref<20484096xi32, #tpu.memory_space<hbm>> -> memref<64xi32, #tpu.memory_space<hbm>>
            %dma_start3A_209 = arith.constant 0 : i32
            %dma_start3A_210 = tpu.memref_slice %arg7[%dma_start3A_209] : memref<96xi32, #tpu.memory_space<vmem>> -> memref<64xi32, #tpu.memory_space<vmem>>
            tpu.enqueue_dma source(%dma_start3A_210 : memref<64xi32, #tpu.memory_space<vmem>>) target(%dma_start3A_208 : memref<64xi32, #tpu.memory_space<hbm>>) target_semaphore(%run_scoped3A : memref<!tpu.dma_semaphore, #tpu.memory_space<semaphore_mem>>)
            %dma_wait3A = arith.constant 0 : i32
            %dma_wait3A_211 = tpu.memref_slice %arg7[%dma_wait3A] : memref<96xi32, #tpu.memory_space<vmem>> -> memref<64xi32, #tpu.memory_space<vmem>>
            %dma_wait3A_212 = tpu.memref_slice %arg5[%multiple_of3A_201] : memref<20484096xi32, #tpu.memory_space<hbm>> -> memref<64xi32, #tpu.memory_space<hbm>>
            %dma_wait3A_213 = tpu.memref_slice %arg5[%multiple_of3A_201] : memref<20484096xi32, #tpu.memory_space<hbm>> -> memref<64xi32, #tpu.memory_space<hbm>>
            %dma_wait3A_214 = arith.constant 0 : i32
            %dma_wait3A_215 = tpu.memref_slice %arg7[%dma_wait3A_214] : memref<96xi32, #tpu.memory_space<vmem>> -> memref<64xi32, #tpu.memory_space<vmem>>
            tpu.wait_dma2 semaphore(%run_scoped3A : memref<!tpu.dma_semaphore, #tpu.memory_space<semaphore_mem>>) src(%dma_wait3A_215 : memref<64xi32, #tpu.memory_space<vmem>>) dst(%dma_wait3A_213 : memref<64xi32, #tpu.memory_space<hbm>>)
            tpu.yield
          }) : () -> ()
          %get3A_202 = arith.constant 64 : index
          %get3A_203 = tpu.vector_load %arg7[%get3A_202] {strides = array<i32>} : memref<96xi32, #tpu.memory_space<vmem>>, vector<16xi32>,
          %swap3A_204 = arith.constant 0 : index
          %swap3A_205 = tpu.vector_load %arg7[%swap3A_204] {strides = array<i32>} : memref<96xi32, #tpu.memory_space<vmem>>, vector<16xi32>,
          tpu.vector_store %arg7[%swap3A_204], %get3A_203 {strides = array<i32>} : memref<96xi32, #tpu.memory_space<vmem>>, vector<16xi32>,
        } else {
        }
        %ge3A_152 = arith.constant 64 : i32
        %ge3A_153 = arith.cmpi sge, %add3A_147, %ge3A_152 : i32
        %convert_element_type3A_154 = arith.extui %ge3A_153 : i1 to i32
        %mul3A_155 = arith.constant 64 : i32
        %mul3A_156 = arith.muli %convert_element_type3A_154, %mul3A_155 : i32
        %sub3A_157 = arith.subi %add3A_147, %mul3A_156 : i32
        %mul3A_158 = arith.constant 64 : i32
        %mul3A_159 = arith.muli %convert_element_type3A_154, %mul3A_158 : i32
        %add3A_160 = arith.addi %scan3A_121, %mul3A_159 : i32
        %add3A_161 = arith.constant 32 : i32
        %add3A_162 = arith.addi %add3A_161, %add3A : i32
        %sub3A_163 = vector.broadcast %mul3A_6 : i32 to vector<16xi32>
        %sub3A_164 = arith.subi %get3A_126, %sub3A_163 : vector<16xi32>
        %ge3A_165 = arith.constant 0 : i32
        %ge3A_166 = vector.broadcast %ge3A_165 : i32 to vector<16xi32>
        %ge3A_167 = arith.cmpi sge, %sub3A_164, %ge3A_166 : vector<16xi32>
        %lt3A_168 = arith.constant 157 : i32
        %lt3A_169 = vector.broadcast %lt3A_168 : i32 to vector<16xi32>
        %lt3A_170 = arith.cmpi slt, %sub3A_164, %lt3A_169 : vector<16xi32>
        %and3A_171 = arith.andi %ge3A_167, %lt3A_170 : vector<16xi1>
        %shift_left3A_172 = arith.constant 19 : i32
        %shift_left3A_173 = vector.broadcast %shift_left3A_172 : i32 to vector<16xi32>
        %shift_left3A_174 = arith.shli %sub3A_164, %shift_left3A_173 : vector<16xi32>
        %or3A_175 = arith.ori %shift_left3A_174, %add3A_133 : vector<16xi32>
        %swap3A_176 = arith.index_cast %scan3A_122 : i32 to index
        %swap3A_177 = tpu.vector_load %arg8[%swap3A_176] masked %and3A_171 {strides = array<i32>} : memref<96xi32, #tpu.memory_space<vmem>>, vector<16xi32>, vector<16xi1>
        tpu.vector_store %arg8[%swap3A_176], %or3A_175 masked %and3A_171 {strides = array<i32>} : memref<96xi32, #tpu.memory_space<vmem>>, vector<16xi32>, vector<16xi1>
        %convert_element_type3A_178 = arith.extui %and3A_171 : vector<16xi1> to vector<16xi32>
        %reduce_sum3A_179 = arith.constant true
        %reduce_sum3A_180 = vector.broadcast %reduce_sum3A_179 : i1 to vector<16xi1>
        %reduce_sum3A_181 = tpu.scan <sum>, %convert_element_type3A_178 masked %reduce_sum3A_180 : vector<16xi32>, vector<16xi1> -> vector<16xi32>
        %reduce_sum3A_182 = vector.extract %reduce_sum3A_181[15] : i32 from vector<16xi32>
        %add3A_183 = arith.addi %scan3A_122, %reduce_sum3A_182 : i32
        %ge3A_184 = arith.constant 64 : i32
        %ge3A_185 = arith.cmpi sge, %add3A_183, %ge3A_184 : i32
        %convert_element_type3A_186 = arith.extui %ge3A_185 : i1 to i32
        %cond3A_187 = arith.constant 0 : i32
        %cond3A_188 = arith.cmpi ne, %convert_element_type3A_186, %cond3A_187 : i32
        scf.if %cond3A_188 {
          %mul3A_198 = arith.constant 320064 : i32
          %mul3A_199 = arith.muli %add3A_162, %mul3A_198 : i32
          %add3A_200 = arith.addi %mul3A_199, %scan3A_123 : i32
          %multiple_of3A_201 = tpu.assume_multiple %add3A_200, 64 : i32
          "tpu.region"() ({
            %run_scoped3A = tpu.sem_alloc : memref<!tpu.dma_semaphore, #tpu.memory_space<semaphore_mem>>
            %dma_start3A = arith.constant 0 : i32
            %dma_start3A_206 = tpu.memref_slice %arg8[%dma_start3A] : memref<96xi32, #tpu.memory_space<vmem>> -> memref<64xi32, #tpu.memory_space<vmem>>
            %dma_start3A_207 = tpu.memref_slice %arg5[%multiple_of3A_201] : memref<20484096xi32, #tpu.memory_space<hbm>> -> memref<64xi32, #tpu.memory_space<hbm>>
            %dma_start3A_208 = tpu.memref_slice %arg5[%multiple_of3A_201] : memref<20484096xi32, #tpu.memory_space<hbm>> -> memref<64xi32, #tpu.memory_space<hbm>>
            %dma_start3A_209 = arith.constant 0 : i32
            %dma_start3A_210 = tpu.memref_slice %arg8[%dma_start3A_209] : memref<96xi32, #tpu.memory_space<vmem>> -> memref<64xi32, #tpu.memory_space<vmem>>
            tpu.enqueue_dma source(%dma_start3A_210 : memref<64xi32, #tpu.memory_space<vmem>>) target(%dma_start3A_208 : memref<64xi32, #tpu.memory_space<hbm>>) target_semaphore(%run_scoped3A : memref<!tpu.dma_semaphore, #tpu.memory_space<semaphore_mem>>)
            %dma_wait3A = arith.constant 0 : i32
            %dma_wait3A_211 = tpu.memref_slice %arg8[%dma_wait3A] : memref<96xi32, #tpu.memory_space<vmem>> -> memref<64xi32, #tpu.memory_space<vmem>>
            %dma_wait3A_212 = tpu.memref_slice %arg5[%multiple_of3A_201] : memref<20484096xi32, #tpu.memory_space<hbm>> -> memref<64xi32, #tpu.memory_space<hbm>>
            %dma_wait3A_213 = tpu.memref_slice %arg5[%multiple_of3A_201] : memref<20484096xi32, #tpu.memory_space<hbm>> -> memref<64xi32, #tpu.memory_space<hbm>>
            %dma_wait3A_214 = arith.constant 0 : i32
            %dma_wait3A_215 = tpu.memref_slice %arg8[%dma_wait3A_214] : memref<96xi32, #tpu.memory_space<vmem>> -> memref<64xi32, #tpu.memory_space<vmem>>
            tpu.wait_dma2 semaphore(%run_scoped3A : memref<!tpu.dma_semaphore, #tpu.memory_space<semaphore_mem>>) src(%dma_wait3A_215 : memref<64xi32, #tpu.memory_space<vmem>>) dst(%dma_wait3A_213 : memref<64xi32, #tpu.memory_space<hbm>>)
            tpu.yield
          }) : () -> ()
          %get3A_202 = arith.constant 64 : index
          %get3A_203 = tpu.vector_load %arg8[%get3A_202] {strides = array<i32>} : memref<96xi32, #tpu.memory_space<vmem>>, vector<16xi32>,
          %swap3A_204 = arith.constant 0 : index
          %swap3A_205 = tpu.vector_load %arg8[%swap3A_204] {strides = array<i32>} : memref<96xi32, #tpu.memory_space<vmem>>, vector<16xi32>,
          tpu.vector_store %arg8[%swap3A_204], %get3A_203 {strides = array<i32>} : memref<96xi32, #tpu.memory_space<vmem>>, vector<16xi32>,
        } else {
        }
        %ge3A_189 = arith.constant 64 : i32
        %ge3A_190 = arith.cmpi sge, %add3A_183, %ge3A_189 : i32
        %convert_element_type3A_191 = arith.extui %ge3A_190 : i1 to i32
        %mul3A_192 = arith.constant 64 : i32
        %mul3A_193 = arith.muli %convert_element_type3A_191, %mul3A_192 : i32
        %sub3A_194 = arith.subi %add3A_183, %mul3A_193 : i32
        %mul3A_195 = arith.constant 64 : i32
        %mul3A_196 = arith.muli %convert_element_type3A_191, %mul3A_195 : i32
        %add3A_197 = arith.addi %scan3A_123, %mul3A_196 : i32
        scf.yield %sub3A_157, %add3A_160, %sub3A_194, %add3A_197 : i32, i32, i32, i32
      }
      %scan3A_118 = arith.constant 200 : i32
      scf.yield %scan3A_117#0, %scan3A_117#1, %scan3A_117#2, %scan3A_117#3 : i32, i32, i32, i32
    }
    %scan3A_15 = arith.constant 100 : i32
    "tpu.trace_stop"() : () -> ()
    %mul3A_16 = arith.constant 320064 : i32
    %mul3A_17 = arith.muli %add3A, %mul3A_16 : i32
    %add3A_18 = arith.addi %mul3A_17, %scan3A_14#1 : i32
    %multiple_of3A = tpu.assume_multiple %add3A_18, 64 : i32
    "tpu.region"() ({
      %run_scoped3A = tpu.sem_alloc : memref<!tpu.dma_semaphore, #tpu.memory_space<semaphore_mem>>
      %dma_start3A = arith.constant 0 : i32
      %dma_start3A_106 = tpu.memref_slice %arg7[%dma_start3A] : memref<96xi32, #tpu.memory_space<vmem>> -> memref<64xi32, #tpu.memory_space<vmem>>
      %dma_start3A_107 = tpu.memref_slice %arg5[%multiple_of3A] : memref<20484096xi32, #tpu.memory_space<hbm>> -> memref<64xi32, #tpu.memory_space<hbm>>
      %dma_start3A_108 = tpu.memref_slice %arg5[%multiple_of3A] : memref<20484096xi32, #tpu.memory_space<hbm>> -> memref<64xi32, #tpu.memory_space<hbm>>
      %dma_start3A_109 = arith.constant 0 : i32
      %dma_start3A_110 = tpu.memref_slice %arg7[%dma_start3A_109] : memref<96xi32, #tpu.memory_space<vmem>> -> memref<64xi32, #tpu.memory_space<vmem>>
      tpu.enqueue_dma source(%dma_start3A_110 : memref<64xi32, #tpu.memory_space<vmem>>) target(%dma_start3A_108 : memref<64xi32, #tpu.memory_space<hbm>>) target_semaphore(%run_scoped3A : memref<!tpu.dma_semaphore, #tpu.memory_space<semaphore_mem>>)
      %dma_wait3A = arith.constant 0 : i32
      %dma_wait3A_111 = tpu.memref_slice %arg7[%dma_wait3A] : memref<96xi32, #tpu.memory_space<vmem>> -> memref<64xi32, #tpu.memory_space<vmem>>
      %dma_wait3A_112 = tpu.memref_slice %arg5[%multiple_of3A] : memref<20484096xi32, #tpu.memory_space<hbm>> -> memref<64xi32, #tpu.memory_space<hbm>>
      %dma_wait3A_113 = tpu.memref_slice %arg5[%multiple_of3A] : memref<20484096xi32, #tpu.memory_space<hbm>> -> memref<64xi32, #tpu.memory_space<hbm>>
      %dma_wait3A_114 = arith.constant 0 : i32
      %dma_wait3A_115 = tpu.memref_slice %arg7[%dma_wait3A_114] : memref<96xi32, #tpu.memory_space<vmem>> -> memref<64xi32, #tpu.memory_space<vmem>>
      tpu.wait_dma2 semaphore(%run_scoped3A : memref<!tpu.dma_semaphore, #tpu.memory_space<semaphore_mem>>) src(%dma_wait3A_115 : memref<64xi32, #tpu.memory_space<vmem>>) dst(%dma_wait3A_113 : memref<64xi32, #tpu.memory_space<hbm>>)
      tpu.yield
    }) : () -> ()
    %add3A_19 = arith.constant 32 : i32
    %add3A_20 = arith.addi %add3A_19, %add3A : i32
    %mul3A_21 = arith.constant 320064 : i32
    %mul3A_22 = arith.muli %add3A_20, %mul3A_21 : i32
    %add3A_23 = arith.addi %mul3A_22, %scan3A_14#3 : i32
    %multiple_of3A_24 = tpu.assume_multiple %add3A_23, 64 : i32
    "tpu.region"() ({
      %run_scoped3A = tpu.sem_alloc : memref<!tpu.dma_semaphore, #tpu.memory_space<semaphore_mem>>
      %dma_start3A = arith.constant 0 : i32
      %dma_start3A_106 = tpu.memref_slice %arg8[%dma_start3A] : memref<96xi32, #tpu.memory_space<vmem>> -> memref<64xi32, #tpu.memory_space<vmem>>
      %dma_start3A_107 = tpu.memref_slice %arg5[%multiple_of3A_24] : memref<20484096xi32, #tpu.memory_space<hbm>> -> memref<64xi32, #tpu.memory_space<hbm>>
      %dma_start3A_108 = tpu.memref_slice %arg5[%multiple_of3A_24] : memref<20484096xi32, #tpu.memory_space<hbm>> -> memref<64xi32, #tpu.memory_space<hbm>>
      %dma_start3A_109 = arith.constant 0 : i32
      %dma_start3A_110 = tpu.memref_slice %arg8[%dma_start3A_109] : memref<96xi32, #tpu.memory_space<vmem>> -> memref<64xi32, #tpu.memory_space<vmem>>
      tpu.enqueue_dma source(%dma_start3A_110 : memref<64xi32, #tpu.memory_space<vmem>>) target(%dma_start3A_108 : memref<64xi32, #tpu.memory_space<hbm>>) target_semaphore(%run_scoped3A : memref<!tpu.dma_semaphore, #tpu.memory_space<semaphore_mem>>)
      %dma_wait3A = arith.constant 0 : i32
      %dma_wait3A_111 = tpu.memref_slice %arg8[%dma_wait3A] : memref<96xi32, #tpu.memory_space<vmem>> -> memref<64xi32, #tpu.memory_space<vmem>>
      %dma_wait3A_112 = tpu.memref_slice %arg5[%multiple_of3A_24] : memref<20484096xi32, #tpu.memory_space<hbm>> -> memref<64xi32, #tpu.memory_space<hbm>>
      %dma_wait3A_113 = tpu.memref_slice %arg5[%multiple_of3A_24] : memref<20484096xi32, #tpu.memory_space<hbm>> -> memref<64xi32, #tpu.memory_space<hbm>>
      %dma_wait3A_114 = arith.constant 0 : i32
      %dma_wait3A_115 = tpu.memref_slice %arg8[%dma_wait3A_114] : memref<96xi32, #tpu.memory_space<vmem>> -> memref<64xi32, #tpu.memory_space<vmem>>
      tpu.wait_dma2 semaphore(%run_scoped3A : memref<!tpu.dma_semaphore, #tpu.memory_space<semaphore_mem>>) src(%dma_wait3A_115 : memref<64xi32, #tpu.memory_space<vmem>>) dst(%dma_wait3A_113 : memref<64xi32, #tpu.memory_space<hbm>>)
      tpu.yield
    }) : () -> ()
    %add3A_25 = arith.addi %scan3A_14#1, %scan3A_14#0 : i32
    %add3A_26 = arith.addi %scan3A_14#3, %scan3A_14#2 : i32
    %add3A_27 = arith.constant 0 : i32
    %add3A_28 = arith.addi %add3A_27, %add3A : i32
    %scan3A_29 = arith.constant 0 : i32
    %scan3A_30 = arith.constant 157 : i32
    %scan3A_31 = arith.addi %scan3A_29, %scan3A_30 : i32
    %scan3A_32 = arith.constant 1 : i32
    scf.for %scan3A_106 = %scan3A_29 to %scan3A_31 step %scan3A_32  : i32 {
      %broadcast_in_dim3A = arith.constant -3.000000e+38 : f32
      %broadcast_in_dim3A_107 = vector.broadcast %broadcast_in_dim3A : f32 to vector<16xf32>
      %mul3A_108 = arith.constant 256 : i32
      %mul3A_109 = arith.muli %scan3A_106, %mul3A_108 : i32
      %add3A_110 = arith.constant 0 : i32
      %add3A_111 = arith.addi %mul3A_109, %add3A_110 : i32
      %swap3A = arith.index_cast %add3A_111 : i32 to index
      %swap3A_112 = tpu.vector_load %arg13[%swap3A] {strides = array<i32>} : memref<40192xf32, #tpu.memory_space<vmem>>, vector<16xf32>,
      tpu.vector_store %arg13[%swap3A], %broadcast_in_dim3A_107 {strides = array<i32>} : memref<40192xf32, #tpu.memory_space<vmem>>, vector<16xf32>,
      %broadcast_in_dim3A_113 = arith.constant 0.000000e+00 : f32
      %broadcast_in_dim3A_114 = vector.broadcast %broadcast_in_dim3A_113 : f32 to vector<16xf32>
      %mul3A_115 = arith.constant 256 : i32
      %mul3A_116 = arith.muli %scan3A_106, %mul3A_115 : i32
      %add3A_117 = arith.constant 0 : i32
      %add3A_118 = arith.addi %mul3A_116, %add3A_117 : i32
      %swap3A_119 = arith.index_cast %add3A_118 : i32 to index
      %swap3A_120 = tpu.vector_load %arg14[%swap3A_119] {strides = array<i32>} : memref<40192xf32, #tpu.memory_space<vmem>>, vector<16xf32>,
      tpu.vector_store %arg14[%swap3A_119], %broadcast_in_dim3A_114 {strides = array<i32>} : memref<40192xf32, #tpu.memory_space<vmem>>, vector<16xf32>,
      %broadcast_in_dim3A_121 = arith.constant -3.000000e+38 : f32
      %broadcast_in_dim3A_122 = vector.broadcast %broadcast_in_dim3A_121 : f32 to vector<16xf32>
      %mul3A_123 = arith.constant 256 : i32
      %mul3A_124 = arith.muli %scan3A_106, %mul3A_123 : i32
      %add3A_125 = arith.constant 16 : i32
      %add3A_126 = arith.addi %mul3A_124, %add3A_125 : i32
      %swap3A_127 = arith.index_cast %add3A_126 : i32 to index
      %swap3A_128 = tpu.vector_load %arg13[%swap3A_127] {strides = array<i32>} : memref<40192xf32, #tpu.memory_space<vmem>>, vector<16xf32>,
      tpu.vector_store %arg13[%swap3A_127], %broadcast_in_dim3A_122 {strides = array<i32>} : memref<40192xf32, #tpu.memory_space<vmem>>, vector<16xf32>,
      %broadcast_in_dim3A_129 = arith.constant 0.000000e+00 : f32
      %broadcast_in_dim3A_130 = vector.broadcast %broadcast_in_dim3A_129 : f32 to vector<16xf32>
      %mul3A_131 = arith.constant 256 : i32
      %mul3A_132 = arith.muli %scan3A_106, %mul3A_131 : i32
      %add3A_133 = arith.constant 16 : i32
      %add3A_134 = arith.addi %mul3A_132, %add3A_133 : i32
      %swap3A_135 = arith.index_cast %add3A_134 : i32 to index
      %swap3A_136 = tpu.vector_load %arg14[%swap3A_135] {strides = array<i32>} : memref<40192xf32, #tpu.memory_space<vmem>>, vector<16xf32>,
      tpu.vector_store %arg14[%swap3A_135], %broadcast_in_dim3A_130 {strides = array<i32>} : memref<40192xf32, #tpu.memory_space<vmem>>, vector<16xf32>,
      %broadcast_in_dim3A_137 = arith.constant -3.000000e+38 : f32
      %broadcast_in_dim3A_138 = vector.broadcast %broadcast_in_dim3A_137 : f32 to vector<16xf32>
      %mul3A_139 = arith.constant 256 : i32
      %mul3A_140 = arith.muli %scan3A_106, %mul3A_139 : i32
      %add3A_141 = arith.constant 32 : i32
      %add3A_142 = arith.addi %mul3A_140, %add3A_141 : i32
      %swap3A_143 = arith.index_cast %add3A_142 : i32 to index
      %swap3A_144 = tpu.vector_load %arg13[%swap3A_143] {strides = array<i32>} : memref<40192xf32, #tpu.memory_space<vmem>>, vector<16xf32>,
      tpu.vector_store %arg13[%swap3A_143], %broadcast_in_dim3A_138 {strides = array<i32>} : memref<40192xf32, #tpu.memory_space<vmem>>, vector<16xf32>,
      %broadcast_in_dim3A_145 = arith.constant 0.000000e+00 : f32
      %broadcast_in_dim3A_146 = vector.broadcast %broadcast_in_dim3A_145 : f32 to vector<16xf32>
      %mul3A_147 = arith.constant 256 : i32
      %mul3A_148 = arith.muli %scan3A_106, %mul3A_147 : i32
      %add3A_149 = arith.constant 32 : i32
      %add3A_150 = arith.addi %mul3A_148, %add3A_149 : i32
      %swap3A_151 = arith.index_cast %add3A_150 : i32 to index
      %swap3A_152 = tpu.vector_load %arg14[%swap3A_151] {strides = array<i32>} : memref<40192xf32, #tpu.memory_space<vmem>>, vector<16xf32>,
      tpu.vector_store %arg14[%swap3A_151], %broadcast_in_dim3A_146 {strides = array<i32>} : memref<40192xf32, #tpu.memory_space<vmem>>, vector<16xf32>,
      %broadcast_in_dim3A_153 = arith.constant -3.000000e+38 : f32
      %broadcast_in_dim3A_154 = vector.broadcast %broadcast_in_dim3A_153 : f32 to vector<16xf32>
      %mul3A_155 = arith.constant 256 : i32
      %mul3A_156 = arith.muli %scan3A_106, %mul3A_155 : i32
      %add3A_157 = arith.constant 48 : i32
      %add3A_158 = arith.addi %mul3A_156, %add3A_157 : i32
      %swap3A_159 = arith.index_cast %add3A_158 : i32 to index
      %swap3A_160 = tpu.vector_load %arg13[%swap3A_159] {strides = array<i32>} : memref<40192xf32, #tpu.memory_space<vmem>>, vector<16xf32>,
      tpu.vector_store %arg13[%swap3A_159], %broadcast_in_dim3A_154 {strides = array<i32>} : memref<40192xf32, #tpu.memory_space<vmem>>, vector<16xf32>,
      %broadcast_in_dim3A_161 = arith.constant 0.000000e+00 : f32
      %broadcast_in_dim3A_162 = vector.broadcast %broadcast_in_dim3A_161 : f32 to vector<16xf32>
      %mul3A_163 = arith.constant 256 : i32
      %mul3A_164 = arith.muli %scan3A_106, %mul3A_163 : i32
      %add3A_165 = arith.constant 48 : i32
      %add3A_166 = arith.addi %mul3A_164, %add3A_165 : i32
      %swap3A_167 = arith.index_cast %add3A_166 : i32 to index
      %swap3A_168 = tpu.vector_load %arg14[%swap3A_167] {strides = array<i32>} : memref<40192xf32, #tpu.memory_space<vmem>>, vector<16xf32>,
      tpu.vector_store %arg14[%swap3A_167], %broadcast_in_dim3A_162 {strides = array<i32>} : memref<40192xf32, #tpu.memory_space<vmem>>, vector<16xf32>,
      %broadcast_in_dim3A_169 = arith.constant -3.000000e+38 : f32
      %broadcast_in_dim3A_170 = vector.broadcast %broadcast_in_dim3A_169 : f32 to vector<16xf32>
      %mul3A_171 = arith.constant 256 : i32
      %mul3A_172 = arith.muli %scan3A_106, %mul3A_171 : i32
      %add3A_173 = arith.constant 64 : i32
      %add3A_174 = arith.addi %mul3A_172, %add3A_173 : i32
      %swap3A_175 = arith.index_cast %add3A_174 : i32 to index
      %swap3A_176 = tpu.vector_load %arg13[%swap3A_175] {strides = array<i32>} : memref<40192xf32, #tpu.memory_space<vmem>>, vector<16xf32>,
      tpu.vector_store %arg13[%swap3A_175], %broadcast_in_dim3A_170 {strides = array<i32>} : memref<40192xf32, #tpu.memory_space<vmem>>, vector<16xf32>,
      %broadcast_in_dim3A_177 = arith.constant 0.000000e+00 : f32
      %broadcast_in_dim3A_178 = vector.broadcast %broadcast_in_dim3A_177 : f32 to vector<16xf32>
      %mul3A_179 = arith.constant 256 : i32
      %mul3A_180 = arith.muli %scan3A_106, %mul3A_179 : i32
      %add3A_181 = arith.constant 64 : i32
      %add3A_182 = arith.addi %mul3A_180, %add3A_181 : i32
      %swap3A_183 = arith.index_cast %add3A_182 : i32 to index
      %swap3A_184 = tpu.vector_load %arg14[%swap3A_183] {strides = array<i32>} : memref<40192xf32, #tpu.memory_space<vmem>>, vector<16xf32>,
      tpu.vector_store %arg14[%swap3A_183], %broadcast_in_dim3A_178 {strides = array<i32>} : memref<40192xf32, #tpu.memory_space<vmem>>, vector<16xf32>,
      %broadcast_in_dim3A_185 = arith.constant -3.000000e+38 : f32
      %broadcast_in_dim3A_186 = vector.broadcast %broadcast_in_dim3A_185 : f32 to vector<16xf32>
      %mul3A_187 = arith.constant 256 : i32
      %mul3A_188 = arith.muli %scan3A_106, %mul3A_187 : i32
      %add3A_189 = arith.constant 80 : i32
      %add3A_190 = arith.addi %mul3A_188, %add3A_189 : i32
      %swap3A_191 = arith.index_cast %add3A_190 : i32 to index
      %swap3A_192 = tpu.vector_load %arg13[%swap3A_191] {strides = array<i32>} : memref<40192xf32, #tpu.memory_space<vmem>>, vector<16xf32>,
      tpu.vector_store %arg13[%swap3A_191], %broadcast_in_dim3A_186 {strides = array<i32>} : memref<40192xf32, #tpu.memory_space<vmem>>, vector<16xf32>,
      %broadcast_in_dim3A_193 = arith.constant 0.000000e+00 : f32
      %broadcast_in_dim3A_194 = vector.broadcast %broadcast_in_dim3A_193 : f32 to vector<16xf32>
      %mul3A_195 = arith.constant 256 : i32
      %mul3A_196 = arith.muli %scan3A_106, %mul3A_195 : i32
      %add3A_197 = arith.constant 80 : i32
      %add3A_198 = arith.addi %mul3A_196, %add3A_197 : i32
      %swap3A_199 = arith.index_cast %add3A_198 : i32 to index
      %swap3A_200 = tpu.vector_load %arg14[%swap3A_199] {strides = array<i32>} : memref<40192xf32, #tpu.memory_space<vmem>>, vector<16xf32>,
      tpu.vector_store %arg14[%swap3A_199], %broadcast_in_dim3A_194 {strides = array<i32>} : memref<40192xf32, #tpu.memory_space<vmem>>, vector<16xf32>,
      %broadcast_in_dim3A_201 = arith.constant -3.000000e+38 : f32
      %broadcast_in_dim3A_202 = vector.broadcast %broadcast_in_dim3A_201 : f32 to vector<16xf32>
      %mul3A_203 = arith.constant 256 : i32
      %mul3A_204 = arith.muli %scan3A_106, %mul3A_203 : i32
      %add3A_205 = arith.constant 96 : i32
      %add3A_206 = arith.addi %mul3A_204, %add3A_205 : i32
      %swap3A_207 = arith.index_cast %add3A_206 : i32 to index
      %swap3A_208 = tpu.vector_load %arg13[%swap3A_207] {strides = array<i32>} : memref<40192xf32, #tpu.memory_space<vmem>>, vector<16xf32>,
      tpu.vector_store %arg13[%swap3A_207], %broadcast_in_dim3A_202 {strides = array<i32>} : memref<40192xf32, #tpu.memory_space<vmem>>, vector<16xf32>,
      %broadcast_in_dim3A_209 = arith.constant 0.000000e+00 : f32
      %broadcast_in_dim3A_210 = vector.broadcast %broadcast_in_dim3A_209 : f32 to vector<16xf32>
      %mul3A_211 = arith.constant 256 : i32
      %mul3A_212 = arith.muli %scan3A_106, %mul3A_211 : i32
      %add3A_213 = arith.constant 96 : i32
      %add3A_214 = arith.addi %mul3A_212, %add3A_213 : i32
      %swap3A_215 = arith.index_cast %add3A_214 : i32 to index
      %swap3A_216 = tpu.vector_load %arg14[%swap3A_215] {strides = array<i32>} : memref<40192xf32, #tpu.memory_space<vmem>>, vector<16xf32>,
      tpu.vector_store %arg14[%swap3A_215], %broadcast_in_dim3A_210 {strides = array<i32>} : memref<40192xf32, #tpu.memory_space<vmem>>, vector<16xf32>,
      %broadcast_in_dim3A_217 = arith.constant -3.000000e+38 : f32
      %broadcast_in_dim3A_218 = vector.broadcast %broadcast_in_dim3A_217 : f32 to vector<16xf32>
      %mul3A_219 = arith.constant 256 : i32
      %mul3A_220 = arith.muli %scan3A_106, %mul3A_219 : i32
      %add3A_221 = arith.constant 112 : i32
      %add3A_222 = arith.addi %mul3A_220, %add3A_221 : i32
      %swap3A_223 = arith.index_cast %add3A_222 : i32 to index
      %swap3A_224 = tpu.vector_load %arg13[%swap3A_223] {strides = array<i32>} : memref<40192xf32, #tpu.memory_space<vmem>>, vector<16xf32>,
      tpu.vector_store %arg13[%swap3A_223], %broadcast_in_dim3A_218 {strides = array<i32>} : memref<40192xf32, #tpu.memory_space<vmem>>, vector<16xf32>,
      %broadcast_in_dim3A_225 = arith.constant 0.000000e+00 : f32
      %broadcast_in_dim3A_226 = vector.broadcast %broadcast_in_dim3A_225 : f32 to vector<16xf32>
      %mul3A_227 = arith.constant 256 : i32
      %mul3A_228 = arith.muli %scan3A_106, %mul3A_227 : i32
      %add3A_229 = arith.constant 112 : i32
      %add3A_230 = arith.addi %mul3A_228, %add3A_229 : i32
      %swap3A_231 = arith.index_cast %add3A_230 : i32 to index
      %swap3A_232 = tpu.vector_load %arg14[%swap3A_231] {strides = array<i32>} : memref<40192xf32, #tpu.memory_space<vmem>>, vector<16xf32>,
      tpu.vector_store %arg14[%swap3A_231], %broadcast_in_dim3A_226 {strides = array<i32>} : memref<40192xf32, #tpu.memory_space<vmem>>, vector<16xf32>,
      %broadcast_in_dim3A_233 = arith.constant -3.000000e+38 : f32
      %broadcast_in_dim3A_234 = vector.broadcast %broadcast_in_dim3A_233 : f32 to vector<16xf32>
      %mul3A_235 = arith.constant 256 : i32
      %mul3A_236 = arith.muli %scan3A_106, %mul3A_235 : i32
      %add3A_237 = arith.constant 128 : i32
      %add3A_238 = arith.addi %mul3A_236, %add3A_237 : i32
      %swap3A_239 = arith.index_cast %add3A_238 : i32 to index
      %swap3A_240 = tpu.vector_load %arg13[%swap3A_239] {strides = array<i32>} : memref<40192xf32, #tpu.memory_space<vmem>>, vector<16xf32>,
      tpu.vector_store %arg13[%swap3A_239], %broadcast_in_dim3A_234 {strides = array<i32>} : memref<40192xf32, #tpu.memory_space<vmem>>, vector<16xf32>,
      %broadcast_in_dim3A_241 = arith.constant 0.000000e+00 : f32
      %broadcast_in_dim3A_242 = vector.broadcast %broadcast_in_dim3A_241 : f32 to vector<16xf32>
      %mul3A_243 = arith.constant 256 : i32
      %mul3A_244 = arith.muli %scan3A_106, %mul3A_243 : i32
      %add3A_245 = arith.constant 128 : i32
      %add3A_246 = arith.addi %mul3A_244, %add3A_245 : i32
      %swap3A_247 = arith.index_cast %add3A_246 : i32 to index
      %swap3A_248 = tpu.vector_load %arg14[%swap3A_247] {strides = array<i32>} : memref<40192xf32, #tpu.memory_space<vmem>>, vector<16xf32>,
      tpu.vector_store %arg14[%swap3A_247], %broadcast_in_dim3A_242 {strides = array<i32>} : memref<40192xf32, #tpu.memory_space<vmem>>, vector<16xf32>,
      %broadcast_in_dim3A_249 = arith.constant -3.000000e+38 : f32
      %broadcast_in_dim3A_250 = vector.broadcast %broadcast_in_dim3A_249 : f32 to vector<16xf32>
      %mul3A_251 = arith.constant 256 : i32
      %mul3A_252 = arith.muli %scan3A_106, %mul3A_251 : i32
      %add3A_253 = arith.constant 144 : i32
      %add3A_254 = arith.addi %mul3A_252, %add3A_253 : i32
      %swap3A_255 = arith.index_cast %add3A_254 : i32 to index
      %swap3A_256 = tpu.vector_load %arg13[%swap3A_255] {strides = array<i32>} : memref<40192xf32, #tpu.memory_space<vmem>>, vector<16xf32>,
      tpu.vector_store %arg13[%swap3A_255], %broadcast_in_dim3A_250 {strides = array<i32>} : memref<40192xf32, #tpu.memory_space<vmem>>, vector<16xf32>,
      %broadcast_in_dim3A_257 = arith.constant 0.000000e+00 : f32
      %broadcast_in_dim3A_258 = vector.broadcast %broadcast_in_dim3A_257 : f32 to vector<16xf32>
      %mul3A_259 = arith.constant 256 : i32
      %mul3A_260 = arith.muli %scan3A_106, %mul3A_259 : i32
      %add3A_261 = arith.constant 144 : i32
      %add3A_262 = arith.addi %mul3A_260, %add3A_261 : i32
      %swap3A_263 = arith.index_cast %add3A_262 : i32 to index
      %swap3A_264 = tpu.vector_load %arg14[%swap3A_263] {strides = array<i32>} : memref<40192xf32, #tpu.memory_space<vmem>>, vector<16xf32>,
      tpu.vector_store %arg14[%swap3A_263], %broadcast_in_dim3A_258 {strides = array<i32>} : memref<40192xf32, #tpu.memory_space<vmem>>, vector<16xf32>,
      %broadcast_in_dim3A_265 = arith.constant -3.000000e+38 : f32
      %broadcast_in_dim3A_266 = vector.broadcast %broadcast_in_dim3A_265 : f32 to vector<16xf32>
      %mul3A_267 = arith.constant 256 : i32
      %mul3A_268 = arith.muli %scan3A_106, %mul3A_267 : i32
      %add3A_269 = arith.constant 160 : i32
      %add3A_270 = arith.addi %mul3A_268, %add3A_269 : i32
      %swap3A_271 = arith.index_cast %add3A_270 : i32 to index
      %swap3A_272 = tpu.vector_load %arg13[%swap3A_271] {strides = array<i32>} : memref<40192xf32, #tpu.memory_space<vmem>>, vector<16xf32>,
      tpu.vector_store %arg13[%swap3A_271], %broadcast_in_dim3A_266 {strides = array<i32>} : memref<40192xf32, #tpu.memory_space<vmem>>, vector<16xf32>,
      %broadcast_in_dim3A_273 = arith.constant 0.000000e+00 : f32
      %broadcast_in_dim3A_274 = vector.broadcast %broadcast_in_dim3A_273 : f32 to vector<16xf32>
      %mul3A_275 = arith.constant 256 : i32
      %mul3A_276 = arith.muli %scan3A_106, %mul3A_275 : i32
      %add3A_277 = arith.constant 160 : i32
      %add3A_278 = arith.addi %mul3A_276, %add3A_277 : i32
      %swap3A_279 = arith.index_cast %add3A_278 : i32 to index
      %swap3A_280 = tpu.vector_load %arg14[%swap3A_279] {strides = array<i32>} : memref<40192xf32, #tpu.memory_space<vmem>>, vector<16xf32>,
      tpu.vector_store %arg14[%swap3A_279], %broadcast_in_dim3A_274 {strides = array<i32>} : memref<40192xf32, #tpu.memory_space<vmem>>, vector<16xf32>,
      %broadcast_in_dim3A_281 = arith.constant -3.000000e+38 : f32
      %broadcast_in_dim3A_282 = vector.broadcast %broadcast_in_dim3A_281 : f32 to vector<16xf32>
      %mul3A_283 = arith.constant 256 : i32
      %mul3A_284 = arith.muli %scan3A_106, %mul3A_283 : i32
      %add3A_285 = arith.constant 176 : i32
      %add3A_286 = arith.addi %mul3A_284, %add3A_285 : i32
      %swap3A_287 = arith.index_cast %add3A_286 : i32 to index
      %swap3A_288 = tpu.vector_load %arg13[%swap3A_287] {strides = array<i32>} : memref<40192xf32, #tpu.memory_space<vmem>>, vector<16xf32>,
      tpu.vector_store %arg13[%swap3A_287], %broadcast_in_dim3A_282 {strides = array<i32>} : memref<40192xf32, #tpu.memory_space<vmem>>, vector<16xf32>,
      %broadcast_in_dim3A_289 = arith.constant 0.000000e+00 : f32
      %broadcast_in_dim3A_290 = vector.broadcast %broadcast_in_dim3A_289 : f32 to vector<16xf32>
      %mul3A_291 = arith.constant 256 : i32
      %mul3A_292 = arith.muli %scan3A_106, %mul3A_291 : i32
      %add3A_293 = arith.constant 176 : i32
      %add3A_294 = arith.addi %mul3A_292, %add3A_293 : i32
      %swap3A_295 = arith.index_cast %add3A_294 : i32 to index
      %swap3A_296 = tpu.vector_load %arg14[%swap3A_295] {strides = array<i32>} : memref<40192xf32, #tpu.memory_space<vmem>>, vector<16xf32>,
      tpu.vector_store %arg14[%swap3A_295], %broadcast_in_dim3A_290 {strides = array<i32>} : memref<40192xf32, #tpu.memory_space<vmem>>, vector<16xf32>,
      %broadcast_in_dim3A_297 = arith.constant -3.000000e+38 : f32
      %broadcast_in_dim3A_298 = vector.broadcast %broadcast_in_dim3A_297 : f32 to vector<16xf32>
      %mul3A_299 = arith.constant 256 : i32
      %mul3A_300 = arith.muli %scan3A_106, %mul3A_299 : i32
      %add3A_301 = arith.constant 192 : i32
      %add3A_302 = arith.addi %mul3A_300, %add3A_301 : i32
      %swap3A_303 = arith.index_cast %add3A_302 : i32 to index
      %swap3A_304 = tpu.vector_load %arg13[%swap3A_303] {strides = array<i32>} : memref<40192xf32, #tpu.memory_space<vmem>>, vector<16xf32>,
      tpu.vector_store %arg13[%swap3A_303], %broadcast_in_dim3A_298 {strides = array<i32>} : memref<40192xf32, #tpu.memory_space<vmem>>, vector<16xf32>,
      %broadcast_in_dim3A_305 = arith.constant 0.000000e+00 : f32
      %broadcast_in_dim3A_306 = vector.broadcast %broadcast_in_dim3A_305 : f32 to vector<16xf32>
      %mul3A_307 = arith.constant 256 : i32
      %mul3A_308 = arith.muli %scan3A_106, %mul3A_307 : i32
      %add3A_309 = arith.constant 192 : i32
      %add3A_310 = arith.addi %mul3A_308, %add3A_309 : i32
      %swap3A_311 = arith.index_cast %add3A_310 : i32 to index
      %swap3A_312 = tpu.vector_load %arg14[%swap3A_311] {strides = array<i32>} : memref<40192xf32, #tpu.memory_space<vmem>>, vector<16xf32>,
      tpu.vector_store %arg14[%swap3A_311], %broadcast_in_dim3A_306 {strides = array<i32>} : memref<40192xf32, #tpu.memory_space<vmem>>, vector<16xf32>,
      %broadcast_in_dim3A_313 = arith.constant -3.000000e+38 : f32
      %broadcast_in_dim3A_314 = vector.broadcast %broadcast_in_dim3A_313 : f32 to vector<16xf32>
      %mul3A_315 = arith.constant 256 : i32
      %mul3A_316 = arith.muli %scan3A_106, %mul3A_315 : i32
      %add3A_317 = arith.constant 208 : i32
      %add3A_318 = arith.addi %mul3A_316, %add3A_317 : i32
      %swap3A_319 = arith.index_cast %add3A_318 : i32 to index
      %swap3A_320 = tpu.vector_load %arg13[%swap3A_319] {strides = array<i32>} : memref<40192xf32, #tpu.memory_space<vmem>>, vector<16xf32>,
      tpu.vector_store %arg13[%swap3A_319], %broadcast_in_dim3A_314 {strides = array<i32>} : memref<40192xf32, #tpu.memory_space<vmem>>, vector<16xf32>,
      %broadcast_in_dim3A_321 = arith.constant 0.000000e+00 : f32
      %broadcast_in_dim3A_322 = vector.broadcast %broadcast_in_dim3A_321 : f32 to vector<16xf32>
      %mul3A_323 = arith.constant 256 : i32
      %mul3A_324 = arith.muli %scan3A_106, %mul3A_323 : i32
      %add3A_325 = arith.constant 208 : i32
      %add3A_326 = arith.addi %mul3A_324, %add3A_325 : i32
      %swap3A_327 = arith.index_cast %add3A_326 : i32 to index
      %swap3A_328 = tpu.vector_load %arg14[%swap3A_327] {strides = array<i32>} : memref<40192xf32, #tpu.memory_space<vmem>>, vector<16xf32>,
      tpu.vector_store %arg14[%swap3A_327], %broadcast_in_dim3A_322 {strides = array<i32>} : memref<40192xf32, #tpu.memory_space<vmem>>, vector<16xf32>,
      %broadcast_in_dim3A_329 = arith.constant -3.000000e+38 : f32
      %broadcast_in_dim3A_330 = vector.broadcast %broadcast_in_dim3A_329 : f32 to vector<16xf32>
      %mul3A_331 = arith.constant 256 : i32
      %mul3A_332 = arith.muli %scan3A_106, %mul3A_331 : i32
      %add3A_333 = arith.constant 224 : i32
      %add3A_334 = arith.addi %mul3A_332, %add3A_333 : i32
      %swap3A_335 = arith.index_cast %add3A_334 : i32 to index
      %swap3A_336 = tpu.vector_load %arg13[%swap3A_335] {strides = array<i32>} : memref<40192xf32, #tpu.memory_space<vmem>>, vector<16xf32>,
      tpu.vector_store %arg13[%swap3A_335], %broadcast_in_dim3A_330 {strides = array<i32>} : memref<40192xf32, #tpu.memory_space<vmem>>, vector<16xf32>,
      %broadcast_in_dim3A_337 = arith.constant 0.000000e+00 : f32
      %broadcast_in_dim3A_338 = vector.broadcast %broadcast_in_dim3A_337 : f32 to vector<16xf32>
      %mul3A_339 = arith.constant 256 : i32
      %mul3A_340 = arith.muli %scan3A_106, %mul3A_339 : i32
      %add3A_341 = arith.constant 224 : i32
      %add3A_342 = arith.addi %mul3A_340, %add3A_341 : i32
      %swap3A_343 = arith.index_cast %add3A_342 : i32 to index
      %swap3A_344 = tpu.vector_load %arg14[%swap3A_343] {strides = array<i32>} : memref<40192xf32, #tpu.memory_space<vmem>>, vector<16xf32>,
      tpu.vector_store %arg14[%swap3A_343], %broadcast_in_dim3A_338 {strides = array<i32>} : memref<40192xf32, #tpu.memory_space<vmem>>, vector<16xf32>,
      %broadcast_in_dim3A_345 = arith.constant -3.000000e+38 : f32
      %broadcast_in_dim3A_346 = vector.broadcast %broadcast_in_dim3A_345 : f32 to vector<16xf32>
      %mul3A_347 = arith.constant 256 : i32
      %mul3A_348 = arith.muli %scan3A_106, %mul3A_347 : i32
      %add3A_349 = arith.constant 240 : i32
      %add3A_350 = arith.addi %mul3A_348, %add3A_349 : i32
      %swap3A_351 = arith.index_cast %add3A_350 : i32 to index
      %swap3A_352 = tpu.vector_load %arg13[%swap3A_351] {strides = array<i32>} : memref<40192xf32, #tpu.memory_space<vmem>>, vector<16xf32>,
      tpu.vector_store %arg13[%swap3A_351], %broadcast_in_dim3A_346 {strides = array<i32>} : memref<40192xf32, #tpu.memory_space<vmem>>, vector<16xf32>,
      %broadcast_in_dim3A_353 = arith.constant 0.000000e+00 : f32
      %broadcast_in_dim3A_354 = vector.broadcast %broadcast_in_dim3A_353 : f32 to vector<16xf32>
      %mul3A_355 = arith.constant 256 : i32
      %mul3A_356 = arith.muli %scan3A_106, %mul3A_355 : i32
      %add3A_357 = arith.constant 240 : i32
      %add3A_358 = arith.addi %mul3A_356, %add3A_357 : i32
      %swap3A_359 = arith.index_cast %add3A_358 : i32 to index
      %swap3A_360 = tpu.vector_load %arg14[%swap3A_359] {strides = array<i32>} : memref<40192xf32, #tpu.memory_space<vmem>>, vector<16xf32>,
      tpu.vector_store %arg14[%swap3A_359], %broadcast_in_dim3A_354 {strides = array<i32>} : memref<40192xf32, #tpu.memory_space<vmem>>, vector<16xf32>,
    }
    %scan3A_33 = arith.constant 157 : i32
    %add3A_34 = arith.constant 64 : i32
    %add3A_35 = arith.addi %add3A_25, %add3A_34 : i32
    %sub3A = arith.constant 1 : i32
    %sub3A_36 = arith.subi %add3A_35, %sub3A : i32
    %jit3A = arith.constant 64 : i32
    %div3A = arith.divsi %sub3A_36, %jit3A : i32
    %sign3A = arith.constant 0 : i32
    %sign3A_37 = arith.cmpi sgt, %sub3A_36, %sign3A : i32
    %sign3A_38 = arith.extui %sign3A_37 : i1 to i32
    %sign3A_39 = arith.constant 0 : i32
    %sign3A_40 = arith.cmpi slt, %sub3A_36, %sign3A_39 : i32
    %sign3A_41 = arith.extui %sign3A_40 : i1 to i32
    %sign3A_42 = arith.subi %sign3A_38, %sign3A_41 : i32
    %sign3A_43 = arith.constant 0 : i32
    %sign3A_44 = arith.cmpi sgt, %jit3A, %sign3A_43 : i32
    %sign3A_45 = arith.extui %sign3A_44 : i1 to i32
    %sign3A_46 = arith.constant 0 : i32
    %sign3A_47 = arith.cmpi slt, %jit3A, %sign3A_46 : i32
    %sign3A_48 = arith.extui %sign3A_47 : i1 to i32
    %sign3A_49 = arith.subi %sign3A_45, %sign3A_48 : i32
    %ne3A = arith.cmpi ne, %sign3A_42, %sign3A_49 : i32
    %rem3A = arith.remsi %sub3A_36, %jit3A : i32
    %ne3A_50 = arith.constant 0 : i32
    %ne3A_51 = arith.cmpi ne, %rem3A, %ne3A_50 : i32
    %and3A = arith.andi %ne3A, %ne3A_51 : i1
    %sub3A_52 = arith.constant 1 : i32
    %sub3A_53 = arith.subi %div3A, %sub3A_52 : i32
    %select_n3A = arith.select %and3A, %sub3A_53, %div3A : i32
    %while3A = arith.constant 0 : i32
    "tpu.trace_start"() <{level = 10 : i32, message = "phaseA"}> : () -> ()
    %while3A_54 = arith.subi %select_n3A, %while3A : i32
    %while3A_55 = arith.addi %while3A, %while3A_54 : i32
    %while3A_56 = arith.constant 1 : i32
    %while3A_57 = arith.divsi %while3A_54, %while3A_56 : i32
    %while3A_58 = arith.muli %while3A_57, %while3A_56 : i32
    %while3A_59 = arith.addi %while3A, %while3A_58 : i32
    %while3A_60 = arith.constant 1 : i32
    scf.for %while3A_106 = %while3A to %while3A_59 step %while3A_60  : i32 {
      %mul3A_107 = arith.constant 64 : i32
      %mul3A_108 = arith.muli %while3A_106, %mul3A_107 : i32
      %mul3A_109 = arith.constant 320064 : i32
      %mul3A_110 = arith.muli %add3A_28, %mul3A_109 : i32
      %add3A_111 = arith.addi %mul3A_110, %mul3A_108 : i32
      %multiple_of3A_112 = tpu.assume_multiple %add3A_111, 64 : i32
      "tpu.region"() ({
        %run_scoped3A = tpu.sem_alloc : memref<!tpu.dma_semaphore, #tpu.memory_space<semaphore_mem>>
        %dma_start3A_189 = arith.constant 0 : i32
        %dma_start3A_190 = tpu.memref_slice %arg9[%dma_start3A_189] : memref<80xi32, #tpu.memory_space<vmem>> -> memref<64xi32, #tpu.memory_space<vmem>>
        %dma_start3A_191 = tpu.memref_slice %arg5[%multiple_of3A_112] : memref<20484096xi32, #tpu.memory_space<hbm>> -> memref<64xi32, #tpu.memory_space<hbm>>
        %dma_start3A_192 = arith.constant 0 : i32
        %dma_start3A_193 = tpu.memref_slice %arg9[%dma_start3A_192] : memref<80xi32, #tpu.memory_space<vmem>> -> memref<64xi32, #tpu.memory_space<vmem>>
        %dma_start3A_194 = tpu.memref_slice %arg5[%multiple_of3A_112] : memref<20484096xi32, #tpu.memory_space<hbm>> -> memref<64xi32, #tpu.memory_space<hbm>>
        tpu.enqueue_dma source(%dma_start3A_194 : memref<64xi32, #tpu.memory_space<hbm>>) target(%dma_start3A_193 : memref<64xi32, #tpu.memory_space<vmem>>) target_semaphore(%run_scoped3A : memref<!tpu.dma_semaphore, #tpu.memory_space<semaphore_mem>>)
        %dma_wait3A_195 = arith.constant 0 : i32
        %dma_wait3A_196 = tpu.memref_slice %arg9[%dma_wait3A_195] : memref<80xi32, #tpu.memory_space<vmem>> -> memref<64xi32, #tpu.memory_space<vmem>>
        %dma_wait3A_197 = tpu.memref_slice %arg5[%multiple_of3A_112] : memref<20484096xi32, #tpu.memory_space<hbm>> -> memref<64xi32, #tpu.memory_space<hbm>>
        %dma_wait3A_198 = arith.constant 0 : i32
        %dma_wait3A_199 = tpu.memref_slice %arg9[%dma_wait3A_198] : memref<80xi32, #tpu.memory_space<vmem>> -> memref<64xi32, #tpu.memory_space<vmem>>
        %dma_wait3A_200 = tpu.memref_slice %arg5[%multiple_of3A_112] : memref<20484096xi32, #tpu.memory_space<hbm>> -> memref<64xi32, #tpu.memory_space<hbm>>
        tpu.wait_dma2 semaphore(%run_scoped3A : memref<!tpu.dma_semaphore, #tpu.memory_space<semaphore_mem>>) src(%dma_wait3A_200 : memref<64xi32, #tpu.memory_space<hbm>>) dst(%dma_wait3A_199 : memref<64xi32, #tpu.memory_space<vmem>>)
        tpu.yield
      }) : () -> ()
      %sub3A_113 = arith.subi %add3A_25, %mul3A_108 : i32
      %get3A = arith.constant 0 : index
      %get3A_114 = tpu.vector_load %arg9[%get3A] {strides = array<i32>} : memref<80xi32, #tpu.memory_space<vmem>>, vector<16xi32>,
      %and3A_115 = arith.constant 524287 : i32
      %and3A_116 = vector.broadcast %and3A_115 : i32 to vector<16xi32>
      %and3A_117 = arith.andi %get3A_114, %and3A_116 : vector<16xi32>
      %add3A_118 = arith.constant 0 : i32
      %add3A_119 = vector.broadcast %add3A_118 : i32 to vector<16xi32>
      %add3A_120 = arith.addi %add3A_119, %iota3A : vector<16xi32>
      %lt3A = vector.broadcast %sub3A_113 : i32 to vector<16xi32>
      %lt3A_121 = arith.cmpi slt, %add3A_120, %lt3A : vector<16xi32>
      %add3A_122 = arith.constant 320000 : i32
      %add3A_123 = vector.broadcast %add3A_122 : i32 to vector<16xi32>
      %add3A_124 = arith.addi %add3A_123, %iota3A : vector<16xi32>
      %select_n3A_125 = arith.select %lt3A_121, %and3A_117, %add3A_124 : vector<16xi1>, vector<16xi32>
      %swap3A = arith.constant 0 : index
      %swap3A_126 = tpu.vector_load %arg10[%swap3A] {strides = array<i32>} : memref<64xi32, #tpu.memory_space<vmem>>, vector<16xi32>,
      tpu.vector_store %arg10[%swap3A], %select_n3A_125 {strides = array<i32>} : memref<64xi32, #tpu.memory_space<vmem>>, vector<16xi32>,
      %get3A_127 = arith.constant 16 : index
      %get3A_128 = tpu.vector_load %arg9[%get3A_127] {strides = array<i32>} : memref<80xi32, #tpu.memory_space<vmem>>, vector<16xi32>,
      %and3A_129 = arith.constant 524287 : i32
      %and3A_130 = vector.broadcast %and3A_129 : i32 to vector<16xi32>
      %and3A_131 = arith.andi %get3A_128, %and3A_130 : vector<16xi32>
      %add3A_132 = arith.constant 16 : i32
      %add3A_133 = vector.broadcast %add3A_132 : i32 to vector<16xi32>
      %add3A_134 = arith.addi %add3A_133, %iota3A : vector<16xi32>
      %lt3A_135 = vector.broadcast %sub3A_113 : i32 to vector<16xi32>
      %lt3A_136 = arith.cmpi slt, %add3A_134, %lt3A_135 : vector<16xi32>
      %add3A_137 = arith.constant 320016 : i32
      %add3A_138 = vector.broadcast %add3A_137 : i32 to vector<16xi32>
      %add3A_139 = arith.addi %add3A_138, %iota3A : vector<16xi32>
      %select_n3A_140 = arith.select %lt3A_136, %and3A_131, %add3A_139 : vector<16xi1>, vector<16xi32>
      %swap3A_141 = arith.constant 16 : index
      %swap3A_142 = tpu.vector_load %arg10[%swap3A_141] {strides = array<i32>} : memref<64xi32, #tpu.memory_space<vmem>>, vector<16xi32>,
      tpu.vector_store %arg10[%swap3A_141], %select_n3A_140 {strides = array<i32>} : memref<64xi32, #tpu.memory_space<vmem>>, vector<16xi32>,
      %get3A_143 = arith.constant 32 : index
      %get3A_144 = tpu.vector_load %arg9[%get3A_143] {strides = array<i32>} : memref<80xi32, #tpu.memory_space<vmem>>, vector<16xi32>,
      %and3A_145 = arith.constant 524287 : i32
      %and3A_146 = vector.broadcast %and3A_145 : i32 to vector<16xi32>
      %and3A_147 = arith.andi %get3A_144, %and3A_146 : vector<16xi32>
      %add3A_148 = arith.constant 32 : i32
      %add3A_149 = vector.broadcast %add3A_148 : i32 to vector<16xi32>
      %add3A_150 = arith.addi %add3A_149, %iota3A : vector<16xi32>
      %lt3A_151 = vector.broadcast %sub3A_113 : i32 to vector<16xi32>
      %lt3A_152 = arith.cmpi slt, %add3A_150, %lt3A_151 : vector<16xi32>
      %add3A_153 = arith.constant 320032 : i32
      %add3A_154 = vector.broadcast %add3A_153 : i32 to vector<16xi32>
      %add3A_155 = arith.addi %add3A_154, %iota3A : vector<16xi32>
      %select_n3A_156 = arith.select %lt3A_152, %and3A_147, %add3A_155 : vector<16xi1>, vector<16xi32>
      %swap3A_157 = arith.constant 32 : index
      %swap3A_158 = tpu.vector_load %arg10[%swap3A_157] {strides = array<i32>} : memref<64xi32, #tpu.memory_space<vmem>>, vector<16xi32>,
      tpu.vector_store %arg10[%swap3A_157], %select_n3A_156 {strides = array<i32>} : memref<64xi32, #tpu.memory_space<vmem>>, vector<16xi32>,
      %get3A_159 = arith.constant 48 : index
      %get3A_160 = tpu.vector_load %arg9[%get3A_159] {strides = array<i32>} : memref<80xi32, #tpu.memory_space<vmem>>, vector<16xi32>,
      %and3A_161 = arith.constant 524287 : i32
      %and3A_162 = vector.broadcast %and3A_161 : i32 to vector<16xi32>
      %and3A_163 = arith.andi %get3A_160, %and3A_162 : vector<16xi32>
      %add3A_164 = arith.constant 48 : i32
      %add3A_165 = vector.broadcast %add3A_164 : i32 to vector<16xi32>
      %add3A_166 = arith.addi %add3A_165, %iota3A : vector<16xi32>
      %lt3A_167 = vector.broadcast %sub3A_113 : i32 to vector<16xi32>
      %lt3A_168 = arith.cmpi slt, %add3A_166, %lt3A_167 : vector<16xi32>
      %add3A_169 = arith.constant 320048 : i32
      %add3A_170 = vector.broadcast %add3A_169 : i32 to vector<16xi32>
      %add3A_171 = arith.addi %add3A_170, %iota3A : vector<16xi32>
      %select_n3A_172 = arith.select %lt3A_168, %and3A_163, %add3A_171 : vector<16xi1>, vector<16xi32>
      %swap3A_173 = arith.constant 48 : index
      %swap3A_174 = tpu.vector_load %arg10[%swap3A_173] {strides = array<i32>} : memref<64xi32, #tpu.memory_space<vmem>>, vector<16xi32>,
      tpu.vector_store %arg10[%swap3A_173], %select_n3A_172 {strides = array<i32>} : memref<64xi32, #tpu.memory_space<vmem>>, vector<16xi32>,
      %dma_start3A = arith.constant 0 : i32
      %dma_start3A_175 = arith.constant 0 : i32
      %dma_start3A_176 = tpu.memref_slice %arg3[%dma_start3A, %dma_start3A_175] : memref<320000x256xf32, #tpu.memory_space<hbm>> -> memref<320000x256xf32, #tpu.memory_space<hbm>>
      tpu.enqueue_indirect_dma source(%dma_start3A_176 : memref<320000x256xf32, #tpu.memory_space<hbm>>) target(%arg11 : memref<64x256xf32, #tpu.memory_space<vmem>>) offsets(%arg10 : memref<64xi32, #tpu.memory_space<vmem>>) semaphore(%arg16 : memref<!tpu.dma_semaphore, #tpu.memory_space<semaphore_mem>>)
      %dma_wait3A = arith.constant 0 : i32
      %dma_wait3A_177 = arith.constant 0 : i32
      %dma_wait3A_178 = tpu.memref_slice %arg3[%dma_wait3A, %dma_wait3A_177] : memref<320000x256xf32, #tpu.memory_space<hbm>> -> memref<320000x256xf32, #tpu.memory_space<hbm>>
      tpu.wait_indirect_dma semaphore(%arg16 : memref<!tpu.dma_semaphore, #tpu.memory_space<semaphore_mem>>) src(%dma_wait3A_178 : memref<320000x256xf32, #tpu.memory_space<hbm>>) dst(%arg11 : memref<64x256xf32, #tpu.memory_space<vmem>>)
      %min3A = arith.constant 64 : i32
      %min3A_179 = arith.minsi %sub3A_113, %min3A : i32
      %while3A_180 = arith.constant 0 : i32
      %while3A_181 = arith.subi %min3A_179, %while3A_180 : i32
      %while3A_182 = arith.addi %while3A_180, %while3A_181 : i32
      %while3A_183 = arith.constant 1 : i32
      %while3A_184 = arith.divsi %while3A_181, %while3A_183 : i32
      %while3A_185 = arith.muli %while3A_184, %while3A_183 : i32
      %while3A_186 = arith.addi %while3A_180, %while3A_185 : i32
      %while3A_187 = arith.constant 1 : i32
      scf.for %while3A_189 = %while3A_180 to %while3A_186 step %while3A_187  : i32 {
        %get3A_190 = arith.index_cast %while3A_189 : i32 to index
        %get3A_191 = tpu.vector_load %arg9[%get3A_190] {strides = array<i32>} : memref<80xi32, #tpu.memory_space<vmem>>, vector<16xi32>,
        %slice3A = vector.extract_strided_slice %get3A_191 {offsets = [0], sizes = [1], strides = [1]} : vector<16xi32> to vector<1xi32>
        %squeeze3A = vector.extract %slice3A[0] : i32 from vector<1xi32>
        %shift_right_arithmetic3A = arith.constant 19 : i32
        %shift_right_arithmetic3A_192 = arith.shrsi %squeeze3A, %shift_right_arithmetic3A : i32
        %mul3A_193 = arith.constant 256 : i32
        %mul3A_194 = arith.muli %shift_right_arithmetic3A_192, %mul3A_193 : i32
        %get3A_195 = arith.index_cast %while3A_189 : i32 to index
        %get3A_196 = arith.constant 0 : index
        %get3A_197 = tpu.vector_load %arg11[%get3A_195, %get3A_196] {strides = array<i32>} : memref<64x256xf32, #tpu.memory_space<vmem>>, vector<16xf32>,
        %add3A_198 = arith.constant 0 : i32
        %add3A_199 = arith.addi %mul3A_194, %add3A_198 : i32
        %get3A_200 = arith.index_cast %add3A_199 : i32 to index
        %get3A_201 = tpu.vector_load %arg13[%get3A_200] {strides = array<i32>} : memref<40192xf32, #tpu.memory_space<vmem>>, vector<16xf32>,
        %add3A_202 = arith.constant 0 : i32
        %add3A_203 = arith.addi %mul3A_194, %add3A_202 : i32
        %get3A_204 = arith.index_cast %add3A_203 : i32 to index
        %get3A_205 = tpu.vector_load %arg14[%get3A_204] {strides = array<i32>} : memref<40192xf32, #tpu.memory_space<vmem>>, vector<16xf32>,
        %max3A = arith.maximumf %get3A_201, %get3A_197 : vector<16xf32>
        %sub3A_206 = arith.subf %get3A_201, %max3A : vector<16xf32>
        %exp3A = math.exp %sub3A_206 : vector<16xf32>
        %mul3A_207 = arith.mulf %get3A_205, %exp3A : vector<16xf32>
        %sub3A_208 = arith.subf %get3A_197, %max3A : vector<16xf32>
        %exp3A_209 = math.exp %sub3A_208 : vector<16xf32>
        %add3A_210 = arith.addf %mul3A_207, %exp3A_209 : vector<16xf32>
        %add3A_211 = arith.constant 0 : i32
        %add3A_212 = arith.addi %mul3A_194, %add3A_211 : i32
        %swap3A_213 = arith.index_cast %add3A_212 : i32 to index
        %swap3A_214 = tpu.vector_load %arg13[%swap3A_213] {strides = array<i32>} : memref<40192xf32, #tpu.memory_space<vmem>>, vector<16xf32>,
        tpu.vector_store %arg13[%swap3A_213], %max3A {strides = array<i32>} : memref<40192xf32, #tpu.memory_space<vmem>>, vector<16xf32>,
        %add3A_215 = arith.constant 0 : i32
        %add3A_216 = arith.addi %mul3A_194, %add3A_215 : i32
        %swap3A_217 = arith.index_cast %add3A_216 : i32 to index
        %swap3A_218 = tpu.vector_load %arg14[%swap3A_217] {strides = array<i32>} : memref<40192xf32, #tpu.memory_space<vmem>>, vector<16xf32>,
        tpu.vector_store %arg14[%swap3A_217], %add3A_210 {strides = array<i32>} : memref<40192xf32, #tpu.memory_space<vmem>>, vector<16xf32>,
        %get3A_219 = arith.index_cast %while3A_189 : i32 to index
        %get3A_220 = arith.constant 16 : index
        %get3A_221 = tpu.vector_load %arg11[%get3A_219, %get3A_220] {strides = array<i32>} : memref<64x256xf32, #tpu.memory_space<vmem>>, vector<16xf32>,
        %add3A_222 = arith.constant 16 : i32
        %add3A_223 = arith.addi %mul3A_194, %add3A_222 : i32
        %get3A_224 = arith.index_cast %add3A_223 : i32 to index
        %get3A_225 = tpu.vector_load %arg13[%get3A_224] {strides = array<i32>} : memref<40192xf32, #tpu.memory_space<vmem>>, vector<16xf32>,
        %add3A_226 = arith.constant 16 : i32
        %add3A_227 = arith.addi %mul3A_194, %add3A_226 : i32
        %get3A_228 = arith.index_cast %add3A_227 : i32 to index
        %get3A_229 = tpu.vector_load %arg14[%get3A_228] {strides = array<i32>} : memref<40192xf32, #tpu.memory_space<vmem>>, vector<16xf32>,
        %max3A_230 = arith.maximumf %get3A_225, %get3A_221 : vector<16xf32>
        %sub3A_231 = arith.subf %get3A_225, %max3A_230 : vector<16xf32>
        %exp3A_232 = math.exp %sub3A_231 : vector<16xf32>
        %mul3A_233 = arith.mulf %get3A_229, %exp3A_232 : vector<16xf32>
        %sub3A_234 = arith.subf %get3A_221, %max3A_230 : vector<16xf32>
        %exp3A_235 = math.exp %sub3A_234 : vector<16xf32>
        %add3A_236 = arith.addf %mul3A_233, %exp3A_235 : vector<16xf32>
        %add3A_237 = arith.constant 16 : i32
        %add3A_238 = arith.addi %mul3A_194, %add3A_237 : i32
        %swap3A_239 = arith.index_cast %add3A_238 : i32 to index
        %swap3A_240 = tpu.vector_load %arg13[%swap3A_239] {strides = array<i32>} : memref<40192xf32, #tpu.memory_space<vmem>>, vector<16xf32>,
        tpu.vector_store %arg13[%swap3A_239], %max3A_230 {strides = array<i32>} : memref<40192xf32, #tpu.memory_space<vmem>>, vector<16xf32>,
        %add3A_241 = arith.constant 16 : i32
        %add3A_242 = arith.addi %mul3A_194, %add3A_241 : i32
        %swap3A_243 = arith.index_cast %add3A_242 : i32 to index
        %swap3A_244 = tpu.vector_load %arg14[%swap3A_243] {strides = array<i32>} : memref<40192xf32, #tpu.memory_space<vmem>>, vector<16xf32>,
        tpu.vector_store %arg14[%swap3A_243], %add3A_236 {strides = array<i32>} : memref<40192xf32, #tpu.memory_space<vmem>>, vector<16xf32>,
        %get3A_245 = arith.index_cast %while3A_189 : i32 to index
        %get3A_246 = arith.constant 32 : index
        %get3A_247 = tpu.vector_load %arg11[%get3A_245, %get3A_246] {strides = array<i32>} : memref<64x256xf32, #tpu.memory_space<vmem>>, vector<16xf32>,
        %add3A_248 = arith.constant 32 : i32
        %add3A_249 = arith.addi %mul3A_194, %add3A_248 : i32
        %get3A_250 = arith.index_cast %add3A_249 : i32 to index
        %get3A_251 = tpu.vector_load %arg13[%get3A_250] {strides = array<i32>} : memref<40192xf32, #tpu.memory_space<vmem>>, vector<16xf32>,
        %add3A_252 = arith.constant 32 : i32
        %add3A_253 = arith.addi %mul3A_194, %add3A_252 : i32
        %get3A_254 = arith.index_cast %add3A_253 : i32 to index
        %get3A_255 = tpu.vector_load %arg14[%get3A_254] {strides = array<i32>} : memref<40192xf32, #tpu.memory_space<vmem>>, vector<16xf32>,
        %max3A_256 = arith.maximumf %get3A_251, %get3A_247 : vector<16xf32>
        %sub3A_257 = arith.subf %get3A_251, %max3A_256 : vector<16xf32>
        %exp3A_258 = math.exp %sub3A_257 : vector<16xf32>
        %mul3A_259 = arith.mulf %get3A_255, %exp3A_258 : vector<16xf32>
        %sub3A_260 = arith.subf %get3A_247, %max3A_256 : vector<16xf32>
        %exp3A_261 = math.exp %sub3A_260 : vector<16xf32>
        %add3A_262 = arith.addf %mul3A_259, %exp3A_261 : vector<16xf32>
        %add3A_263 = arith.constant 32 : i32
        %add3A_264 = arith.addi %mul3A_194, %add3A_263 : i32
        %swap3A_265 = arith.index_cast %add3A_264 : i32 to index
        %swap3A_266 = tpu.vector_load %arg13[%swap3A_265] {strides = array<i32>} : memref<40192xf32, #tpu.memory_space<vmem>>, vector<16xf32>,
        tpu.vector_store %arg13[%swap3A_265], %max3A_256 {strides = array<i32>} : memref<40192xf32, #tpu.memory_space<vmem>>, vector<16xf32>,
        %add3A_267 = arith.constant 32 : i32
        %add3A_268 = arith.addi %mul3A_194, %add3A_267 : i32
        %swap3A_269 = arith.index_cast %add3A_268 : i32 to index
        %swap3A_270 = tpu.vector_load %arg14[%swap3A_269] {strides = array<i32>} : memref<40192xf32, #tpu.memory_space<vmem>>, vector<16xf32>,
        tpu.vector_store %arg14[%swap3A_269], %add3A_262 {strides = array<i32>} : memref<40192xf32, #tpu.memory_space<vmem>>, vector<16xf32>,
        %get3A_271 = arith.index_cast %while3A_189 : i32 to index
        %get3A_272 = arith.constant 48 : index
        %get3A_273 = tpu.vector_load %arg11[%get3A_271, %get3A_272] {strides = array<i32>} : memref<64x256xf32, #tpu.memory_space<vmem>>, vector<16xf32>,
        %add3A_274 = arith.constant 48 : i32
        %add3A_275 = arith.addi %mul3A_194, %add3A_274 : i32
        %get3A_276 = arith.index_cast %add3A_275 : i32 to index
        %get3A_277 = tpu.vector_load %arg13[%get3A_276] {strides = array<i32>} : memref<40192xf32, #tpu.memory_space<vmem>>, vector<16xf32>,
        %add3A_278 = arith.constant 48 : i32
        %add3A_279 = arith.addi %mul3A_194, %add3A_278 : i32
        %get3A_280 = arith.index_cast %add3A_279 : i32 to index
        %get3A_281 = tpu.vector_load %arg14[%get3A_280] {strides = array<i32>} : memref<40192xf32, #tpu.memory_space<vmem>>, vector<16xf32>,
        %max3A_282 = arith.maximumf %get3A_277, %get3A_273 : vector<16xf32>
        %sub3A_283 = arith.subf %get3A_277, %max3A_282 : vector<16xf32>
        %exp3A_284 = math.exp %sub3A_283 : vector<16xf32>
        %mul3A_285 = arith.mulf %get3A_281, %exp3A_284 : vector<16xf32>
        %sub3A_286 = arith.subf %get3A_273, %max3A_282 : vector<16xf32>
        %exp3A_287 = math.exp %sub3A_286 : vector<16xf32>
        %add3A_288 = arith.addf %mul3A_285, %exp3A_287 : vector<16xf32>
        %add3A_289 = arith.constant 48 : i32
        %add3A_290 = arith.addi %mul3A_194, %add3A_289 : i32
        %swap3A_291 = arith.index_cast %add3A_290 : i32 to index
        %swap3A_292 = tpu.vector_load %arg13[%swap3A_291] {strides = array<i32>} : memref<40192xf32, #tpu.memory_space<vmem>>, vector<16xf32>,
        tpu.vector_store %arg13[%swap3A_291], %max3A_282 {strides = array<i32>} : memref<40192xf32, #tpu.memory_space<vmem>>, vector<16xf32>,
        %add3A_293 = arith.constant 48 : i32
        %add3A_294 = arith.addi %mul3A_194, %add3A_293 : i32
        %swap3A_295 = arith.index_cast %add3A_294 : i32 to index
        %swap3A_296 = tpu.vector_load %arg14[%swap3A_295] {strides = array<i32>} : memref<40192xf32, #tpu.memory_space<vmem>>, vector<16xf32>,
        tpu.vector_store %arg14[%swap3A_295], %add3A_288 {strides = array<i32>} : memref<40192xf32, #tpu.memory_space<vmem>>, vector<16xf32>,
        %get3A_297 = arith.index_cast %while3A_189 : i32 to index
        %get3A_298 = arith.constant 64 : index
        %get3A_299 = tpu.vector_load %arg11[%get3A_297, %get3A_298] {strides = array<i32>} : memref<64x256xf32, #tpu.memory_space<vmem>>, vector<16xf32>,
        %add3A_300 = arith.constant 64 : i32
        %add3A_301 = arith.addi %mul3A_194, %add3A_300 : i32
        %get3A_302 = arith.index_cast %add3A_301 : i32 to index
        %get3A_303 = tpu.vector_load %arg13[%get3A_302] {strides = array<i32>} : memref<40192xf32, #tpu.memory_space<vmem>>, vector<16xf32>,
        %add3A_304 = arith.constant 64 : i32
        %add3A_305 = arith.addi %mul3A_194, %add3A_304 : i32
        %get3A_306 = arith.index_cast %add3A_305 : i32 to index
        %get3A_307 = tpu.vector_load %arg14[%get3A_306] {strides = array<i32>} : memref<40192xf32, #tpu.memory_space<vmem>>, vector<16xf32>,
        %max3A_308 = arith.maximumf %get3A_303, %get3A_299 : vector<16xf32>
        %sub3A_309 = arith.subf %get3A_303, %max3A_308 : vector<16xf32>
        %exp3A_310 = math.exp %sub3A_309 : vector<16xf32>
        %mul3A_311 = arith.mulf %get3A_307, %exp3A_310 : vector<16xf32>
        %sub3A_312 = arith.subf %get3A_299, %max3A_308 : vector<16xf32>
        %exp3A_313 = math.exp %sub3A_312 : vector<16xf32>
        %add3A_314 = arith.addf %mul3A_311, %exp3A_313 : vector<16xf32>
        %add3A_315 = arith.constant 64 : i32
        %add3A_316 = arith.addi %mul3A_194, %add3A_315 : i32
        %swap3A_317 = arith.index_cast %add3A_316 : i32 to index
        %swap3A_318 = tpu.vector_load %arg13[%swap3A_317] {strides = array<i32>} : memref<40192xf32, #tpu.memory_space<vmem>>, vector<16xf32>,
        tpu.vector_store %arg13[%swap3A_317], %max3A_308 {strides = array<i32>} : memref<40192xf32, #tpu.memory_space<vmem>>, vector<16xf32>,
        %add3A_319 = arith.constant 64 : i32
        %add3A_320 = arith.addi %mul3A_194, %add3A_319 : i32
        %swap3A_321 = arith.index_cast %add3A_320 : i32 to index
        %swap3A_322 = tpu.vector_load %arg14[%swap3A_321] {strides = array<i32>} : memref<40192xf32, #tpu.memory_space<vmem>>, vector<16xf32>,
        tpu.vector_store %arg14[%swap3A_321], %add3A_314 {strides = array<i32>} : memref<40192xf32, #tpu.memory_space<vmem>>, vector<16xf32>,
        %get3A_323 = arith.index_cast %while3A_189 : i32 to index
        %get3A_324 = arith.constant 80 : index
        %get3A_325 = tpu.vector_load %arg11[%get3A_323, %get3A_324] {strides = array<i32>} : memref<64x256xf32, #tpu.memory_space<vmem>>, vector<16xf32>,
        %add3A_326 = arith.constant 80 : i32
        %add3A_327 = arith.addi %mul3A_194, %add3A_326 : i32
        %get3A_328 = arith.index_cast %add3A_327 : i32 to index
        %get3A_329 = tpu.vector_load %arg13[%get3A_328] {strides = array<i32>} : memref<40192xf32, #tpu.memory_space<vmem>>, vector<16xf32>,
        %add3A_330 = arith.constant 80 : i32
        %add3A_331 = arith.addi %mul3A_194, %add3A_330 : i32
        %get3A_332 = arith.index_cast %add3A_331 : i32 to index
        %get3A_333 = tpu.vector_load %arg14[%get3A_332] {strides = array<i32>} : memref<40192xf32, #tpu.memory_space<vmem>>, vector<16xf32>,
        %max3A_334 = arith.maximumf %get3A_329, %get3A_325 : vector<16xf32>
        %sub3A_335 = arith.subf %get3A_329, %max3A_334 : vector<16xf32>
        %exp3A_336 = math.exp %sub3A_335 : vector<16xf32>
        %mul3A_337 = arith.mulf %get3A_333, %exp3A_336 : vector<16xf32>
        %sub3A_338 = arith.subf %get3A_325, %max3A_334 : vector<16xf32>
        %exp3A_339 = math.exp %sub3A_338 : vector<16xf32>
        %add3A_340 = arith.addf %mul3A_337, %exp3A_339 : vector<16xf32>
        %add3A_341 = arith.constant 80 : i32
        %add3A_342 = arith.addi %mul3A_194, %add3A_341 : i32
        %swap3A_343 = arith.index_cast %add3A_342 : i32 to index
        %swap3A_344 = tpu.vector_load %arg13[%swap3A_343] {strides = array<i32>} : memref<40192xf32, #tpu.memory_space<vmem>>, vector<16xf32>,
        tpu.vector_store %arg13[%swap3A_343], %max3A_334 {strides = array<i32>} : memref<40192xf32, #tpu.memory_space<vmem>>, vector<16xf32>,
        %add3A_345 = arith.constant 80 : i32
        %add3A_346 = arith.addi %mul3A_194, %add3A_345 : i32
        %swap3A_347 = arith.index_cast %add3A_346 : i32 to index
        %swap3A_348 = tpu.vector_load %arg14[%swap3A_347] {strides = array<i32>} : memref<40192xf32, #tpu.memory_space<vmem>>, vector<16xf32>,
        tpu.vector_store %arg14[%swap3A_347], %add3A_340 {strides = array<i32>} : memref<40192xf32, #tpu.memory_space<vmem>>, vector<16xf32>,
        %get3A_349 = arith.index_cast %while3A_189 : i32 to index
        %get3A_350 = arith.constant 96 : index
        %get3A_351 = tpu.vector_load %arg11[%get3A_349, %get3A_350] {strides = array<i32>} : memref<64x256xf32, #tpu.memory_space<vmem>>, vector<16xf32>,
        %add3A_352 = arith.constant 96 : i32
        %add3A_353 = arith.addi %mul3A_194, %add3A_352 : i32
        %get3A_354 = arith.index_cast %add3A_353 : i32 to index
        %get3A_355 = tpu.vector_load %arg13[%get3A_354] {strides = array<i32>} : memref<40192xf32, #tpu.memory_space<vmem>>, vector<16xf32>,
        %add3A_356 = arith.constant 96 : i32
        %add3A_357 = arith.addi %mul3A_194, %add3A_356 : i32
        %get3A_358 = arith.index_cast %add3A_357 : i32 to index
        %get3A_359 = tpu.vector_load %arg14[%get3A_358] {strides = array<i32>} : memref<40192xf32, #tpu.memory_space<vmem>>, vector<16xf32>,
        %max3A_360 = arith.maximumf %get3A_355, %get3A_351 : vector<16xf32>
        %sub3A_361 = arith.subf %get3A_355, %max3A_360 : vector<16xf32>
        %exp3A_362 = math.exp %sub3A_361 : vector<16xf32>
        %mul3A_363 = arith.mulf %get3A_359, %exp3A_362 : vector<16xf32>
        %sub3A_364 = arith.subf %get3A_351, %max3A_360 : vector<16xf32>
        %exp3A_365 = math.exp %sub3A_364 : vector<16xf32>
        %add3A_366 = arith.addf %mul3A_363, %exp3A_365 : vector<16xf32>
        %add3A_367 = arith.constant 96 : i32
        %add3A_368 = arith.addi %mul3A_194, %add3A_367 : i32
        %swap3A_369 = arith.index_cast %add3A_368 : i32 to index
        %swap3A_370 = tpu.vector_load %arg13[%swap3A_369] {strides = array<i32>} : memref<40192xf32, #tpu.memory_space<vmem>>, vector<16xf32>,
        tpu.vector_store %arg13[%swap3A_369], %max3A_360 {strides = array<i32>} : memref<40192xf32, #tpu.memory_space<vmem>>, vector<16xf32>,
        %add3A_371 = arith.constant 96 : i32
        %add3A_372 = arith.addi %mul3A_194, %add3A_371 : i32
        %swap3A_373 = arith.index_cast %add3A_372 : i32 to index
        %swap3A_374 = tpu.vector_load %arg14[%swap3A_373] {strides = array<i32>} : memref<40192xf32, #tpu.memory_space<vmem>>, vector<16xf32>,
        tpu.vector_store %arg14[%swap3A_373], %add3A_366 {strides = array<i32>} : memref<40192xf32, #tpu.memory_space<vmem>>, vector<16xf32>,
        %get3A_375 = arith.index_cast %while3A_189 : i32 to index
        %get3A_376 = arith.constant 112 : index
        %get3A_377 = tpu.vector_load %arg11[%get3A_375, %get3A_376] {strides = array<i32>} : memref<64x256xf32, #tpu.memory_space<vmem>>, vector<16xf32>,
        %add3A_378 = arith.constant 112 : i32
        %add3A_379 = arith.addi %mul3A_194, %add3A_378 : i32
        %get3A_380 = arith.index_cast %add3A_379 : i32 to index
        %get3A_381 = tpu.vector_load %arg13[%get3A_380] {strides = array<i32>} : memref<40192xf32, #tpu.memory_space<vmem>>, vector<16xf32>,
        %add3A_382 = arith.constant 112 : i32
        %add3A_383 = arith.addi %mul3A_194, %add3A_382 : i32
        %get3A_384 = arith.index_cast %add3A_383 : i32 to index
        %get3A_385 = tpu.vector_load %arg14[%get3A_384] {strides = array<i32>} : memref<40192xf32, #tpu.memory_space<vmem>>, vector<16xf32>,
        %max3A_386 = arith.maximumf %get3A_381, %get3A_377 : vector<16xf32>
        %sub3A_387 = arith.subf %get3A_381, %max3A_386 : vector<16xf32>
        %exp3A_388 = math.exp %sub3A_387 : vector<16xf32>
        %mul3A_389 = arith.mulf %get3A_385, %exp3A_388 : vector<16xf32>
        %sub3A_390 = arith.subf %get3A_377, %max3A_386 : vector<16xf32>
        %exp3A_391 = math.exp %sub3A_390 : vector<16xf32>
        %add3A_392 = arith.addf %mul3A_389, %exp3A_391 : vector<16xf32>
        %add3A_393 = arith.constant 112 : i32
        %add3A_394 = arith.addi %mul3A_194, %add3A_393 : i32
        %swap3A_395 = arith.index_cast %add3A_394 : i32 to index
        %swap3A_396 = tpu.vector_load %arg13[%swap3A_395] {strides = array<i32>} : memref<40192xf32, #tpu.memory_space<vmem>>, vector<16xf32>,
        tpu.vector_store %arg13[%swap3A_395], %max3A_386 {strides = array<i32>} : memref<40192xf32, #tpu.memory_space<vmem>>, vector<16xf32>,
        %add3A_397 = arith.constant 112 : i32
        %add3A_398 = arith.addi %mul3A_194, %add3A_397 : i32
        %swap3A_399 = arith.index_cast %add3A_398 : i32 to index
        %swap3A_400 = tpu.vector_load %arg14[%swap3A_399] {strides = array<i32>} : memref<40192xf32, #tpu.memory_space<vmem>>, vector<16xf32>,
        tpu.vector_store %arg14[%swap3A_399], %add3A_392 {strides = array<i32>} : memref<40192xf32, #tpu.memory_space<vmem>>, vector<16xf32>,
        %get3A_401 = arith.index_cast %while3A_189 : i32 to index
        %get3A_402 = arith.constant 128 : index
        %get3A_403 = tpu.vector_load %arg11[%get3A_401, %get3A_402] {strides = array<i32>} : memref<64x256xf32, #tpu.memory_space<vmem>>, vector<16xf32>,
        %add3A_404 = arith.constant 128 : i32
        %add3A_405 = arith.addi %mul3A_194, %add3A_404 : i32
        %get3A_406 = arith.index_cast %add3A_405 : i32 to index
        %get3A_407 = tpu.vector_load %arg13[%get3A_406] {strides = array<i32>} : memref<40192xf32, #tpu.memory_space<vmem>>, vector<16xf32>,
        %add3A_408 = arith.constant 128 : i32
        %add3A_409 = arith.addi %mul3A_194, %add3A_408 : i32
        %get3A_410 = arith.index_cast %add3A_409 : i32 to index
        %get3A_411 = tpu.vector_load %arg14[%get3A_410] {strides = array<i32>} : memref<40192xf32, #tpu.memory_space<vmem>>, vector<16xf32>,
        %max3A_412 = arith.maximumf %get3A_407, %get3A_403 : vector<16xf32>
        %sub3A_413 = arith.subf %get3A_407, %max3A_412 : vector<16xf32>
        %exp3A_414 = math.exp %sub3A_413 : vector<16xf32>
        %mul3A_415 = arith.mulf %get3A_411, %exp3A_414 : vector<16xf32>
        %sub3A_416 = arith.subf %get3A_403, %max3A_412 : vector<16xf32>
        %exp3A_417 = math.exp %sub3A_416 : vector<16xf32>
        %add3A_418 = arith.addf %mul3A_415, %exp3A_417 : vector<16xf32>
        %add3A_419 = arith.constant 128 : i32
        %add3A_420 = arith.addi %mul3A_194, %add3A_419 : i32
        %swap3A_421 = arith.index_cast %add3A_420 : i32 to index
        %swap3A_422 = tpu.vector_load %arg13[%swap3A_421] {strides = array<i32>} : memref<40192xf32, #tpu.memory_space<vmem>>, vector<16xf32>,
        tpu.vector_store %arg13[%swap3A_421], %max3A_412 {strides = array<i32>} : memref<40192xf32, #tpu.memory_space<vmem>>, vector<16xf32>,
        %add3A_423 = arith.constant 128 : i32
        %add3A_424 = arith.addi %mul3A_194, %add3A_423 : i32
        %swap3A_425 = arith.index_cast %add3A_424 : i32 to index
        %swap3A_426 = tpu.vector_load %arg14[%swap3A_425] {strides = array<i32>} : memref<40192xf32, #tpu.memory_space<vmem>>, vector<16xf32>,
        tpu.vector_store %arg14[%swap3A_425], %add3A_418 {strides = array<i32>} : memref<40192xf32, #tpu.memory_space<vmem>>, vector<16xf32>,
        %get3A_427 = arith.index_cast %while3A_189 : i32 to index
        %get3A_428 = arith.constant 144 : index
        %get3A_429 = tpu.vector_load %arg11[%get3A_427, %get3A_428] {strides = array<i32>} : memref<64x256xf32, #tpu.memory_space<vmem>>, vector<16xf32>,
        %add3A_430 = arith.constant 144 : i32
        %add3A_431 = arith.addi %mul3A_194, %add3A_430 : i32
        %get3A_432 = arith.index_cast %add3A_431 : i32 to index
        %get3A_433 = tpu.vector_load %arg13[%get3A_432] {strides = array<i32>} : memref<40192xf32, #tpu.memory_space<vmem>>, vector<16xf32>,
        %add3A_434 = arith.constant 144 : i32
        %add3A_435 = arith.addi %mul3A_194, %add3A_434 : i32
        %get3A_436 = arith.index_cast %add3A_435 : i32 to index
        %get3A_437 = tpu.vector_load %arg14[%get3A_436] {strides = array<i32>} : memref<40192xf32, #tpu.memory_space<vmem>>, vector<16xf32>,
        %max3A_438 = arith.maximumf %get3A_433, %get3A_429 : vector<16xf32>
        %sub3A_439 = arith.subf %get3A_433, %max3A_438 : vector<16xf32>
        %exp3A_440 = math.exp %sub3A_439 : vector<16xf32>
        %mul3A_441 = arith.mulf %get3A_437, %exp3A_440 : vector<16xf32>
        %sub3A_442 = arith.subf %get3A_429, %max3A_438 : vector<16xf32>
        %exp3A_443 = math.exp %sub3A_442 : vector<16xf32>
        %add3A_444 = arith.addf %mul3A_441, %exp3A_443 : vector<16xf32>
        %add3A_445 = arith.constant 144 : i32
        %add3A_446 = arith.addi %mul3A_194, %add3A_445 : i32
        %swap3A_447 = arith.index_cast %add3A_446 : i32 to index
        %swap3A_448 = tpu.vector_load %arg13[%swap3A_447] {strides = array<i32>} : memref<40192xf32, #tpu.memory_space<vmem>>, vector<16xf32>,
        tpu.vector_store %arg13[%swap3A_447], %max3A_438 {strides = array<i32>} : memref<40192xf32, #tpu.memory_space<vmem>>, vector<16xf32>,
        %add3A_449 = arith.constant 144 : i32
        %add3A_450 = arith.addi %mul3A_194, %add3A_449 : i32
        %swap3A_451 = arith.index_cast %add3A_450 : i32 to index
        %swap3A_452 = tpu.vector_load %arg14[%swap3A_451] {strides = array<i32>} : memref<40192xf32, #tpu.memory_space<vmem>>, vector<16xf32>,
        tpu.vector_store %arg14[%swap3A_451], %add3A_444 {strides = array<i32>} : memref<40192xf32, #tpu.memory_space<vmem>>, vector<16xf32>,
        %get3A_453 = arith.index_cast %while3A_189 : i32 to index
        %get3A_454 = arith.constant 160 : index
        %get3A_455 = tpu.vector_load %arg11[%get3A_453, %get3A_454] {strides = array<i32>} : memref<64x256xf32, #tpu.memory_space<vmem>>, vector<16xf32>,
        %add3A_456 = arith.constant 160 : i32
        %add3A_457 = arith.addi %mul3A_194, %add3A_456 : i32
        %get3A_458 = arith.index_cast %add3A_457 : i32 to index
        %get3A_459 = tpu.vector_load %arg13[%get3A_458] {strides = array<i32>} : memref<40192xf32, #tpu.memory_space<vmem>>, vector<16xf32>,
        %add3A_460 = arith.constant 160 : i32
        %add3A_461 = arith.addi %mul3A_194, %add3A_460 : i32
        %get3A_462 = arith.index_cast %add3A_461 : i32 to index
        %get3A_463 = tpu.vector_load %arg14[%get3A_462] {strides = array<i32>} : memref<40192xf32, #tpu.memory_space<vmem>>, vector<16xf32>,
        %max3A_464 = arith.maximumf %get3A_459, %get3A_455 : vector<16xf32>
        %sub3A_465 = arith.subf %get3A_459, %max3A_464 : vector<16xf32>
        %exp3A_466 = math.exp %sub3A_465 : vector<16xf32>
        %mul3A_467 = arith.mulf %get3A_463, %exp3A_466 : vector<16xf32>
        %sub3A_468 = arith.subf %get3A_455, %max3A_464 : vector<16xf32>
        %exp3A_469 = math.exp %sub3A_468 : vector<16xf32>
        %add3A_470 = arith.addf %mul3A_467, %exp3A_469 : vector<16xf32>
        %add3A_471 = arith.constant 160 : i32
        %add3A_472 = arith.addi %mul3A_194, %add3A_471 : i32
        %swap3A_473 = arith.index_cast %add3A_472 : i32 to index
        %swap3A_474 = tpu.vector_load %arg13[%swap3A_473] {strides = array<i32>} : memref<40192xf32, #tpu.memory_space<vmem>>, vector<16xf32>,
        tpu.vector_store %arg13[%swap3A_473], %max3A_464 {strides = array<i32>} : memref<40192xf32, #tpu.memory_space<vmem>>, vector<16xf32>,
        %add3A_475 = arith.constant 160 : i32
        %add3A_476 = arith.addi %mul3A_194, %add3A_475 : i32
        %swap3A_477 = arith.index_cast %add3A_476 : i32 to index
        %swap3A_478 = tpu.vector_load %arg14[%swap3A_477] {strides = array<i32>} : memref<40192xf32, #tpu.memory_space<vmem>>, vector<16xf32>,
        tpu.vector_store %arg14[%swap3A_477], %add3A_470 {strides = array<i32>} : memref<40192xf32, #tpu.memory_space<vmem>>, vector<16xf32>,
        %get3A_479 = arith.index_cast %while3A_189 : i32 to index
        %get3A_480 = arith.constant 176 : index
        %get3A_481 = tpu.vector_load %arg11[%get3A_479, %get3A_480] {strides = array<i32>} : memref<64x256xf32, #tpu.memory_space<vmem>>, vector<16xf32>,
        %add3A_482 = arith.constant 176 : i32
        %add3A_483 = arith.addi %mul3A_194, %add3A_482 : i32
        %get3A_484 = arith.index_cast %add3A_483 : i32 to index
        %get3A_485 = tpu.vector_load %arg13[%get3A_484] {strides = array<i32>} : memref<40192xf32, #tpu.memory_space<vmem>>, vector<16xf32>,
        %add3A_486 = arith.constant 176 : i32
        %add3A_487 = arith.addi %mul3A_194, %add3A_486 : i32
        %get3A_488 = arith.index_cast %add3A_487 : i32 to index
        %get3A_489 = tpu.vector_load %arg14[%get3A_488] {strides = array<i32>} : memref<40192xf32, #tpu.memory_space<vmem>>, vector<16xf32>,
        %max3A_490 = arith.maximumf %get3A_485, %get3A_481 : vector<16xf32>
        %sub3A_491 = arith.subf %get3A_485, %max3A_490 : vector<16xf32>
        %exp3A_492 = math.exp %sub3A_491 : vector<16xf32>
        %mul3A_493 = arith.mulf %get3A_489, %exp3A_492 : vector<16xf32>
        %sub3A_494 = arith.subf %get3A_481, %max3A_490 : vector<16xf32>
        %exp3A_495 = math.exp %sub3A_494 : vector<16xf32>
        %add3A_496 = arith.addf %mul3A_493, %exp3A_495 : vector<16xf32>
        %add3A_497 = arith.constant 176 : i32
        %add3A_498 = arith.addi %mul3A_194, %add3A_497 : i32
        %swap3A_499 = arith.index_cast %add3A_498 : i32 to index
        %swap3A_500 = tpu.vector_load %arg13[%swap3A_499] {strides = array<i32>} : memref<40192xf32, #tpu.memory_space<vmem>>, vector<16xf32>,
        tpu.vector_store %arg13[%swap3A_499], %max3A_490 {strides = array<i32>} : memref<40192xf32, #tpu.memory_space<vmem>>, vector<16xf32>,
        %add3A_501 = arith.constant 176 : i32
        %add3A_502 = arith.addi %mul3A_194, %add3A_501 : i32
        %swap3A_503 = arith.index_cast %add3A_502 : i32 to index
        %swap3A_504 = tpu.vector_load %arg14[%swap3A_503] {strides = array<i32>} : memref<40192xf32, #tpu.memory_space<vmem>>, vector<16xf32>,
        tpu.vector_store %arg14[%swap3A_503], %add3A_496 {strides = array<i32>} : memref<40192xf32, #tpu.memory_space<vmem>>, vector<16xf32>,
        %get3A_505 = arith.index_cast %while3A_189 : i32 to index
        %get3A_506 = arith.constant 192 : index
        %get3A_507 = tpu.vector_load %arg11[%get3A_505, %get3A_506] {strides = array<i32>} : memref<64x256xf32, #tpu.memory_space<vmem>>, vector<16xf32>,
        %add3A_508 = arith.constant 192 : i32
        %add3A_509 = arith.addi %mul3A_194, %add3A_508 : i32
        %get3A_510 = arith.index_cast %add3A_509 : i32 to index
        %get3A_511 = tpu.vector_load %arg13[%get3A_510] {strides = array<i32>} : memref<40192xf32, #tpu.memory_space<vmem>>, vector<16xf32>,
        %add3A_512 = arith.constant 192 : i32
        %add3A_513 = arith.addi %mul3A_194, %add3A_512 : i32
        %get3A_514 = arith.index_cast %add3A_513 : i32 to index
        %get3A_515 = tpu.vector_load %arg14[%get3A_514] {strides = array<i32>} : memref<40192xf32, #tpu.memory_space<vmem>>, vector<16xf32>,
        %max3A_516 = arith.maximumf %get3A_511, %get3A_507 : vector<16xf32>
        %sub3A_517 = arith.subf %get3A_511, %max3A_516 : vector<16xf32>
        %exp3A_518 = math.exp %sub3A_517 : vector<16xf32>
        %mul3A_519 = arith.mulf %get3A_515, %exp3A_518 : vector<16xf32>
        %sub3A_520 = arith.subf %get3A_507, %max3A_516 : vector<16xf32>
        %exp3A_521 = math.exp %sub3A_520 : vector<16xf32>
        %add3A_522 = arith.addf %mul3A_519, %exp3A_521 : vector<16xf32>
        %add3A_523 = arith.constant 192 : i32
        %add3A_524 = arith.addi %mul3A_194, %add3A_523 : i32
        %swap3A_525 = arith.index_cast %add3A_524 : i32 to index
        %swap3A_526 = tpu.vector_load %arg13[%swap3A_525] {strides = array<i32>} : memref<40192xf32, #tpu.memory_space<vmem>>, vector<16xf32>,
        tpu.vector_store %arg13[%swap3A_525], %max3A_516 {strides = array<i32>} : memref<40192xf32, #tpu.memory_space<vmem>>, vector<16xf32>,
        %add3A_527 = arith.constant 192 : i32
        %add3A_528 = arith.addi %mul3A_194, %add3A_527 : i32
        %swap3A_529 = arith.index_cast %add3A_528 : i32 to index
        %swap3A_530 = tpu.vector_load %arg14[%swap3A_529] {strides = array<i32>} : memref<40192xf32, #tpu.memory_space<vmem>>, vector<16xf32>,
        tpu.vector_store %arg14[%swap3A_529], %add3A_522 {strides = array<i32>} : memref<40192xf32, #tpu.memory_space<vmem>>, vector<16xf32>,
        %get3A_531 = arith.index_cast %while3A_189 : i32 to index
        %get3A_532 = arith.constant 208 : index
        %get3A_533 = tpu.vector_load %arg11[%get3A_531, %get3A_532] {strides = array<i32>} : memref<64x256xf32, #tpu.memory_space<vmem>>, vector<16xf32>,
        %add3A_534 = arith.constant 208 : i32
        %add3A_535 = arith.addi %mul3A_194, %add3A_534 : i32
        %get3A_536 = arith.index_cast %add3A_535 : i32 to index
        %get3A_537 = tpu.vector_load %arg13[%get3A_536] {strides = array<i32>} : memref<40192xf32, #tpu.memory_space<vmem>>, vector<16xf32>,
        %add3A_538 = arith.constant 208 : i32
        %add3A_539 = arith.addi %mul3A_194, %add3A_538 : i32
        %get3A_540 = arith.index_cast %add3A_539 : i32 to index
        %get3A_541 = tpu.vector_load %arg14[%get3A_540] {strides = array<i32>} : memref<40192xf32, #tpu.memory_space<vmem>>, vector<16xf32>,
        %max3A_542 = arith.maximumf %get3A_537, %get3A_533 : vector<16xf32>
        %sub3A_543 = arith.subf %get3A_537, %max3A_542 : vector<16xf32>
        %exp3A_544 = math.exp %sub3A_543 : vector<16xf32>
        %mul3A_545 = arith.mulf %get3A_541, %exp3A_544 : vector<16xf32>
        %sub3A_546 = arith.subf %get3A_533, %max3A_542 : vector<16xf32>
        %exp3A_547 = math.exp %sub3A_546 : vector<16xf32>
        %add3A_548 = arith.addf %mul3A_545, %exp3A_547 : vector<16xf32>
        %add3A_549 = arith.constant 208 : i32
        %add3A_550 = arith.addi %mul3A_194, %add3A_549 : i32
        %swap3A_551 = arith.index_cast %add3A_550 : i32 to index
        %swap3A_552 = tpu.vector_load %arg13[%swap3A_551] {strides = array<i32>} : memref<40192xf32, #tpu.memory_space<vmem>>, vector<16xf32>,
        tpu.vector_store %arg13[%swap3A_551], %max3A_542 {strides = array<i32>} : memref<40192xf32, #tpu.memory_space<vmem>>, vector<16xf32>,
        %add3A_553 = arith.constant 208 : i32
        %add3A_554 = arith.addi %mul3A_194, %add3A_553 : i32
        %swap3A_555 = arith.index_cast %add3A_554 : i32 to index
        %swap3A_556 = tpu.vector_load %arg14[%swap3A_555] {strides = array<i32>} : memref<40192xf32, #tpu.memory_space<vmem>>, vector<16xf32>,
        tpu.vector_store %arg14[%swap3A_555], %add3A_548 {strides = array<i32>} : memref<40192xf32, #tpu.memory_space<vmem>>, vector<16xf32>,
        %get3A_557 = arith.index_cast %while3A_189 : i32 to index
        %get3A_558 = arith.constant 224 : index
        %get3A_559 = tpu.vector_load %arg11[%get3A_557, %get3A_558] {strides = array<i32>} : memref<64x256xf32, #tpu.memory_space<vmem>>, vector<16xf32>,
        %add3A_560 = arith.constant 224 : i32
        %add3A_561 = arith.addi %mul3A_194, %add3A_560 : i32
        %get3A_562 = arith.index_cast %add3A_561 : i32 to index
        %get3A_563 = tpu.vector_load %arg13[%get3A_562] {strides = array<i32>} : memref<40192xf32, #tpu.memory_space<vmem>>, vector<16xf32>,
        %add3A_564 = arith.constant 224 : i32
        %add3A_565 = arith.addi %mul3A_194, %add3A_564 : i32
        %get3A_566 = arith.index_cast %add3A_565 : i32 to index
        %get3A_567 = tpu.vector_load %arg14[%get3A_566] {strides = array<i32>} : memref<40192xf32, #tpu.memory_space<vmem>>, vector<16xf32>,
        %max3A_568 = arith.maximumf %get3A_563, %get3A_559 : vector<16xf32>
        %sub3A_569 = arith.subf %get3A_563, %max3A_568 : vector<16xf32>
        %exp3A_570 = math.exp %sub3A_569 : vector<16xf32>
        %mul3A_571 = arith.mulf %get3A_567, %exp3A_570 : vector<16xf32>
        %sub3A_572 = arith.subf %get3A_559, %max3A_568 : vector<16xf32>
        %exp3A_573 = math.exp %sub3A_572 : vector<16xf32>
        %add3A_574 = arith.addf %mul3A_571, %exp3A_573 : vector<16xf32>
        %add3A_575 = arith.constant 224 : i32
        %add3A_576 = arith.addi %mul3A_194, %add3A_575 : i32
        %swap3A_577 = arith.index_cast %add3A_576 : i32 to index
        %swap3A_578 = tpu.vector_load %arg13[%swap3A_577] {strides = array<i32>} : memref<40192xf32, #tpu.memory_space<vmem>>, vector<16xf32>,
        tpu.vector_store %arg13[%swap3A_577], %max3A_568 {strides = array<i32>} : memref<40192xf32, #tpu.memory_space<vmem>>, vector<16xf32>,
        %add3A_579 = arith.constant 224 : i32
        %add3A_580 = arith.addi %mul3A_194, %add3A_579 : i32
        %swap3A_581 = arith.index_cast %add3A_580 : i32 to index
        %swap3A_582 = tpu.vector_load %arg14[%swap3A_581] {strides = array<i32>} : memref<40192xf32, #tpu.memory_space<vmem>>, vector<16xf32>,
        tpu.vector_store %arg14[%swap3A_581], %add3A_574 {strides = array<i32>} : memref<40192xf32, #tpu.memory_space<vmem>>, vector<16xf32>,
        %get3A_583 = arith.index_cast %while3A_189 : i32 to index
        %get3A_584 = arith.constant 240 : index
        %get3A_585 = tpu.vector_load %arg11[%get3A_583, %get3A_584] {strides = array<i32>} : memref<64x256xf32, #tpu.memory_space<vmem>>, vector<16xf32>,
        %add3A_586 = arith.constant 240 : i32
        %add3A_587 = arith.addi %mul3A_194, %add3A_586 : i32
        %get3A_588 = arith.index_cast %add3A_587 : i32 to index
        %get3A_589 = tpu.vector_load %arg13[%get3A_588] {strides = array<i32>} : memref<40192xf32, #tpu.memory_space<vmem>>, vector<16xf32>,
        %add3A_590 = arith.constant 240 : i32
        %add3A_591 = arith.addi %mul3A_194, %add3A_590 : i32
        %get3A_592 = arith.index_cast %add3A_591 : i32 to index
        %get3A_593 = tpu.vector_load %arg14[%get3A_592] {strides = array<i32>} : memref<40192xf32, #tpu.memory_space<vmem>>, vector<16xf32>,
        %max3A_594 = arith.maximumf %get3A_589, %get3A_585 : vector<16xf32>
        %sub3A_595 = arith.subf %get3A_589, %max3A_594 : vector<16xf32>
        %exp3A_596 = math.exp %sub3A_595 : vector<16xf32>
        %mul3A_597 = arith.mulf %get3A_593, %exp3A_596 : vector<16xf32>
        %sub3A_598 = arith.subf %get3A_585, %max3A_594 : vector<16xf32>
        %exp3A_599 = math.exp %sub3A_598 : vector<16xf32>
        %add3A_600 = arith.addf %mul3A_597, %exp3A_599 : vector<16xf32>
        %add3A_601 = arith.constant 240 : i32
        %add3A_602 = arith.addi %mul3A_194, %add3A_601 : i32
        %swap3A_603 = arith.index_cast %add3A_602 : i32 to index
        %swap3A_604 = tpu.vector_load %arg13[%swap3A_603] {strides = array<i32>} : memref<40192xf32, #tpu.memory_space<vmem>>, vector<16xf32>,
        tpu.vector_store %arg13[%swap3A_603], %max3A_594 {strides = array<i32>} : memref<40192xf32, #tpu.memory_space<vmem>>, vector<16xf32>,
        %add3A_605 = arith.constant 240 : i32
        %add3A_606 = arith.addi %mul3A_194, %add3A_605 : i32
        %swap3A_607 = arith.index_cast %add3A_606 : i32 to index
        %swap3A_608 = tpu.vector_load %arg14[%swap3A_607] {strides = array<i32>} : memref<40192xf32, #tpu.memory_space<vmem>>, vector<16xf32>,
        tpu.vector_store %arg14[%swap3A_607], %add3A_600 {strides = array<i32>} : memref<40192xf32, #tpu.memory_space<vmem>>, vector<16xf32>,
      }
      %while3A_188 = arith.constant 1 : i32
      scf.for %while3A_189 = %while3A_186 to %while3A_182 step %while3A_188  : i32 {
        %get3A_190 = arith.index_cast %while3A_189 : i32 to index
        %get3A_191 = tpu.vector_load %arg9[%get3A_190] {strides = array<i32>} : memref<80xi32, #tpu.memory_space<vmem>>, vector<16xi32>,
        %slice3A = vector.extract_strided_slice %get3A_191 {offsets = [0], sizes = [1], strides = [1]} : vector<16xi32> to vector<1xi32>
        %squeeze3A = vector.extract %slice3A[0] : i32 from vector<1xi32>
        %shift_right_arithmetic3A = arith.constant 19 : i32
        %shift_right_arithmetic3A_192 = arith.shrsi %squeeze3A, %shift_right_arithmetic3A : i32
        %mul3A_193 = arith.constant 256 : i32
        %mul3A_194 = arith.muli %shift_right_arithmetic3A_192, %mul3A_193 : i32
        %get3A_195 = arith.index_cast %while3A_189 : i32 to index
        %get3A_196 = arith.constant 0 : index
        %get3A_197 = tpu.vector_load %arg11[%get3A_195, %get3A_196] {strides = array<i32>} : memref<64x256xf32, #tpu.memory_space<vmem>>, vector<16xf32>,
        %add3A_198 = arith.constant 0 : i32
        %add3A_199 = arith.addi %mul3A_194, %add3A_198 : i32
        %get3A_200 = arith.index_cast %add3A_199 : i32 to index
        %get3A_201 = tpu.vector_load %arg13[%get3A_200] {strides = array<i32>} : memref<40192xf32, #tpu.memory_space<vmem>>, vector<16xf32>,
        %add3A_202 = arith.constant 0 : i32
        %add3A_203 = arith.addi %mul3A_194, %add3A_202 : i32
        %get3A_204 = arith.index_cast %add3A_203 : i32 to index
        %get3A_205 = tpu.vector_load %arg14[%get3A_204] {strides = array<i32>} : memref<40192xf32, #tpu.memory_space<vmem>>, vector<16xf32>,
        %max3A = arith.maximumf %get3A_201, %get3A_197 : vector<16xf32>
        %sub3A_206 = arith.subf %get3A_201, %max3A : vector<16xf32>
        %exp3A = math.exp %sub3A_206 : vector<16xf32>
        %mul3A_207 = arith.mulf %get3A_205, %exp3A : vector<16xf32>
        %sub3A_208 = arith.subf %get3A_197, %max3A : vector<16xf32>
        %exp3A_209 = math.exp %sub3A_208 : vector<16xf32>
        %add3A_210 = arith.addf %mul3A_207, %exp3A_209 : vector<16xf32>
        %add3A_211 = arith.constant 0 : i32
        %add3A_212 = arith.addi %mul3A_194, %add3A_211 : i32
        %swap3A_213 = arith.index_cast %add3A_212 : i32 to index
        %swap3A_214 = tpu.vector_load %arg13[%swap3A_213] {strides = array<i32>} : memref<40192xf32, #tpu.memory_space<vmem>>, vector<16xf32>,
        tpu.vector_store %arg13[%swap3A_213], %max3A {strides = array<i32>} : memref<40192xf32, #tpu.memory_space<vmem>>, vector<16xf32>,
        %add3A_215 = arith.constant 0 : i32
        %add3A_216 = arith.addi %mul3A_194, %add3A_215 : i32
        %swap3A_217 = arith.index_cast %add3A_216 : i32 to index
        %swap3A_218 = tpu.vector_load %arg14[%swap3A_217] {strides = array<i32>} : memref<40192xf32, #tpu.memory_space<vmem>>, vector<16xf32>,
        tpu.vector_store %arg14[%swap3A_217], %add3A_210 {strides = array<i32>} : memref<40192xf32, #tpu.memory_space<vmem>>, vector<16xf32>,
        %get3A_219 = arith.index_cast %while3A_189 : i32 to index
        %get3A_220 = arith.constant 16 : index
        %get3A_221 = tpu.vector_load %arg11[%get3A_219, %get3A_220] {strides = array<i32>} : memref<64x256xf32, #tpu.memory_space<vmem>>, vector<16xf32>,
        %add3A_222 = arith.constant 16 : i32
        %add3A_223 = arith.addi %mul3A_194, %add3A_222 : i32
        %get3A_224 = arith.index_cast %add3A_223 : i32 to index
        %get3A_225 = tpu.vector_load %arg13[%get3A_224] {strides = array<i32>} : memref<40192xf32, #tpu.memory_space<vmem>>, vector<16xf32>,
        %add3A_226 = arith.constant 16 : i32
        %add3A_227 = arith.addi %mul3A_194, %add3A_226 : i32
        %get3A_228 = arith.index_cast %add3A_227 : i32 to index
        %get3A_229 = tpu.vector_load %arg14[%get3A_228] {strides = array<i32>} : memref<40192xf32, #tpu.memory_space<vmem>>, vector<16xf32>,
        %max3A_230 = arith.maximumf %get3A_225, %get3A_221 : vector<16xf32>
        %sub3A_231 = arith.subf %get3A_225, %max3A_230 : vector<16xf32>
        %exp3A_232 = math.exp %sub3A_231 : vector<16xf32>
        %mul3A_233 = arith.mulf %get3A_229, %exp3A_232 : vector<16xf32>
        %sub3A_234 = arith.subf %get3A_221, %max3A_230 : vector<16xf32>
        %exp3A_235 = math.exp %sub3A_234 : vector<16xf32>
        %add3A_236 = arith.addf %mul3A_233, %exp3A_235 : vector<16xf32>
        %add3A_237 = arith.constant 16 : i32
        %add3A_238 = arith.addi %mul3A_194, %add3A_237 : i32
        %swap3A_239 = arith.index_cast %add3A_238 : i32 to index
        %swap3A_240 = tpu.vector_load %arg13[%swap3A_239] {strides = array<i32>} : memref<40192xf32, #tpu.memory_space<vmem>>, vector<16xf32>,
        tpu.vector_store %arg13[%swap3A_239], %max3A_230 {strides = array<i32>} : memref<40192xf32, #tpu.memory_space<vmem>>, vector<16xf32>,
        %add3A_241 = arith.constant 16 : i32
        %add3A_242 = arith.addi %mul3A_194, %add3A_241 : i32
        %swap3A_243 = arith.index_cast %add3A_242 : i32 to index
        %swap3A_244 = tpu.vector_load %arg14[%swap3A_243] {strides = array<i32>} : memref<40192xf32, #tpu.memory_space<vmem>>, vector<16xf32>,
        tpu.vector_store %arg14[%swap3A_243], %add3A_236 {strides = array<i32>} : memref<40192xf32, #tpu.memory_space<vmem>>, vector<16xf32>,
        %get3A_245 = arith.index_cast %while3A_189 : i32 to index
        %get3A_246 = arith.constant 32 : index
        %get3A_247 = tpu.vector_load %arg11[%get3A_245, %get3A_246] {strides = array<i32>} : memref<64x256xf32, #tpu.memory_space<vmem>>, vector<16xf32>,
        %add3A_248 = arith.constant 32 : i32
        %add3A_249 = arith.addi %mul3A_194, %add3A_248 : i32
        %get3A_250 = arith.index_cast %add3A_249 : i32 to index
        %get3A_251 = tpu.vector_load %arg13[%get3A_250] {strides = array<i32>} : memref<40192xf32, #tpu.memory_space<vmem>>, vector<16xf32>,
        %add3A_252 = arith.constant 32 : i32
        %add3A_253 = arith.addi %mul3A_194, %add3A_252 : i32
        %get3A_254 = arith.index_cast %add3A_253 : i32 to index
        %get3A_255 = tpu.vector_load %arg14[%get3A_254] {strides = array<i32>} : memref<40192xf32, #tpu.memory_space<vmem>>, vector<16xf32>,
        %max3A_256 = arith.maximumf %get3A_251, %get3A_247 : vector<16xf32>
        %sub3A_257 = arith.subf %get3A_251, %max3A_256 : vector<16xf32>
        %exp3A_258 = math.exp %sub3A_257 : vector<16xf32>
        %mul3A_259 = arith.mulf %get3A_255, %exp3A_258 : vector<16xf32>
        %sub3A_260 = arith.subf %get3A_247, %max3A_256 : vector<16xf32>
        %exp3A_261 = math.exp %sub3A_260 : vector<16xf32>
        %add3A_262 = arith.addf %mul3A_259, %exp3A_261 : vector<16xf32>
        %add3A_263 = arith.constant 32 : i32
        %add3A_264 = arith.addi %mul3A_194, %add3A_263 : i32
        %swap3A_265 = arith.index_cast %add3A_264 : i32 to index
        %swap3A_266 = tpu.vector_load %arg13[%swap3A_265] {strides = array<i32>} : memref<40192xf32, #tpu.memory_space<vmem>>, vector<16xf32>,
        tpu.vector_store %arg13[%swap3A_265], %max3A_256 {strides = array<i32>} : memref<40192xf32, #tpu.memory_space<vmem>>, vector<16xf32>,
        %add3A_267 = arith.constant 32 : i32
        %add3A_268 = arith.addi %mul3A_194, %add3A_267 : i32
        %swap3A_269 = arith.index_cast %add3A_268 : i32 to index
        %swap3A_270 = tpu.vector_load %arg14[%swap3A_269] {strides = array<i32>} : memref<40192xf32, #tpu.memory_space<vmem>>, vector<16xf32>,
        tpu.vector_store %arg14[%swap3A_269], %add3A_262 {strides = array<i32>} : memref<40192xf32, #tpu.memory_space<vmem>>, vector<16xf32>,
        %get3A_271 = arith.index_cast %while3A_189 : i32 to index
        %get3A_272 = arith.constant 48 : index
        %get3A_273 = tpu.vector_load %arg11[%get3A_271, %get3A_272] {strides = array<i32>} : memref<64x256xf32, #tpu.memory_space<vmem>>, vector<16xf32>,
        %add3A_274 = arith.constant 48 : i32
        %add3A_275 = arith.addi %mul3A_194, %add3A_274 : i32
        %get3A_276 = arith.index_cast %add3A_275 : i32 to index
        %get3A_277 = tpu.vector_load %arg13[%get3A_276] {strides = array<i32>} : memref<40192xf32, #tpu.memory_space<vmem>>, vector<16xf32>,
        %add3A_278 = arith.constant 48 : i32
        %add3A_279 = arith.addi %mul3A_194, %add3A_278 : i32
        %get3A_280 = arith.index_cast %add3A_279 : i32 to index
        %get3A_281 = tpu.vector_load %arg14[%get3A_280] {strides = array<i32>} : memref<40192xf32, #tpu.memory_space<vmem>>, vector<16xf32>,
        %max3A_282 = arith.maximumf %get3A_277, %get3A_273 : vector<16xf32>
        %sub3A_283 = arith.subf %get3A_277, %max3A_282 : vector<16xf32>
        %exp3A_284 = math.exp %sub3A_283 : vector<16xf32>
        %mul3A_285 = arith.mulf %get3A_281, %exp3A_284 : vector<16xf32>
        %sub3A_286 = arith.subf %get3A_273, %max3A_282 : vector<16xf32>
        %exp3A_287 = math.exp %sub3A_286 : vector<16xf32>
        %add3A_288 = arith.addf %mul3A_285, %exp3A_287 : vector<16xf32>
        %add3A_289 = arith.constant 48 : i32
        %add3A_290 = arith.addi %mul3A_194, %add3A_289 : i32
        %swap3A_291 = arith.index_cast %add3A_290 : i32 to index
        %swap3A_292 = tpu.vector_load %arg13[%swap3A_291] {strides = array<i32>} : memref<40192xf32, #tpu.memory_space<vmem>>, vector<16xf32>,
        tpu.vector_store %arg13[%swap3A_291], %max3A_282 {strides = array<i32>} : memref<40192xf32, #tpu.memory_space<vmem>>, vector<16xf32>,
        %add3A_293 = arith.constant 48 : i32
        %add3A_294 = arith.addi %mul3A_194, %add3A_293 : i32
        %swap3A_295 = arith.index_cast %add3A_294 : i32 to index
        %swap3A_296 = tpu.vector_load %arg14[%swap3A_295] {strides = array<i32>} : memref<40192xf32, #tpu.memory_space<vmem>>, vector<16xf32>,
        tpu.vector_store %arg14[%swap3A_295], %add3A_288 {strides = array<i32>} : memref<40192xf32, #tpu.memory_space<vmem>>, vector<16xf32>,
        %get3A_297 = arith.index_cast %while3A_189 : i32 to index
        %get3A_298 = arith.constant 64 : index
        %get3A_299 = tpu.vector_load %arg11[%get3A_297, %get3A_298] {strides = array<i32>} : memref<64x256xf32, #tpu.memory_space<vmem>>, vector<16xf32>,
        %add3A_300 = arith.constant 64 : i32
        %add3A_301 = arith.addi %mul3A_194, %add3A_300 : i32
        %get3A_302 = arith.index_cast %add3A_301 : i32 to index
        %get3A_303 = tpu.vector_load %arg13[%get3A_302] {strides = array<i32>} : memref<40192xf32, #tpu.memory_space<vmem>>, vector<16xf32>,
        %add3A_304 = arith.constant 64 : i32
        %add3A_305 = arith.addi %mul3A_194, %add3A_304 : i32
        %get3A_306 = arith.index_cast %add3A_305 : i32 to index
        %get3A_307 = tpu.vector_load %arg14[%get3A_306] {strides = array<i32>} : memref<40192xf32, #tpu.memory_space<vmem>>, vector<16xf32>,
        %max3A_308 = arith.maximumf %get3A_303, %get3A_299 : vector<16xf32>
        %sub3A_309 = arith.subf %get3A_303, %max3A_308 : vector<16xf32>
        %exp3A_310 = math.exp %sub3A_309 : vector<16xf32>
        %mul3A_311 = arith.mulf %get3A_307, %exp3A_310 : vector<16xf32>
        %sub3A_312 = arith.subf %get3A_299, %max3A_308 : vector<16xf32>
        %exp3A_313 = math.exp %sub3A_312 : vector<16xf32>
        %add3A_314 = arith.addf %mul3A_311, %exp3A_313 : vector<16xf32>
        %add3A_315 = arith.constant 64 : i32
        %add3A_316 = arith.addi %mul3A_194, %add3A_315 : i32
        %swap3A_317 = arith.index_cast %add3A_316 : i32 to index
        %swap3A_318 = tpu.vector_load %arg13[%swap3A_317] {strides = array<i32>} : memref<40192xf32, #tpu.memory_space<vmem>>, vector<16xf32>,
        tpu.vector_store %arg13[%swap3A_317], %max3A_308 {strides = array<i32>} : memref<40192xf32, #tpu.memory_space<vmem>>, vector<16xf32>,
        %add3A_319 = arith.constant 64 : i32
        %add3A_320 = arith.addi %mul3A_194, %add3A_319 : i32
        %swap3A_321 = arith.index_cast %add3A_320 : i32 to index
        %swap3A_322 = tpu.vector_load %arg14[%swap3A_321] {strides = array<i32>} : memref<40192xf32, #tpu.memory_space<vmem>>, vector<16xf32>,
        tpu.vector_store %arg14[%swap3A_321], %add3A_314 {strides = array<i32>} : memref<40192xf32, #tpu.memory_space<vmem>>, vector<16xf32>,
        %get3A_323 = arith.index_cast %while3A_189 : i32 to index
        %get3A_324 = arith.constant 80 : index
        %get3A_325 = tpu.vector_load %arg11[%get3A_323, %get3A_324] {strides = array<i32>} : memref<64x256xf32, #tpu.memory_space<vmem>>, vector<16xf32>,
        %add3A_326 = arith.constant 80 : i32
        %add3A_327 = arith.addi %mul3A_194, %add3A_326 : i32
        %get3A_328 = arith.index_cast %add3A_327 : i32 to index
        %get3A_329 = tpu.vector_load %arg13[%get3A_328] {strides = array<i32>} : memref<40192xf32, #tpu.memory_space<vmem>>, vector<16xf32>,
        %add3A_330 = arith.constant 80 : i32
        %add3A_331 = arith.addi %mul3A_194, %add3A_330 : i32
        %get3A_332 = arith.index_cast %add3A_331 : i32 to index
        %get3A_333 = tpu.vector_load %arg14[%get3A_332] {strides = array<i32>} : memref<40192xf32, #tpu.memory_space<vmem>>, vector<16xf32>,
        %max3A_334 = arith.maximumf %get3A_329, %get3A_325 : vector<16xf32>
        %sub3A_335 = arith.subf %get3A_329, %max3A_334 : vector<16xf32>
        %exp3A_336 = math.exp %sub3A_335 : vector<16xf32>
        %mul3A_337 = arith.mulf %get3A_333, %exp3A_336 : vector<16xf32>
        %sub3A_338 = arith.subf %get3A_325, %max3A_334 : vector<16xf32>
        %exp3A_339 = math.exp %sub3A_338 : vector<16xf32>
        %add3A_340 = arith.addf %mul3A_337, %exp3A_339 : vector<16xf32>
        %add3A_341 = arith.constant 80 : i32
        %add3A_342 = arith.addi %mul3A_194, %add3A_341 : i32
        %swap3A_343 = arith.index_cast %add3A_342 : i32 to index
        %swap3A_344 = tpu.vector_load %arg13[%swap3A_343] {strides = array<i32>} : memref<40192xf32, #tpu.memory_space<vmem>>, vector<16xf32>,
        tpu.vector_store %arg13[%swap3A_343], %max3A_334 {strides = array<i32>} : memref<40192xf32, #tpu.memory_space<vmem>>, vector<16xf32>,
        %add3A_345 = arith.constant 80 : i32
        %add3A_346 = arith.addi %mul3A_194, %add3A_345 : i32
        %swap3A_347 = arith.index_cast %add3A_346 : i32 to index
        %swap3A_348 = tpu.vector_load %arg14[%swap3A_347] {strides = array<i32>} : memref<40192xf32, #tpu.memory_space<vmem>>, vector<16xf32>,
        tpu.vector_store %arg14[%swap3A_347], %add3A_340 {strides = array<i32>} : memref<40192xf32, #tpu.memory_space<vmem>>, vector<16xf32>,
        %get3A_349 = arith.index_cast %while3A_189 : i32 to index
        %get3A_350 = arith.constant 96 : index
        %get3A_351 = tpu.vector_load %arg11[%get3A_349, %get3A_350] {strides = array<i32>} : memref<64x256xf32, #tpu.memory_space<vmem>>, vector<16xf32>,
        %add3A_352 = arith.constant 96 : i32
        %add3A_353 = arith.addi %mul3A_194, %add3A_352 : i32
        %get3A_354 = arith.index_cast %add3A_353 : i32 to index
        %get3A_355 = tpu.vector_load %arg13[%get3A_354] {strides = array<i32>} : memref<40192xf32, #tpu.memory_space<vmem>>, vector<16xf32>,
        %add3A_356 = arith.constant 96 : i32
        %add3A_357 = arith.addi %mul3A_194, %add3A_356 : i32
        %get3A_358 = arith.index_cast %add3A_357 : i32 to index
        %get3A_359 = tpu.vector_load %arg14[%get3A_358] {strides = array<i32>} : memref<40192xf32, #tpu.memory_space<vmem>>, vector<16xf32>,
        %max3A_360 = arith.maximumf %get3A_355, %get3A_351 : vector<16xf32>
        %sub3A_361 = arith.subf %get3A_355, %max3A_360 : vector<16xf32>
        %exp3A_362 = math.exp %sub3A_361 : vector<16xf32>
        %mul3A_363 = arith.mulf %get3A_359, %exp3A_362 : vector<16xf32>
        %sub3A_364 = arith.subf %get3A_351, %max3A_360 : vector<16xf32>
        %exp3A_365 = math.exp %sub3A_364 : vector<16xf32>
        %add3A_366 = arith.addf %mul3A_363, %exp3A_365 : vector<16xf32>
        %add3A_367 = arith.constant 96 : i32
        %add3A_368 = arith.addi %mul3A_194, %add3A_367 : i32
        %swap3A_369 = arith.index_cast %add3A_368 : i32 to index
        %swap3A_370 = tpu.vector_load %arg13[%swap3A_369] {strides = array<i32>} : memref<40192xf32, #tpu.memory_space<vmem>>, vector<16xf32>,
        tpu.vector_store %arg13[%swap3A_369], %max3A_360 {strides = array<i32>} : memref<40192xf32, #tpu.memory_space<vmem>>, vector<16xf32>,
        %add3A_371 = arith.constant 96 : i32
        %add3A_372 = arith.addi %mul3A_194, %add3A_371 : i32
        %swap3A_373 = arith.index_cast %add3A_372 : i32 to index
        %swap3A_374 = tpu.vector_load %arg14[%swap3A_373] {strides = array<i32>} : memref<40192xf32, #tpu.memory_space<vmem>>, vector<16xf32>,
        tpu.vector_store %arg14[%swap3A_373], %add3A_366 {strides = array<i32>} : memref<40192xf32, #tpu.memory_space<vmem>>, vector<16xf32>,
        %get3A_375 = arith.index_cast %while3A_189 : i32 to index
        %get3A_376 = arith.constant 112 : index
        %get3A_377 = tpu.vector_load %arg11[%get3A_375, %get3A_376] {strides = array<i32>} : memref<64x256xf32, #tpu.memory_space<vmem>>, vector<16xf32>,
        %add3A_378 = arith.constant 112 : i32
        %add3A_379 = arith.addi %mul3A_194, %add3A_378 : i32
        %get3A_380 = arith.index_cast %add3A_379 : i32 to index
        %get3A_381 = tpu.vector_load %arg13[%get3A_380] {strides = array<i32>} : memref<40192xf32, #tpu.memory_space<vmem>>, vector<16xf32>,
        %add3A_382 = arith.constant 112 : i32
        %add3A_383 = arith.addi %mul3A_194, %add3A_382 : i32
        %get3A_384 = arith.index_cast %add3A_383 : i32 to index
        %get3A_385 = tpu.vector_load %arg14[%get3A_384] {strides = array<i32>} : memref<40192xf32, #tpu.memory_space<vmem>>, vector<16xf32>,
        %max3A_386 = arith.maximumf %get3A_381, %get3A_377 : vector<16xf32>
        %sub3A_387 = arith.subf %get3A_381, %max3A_386 : vector<16xf32>
        %exp3A_388 = math.exp %sub3A_387 : vector<16xf32>
        %mul3A_389 = arith.mulf %get3A_385, %exp3A_388 : vector<16xf32>
        %sub3A_390 = arith.subf %get3A_377, %max3A_386 : vector<16xf32>
        %exp3A_391 = math.exp %sub3A_390 : vector<16xf32>
        %add3A_392 = arith.addf %mul3A_389, %exp3A_391 : vector<16xf32>
        %add3A_393 = arith.constant 112 : i32
        %add3A_394 = arith.addi %mul3A_194, %add3A_393 : i32
        %swap3A_395 = arith.index_cast %add3A_394 : i32 to index
        %swap3A_396 = tpu.vector_load %arg13[%swap3A_395] {strides = array<i32>} : memref<40192xf32, #tpu.memory_space<vmem>>, vector<16xf32>,
        tpu.vector_store %arg13[%swap3A_395], %max3A_386 {strides = array<i32>} : memref<40192xf32, #tpu.memory_space<vmem>>, vector<16xf32>,
        %add3A_397 = arith.constant 112 : i32
        %add3A_398 = arith.addi %mul3A_194, %add3A_397 : i32
        %swap3A_399 = arith.index_cast %add3A_398 : i32 to index
        %swap3A_400 = tpu.vector_load %arg14[%swap3A_399] {strides = array<i32>} : memref<40192xf32, #tpu.memory_space<vmem>>, vector<16xf32>,
        tpu.vector_store %arg14[%swap3A_399], %add3A_392 {strides = array<i32>} : memref<40192xf32, #tpu.memory_space<vmem>>, vector<16xf32>,
        %get3A_401 = arith.index_cast %while3A_189 : i32 to index
        %get3A_402 = arith.constant 128 : index
        %get3A_403 = tpu.vector_load %arg11[%get3A_401, %get3A_402] {strides = array<i32>} : memref<64x256xf32, #tpu.memory_space<vmem>>, vector<16xf32>,
        %add3A_404 = arith.constant 128 : i32
        %add3A_405 = arith.addi %mul3A_194, %add3A_404 : i32
        %get3A_406 = arith.index_cast %add3A_405 : i32 to index
        %get3A_407 = tpu.vector_load %arg13[%get3A_406] {strides = array<i32>} : memref<40192xf32, #tpu.memory_space<vmem>>, vector<16xf32>,
        %add3A_408 = arith.constant 128 : i32
        %add3A_409 = arith.addi %mul3A_194, %add3A_408 : i32
        %get3A_410 = arith.index_cast %add3A_409 : i32 to index
        %get3A_411 = tpu.vector_load %arg14[%get3A_410] {strides = array<i32>} : memref<40192xf32, #tpu.memory_space<vmem>>, vector<16xf32>,
        %max3A_412 = arith.maximumf %get3A_407, %get3A_403 : vector<16xf32>
        %sub3A_413 = arith.subf %get3A_407, %max3A_412 : vector<16xf32>
        %exp3A_414 = math.exp %sub3A_413 : vector<16xf32>
        %mul3A_415 = arith.mulf %get3A_411, %exp3A_414 : vector<16xf32>
        %sub3A_416 = arith.subf %get3A_403, %max3A_412 : vector<16xf32>
        %exp3A_417 = math.exp %sub3A_416 : vector<16xf32>
        %add3A_418 = arith.addf %mul3A_415, %exp3A_417 : vector<16xf32>
        %add3A_419 = arith.constant 128 : i32
        %add3A_420 = arith.addi %mul3A_194, %add3A_419 : i32
        %swap3A_421 = arith.index_cast %add3A_420 : i32 to index
        %swap3A_422 = tpu.vector_load %arg13[%swap3A_421] {strides = array<i32>} : memref<40192xf32, #tpu.memory_space<vmem>>, vector<16xf32>,
        tpu.vector_store %arg13[%swap3A_421], %max3A_412 {strides = array<i32>} : memref<40192xf32, #tpu.memory_space<vmem>>, vector<16xf32>,
        %add3A_423 = arith.constant 128 : i32
        %add3A_424 = arith.addi %mul3A_194, %add3A_423 : i32
        %swap3A_425 = arith.index_cast %add3A_424 : i32 to index
        %swap3A_426 = tpu.vector_load %arg14[%swap3A_425] {strides = array<i32>} : memref<40192xf32, #tpu.memory_space<vmem>>, vector<16xf32>,
        tpu.vector_store %arg14[%swap3A_425], %add3A_418 {strides = array<i32>} : memref<40192xf32, #tpu.memory_space<vmem>>, vector<16xf32>,
        %get3A_427 = arith.index_cast %while3A_189 : i32 to index
        %get3A_428 = arith.constant 144 : index
        %get3A_429 = tpu.vector_load %arg11[%get3A_427, %get3A_428] {strides = array<i32>} : memref<64x256xf32, #tpu.memory_space<vmem>>, vector<16xf32>,
        %add3A_430 = arith.constant 144 : i32
        %add3A_431 = arith.addi %mul3A_194, %add3A_430 : i32
        %get3A_432 = arith.index_cast %add3A_431 : i32 to index
        %get3A_433 = tpu.vector_load %arg13[%get3A_432] {strides = array<i32>} : memref<40192xf32, #tpu.memory_space<vmem>>, vector<16xf32>,
        %add3A_434 = arith.constant 144 : i32
        %add3A_435 = arith.addi %mul3A_194, %add3A_434 : i32
        %get3A_436 = arith.index_cast %add3A_435 : i32 to index
        %get3A_437 = tpu.vector_load %arg14[%get3A_436] {strides = array<i32>} : memref<40192xf32, #tpu.memory_space<vmem>>, vector<16xf32>,
        %max3A_438 = arith.maximumf %get3A_433, %get3A_429 : vector<16xf32>
        %sub3A_439 = arith.subf %get3A_433, %max3A_438 : vector<16xf32>
        %exp3A_440 = math.exp %sub3A_439 : vector<16xf32>
        %mul3A_441 = arith.mulf %get3A_437, %exp3A_440 : vector<16xf32>
        %sub3A_442 = arith.subf %get3A_429, %max3A_438 : vector<16xf32>
        %exp3A_443 = math.exp %sub3A_442 : vector<16xf32>
        %add3A_444 = arith.addf %mul3A_441, %exp3A_443 : vector<16xf32>
        %add3A_445 = arith.constant 144 : i32
        %add3A_446 = arith.addi %mul3A_194, %add3A_445 : i32
        %swap3A_447 = arith.index_cast %add3A_446 : i32 to index
        %swap3A_448 = tpu.vector_load %arg13[%swap3A_447] {strides = array<i32>} : memref<40192xf32, #tpu.memory_space<vmem>>, vector<16xf32>,
        tpu.vector_store %arg13[%swap3A_447], %max3A_438 {strides = array<i32>} : memref<40192xf32, #tpu.memory_space<vmem>>, vector<16xf32>,
        %add3A_449 = arith.constant 144 : i32
        %add3A_450 = arith.addi %mul3A_194, %add3A_449 : i32
        %swap3A_451 = arith.index_cast %add3A_450 : i32 to index
        %swap3A_452 = tpu.vector_load %arg14[%swap3A_451] {strides = array<i32>} : memref<40192xf32, #tpu.memory_space<vmem>>, vector<16xf32>,
        tpu.vector_store %arg14[%swap3A_451], %add3A_444 {strides = array<i32>} : memref<40192xf32, #tpu.memory_space<vmem>>, vector<16xf32>,
        %get3A_453 = arith.index_cast %while3A_189 : i32 to index
        %get3A_454 = arith.constant 160 : index
        %get3A_455 = tpu.vector_load %arg11[%get3A_453, %get3A_454] {strides = array<i32>} : memref<64x256xf32, #tpu.memory_space<vmem>>, vector<16xf32>,
        %add3A_456 = arith.constant 160 : i32
        %add3A_457 = arith.addi %mul3A_194, %add3A_456 : i32
        %get3A_458 = arith.index_cast %add3A_457 : i32 to index
        %get3A_459 = tpu.vector_load %arg13[%get3A_458] {strides = array<i32>} : memref<40192xf32, #tpu.memory_space<vmem>>, vector<16xf32>,
        %add3A_460 = arith.constant 160 : i32
        %add3A_461 = arith.addi %mul3A_194, %add3A_460 : i32
        %get3A_462 = arith.index_cast %add3A_461 : i32 to index
        %get3A_463 = tpu.vector_load %arg14[%get3A_462] {strides = array<i32>} : memref<40192xf32, #tpu.memory_space<vmem>>, vector<16xf32>,
        %max3A_464 = arith.maximumf %get3A_459, %get3A_455 : vector<16xf32>
        %sub3A_465 = arith.subf %get3A_459, %max3A_464 : vector<16xf32>
        %exp3A_466 = math.exp %sub3A_465 : vector<16xf32>
        %mul3A_467 = arith.mulf %get3A_463, %exp3A_466 : vector<16xf32>
        %sub3A_468 = arith.subf %get3A_455, %max3A_464 : vector<16xf32>
        %exp3A_469 = math.exp %sub3A_468 : vector<16xf32>
        %add3A_470 = arith.addf %mul3A_467, %exp3A_469 : vector<16xf32>
        %add3A_471 = arith.constant 160 : i32
        %add3A_472 = arith.addi %mul3A_194, %add3A_471 : i32
        %swap3A_473 = arith.index_cast %add3A_472 : i32 to index
        %swap3A_474 = tpu.vector_load %arg13[%swap3A_473] {strides = array<i32>} : memref<40192xf32, #tpu.memory_space<vmem>>, vector<16xf32>,
        tpu.vector_store %arg13[%swap3A_473], %max3A_464 {strides = array<i32>} : memref<40192xf32, #tpu.memory_space<vmem>>, vector<16xf32>,
        %add3A_475 = arith.constant 160 : i32
        %add3A_476 = arith.addi %mul3A_194, %add3A_475 : i32
        %swap3A_477 = arith.index_cast %add3A_476 : i32 to index
        %swap3A_478 = tpu.vector_load %arg14[%swap3A_477] {strides = array<i32>} : memref<40192xf32, #tpu.memory_space<vmem>>, vector<16xf32>,
        tpu.vector_store %arg14[%swap3A_477], %add3A_470 {strides = array<i32>} : memref<40192xf32, #tpu.memory_space<vmem>>, vector<16xf32>,
        %get3A_479 = arith.index_cast %while3A_189 : i32 to index
        %get3A_480 = arith.constant 176 : index
        %get3A_481 = tpu.vector_load %arg11[%get3A_479, %get3A_480] {strides = array<i32>} : memref<64x256xf32, #tpu.memory_space<vmem>>, vector<16xf32>,
        %add3A_482 = arith.constant 176 : i32
        %add3A_483 = arith.addi %mul3A_194, %add3A_482 : i32
        %get3A_484 = arith.index_cast %add3A_483 : i32 to index
        %get3A_485 = tpu.vector_load %arg13[%get3A_484] {strides = array<i32>} : memref<40192xf32, #tpu.memory_space<vmem>>, vector<16xf32>,
        %add3A_486 = arith.constant 176 : i32
        %add3A_487 = arith.addi %mul3A_194, %add3A_486 : i32
        %get3A_488 = arith.index_cast %add3A_487 : i32 to index
        %get3A_489 = tpu.vector_load %arg14[%get3A_488] {strides = array<i32>} : memref<40192xf32, #tpu.memory_space<vmem>>, vector<16xf32>,
        %max3A_490 = arith.maximumf %get3A_485, %get3A_481 : vector<16xf32>
        %sub3A_491 = arith.subf %get3A_485, %max3A_490 : vector<16xf32>
        %exp3A_492 = math.exp %sub3A_491 : vector<16xf32>
        %mul3A_493 = arith.mulf %get3A_489, %exp3A_492 : vector<16xf32>
        %sub3A_494 = arith.subf %get3A_481, %max3A_490 : vector<16xf32>
        %exp3A_495 = math.exp %sub3A_494 : vector<16xf32>
        %add3A_496 = arith.addf %mul3A_493, %exp3A_495 : vector<16xf32>
        %add3A_497 = arith.constant 176 : i32
        %add3A_498 = arith.addi %mul3A_194, %add3A_497 : i32
        %swap3A_499 = arith.index_cast %add3A_498 : i32 to index
        %swap3A_500 = tpu.vector_load %arg13[%swap3A_499] {strides = array<i32>} : memref<40192xf32, #tpu.memory_space<vmem>>, vector<16xf32>,
        tpu.vector_store %arg13[%swap3A_499], %max3A_490 {strides = array<i32>} : memref<40192xf32, #tpu.memory_space<vmem>>, vector<16xf32>,
        %add3A_501 = arith.constant 176 : i32
        %add3A_502 = arith.addi %mul3A_194, %add3A_501 : i32
        %swap3A_503 = arith.index_cast %add3A_502 : i32 to index
        %swap3A_504 = tpu.vector_load %arg14[%swap3A_503] {strides = array<i32>} : memref<40192xf32, #tpu.memory_space<vmem>>, vector<16xf32>,
        tpu.vector_store %arg14[%swap3A_503], %add3A_496 {strides = array<i32>} : memref<40192xf32, #tpu.memory_space<vmem>>, vector<16xf32>,
        %get3A_505 = arith.index_cast %while3A_189 : i32 to index
        %get3A_506 = arith.constant 192 : index
        %get3A_507 = tpu.vector_load %arg11[%get3A_505, %get3A_506] {strides = array<i32>} : memref<64x256xf32, #tpu.memory_space<vmem>>, vector<16xf32>,
        %add3A_508 = arith.constant 192 : i32
        %add3A_509 = arith.addi %mul3A_194, %add3A_508 : i32
        %get3A_510 = arith.index_cast %add3A_509 : i32 to index
        %get3A_511 = tpu.vector_load %arg13[%get3A_510] {strides = array<i32>} : memref<40192xf32, #tpu.memory_space<vmem>>, vector<16xf32>,
        %add3A_512 = arith.constant 192 : i32
        %add3A_513 = arith.addi %mul3A_194, %add3A_512 : i32
        %get3A_514 = arith.index_cast %add3A_513 : i32 to index
        %get3A_515 = tpu.vector_load %arg14[%get3A_514] {strides = array<i32>} : memref<40192xf32, #tpu.memory_space<vmem>>, vector<16xf32>,
        %max3A_516 = arith.maximumf %get3A_511, %get3A_507 : vector<16xf32>
        %sub3A_517 = arith.subf %get3A_511, %max3A_516 : vector<16xf32>
        %exp3A_518 = math.exp %sub3A_517 : vector<16xf32>
        %mul3A_519 = arith.mulf %get3A_515, %exp3A_518 : vector<16xf32>
        %sub3A_520 = arith.subf %get3A_507, %max3A_516 : vector<16xf32>
        %exp3A_521 = math.exp %sub3A_520 : vector<16xf32>
        %add3A_522 = arith.addf %mul3A_519, %exp3A_521 : vector<16xf32>
        %add3A_523 = arith.constant 192 : i32
        %add3A_524 = arith.addi %mul3A_194, %add3A_523 : i32
        %swap3A_525 = arith.index_cast %add3A_524 : i32 to index
        %swap3A_526 = tpu.vector_load %arg13[%swap3A_525] {strides = array<i32>} : memref<40192xf32, #tpu.memory_space<vmem>>, vector<16xf32>,
        tpu.vector_store %arg13[%swap3A_525], %max3A_516 {strides = array<i32>} : memref<40192xf32, #tpu.memory_space<vmem>>, vector<16xf32>,
        %add3A_527 = arith.constant 192 : i32
        %add3A_528 = arith.addi %mul3A_194, %add3A_527 : i32
        %swap3A_529 = arith.index_cast %add3A_528 : i32 to index
        %swap3A_530 = tpu.vector_load %arg14[%swap3A_529] {strides = array<i32>} : memref<40192xf32, #tpu.memory_space<vmem>>, vector<16xf32>,
        tpu.vector_store %arg14[%swap3A_529], %add3A_522 {strides = array<i32>} : memref<40192xf32, #tpu.memory_space<vmem>>, vector<16xf32>,
        %get3A_531 = arith.index_cast %while3A_189 : i32 to index
        %get3A_532 = arith.constant 208 : index
        %get3A_533 = tpu.vector_load %arg11[%get3A_531, %get3A_532] {strides = array<i32>} : memref<64x256xf32, #tpu.memory_space<vmem>>, vector<16xf32>,
        %add3A_534 = arith.constant 208 : i32
        %add3A_535 = arith.addi %mul3A_194, %add3A_534 : i32
        %get3A_536 = arith.index_cast %add3A_535 : i32 to index
        %get3A_537 = tpu.vector_load %arg13[%get3A_536] {strides = array<i32>} : memref<40192xf32, #tpu.memory_space<vmem>>, vector<16xf32>,
        %add3A_538 = arith.constant 208 : i32
        %add3A_539 = arith.addi %mul3A_194, %add3A_538 : i32
        %get3A_540 = arith.index_cast %add3A_539 : i32 to index
        %get3A_541 = tpu.vector_load %arg14[%get3A_540] {strides = array<i32>} : memref<40192xf32, #tpu.memory_space<vmem>>, vector<16xf32>,
        %max3A_542 = arith.maximumf %get3A_537, %get3A_533 : vector<16xf32>
        %sub3A_543 = arith.subf %get3A_537, %max3A_542 : vector<16xf32>
        %exp3A_544 = math.exp %sub3A_543 : vector<16xf32>
        %mul3A_545 = arith.mulf %get3A_541, %exp3A_544 : vector<16xf32>
        %sub3A_546 = arith.subf %get3A_533, %max3A_542 : vector<16xf32>
        %exp3A_547 = math.exp %sub3A_546 : vector<16xf32>
        %add3A_548 = arith.addf %mul3A_545, %exp3A_547 : vector<16xf32>
        %add3A_549 = arith.constant 208 : i32
        %add3A_550 = arith.addi %mul3A_194, %add3A_549 : i32
        %swap3A_551 = arith.index_cast %add3A_550 : i32 to index
        %swap3A_552 = tpu.vector_load %arg13[%swap3A_551] {strides = array<i32>} : memref<40192xf32, #tpu.memory_space<vmem>>, vector<16xf32>,
        tpu.vector_store %arg13[%swap3A_551], %max3A_542 {strides = array<i32>} : memref<40192xf32, #tpu.memory_space<vmem>>, vector<16xf32>,
        %add3A_553 = arith.constant 208 : i32
        %add3A_554 = arith.addi %mul3A_194, %add3A_553 : i32
        %swap3A_555 = arith.index_cast %add3A_554 : i32 to index
        %swap3A_556 = tpu.vector_load %arg14[%swap3A_555] {strides = array<i32>} : memref<40192xf32, #tpu.memory_space<vmem>>, vector<16xf32>,
        tpu.vector_store %arg14[%swap3A_555], %add3A_548 {strides = array<i32>} : memref<40192xf32, #tpu.memory_space<vmem>>, vector<16xf32>,
        %get3A_557 = arith.index_cast %while3A_189 : i32 to index
        %get3A_558 = arith.constant 224 : index
        %get3A_559 = tpu.vector_load %arg11[%get3A_557, %get3A_558] {strides = array<i32>} : memref<64x256xf32, #tpu.memory_space<vmem>>, vector<16xf32>,
        %add3A_560 = arith.constant 224 : i32
        %add3A_561 = arith.addi %mul3A_194, %add3A_560 : i32
        %get3A_562 = arith.index_cast %add3A_561 : i32 to index
        %get3A_563 = tpu.vector_load %arg13[%get3A_562] {strides = array<i32>} : memref<40192xf32, #tpu.memory_space<vmem>>, vector<16xf32>,
        %add3A_564 = arith.constant 224 : i32
        %add3A_565 = arith.addi %mul3A_194, %add3A_564 : i32
        %get3A_566 = arith.index_cast %add3A_565 : i32 to index
        %get3A_567 = tpu.vector_load %arg14[%get3A_566] {strides = array<i32>} : memref<40192xf32, #tpu.memory_space<vmem>>, vector<16xf32>,
        %max3A_568 = arith.maximumf %get3A_563, %get3A_559 : vector<16xf32>
        %sub3A_569 = arith.subf %get3A_563, %max3A_568 : vector<16xf32>
        %exp3A_570 = math.exp %sub3A_569 : vector<16xf32>
        %mul3A_571 = arith.mulf %get3A_567, %exp3A_570 : vector<16xf32>
        %sub3A_572 = arith.subf %get3A_559, %max3A_568 : vector<16xf32>
        %exp3A_573 = math.exp %sub3A_572 : vector<16xf32>
        %add3A_574 = arith.addf %mul3A_571, %exp3A_573 : vector<16xf32>
        %add3A_575 = arith.constant 224 : i32
        %add3A_576 = arith.addi %mul3A_194, %add3A_575 : i32
        %swap3A_577 = arith.index_cast %add3A_576 : i32 to index
        %swap3A_578 = tpu.vector_load %arg13[%swap3A_577] {strides = array<i32>} : memref<40192xf32, #tpu.memory_space<vmem>>, vector<16xf32>,
        tpu.vector_store %arg13[%swap3A_577], %max3A_568 {strides = array<i32>} : memref<40192xf32, #tpu.memory_space<vmem>>, vector<16xf32>,
        %add3A_579 = arith.constant 224 : i32
        %add3A_580 = arith.addi %mul3A_194, %add3A_579 : i32
        %swap3A_581 = arith.index_cast %add3A_580 : i32 to index
        %swap3A_582 = tpu.vector_load %arg14[%swap3A_581] {strides = array<i32>} : memref<40192xf32, #tpu.memory_space<vmem>>, vector<16xf32>,
        tpu.vector_store %arg14[%swap3A_581], %add3A_574 {strides = array<i32>} : memref<40192xf32, #tpu.memory_space<vmem>>, vector<16xf32>,
        %get3A_583 = arith.index_cast %while3A_189 : i32 to index
        %get3A_584 = arith.constant 240 : index
        %get3A_585 = tpu.vector_load %arg11[%get3A_583, %get3A_584] {strides = array<i32>} : memref<64x256xf32, #tpu.memory_space<vmem>>, vector<16xf32>,
        %add3A_586 = arith.constant 240 : i32
        %add3A_587 = arith.addi %mul3A_194, %add3A_586 : i32
        %get3A_588 = arith.index_cast %add3A_587 : i32 to index
        %get3A_589 = tpu.vector_load %arg13[%get3A_588] {strides = array<i32>} : memref<40192xf32, #tpu.memory_space<vmem>>, vector<16xf32>,
        %add3A_590 = arith.constant 240 : i32
        %add3A_591 = arith.addi %mul3A_194, %add3A_590 : i32
        %get3A_592 = arith.index_cast %add3A_591 : i32 to index
        %get3A_593 = tpu.vector_load %arg14[%get3A_592] {strides = array<i32>} : memref<40192xf32, #tpu.memory_space<vmem>>, vector<16xf32>,
        %max3A_594 = arith.maximumf %get3A_589, %get3A_585 : vector<16xf32>
        %sub3A_595 = arith.subf %get3A_589, %max3A_594 : vector<16xf32>
        %exp3A_596 = math.exp %sub3A_595 : vector<16xf32>
        %mul3A_597 = arith.mulf %get3A_593, %exp3A_596 : vector<16xf32>
        %sub3A_598 = arith.subf %get3A_585, %max3A_594 : vector<16xf32>
        %exp3A_599 = math.exp %sub3A_598 : vector<16xf32>
        %add3A_600 = arith.addf %mul3A_597, %exp3A_599 : vector<16xf32>
        %add3A_601 = arith.constant 240 : i32
        %add3A_602 = arith.addi %mul3A_194, %add3A_601 : i32
        %swap3A_603 = arith.index_cast %add3A_602 : i32 to index
        %swap3A_604 = tpu.vector_load %arg13[%swap3A_603] {strides = array<i32>} : memref<40192xf32, #tpu.memory_space<vmem>>, vector<16xf32>,
        tpu.vector_store %arg13[%swap3A_603], %max3A_594 {strides = array<i32>} : memref<40192xf32, #tpu.memory_space<vmem>>, vector<16xf32>,
        %add3A_605 = arith.constant 240 : i32
        %add3A_606 = arith.addi %mul3A_194, %add3A_605 : i32
        %swap3A_607 = arith.index_cast %add3A_606 : i32 to index
        %swap3A_608 = tpu.vector_load %arg14[%swap3A_607] {strides = array<i32>} : memref<40192xf32, #tpu.memory_space<vmem>>, vector<16xf32>,
        tpu.vector_store %arg14[%swap3A_607], %add3A_600 {strides = array<i32>} : memref<40192xf32, #tpu.memory_space<vmem>>, vector<16xf32>,
      }
    }
    %while3A_61 = arith.constant 1 : i32
    scf.for %while3A_106 = %while3A_59 to %while3A_55 step %while3A_61  : i32 {
      %mul3A_107 = arith.constant 64 : i32
      %mul3A_108 = arith.muli %while3A_106, %mul3A_107 : i32
      %mul3A_109 = arith.constant 320064 : i32
      %mul3A_110 = arith.muli %add3A_28, %mul3A_109 : i32
      %add3A_111 = arith.addi %mul3A_110, %mul3A_108 : i32
      %multiple_of3A_112 = tpu.assume_multiple %add3A_111, 64 : i32
      "tpu.region"() ({
        %run_scoped3A = tpu.sem_alloc : memref<!tpu.dma_semaphore, #tpu.memory_space<semaphore_mem>>
        %dma_start3A_189 = arith.constant 0 : i32
        %dma_start3A_190 = tpu.memref_slice %arg9[%dma_start3A_189] : memref<80xi32, #tpu.memory_space<vmem>> -> memref<64xi32, #tpu.memory_space<vmem>>
        %dma_start3A_191 = tpu.memref_slice %arg5[%multiple_of3A_112] : memref<20484096xi32, #tpu.memory_space<hbm>> -> memref<64xi32, #tpu.memory_space<hbm>>
        %dma_start3A_192 = arith.constant 0 : i32
        %dma_start3A_193 = tpu.memref_slice %arg9[%dma_start3A_192] : memref<80xi32, #tpu.memory_space<vmem>> -> memref<64xi32, #tpu.memory_space<vmem>>
        %dma_start3A_194 = tpu.memref_slice %arg5[%multiple_of3A_112] : memref<20484096xi32, #tpu.memory_space<hbm>> -> memref<64xi32, #tpu.memory_space<hbm>>
        tpu.enqueue_dma source(%dma_start3A_194 : memref<64xi32, #tpu.memory_space<hbm>>) target(%dma_start3A_193 : memref<64xi32, #tpu.memory_space<vmem>>) target_semaphore(%run_scoped3A : memref<!tpu.dma_semaphore, #tpu.memory_space<semaphore_mem>>)
        %dma_wait3A_195 = arith.constant 0 : i32
        %dma_wait3A_196 = tpu.memref_slice %arg9[%dma_wait3A_195] : memref<80xi32, #tpu.memory_space<vmem>> -> memref<64xi32, #tpu.memory_space<vmem>>
        %dma_wait3A_197 = tpu.memref_slice %arg5[%multiple_of3A_112] : memref<20484096xi32, #tpu.memory_space<hbm>> -> memref<64xi32, #tpu.memory_space<hbm>>
        %dma_wait3A_198 = arith.constant 0 : i32
        %dma_wait3A_199 = tpu.memref_slice %arg9[%dma_wait3A_198] : memref<80xi32, #tpu.memory_space<vmem>> -> memref<64xi32, #tpu.memory_space<vmem>>
        %dma_wait3A_200 = tpu.memref_slice %arg5[%multiple_of3A_112] : memref<20484096xi32, #tpu.memory_space<hbm>> -> memref<64xi32, #tpu.memory_space<hbm>>
        tpu.wait_dma2 semaphore(%run_scoped3A : memref<!tpu.dma_semaphore, #tpu.memory_space<semaphore_mem>>) src(%dma_wait3A_200 : memref<64xi32, #tpu.memory_space<hbm>>) dst(%dma_wait3A_199 : memref<64xi32, #tpu.memory_space<vmem>>)
        tpu.yield
      }) : () -> ()
      %sub3A_113 = arith.subi %add3A_25, %mul3A_108 : i32
      %get3A = arith.constant 0 : index
      %get3A_114 = tpu.vector_load %arg9[%get3A] {strides = array<i32>} : memref<80xi32, #tpu.memory_space<vmem>>, vector<16xi32>,
      %and3A_115 = arith.constant 524287 : i32
      %and3A_116 = vector.broadcast %and3A_115 : i32 to vector<16xi32>
      %and3A_117 = arith.andi %get3A_114, %and3A_116 : vector<16xi32>
      %add3A_118 = arith.constant 0 : i32
      %add3A_119 = vector.broadcast %add3A_118 : i32 to vector<16xi32>
      %add3A_120 = arith.addi %add3A_119, %iota3A : vector<16xi32>
      %lt3A = vector.broadcast %sub3A_113 : i32 to vector<16xi32>
      %lt3A_121 = arith.cmpi slt, %add3A_120, %lt3A : vector<16xi32>
      %add3A_122 = arith.constant 320000 : i32
      %add3A_123 = vector.broadcast %add3A_122 : i32 to vector<16xi32>
      %add3A_124 = arith.addi %add3A_123, %iota3A : vector<16xi32>
      %select_n3A_125 = arith.select %lt3A_121, %and3A_117, %add3A_124 : vector<16xi1>, vector<16xi32>
      %swap3A = arith.constant 0 : index
      %swap3A_126 = tpu.vector_load %arg10[%swap3A] {strides = array<i32>} : memref<64xi32, #tpu.memory_space<vmem>>, vector<16xi32>,
      tpu.vector_store %arg10[%swap3A], %select_n3A_125 {strides = array<i32>} : memref<64xi32, #tpu.memory_space<vmem>>, vector<16xi32>,
      %get3A_127 = arith.constant 16 : index
      %get3A_128 = tpu.vector_load %arg9[%get3A_127] {strides = array<i32>} : memref<80xi32, #tpu.memory_space<vmem>>, vector<16xi32>,
      %and3A_129 = arith.constant 524287 : i32
      %and3A_130 = vector.broadcast %and3A_129 : i32 to vector<16xi32>
      %and3A_131 = arith.andi %get3A_128, %and3A_130 : vector<16xi32>
      %add3A_132 = arith.constant 16 : i32
      %add3A_133 = vector.broadcast %add3A_132 : i32 to vector<16xi32>
      %add3A_134 = arith.addi %add3A_133, %iota3A : vector<16xi32>
      %lt3A_135 = vector.broadcast %sub3A_113 : i32 to vector<16xi32>
      %lt3A_136 = arith.cmpi slt, %add3A_134, %lt3A_135 : vector<16xi32>
      %add3A_137 = arith.constant 320016 : i32
      %add3A_138 = vector.broadcast %add3A_137 : i32 to vector<16xi32>
      %add3A_139 = arith.addi %add3A_138, %iota3A : vector<16xi32>
      %select_n3A_140 = arith.select %lt3A_136, %and3A_131, %add3A_139 : vector<16xi1>, vector<16xi32>
      %swap3A_141 = arith.constant 16 : index
      %swap3A_142 = tpu.vector_load %arg10[%swap3A_141] {strides = array<i32>} : memref<64xi32, #tpu.memory_space<vmem>>, vector<16xi32>,
      tpu.vector_store %arg10[%swap3A_141], %select_n3A_140 {strides = array<i32>} : memref<64xi32, #tpu.memory_space<vmem>>, vector<16xi32>,
      %get3A_143 = arith.constant 32 : index
      %get3A_144 = tpu.vector_load %arg9[%get3A_143] {strides = array<i32>} : memref<80xi32, #tpu.memory_space<vmem>>, vector<16xi32>,
      %and3A_145 = arith.constant 524287 : i32
      %and3A_146 = vector.broadcast %and3A_145 : i32 to vector<16xi32>
      %and3A_147 = arith.andi %get3A_144, %and3A_146 : vector<16xi32>
      %add3A_148 = arith.constant 32 : i32
      %add3A_149 = vector.broadcast %add3A_148 : i32 to vector<16xi32>
      %add3A_150 = arith.addi %add3A_149, %iota3A : vector<16xi32>
      %lt3A_151 = vector.broadcast %sub3A_113 : i32 to vector<16xi32>
      %lt3A_152 = arith.cmpi slt, %add3A_150, %lt3A_151 : vector<16xi32>
      %add3A_153 = arith.constant 320032 : i32
      %add3A_154 = vector.broadcast %add3A_153 : i32 to vector<16xi32>
      %add3A_155 = arith.addi %add3A_154, %iota3A : vector<16xi32>
      %select_n3A_156 = arith.select %lt3A_152, %and3A_147, %add3A_155 : vector<16xi1>, vector<16xi32>
      %swap3A_157 = arith.constant 32 : index
      %swap3A_158 = tpu.vector_load %arg10[%swap3A_157] {strides = array<i32>} : memref<64xi32, #tpu.memory_space<vmem>>, vector<16xi32>,
      tpu.vector_store %arg10[%swap3A_157], %select_n3A_156 {strides = array<i32>} : memref<64xi32, #tpu.memory_space<vmem>>, vector<16xi32>,
      %get3A_159 = arith.constant 48 : index
      %get3A_160 = tpu.vector_load %arg9[%get3A_159] {strides = array<i32>} : memref<80xi32, #tpu.memory_space<vmem>>, vector<16xi32>,
      %and3A_161 = arith.constant 524287 : i32
      %and3A_162 = vector.broadcast %and3A_161 : i32 to vector<16xi32>
      %and3A_163 = arith.andi %get3A_160, %and3A_162 : vector<16xi32>
      %add3A_164 = arith.constant 48 : i32
      %add3A_165 = vector.broadcast %add3A_164 : i32 to vector<16xi32>
      %add3A_166 = arith.addi %add3A_165, %iota3A : vector<16xi32>
      %lt3A_167 = vector.broadcast %sub3A_113 : i32 to vector<16xi32>
      %lt3A_168 = arith.cmpi slt, %add3A_166, %lt3A_167 : vector<16xi32>
      %add3A_169 = arith.constant 320048 : i32
      %add3A_170 = vector.broadcast %add3A_169 : i32 to vector<16xi32>
      %add3A_171 = arith.addi %add3A_170, %iota3A : vector<16xi32>
      %select_n3A_172 = arith.select %lt3A_168, %and3A_163, %add3A_171 : vector<16xi1>, vector<16xi32>
      %swap3A_173 = arith.constant 48 : index
      %swap3A_174 = tpu.vector_load %arg10[%swap3A_173] {strides = array<i32>} : memref<64xi32, #tpu.memory_space<vmem>>, vector<16xi32>,
      tpu.vector_store %arg10[%swap3A_173], %select_n3A_172 {strides = array<i32>} : memref<64xi32, #tpu.memory_space<vmem>>, vector<16xi32>,
      %dma_start3A = arith.constant 0 : i32
      %dma_start3A_175 = arith.constant 0 : i32
      %dma_start3A_176 = tpu.memref_slice %arg3[%dma_start3A, %dma_start3A_175] : memref<320000x256xf32, #tpu.memory_space<hbm>> -> memref<320000x256xf32, #tpu.memory_space<hbm>>
      tpu.enqueue_indirect_dma source(%dma_start3A_176 : memref<320000x256xf32, #tpu.memory_space<hbm>>) target(%arg11 : memref<64x256xf32, #tpu.memory_space<vmem>>) offsets(%arg10 : memref<64xi32, #tpu.memory_space<vmem>>) semaphore(%arg16 : memref<!tpu.dma_semaphore, #tpu.memory_space<semaphore_mem>>)
      %dma_wait3A = arith.constant 0 : i32
      %dma_wait3A_177 = arith.constant 0 : i32
      %dma_wait3A_178 = tpu.memref_slice %arg3[%dma_wait3A, %dma_wait3A_177] : memref<320000x256xf32, #tpu.memory_space<hbm>> -> memref<320000x256xf32, #tpu.memory_space<hbm>>
      tpu.wait_indirect_dma semaphore(%arg16 : memref<!tpu.dma_semaphore, #tpu.memory_space<semaphore_mem>>) src(%dma_wait3A_178 : memref<320000x256xf32, #tpu.memory_space<hbm>>) dst(%arg11 : memref<64x256xf32, #tpu.memory_space<vmem>>)
      %min3A = arith.constant 64 : i32
      %min3A_179 = arith.minsi %sub3A_113, %min3A : i32
      %while3A_180 = arith.constant 0 : i32
      %while3A_181 = arith.subi %min3A_179, %while3A_180 : i32
      %while3A_182 = arith.addi %while3A_180, %while3A_181 : i32
      %while3A_183 = arith.constant 1 : i32
      %while3A_184 = arith.divsi %while3A_181, %while3A_183 : i32
      %while3A_185 = arith.muli %while3A_184, %while3A_183 : i32
      %while3A_186 = arith.addi %while3A_180, %while3A_185 : i32
      %while3A_187 = arith.constant 1 : i32
      scf.for %while3A_189 = %while3A_180 to %while3A_186 step %while3A_187  : i32 {
        %get3A_190 = arith.index_cast %while3A_189 : i32 to index
        %get3A_191 = tpu.vector_load %arg9[%get3A_190] {strides = array<i32>} : memref<80xi32, #tpu.memory_space<vmem>>, vector<16xi32>,
        %slice3A = vector.extract_strided_slice %get3A_191 {offsets = [0], sizes = [1], strides = [1]} : vector<16xi32> to vector<1xi32>
        %squeeze3A = vector.extract %slice3A[0] : i32 from vector<1xi32>
        %shift_right_arithmetic3A = arith.constant 19 : i32
        %shift_right_arithmetic3A_192 = arith.shrsi %squeeze3A, %shift_right_arithmetic3A : i32
        %mul3A_193 = arith.constant 256 : i32
        %mul3A_194 = arith.muli %shift_right_arithmetic3A_192, %mul3A_193 : i32
        %get3A_195 = arith.index_cast %while3A_189 : i32 to index
        %get3A_196 = arith.constant 0 : index
        %get3A_197 = tpu.vector_load %arg11[%get3A_195, %get3A_196] {strides = array<i32>} : memref<64x256xf32, #tpu.memory_space<vmem>>, vector<16xf32>,
        %add3A_198 = arith.constant 0 : i32
        %add3A_199 = arith.addi %mul3A_194, %add3A_198 : i32
        %get3A_200 = arith.index_cast %add3A_199 : i32 to index
        %get3A_201 = tpu.vector_load %arg13[%get3A_200] {strides = array<i32>} : memref<40192xf32, #tpu.memory_space<vmem>>, vector<16xf32>,
        %add3A_202 = arith.constant 0 : i32
        %add3A_203 = arith.addi %mul3A_194, %add3A_202 : i32
        %get3A_204 = arith.index_cast %add3A_203 : i32 to index
        %get3A_205 = tpu.vector_load %arg14[%get3A_204] {strides = array<i32>} : memref<40192xf32, #tpu.memory_space<vmem>>, vector<16xf32>,
        %max3A = arith.maximumf %get3A_201, %get3A_197 : vector<16xf32>
        %sub3A_206 = arith.subf %get3A_201, %max3A : vector<16xf32>
        %exp3A = math.exp %sub3A_206 : vector<16xf32>
        %mul3A_207 = arith.mulf %get3A_205, %exp3A : vector<16xf32>
        %sub3A_208 = arith.subf %get3A_197, %max3A : vector<16xf32>
        %exp3A_209 = math.exp %sub3A_208 : vector<16xf32>
        %add3A_210 = arith.addf %mul3A_207, %exp3A_209 : vector<16xf32>
        %add3A_211 = arith.constant 0 : i32
        %add3A_212 = arith.addi %mul3A_194, %add3A_211 : i32
        %swap3A_213 = arith.index_cast %add3A_212 : i32 to index
        %swap3A_214 = tpu.vector_load %arg13[%swap3A_213] {strides = array<i32>} : memref<40192xf32, #tpu.memory_space<vmem>>, vector<16xf32>,
        tpu.vector_store %arg13[%swap3A_213], %max3A {strides = array<i32>} : memref<40192xf32, #tpu.memory_space<vmem>>, vector<16xf32>,
        %add3A_215 = arith.constant 0 : i32
        %add3A_216 = arith.addi %mul3A_194, %add3A_215 : i32
        %swap3A_217 = arith.index_cast %add3A_216 : i32 to index
        %swap3A_218 = tpu.vector_load %arg14[%swap3A_217] {strides = array<i32>} : memref<40192xf32, #tpu.memory_space<vmem>>, vector<16xf32>,
        tpu.vector_store %arg14[%swap3A_217], %add3A_210 {strides = array<i32>} : memref<40192xf32, #tpu.memory_space<vmem>>, vector<16xf32>,
        %get3A_219 = arith.index_cast %while3A_189 : i32 to index
        %get3A_220 = arith.constant 16 : index
        %get3A_221 = tpu.vector_load %arg11[%get3A_219, %get3A_220] {strides = array<i32>} : memref<64x256xf32, #tpu.memory_space<vmem>>, vector<16xf32>,
        %add3A_222 = arith.constant 16 : i32
        %add3A_223 = arith.addi %mul3A_194, %add3A_222 : i32
        %get3A_224 = arith.index_cast %add3A_223 : i32 to index
        %get3A_225 = tpu.vector_load %arg13[%get3A_224] {strides = array<i32>} : memref<40192xf32, #tpu.memory_space<vmem>>, vector<16xf32>,
        %add3A_226 = arith.constant 16 : i32
        %add3A_227 = arith.addi %mul3A_194, %add3A_226 : i32
        %get3A_228 = arith.index_cast %add3A_227 : i32 to index
        %get3A_229 = tpu.vector_load %arg14[%get3A_228] {strides = array<i32>} : memref<40192xf32, #tpu.memory_space<vmem>>, vector<16xf32>,
        %max3A_230 = arith.maximumf %get3A_225, %get3A_221 : vector<16xf32>
        %sub3A_231 = arith.subf %get3A_225, %max3A_230 : vector<16xf32>
        %exp3A_232 = math.exp %sub3A_231 : vector<16xf32>
        %mul3A_233 = arith.mulf %get3A_229, %exp3A_232 : vector<16xf32>
        %sub3A_234 = arith.subf %get3A_221, %max3A_230 : vector<16xf32>
        %exp3A_235 = math.exp %sub3A_234 : vector<16xf32>
        %add3A_236 = arith.addf %mul3A_233, %exp3A_235 : vector<16xf32>
        %add3A_237 = arith.constant 16 : i32
        %add3A_238 = arith.addi %mul3A_194, %add3A_237 : i32
        %swap3A_239 = arith.index_cast %add3A_238 : i32 to index
        %swap3A_240 = tpu.vector_load %arg13[%swap3A_239] {strides = array<i32>} : memref<40192xf32, #tpu.memory_space<vmem>>, vector<16xf32>,
        tpu.vector_store %arg13[%swap3A_239], %max3A_230 {strides = array<i32>} : memref<40192xf32, #tpu.memory_space<vmem>>, vector<16xf32>,
        %add3A_241 = arith.constant 16 : i32
        %add3A_242 = arith.addi %mul3A_194, %add3A_241 : i32
        %swap3A_243 = arith.index_cast %add3A_242 : i32 to index
        %swap3A_244 = tpu.vector_load %arg14[%swap3A_243] {strides = array<i32>} : memref<40192xf32, #tpu.memory_space<vmem>>, vector<16xf32>,
        tpu.vector_store %arg14[%swap3A_243], %add3A_236 {strides = array<i32>} : memref<40192xf32, #tpu.memory_space<vmem>>, vector<16xf32>,
        %get3A_245 = arith.index_cast %while3A_189 : i32 to index
        %get3A_246 = arith.constant 32 : index
        %get3A_247 = tpu.vector_load %arg11[%get3A_245, %get3A_246] {strides = array<i32>} : memref<64x256xf32, #tpu.memory_space<vmem>>, vector<16xf32>,
        %add3A_248 = arith.constant 32 : i32
        %add3A_249 = arith.addi %mul3A_194, %add3A_248 : i32
        %get3A_250 = arith.index_cast %add3A_249 : i32 to index
        %get3A_251 = tpu.vector_load %arg13[%get3A_250] {strides = array<i32>} : memref<40192xf32, #tpu.memory_space<vmem>>, vector<16xf32>,
        %add3A_252 = arith.constant 32 : i32
        %add3A_253 = arith.addi %mul3A_194, %add3A_252 : i32
        %get3A_254 = arith.index_cast %add3A_253 : i32 to index
        %get3A_255 = tpu.vector_load %arg14[%get3A_254] {strides = array<i32>} : memref<40192xf32, #tpu.memory_space<vmem>>, vector<16xf32>,
        %max3A_256 = arith.maximumf %get3A_251, %get3A_247 : vector<16xf32>
        %sub3A_257 = arith.subf %get3A_251, %max3A_256 : vector<16xf32>
        %exp3A_258 = math.exp %sub3A_257 : vector<16xf32>
        %mul3A_259 = arith.mulf %get3A_255, %exp3A_258 : vector<16xf32>
        %sub3A_260 = arith.subf %get3A_247, %max3A_256 : vector<16xf32>
        %exp3A_261 = math.exp %sub3A_260 : vector<16xf32>
        %add3A_262 = arith.addf %mul3A_259, %exp3A_261 : vector<16xf32>
        %add3A_263 = arith.constant 32 : i32
        %add3A_264 = arith.addi %mul3A_194, %add3A_263 : i32
        %swap3A_265 = arith.index_cast %add3A_264 : i32 to index
        %swap3A_266 = tpu.vector_load %arg13[%swap3A_265] {strides = array<i32>} : memref<40192xf32, #tpu.memory_space<vmem>>, vector<16xf32>,
        tpu.vector_store %arg13[%swap3A_265], %max3A_256 {strides = array<i32>} : memref<40192xf32, #tpu.memory_space<vmem>>, vector<16xf32>,
        %add3A_267 = arith.constant 32 : i32
        %add3A_268 = arith.addi %mul3A_194, %add3A_267 : i32
        %swap3A_269 = arith.index_cast %add3A_268 : i32 to index
        %swap3A_270 = tpu.vector_load %arg14[%swap3A_269] {strides = array<i32>} : memref<40192xf32, #tpu.memory_space<vmem>>, vector<16xf32>,
        tpu.vector_store %arg14[%swap3A_269], %add3A_262 {strides = array<i32>} : memref<40192xf32, #tpu.memory_space<vmem>>, vector<16xf32>,
        %get3A_271 = arith.index_cast %while3A_189 : i32 to index
        %get3A_272 = arith.constant 48 : index
        %get3A_273 = tpu.vector_load %arg11[%get3A_271, %get3A_272] {strides = array<i32>} : memref<64x256xf32, #tpu.memory_space<vmem>>, vector<16xf32>,
        %add3A_274 = arith.constant 48 : i32
        %add3A_275 = arith.addi %mul3A_194, %add3A_274 : i32
        %get3A_276 = arith.index_cast %add3A_275 : i32 to index
        %get3A_277 = tpu.vector_load %arg13[%get3A_276] {strides = array<i32>} : memref<40192xf32, #tpu.memory_space<vmem>>, vector<16xf32>,
        %add3A_278 = arith.constant 48 : i32
        %add3A_279 = arith.addi %mul3A_194, %add3A_278 : i32
        %get3A_280 = arith.index_cast %add3A_279 : i32 to index
        %get3A_281 = tpu.vector_load %arg14[%get3A_280] {strides = array<i32>} : memref<40192xf32, #tpu.memory_space<vmem>>, vector<16xf32>,
        %max3A_282 = arith.maximumf %get3A_277, %get3A_273 : vector<16xf32>
        %sub3A_283 = arith.subf %get3A_277, %max3A_282 : vector<16xf32>
        %exp3A_284 = math.exp %sub3A_283 : vector<16xf32>
        %mul3A_285 = arith.mulf %get3A_281, %exp3A_284 : vector<16xf32>
        %sub3A_286 = arith.subf %get3A_273, %max3A_282 : vector<16xf32>
        %exp3A_287 = math.exp %sub3A_286 : vector<16xf32>
        %add3A_288 = arith.addf %mul3A_285, %exp3A_287 : vector<16xf32>
        %add3A_289 = arith.constant 48 : i32
        %add3A_290 = arith.addi %mul3A_194, %add3A_289 : i32
        %swap3A_291 = arith.index_cast %add3A_290 : i32 to index
        %swap3A_292 = tpu.vector_load %arg13[%swap3A_291] {strides = array<i32>} : memref<40192xf32, #tpu.memory_space<vmem>>, vector<16xf32>,
        tpu.vector_store %arg13[%swap3A_291], %max3A_282 {strides = array<i32>} : memref<40192xf32, #tpu.memory_space<vmem>>, vector<16xf32>,
        %add3A_293 = arith.constant 48 : i32
        %add3A_294 = arith.addi %mul3A_194, %add3A_293 : i32
        %swap3A_295 = arith.index_cast %add3A_294 : i32 to index
        %swap3A_296 = tpu.vector_load %arg14[%swap3A_295] {strides = array<i32>} : memref<40192xf32, #tpu.memory_space<vmem>>, vector<16xf32>,
        tpu.vector_store %arg14[%swap3A_295], %add3A_288 {strides = array<i32>} : memref<40192xf32, #tpu.memory_space<vmem>>, vector<16xf32>,
        %get3A_297 = arith.index_cast %while3A_189 : i32 to index
        %get3A_298 = arith.constant 64 : index
        %get3A_299 = tpu.vector_load %arg11[%get3A_297, %get3A_298] {strides = array<i32>} : memref<64x256xf32, #tpu.memory_space<vmem>>, vector<16xf32>,
        %add3A_300 = arith.constant 64 : i32
        %add3A_301 = arith.addi %mul3A_194, %add3A_300 : i32
        %get3A_302 = arith.index_cast %add3A_301 : i32 to index
        %get3A_303 = tpu.vector_load %arg13[%get3A_302] {strides = array<i32>} : memref<40192xf32, #tpu.memory_space<vmem>>, vector<16xf32>,
        %add3A_304 = arith.constant 64 : i32
        %add3A_305 = arith.addi %mul3A_194, %add3A_304 : i32
        %get3A_306 = arith.index_cast %add3A_305 : i32 to index
        %get3A_307 = tpu.vector_load %arg14[%get3A_306] {strides = array<i32>} : memref<40192xf32, #tpu.memory_space<vmem>>, vector<16xf32>,
        %max3A_308 = arith.maximumf %get3A_303, %get3A_299 : vector<16xf32>
        %sub3A_309 = arith.subf %get3A_303, %max3A_308 : vector<16xf32>
        %exp3A_310 = math.exp %sub3A_309 : vector<16xf32>
        %mul3A_311 = arith.mulf %get3A_307, %exp3A_310 : vector<16xf32>
        %sub3A_312 = arith.subf %get3A_299, %max3A_308 : vector<16xf32>
        %exp3A_313 = math.exp %sub3A_312 : vector<16xf32>
        %add3A_314 = arith.addf %mul3A_311, %exp3A_313 : vector<16xf32>
        %add3A_315 = arith.constant 64 : i32
        %add3A_316 = arith.addi %mul3A_194, %add3A_315 : i32
        %swap3A_317 = arith.index_cast %add3A_316 : i32 to index
        %swap3A_318 = tpu.vector_load %arg13[%swap3A_317] {strides = array<i32>} : memref<40192xf32, #tpu.memory_space<vmem>>, vector<16xf32>,
        tpu.vector_store %arg13[%swap3A_317], %max3A_308 {strides = array<i32>} : memref<40192xf32, #tpu.memory_space<vmem>>, vector<16xf32>,
        %add3A_319 = arith.constant 64 : i32
        %add3A_320 = arith.addi %mul3A_194, %add3A_319 : i32
        %swap3A_321 = arith.index_cast %add3A_320 : i32 to index
        %swap3A_322 = tpu.vector_load %arg14[%swap3A_321] {strides = array<i32>} : memref<40192xf32, #tpu.memory_space<vmem>>, vector<16xf32>,
        tpu.vector_store %arg14[%swap3A_321], %add3A_314 {strides = array<i32>} : memref<40192xf32, #tpu.memory_space<vmem>>, vector<16xf32>,
        %get3A_323 = arith.index_cast %while3A_189 : i32 to index
        %get3A_324 = arith.constant 80 : index
        %get3A_325 = tpu.vector_load %arg11[%get3A_323, %get3A_324] {strides = array<i32>} : memref<64x256xf32, #tpu.memory_space<vmem>>, vector<16xf32>,
        %add3A_326 = arith.constant 80 : i32
        %add3A_327 = arith.addi %mul3A_194, %add3A_326 : i32
        %get3A_328 = arith.index_cast %add3A_327 : i32 to index
        %get3A_329 = tpu.vector_load %arg13[%get3A_328] {strides = array<i32>} : memref<40192xf32, #tpu.memory_space<vmem>>, vector<16xf32>,
        %add3A_330 = arith.constant 80 : i32
        %add3A_331 = arith.addi %mul3A_194, %add3A_330 : i32
        %get3A_332 = arith.index_cast %add3A_331 : i32 to index
        %get3A_333 = tpu.vector_load %arg14[%get3A_332] {strides = array<i32>} : memref<40192xf32, #tpu.memory_space<vmem>>, vector<16xf32>,
        %max3A_334 = arith.maximumf %get3A_329, %get3A_325 : vector<16xf32>
        %sub3A_335 = arith.subf %get3A_329, %max3A_334 : vector<16xf32>
        %exp3A_336 = math.exp %sub3A_335 : vector<16xf32>
        %mul3A_337 = arith.mulf %get3A_333, %exp3A_336 : vector<16xf32>
        %sub3A_338 = arith.subf %get3A_325, %max3A_334 : vector<16xf32>
        %exp3A_339 = math.exp %sub3A_338 : vector<16xf32>
        %add3A_340 = arith.addf %mul3A_337, %exp3A_339 : vector<16xf32>
        %add3A_341 = arith.constant 80 : i32
        %add3A_342 = arith.addi %mul3A_194, %add3A_341 : i32
        %swap3A_343 = arith.index_cast %add3A_342 : i32 to index
        %swap3A_344 = tpu.vector_load %arg13[%swap3A_343] {strides = array<i32>} : memref<40192xf32, #tpu.memory_space<vmem>>, vector<16xf32>,
        tpu.vector_store %arg13[%swap3A_343], %max3A_334 {strides = array<i32>} : memref<40192xf32, #tpu.memory_space<vmem>>, vector<16xf32>,
        %add3A_345 = arith.constant 80 : i32
        %add3A_346 = arith.addi %mul3A_194, %add3A_345 : i32
        %swap3A_347 = arith.index_cast %add3A_346 : i32 to index
        %swap3A_348 = tpu.vector_load %arg14[%swap3A_347] {strides = array<i32>} : memref<40192xf32, #tpu.memory_space<vmem>>, vector<16xf32>,
        tpu.vector_store %arg14[%swap3A_347], %add3A_340 {strides = array<i32>} : memref<40192xf32, #tpu.memory_space<vmem>>, vector<16xf32>,
        %get3A_349 = arith.index_cast %while3A_189 : i32 to index
        %get3A_350 = arith.constant 96 : index
        %get3A_351 = tpu.vector_load %arg11[%get3A_349, %get3A_350] {strides = array<i32>} : memref<64x256xf32, #tpu.memory_space<vmem>>, vector<16xf32>,
        %add3A_352 = arith.constant 96 : i32
        %add3A_353 = arith.addi %mul3A_194, %add3A_352 : i32
        %get3A_354 = arith.index_cast %add3A_353 : i32 to index
        %get3A_355 = tpu.vector_load %arg13[%get3A_354] {strides = array<i32>} : memref<40192xf32, #tpu.memory_space<vmem>>, vector<16xf32>,
        %add3A_356 = arith.constant 96 : i32
        %add3A_357 = arith.addi %mul3A_194, %add3A_356 : i32
        %get3A_358 = arith.index_cast %add3A_357 : i32 to index
        %get3A_359 = tpu.vector_load %arg14[%get3A_358] {strides = array<i32>} : memref<40192xf32, #tpu.memory_space<vmem>>, vector<16xf32>,
        %max3A_360 = arith.maximumf %get3A_355, %get3A_351 : vector<16xf32>
        %sub3A_361 = arith.subf %get3A_355, %max3A_360 : vector<16xf32>
        %exp3A_362 = math.exp %sub3A_361 : vector<16xf32>
        %mul3A_363 = arith.mulf %get3A_359, %exp3A_362 : vector<16xf32>
        %sub3A_364 = arith.subf %get3A_351, %max3A_360 : vector<16xf32>
        %exp3A_365 = math.exp %sub3A_364 : vector<16xf32>
        %add3A_366 = arith.addf %mul3A_363, %exp3A_365 : vector<16xf32>
        %add3A_367 = arith.constant 96 : i32
        %add3A_368 = arith.addi %mul3A_194, %add3A_367 : i32
        %swap3A_369 = arith.index_cast %add3A_368 : i32 to index
        %swap3A_370 = tpu.vector_load %arg13[%swap3A_369] {strides = array<i32>} : memref<40192xf32, #tpu.memory_space<vmem>>, vector<16xf32>,
        tpu.vector_store %arg13[%swap3A_369], %max3A_360 {strides = array<i32>} : memref<40192xf32, #tpu.memory_space<vmem>>, vector<16xf32>,
        %add3A_371 = arith.constant 96 : i32
        %add3A_372 = arith.addi %mul3A_194, %add3A_371 : i32
        %swap3A_373 = arith.index_cast %add3A_372 : i32 to index
        %swap3A_374 = tpu.vector_load %arg14[%swap3A_373] {strides = array<i32>} : memref<40192xf32, #tpu.memory_space<vmem>>, vector<16xf32>,
        tpu.vector_store %arg14[%swap3A_373], %add3A_366 {strides = array<i32>} : memref<40192xf32, #tpu.memory_space<vmem>>, vector<16xf32>,
        %get3A_375 = arith.index_cast %while3A_189 : i32 to index
        %get3A_376 = arith.constant 112 : index
        %get3A_377 = tpu.vector_load %arg11[%get3A_375, %get3A_376] {strides = array<i32>} : memref<64x256xf32, #tpu.memory_space<vmem>>, vector<16xf32>,
        %add3A_378 = arith.constant 112 : i32
        %add3A_379 = arith.addi %mul3A_194, %add3A_378 : i32
        %get3A_380 = arith.index_cast %add3A_379 : i32 to index
        %get3A_381 = tpu.vector_load %arg13[%get3A_380] {strides = array<i32>} : memref<40192xf32, #tpu.memory_space<vmem>>, vector<16xf32>,
        %add3A_382 = arith.constant 112 : i32
        %add3A_383 = arith.addi %mul3A_194, %add3A_382 : i32
        %get3A_384 = arith.index_cast %add3A_383 : i32 to index
        %get3A_385 = tpu.vector_load %arg14[%get3A_384] {strides = array<i32>} : memref<40192xf32, #tpu.memory_space<vmem>>, vector<16xf32>,
        %max3A_386 = arith.maximumf %get3A_381, %get3A_377 : vector<16xf32>
        %sub3A_387 = arith.subf %get3A_381, %max3A_386 : vector<16xf32>
        %exp3A_388 = math.exp %sub3A_387 : vector<16xf32>
        %mul3A_389 = arith.mulf %get3A_385, %exp3A_388 : vector<16xf32>
        %sub3A_390 = arith.subf %get3A_377, %max3A_386 : vector<16xf32>
        %exp3A_391 = math.exp %sub3A_390 : vector<16xf32>
        %add3A_392 = arith.addf %mul3A_389, %exp3A_391 : vector<16xf32>
        %add3A_393 = arith.constant 112 : i32
        %add3A_394 = arith.addi %mul3A_194, %add3A_393 : i32
        %swap3A_395 = arith.index_cast %add3A_394 : i32 to index
        %swap3A_396 = tpu.vector_load %arg13[%swap3A_395] {strides = array<i32>} : memref<40192xf32, #tpu.memory_space<vmem>>, vector<16xf32>,
        tpu.vector_store %arg13[%swap3A_395], %max3A_386 {strides = array<i32>} : memref<40192xf32, #tpu.memory_space<vmem>>, vector<16xf32>,
        %add3A_397 = arith.constant 112 : i32
        %add3A_398 = arith.addi %mul3A_194, %add3A_397 : i32
        %swap3A_399 = arith.index_cast %add3A_398 : i32 to index
        %swap3A_400 = tpu.vector_load %arg14[%swap3A_399] {strides = array<i32>} : memref<40192xf32, #tpu.memory_space<vmem>>, vector<16xf32>,
        tpu.vector_store %arg14[%swap3A_399], %add3A_392 {strides = array<i32>} : memref<40192xf32, #tpu.memory_space<vmem>>, vector<16xf32>,
        %get3A_401 = arith.index_cast %while3A_189 : i32 to index
        %get3A_402 = arith.constant 128 : index
        %get3A_403 = tpu.vector_load %arg11[%get3A_401, %get3A_402] {strides = array<i32>} : memref<64x256xf32, #tpu.memory_space<vmem>>, vector<16xf32>,
        %add3A_404 = arith.constant 128 : i32
        %add3A_405 = arith.addi %mul3A_194, %add3A_404 : i32
        %get3A_406 = arith.index_cast %add3A_405 : i32 to index
        %get3A_407 = tpu.vector_load %arg13[%get3A_406] {strides = array<i32>} : memref<40192xf32, #tpu.memory_space<vmem>>, vector<16xf32>,
        %add3A_408 = arith.constant 128 : i32
        %add3A_409 = arith.addi %mul3A_194, %add3A_408 : i32
        %get3A_410 = arith.index_cast %add3A_409 : i32 to index
        %get3A_411 = tpu.vector_load %arg14[%get3A_410] {strides = array<i32>} : memref<40192xf32, #tpu.memory_space<vmem>>, vector<16xf32>,
        %max3A_412 = arith.maximumf %get3A_407, %get3A_403 : vector<16xf32>
        %sub3A_413 = arith.subf %get3A_407, %max3A_412 : vector<16xf32>
        %exp3A_414 = math.exp %sub3A_413 : vector<16xf32>
        %mul3A_415 = arith.mulf %get3A_411, %exp3A_414 : vector<16xf32>
        %sub3A_416 = arith.subf %get3A_403, %max3A_412 : vector<16xf32>
        %exp3A_417 = math.exp %sub3A_416 : vector<16xf32>
        %add3A_418 = arith.addf %mul3A_415, %exp3A_417 : vector<16xf32>
        %add3A_419 = arith.constant 128 : i32
        %add3A_420 = arith.addi %mul3A_194, %add3A_419 : i32
        %swap3A_421 = arith.index_cast %add3A_420 : i32 to index
        %swap3A_422 = tpu.vector_load %arg13[%swap3A_421] {strides = array<i32>} : memref<40192xf32, #tpu.memory_space<vmem>>, vector<16xf32>,
        tpu.vector_store %arg13[%swap3A_421], %max3A_412 {strides = array<i32>} : memref<40192xf32, #tpu.memory_space<vmem>>, vector<16xf32>,
        %add3A_423 = arith.constant 128 : i32
        %add3A_424 = arith.addi %mul3A_194, %add3A_423 : i32
        %swap3A_425 = arith.index_cast %add3A_424 : i32 to index
        %swap3A_426 = tpu.vector_load %arg14[%swap3A_425] {strides = array<i32>} : memref<40192xf32, #tpu.memory_space<vmem>>, vector<16xf32>,
        tpu.vector_store %arg14[%swap3A_425], %add3A_418 {strides = array<i32>} : memref<40192xf32, #tpu.memory_space<vmem>>, vector<16xf32>,
        %get3A_427 = arith.index_cast %while3A_189 : i32 to index
        %get3A_428 = arith.constant 144 : index
        %get3A_429 = tpu.vector_load %arg11[%get3A_427, %get3A_428] {strides = array<i32>} : memref<64x256xf32, #tpu.memory_space<vmem>>, vector<16xf32>,
        %add3A_430 = arith.constant 144 : i32
        %add3A_431 = arith.addi %mul3A_194, %add3A_430 : i32
        %get3A_432 = arith.index_cast %add3A_431 : i32 to index
        %get3A_433 = tpu.vector_load %arg13[%get3A_432] {strides = array<i32>} : memref<40192xf32, #tpu.memory_space<vmem>>, vector<16xf32>,
        %add3A_434 = arith.constant 144 : i32
        %add3A_435 = arith.addi %mul3A_194, %add3A_434 : i32
        %get3A_436 = arith.index_cast %add3A_435 : i32 to index
        %get3A_437 = tpu.vector_load %arg14[%get3A_436] {strides = array<i32>} : memref<40192xf32, #tpu.memory_space<vmem>>, vector<16xf32>,
        %max3A_438 = arith.maximumf %get3A_433, %get3A_429 : vector<16xf32>
        %sub3A_439 = arith.subf %get3A_433, %max3A_438 : vector<16xf32>
        %exp3A_440 = math.exp %sub3A_439 : vector<16xf32>
        %mul3A_441 = arith.mulf %get3A_437, %exp3A_440 : vector<16xf32>
        %sub3A_442 = arith.subf %get3A_429, %max3A_438 : vector<16xf32>
        %exp3A_443 = math.exp %sub3A_442 : vector<16xf32>
        %add3A_444 = arith.addf %mul3A_441, %exp3A_443 : vector<16xf32>
        %add3A_445 = arith.constant 144 : i32
        %add3A_446 = arith.addi %mul3A_194, %add3A_445 : i32
        %swap3A_447 = arith.index_cast %add3A_446 : i32 to index
        %swap3A_448 = tpu.vector_load %arg13[%swap3A_447] {strides = array<i32>} : memref<40192xf32, #tpu.memory_space<vmem>>, vector<16xf32>,
        tpu.vector_store %arg13[%swap3A_447], %max3A_438 {strides = array<i32>} : memref<40192xf32, #tpu.memory_space<vmem>>, vector<16xf32>,
        %add3A_449 = arith.constant 144 : i32
        %add3A_450 = arith.addi %mul3A_194, %add3A_449 : i32
        %swap3A_451 = arith.index_cast %add3A_450 : i32 to index
        %swap3A_452 = tpu.vector_load %arg14[%swap3A_451] {strides = array<i32>} : memref<40192xf32, #tpu.memory_space<vmem>>, vector<16xf32>,
        tpu.vector_store %arg14[%swap3A_451], %add3A_444 {strides = array<i32>} : memref<40192xf32, #tpu.memory_space<vmem>>, vector<16xf32>,
        %get3A_453 = arith.index_cast %while3A_189 : i32 to index
        %get3A_454 = arith.constant 160 : index
        %get3A_455 = tpu.vector_load %arg11[%get3A_453, %get3A_454] {strides = array<i32>} : memref<64x256xf32, #tpu.memory_space<vmem>>, vector<16xf32>,
        %add3A_456 = arith.constant 160 : i32
        %add3A_457 = arith.addi %mul3A_194, %add3A_456 : i32
        %get3A_458 = arith.index_cast %add3A_457 : i32 to index
        %get3A_459 = tpu.vector_load %arg13[%get3A_458] {strides = array<i32>} : memref<40192xf32, #tpu.memory_space<vmem>>, vector<16xf32>,
        %add3A_460 = arith.constant 160 : i32
        %add3A_461 = arith.addi %mul3A_194, %add3A_460 : i32
        %get3A_462 = arith.index_cast %add3A_461 : i32 to index
        %get3A_463 = tpu.vector_load %arg14[%get3A_462] {strides = array<i32>} : memref<40192xf32, #tpu.memory_space<vmem>>, vector<16xf32>,
        %max3A_464 = arith.maximumf %get3A_459, %get3A_455 : vector<16xf32>
        %sub3A_465 = arith.subf %get3A_459, %max3A_464 : vector<16xf32>
        %exp3A_466 = math.exp %sub3A_465 : vector<16xf32>
        %mul3A_467 = arith.mulf %get3A_463, %exp3A_466 : vector<16xf32>
        %sub3A_468 = arith.subf %get3A_455, %max3A_464 : vector<16xf32>
        %exp3A_469 = math.exp %sub3A_468 : vector<16xf32>
        %add3A_470 = arith.addf %mul3A_467, %exp3A_469 : vector<16xf32>
        %add3A_471 = arith.constant 160 : i32
        %add3A_472 = arith.addi %mul3A_194, %add3A_471 : i32
        %swap3A_473 = arith.index_cast %add3A_472 : i32 to index
        %swap3A_474 = tpu.vector_load %arg13[%swap3A_473] {strides = array<i32>} : memref<40192xf32, #tpu.memory_space<vmem>>, vector<16xf32>,
        tpu.vector_store %arg13[%swap3A_473], %max3A_464 {strides = array<i32>} : memref<40192xf32, #tpu.memory_space<vmem>>, vector<16xf32>,
        %add3A_475 = arith.constant 160 : i32
        %add3A_476 = arith.addi %mul3A_194, %add3A_475 : i32
        %swap3A_477 = arith.index_cast %add3A_476 : i32 to index
        %swap3A_478 = tpu.vector_load %arg14[%swap3A_477] {strides = array<i32>} : memref<40192xf32, #tpu.memory_space<vmem>>, vector<16xf32>,
        tpu.vector_store %arg14[%swap3A_477], %add3A_470 {strides = array<i32>} : memref<40192xf32, #tpu.memory_space<vmem>>, vector<16xf32>,
        %get3A_479 = arith.index_cast %while3A_189 : i32 to index
        %get3A_480 = arith.constant 176 : index
        %get3A_481 = tpu.vector_load %arg11[%get3A_479, %get3A_480] {strides = array<i32>} : memref<64x256xf32, #tpu.memory_space<vmem>>, vector<16xf32>,
        %add3A_482 = arith.constant 176 : i32
        %add3A_483 = arith.addi %mul3A_194, %add3A_482 : i32
        %get3A_484 = arith.index_cast %add3A_483 : i32 to index
        %get3A_485 = tpu.vector_load %arg13[%get3A_484] {strides = array<i32>} : memref<40192xf32, #tpu.memory_space<vmem>>, vector<16xf32>,
        %add3A_486 = arith.constant 176 : i32
        %add3A_487 = arith.addi %mul3A_194, %add3A_486 : i32
        %get3A_488 = arith.index_cast %add3A_487 : i32 to index
        %get3A_489 = tpu.vector_load %arg14[%get3A_488] {strides = array<i32>} : memref<40192xf32, #tpu.memory_space<vmem>>, vector<16xf32>,
        %max3A_490 = arith.maximumf %get3A_485, %get3A_481 : vector<16xf32>
        %sub3A_491 = arith.subf %get3A_485, %max3A_490 : vector<16xf32>
        %exp3A_492 = math.exp %sub3A_491 : vector<16xf32>
        %mul3A_493 = arith.mulf %get3A_489, %exp3A_492 : vector<16xf32>
        %sub3A_494 = arith.subf %get3A_481, %max3A_490 : vector<16xf32>
        %exp3A_495 = math.exp %sub3A_494 : vector<16xf32>
        %add3A_496 = arith.addf %mul3A_493, %exp3A_495 : vector<16xf32>
        %add3A_497 = arith.constant 176 : i32
        %add3A_498 = arith.addi %mul3A_194, %add3A_497 : i32
        %swap3A_499 = arith.index_cast %add3A_498 : i32 to index
        %swap3A_500 = tpu.vector_load %arg13[%swap3A_499] {strides = array<i32>} : memref<40192xf32, #tpu.memory_space<vmem>>, vector<16xf32>,
        tpu.vector_store %arg13[%swap3A_499], %max3A_490 {strides = array<i32>} : memref<40192xf32, #tpu.memory_space<vmem>>, vector<16xf32>,
        %add3A_501 = arith.constant 176 : i32
        %add3A_502 = arith.addi %mul3A_194, %add3A_501 : i32
        %swap3A_503 = arith.index_cast %add3A_502 : i32 to index
        %swap3A_504 = tpu.vector_load %arg14[%swap3A_503] {strides = array<i32>} : memref<40192xf32, #tpu.memory_space<vmem>>, vector<16xf32>,
        tpu.vector_store %arg14[%swap3A_503], %add3A_496 {strides = array<i32>} : memref<40192xf32, #tpu.memory_space<vmem>>, vector<16xf32>,
        %get3A_505 = arith.index_cast %while3A_189 : i32 to index
        %get3A_506 = arith.constant 192 : index
        %get3A_507 = tpu.vector_load %arg11[%get3A_505, %get3A_506] {strides = array<i32>} : memref<64x256xf32, #tpu.memory_space<vmem>>, vector<16xf32>,
        %add3A_508 = arith.constant 192 : i32
        %add3A_509 = arith.addi %mul3A_194, %add3A_508 : i32
        %get3A_510 = arith.index_cast %add3A_509 : i32 to index
        %get3A_511 = tpu.vector_load %arg13[%get3A_510] {strides = array<i32>} : memref<40192xf32, #tpu.memory_space<vmem>>, vector<16xf32>,
        %add3A_512 = arith.constant 192 : i32
        %add3A_513 = arith.addi %mul3A_194, %add3A_512 : i32
        %get3A_514 = arith.index_cast %add3A_513 : i32 to index
        %get3A_515 = tpu.vector_load %arg14[%get3A_514] {strides = array<i32>} : memref<40192xf32, #tpu.memory_space<vmem>>, vector<16xf32>,
        %max3A_516 = arith.maximumf %get3A_511, %get3A_507 : vector<16xf32>
        %sub3A_517 = arith.subf %get3A_511, %max3A_516 : vector<16xf32>
        %exp3A_518 = math.exp %sub3A_517 : vector<16xf32>
        %mul3A_519 = arith.mulf %get3A_515, %exp3A_518 : vector<16xf32>
        %sub3A_520 = arith.subf %get3A_507, %max3A_516 : vector<16xf32>
        %exp3A_521 = math.exp %sub3A_520 : vector<16xf32>
        %add3A_522 = arith.addf %mul3A_519, %exp3A_521 : vector<16xf32>
        %add3A_523 = arith.constant 192 : i32
        %add3A_524 = arith.addi %mul3A_194, %add3A_523 : i32
        %swap3A_525 = arith.index_cast %add3A_524 : i32 to index
        %swap3A_526 = tpu.vector_load %arg13[%swap3A_525] {strides = array<i32>} : memref<40192xf32, #tpu.memory_space<vmem>>, vector<16xf32>,
        tpu.vector_store %arg13[%swap3A_525], %max3A_516 {strides = array<i32>} : memref<40192xf32, #tpu.memory_space<vmem>>, vector<16xf32>,
        %add3A_527 = arith.constant 192 : i32
        %add3A_528 = arith.addi %mul3A_194, %add3A_527 : i32
        %swap3A_529 = arith.index_cast %add3A_528 : i32 to index
        %swap3A_530 = tpu.vector_load %arg14[%swap3A_529] {strides = array<i32>} : memref<40192xf32, #tpu.memory_space<vmem>>, vector<16xf32>,
        tpu.vector_store %arg14[%swap3A_529], %add3A_522 {strides = array<i32>} : memref<40192xf32, #tpu.memory_space<vmem>>, vector<16xf32>,
        %get3A_531 = arith.index_cast %while3A_189 : i32 to index
        %get3A_532 = arith.constant 208 : index
        %get3A_533 = tpu.vector_load %arg11[%get3A_531, %get3A_532] {strides = array<i32>} : memref<64x256xf32, #tpu.memory_space<vmem>>, vector<16xf32>,
        %add3A_534 = arith.constant 208 : i32
        %add3A_535 = arith.addi %mul3A_194, %add3A_534 : i32
        %get3A_536 = arith.index_cast %add3A_535 : i32 to index
        %get3A_537 = tpu.vector_load %arg13[%get3A_536] {strides = array<i32>} : memref<40192xf32, #tpu.memory_space<vmem>>, vector<16xf32>,
        %add3A_538 = arith.constant 208 : i32
        %add3A_539 = arith.addi %mul3A_194, %add3A_538 : i32
        %get3A_540 = arith.index_cast %add3A_539 : i32 to index
        %get3A_541 = tpu.vector_load %arg14[%get3A_540] {strides = array<i32>} : memref<40192xf32, #tpu.memory_space<vmem>>, vector<16xf32>,
        %max3A_542 = arith.maximumf %get3A_537, %get3A_533 : vector<16xf32>
        %sub3A_543 = arith.subf %get3A_537, %max3A_542 : vector<16xf32>
        %exp3A_544 = math.exp %sub3A_543 : vector<16xf32>
        %mul3A_545 = arith.mulf %get3A_541, %exp3A_544 : vector<16xf32>
        %sub3A_546 = arith.subf %get3A_533, %max3A_542 : vector<16xf32>
        %exp3A_547 = math.exp %sub3A_546 : vector<16xf32>
        %add3A_548 = arith.addf %mul3A_545, %exp3A_547 : vector<16xf32>
        %add3A_549 = arith.constant 208 : i32
        %add3A_550 = arith.addi %mul3A_194, %add3A_549 : i32
        %swap3A_551 = arith.index_cast %add3A_550 : i32 to index
        %swap3A_552 = tpu.vector_load %arg13[%swap3A_551] {strides = array<i32>} : memref<40192xf32, #tpu.memory_space<vmem>>, vector<16xf32>,
        tpu.vector_store %arg13[%swap3A_551], %max3A_542 {strides = array<i32>} : memref<40192xf32, #tpu.memory_space<vmem>>, vector<16xf32>,
        %add3A_553 = arith.constant 208 : i32
        %add3A_554 = arith.addi %mul3A_194, %add3A_553 : i32
        %swap3A_555 = arith.index_cast %add3A_554 : i32 to index
        %swap3A_556 = tpu.vector_load %arg14[%swap3A_555] {strides = array<i32>} : memref<40192xf32, #tpu.memory_space<vmem>>, vector<16xf32>,
        tpu.vector_store %arg14[%swap3A_555], %add3A_548 {strides = array<i32>} : memref<40192xf32, #tpu.memory_space<vmem>>, vector<16xf32>,
        %get3A_557 = arith.index_cast %while3A_189 : i32 to index
        %get3A_558 = arith.constant 224 : index
        %get3A_559 = tpu.vector_load %arg11[%get3A_557, %get3A_558] {strides = array<i32>} : memref<64x256xf32, #tpu.memory_space<vmem>>, vector<16xf32>,
        %add3A_560 = arith.constant 224 : i32
        %add3A_561 = arith.addi %mul3A_194, %add3A_560 : i32
        %get3A_562 = arith.index_cast %add3A_561 : i32 to index
        %get3A_563 = tpu.vector_load %arg13[%get3A_562] {strides = array<i32>} : memref<40192xf32, #tpu.memory_space<vmem>>, vector<16xf32>,
        %add3A_564 = arith.constant 224 : i32
        %add3A_565 = arith.addi %mul3A_194, %add3A_564 : i32
        %get3A_566 = arith.index_cast %add3A_565 : i32 to index
        %get3A_567 = tpu.vector_load %arg14[%get3A_566] {strides = array<i32>} : memref<40192xf32, #tpu.memory_space<vmem>>, vector<16xf32>,
        %max3A_568 = arith.maximumf %get3A_563, %get3A_559 : vector<16xf32>
        %sub3A_569 = arith.subf %get3A_563, %max3A_568 : vector<16xf32>
        %exp3A_570 = math.exp %sub3A_569 : vector<16xf32>
        %mul3A_571 = arith.mulf %get3A_567, %exp3A_570 : vector<16xf32>
        %sub3A_572 = arith.subf %get3A_559, %max3A_568 : vector<16xf32>
        %exp3A_573 = math.exp %sub3A_572 : vector<16xf32>
        %add3A_574 = arith.addf %mul3A_571, %exp3A_573 : vector<16xf32>
        %add3A_575 = arith.constant 224 : i32
        %add3A_576 = arith.addi %mul3A_194, %add3A_575 : i32
        %swap3A_577 = arith.index_cast %add3A_576 : i32 to index
        %swap3A_578 = tpu.vector_load %arg13[%swap3A_577] {strides = array<i32>} : memref<40192xf32, #tpu.memory_space<vmem>>, vector<16xf32>,
        tpu.vector_store %arg13[%swap3A_577], %max3A_568 {strides = array<i32>} : memref<40192xf32, #tpu.memory_space<vmem>>, vector<16xf32>,
        %add3A_579 = arith.constant 224 : i32
        %add3A_580 = arith.addi %mul3A_194, %add3A_579 : i32
        %swap3A_581 = arith.index_cast %add3A_580 : i32 to index
        %swap3A_582 = tpu.vector_load %arg14[%swap3A_581] {strides = array<i32>} : memref<40192xf32, #tpu.memory_space<vmem>>, vector<16xf32>,
        tpu.vector_store %arg14[%swap3A_581], %add3A_574 {strides = array<i32>} : memref<40192xf32, #tpu.memory_space<vmem>>, vector<16xf32>,
        %get3A_583 = arith.index_cast %while3A_189 : i32 to index
        %get3A_584 = arith.constant 240 : index
        %get3A_585 = tpu.vector_load %arg11[%get3A_583, %get3A_584] {strides = array<i32>} : memref<64x256xf32, #tpu.memory_space<vmem>>, vector<16xf32>,
        %add3A_586 = arith.constant 240 : i32
        %add3A_587 = arith.addi %mul3A_194, %add3A_586 : i32
        %get3A_588 = arith.index_cast %add3A_587 : i32 to index
        %get3A_589 = tpu.vector_load %arg13[%get3A_588] {strides = array<i32>} : memref<40192xf32, #tpu.memory_space<vmem>>, vector<16xf32>,
        %add3A_590 = arith.constant 240 : i32
        %add3A_591 = arith.addi %mul3A_194, %add3A_590 : i32
        %get3A_592 = arith.index_cast %add3A_591 : i32 to index
        %get3A_593 = tpu.vector_load %arg14[%get3A_592] {strides = array<i32>} : memref<40192xf32, #tpu.memory_space<vmem>>, vector<16xf32>,
        %max3A_594 = arith.maximumf %get3A_589, %get3A_585 : vector<16xf32>
        %sub3A_595 = arith.subf %get3A_589, %max3A_594 : vector<16xf32>
        %exp3A_596 = math.exp %sub3A_595 : vector<16xf32>
        %mul3A_597 = arith.mulf %get3A_593, %exp3A_596 : vector<16xf32>
        %sub3A_598 = arith.subf %get3A_585, %max3A_594 : vector<16xf32>
        %exp3A_599 = math.exp %sub3A_598 : vector<16xf32>
        %add3A_600 = arith.addf %mul3A_597, %exp3A_599 : vector<16xf32>
        %add3A_601 = arith.constant 240 : i32
        %add3A_602 = arith.addi %mul3A_194, %add3A_601 : i32
        %swap3A_603 = arith.index_cast %add3A_602 : i32 to index
        %swap3A_604 = tpu.vector_load %arg13[%swap3A_603] {strides = array<i32>} : memref<40192xf32, #tpu.memory_space<vmem>>, vector<16xf32>,
        tpu.vector_store %arg13[%swap3A_603], %max3A_594 {strides = array<i32>} : memref<40192xf32, #tpu.memory_space<vmem>>, vector<16xf32>,
        %add3A_605 = arith.constant 240 : i32
        %add3A_606 = arith.addi %mul3A_194, %add3A_605 : i32
        %swap3A_607 = arith.index_cast %add3A_606 : i32 to index
        %swap3A_608 = tpu.vector_load %arg14[%swap3A_607] {strides = array<i32>} : memref<40192xf32, #tpu.memory_space<vmem>>, vector<16xf32>,
        tpu.vector_store %arg14[%swap3A_607], %add3A_600 {strides = array<i32>} : memref<40192xf32, #tpu.memory_space<vmem>>, vector<16xf32>,
      }
      %while3A_188 = arith.constant 1 : i32
      scf.for %while3A_189 = %while3A_186 to %while3A_182 step %while3A_188  : i32 {
        %get3A_190 = arith.index_cast %while3A_189 : i32 to index
        %get3A_191 = tpu.vector_load %arg9[%get3A_190] {strides = array<i32>} : memref<80xi32, #tpu.memory_space<vmem>>, vector<16xi32>,
        %slice3A = vector.extract_strided_slice %get3A_191 {offsets = [0], sizes = [1], strides = [1]} : vector<16xi32> to vector<1xi32>
        %squeeze3A = vector.extract %slice3A[0] : i32 from vector<1xi32>
        %shift_right_arithmetic3A = arith.constant 19 : i32
        %shift_right_arithmetic3A_192 = arith.shrsi %squeeze3A, %shift_right_arithmetic3A : i32
        %mul3A_193 = arith.constant 256 : i32
        %mul3A_194 = arith.muli %shift_right_arithmetic3A_192, %mul3A_193 : i32
        %get3A_195 = arith.index_cast %while3A_189 : i32 to index
        %get3A_196 = arith.constant 0 : index
        %get3A_197 = tpu.vector_load %arg11[%get3A_195, %get3A_196] {strides = array<i32>} : memref<64x256xf32, #tpu.memory_space<vmem>>, vector<16xf32>,
        %add3A_198 = arith.constant 0 : i32
        %add3A_199 = arith.addi %mul3A_194, %add3A_198 : i32
        %get3A_200 = arith.index_cast %add3A_199 : i32 to index
        %get3A_201 = tpu.vector_load %arg13[%get3A_200] {strides = array<i32>} : memref<40192xf32, #tpu.memory_space<vmem>>, vector<16xf32>,
        %add3A_202 = arith.constant 0 : i32
        %add3A_203 = arith.addi %mul3A_194, %add3A_202 : i32
        %get3A_204 = arith.index_cast %add3A_203 : i32 to index
        %get3A_205 = tpu.vector_load %arg14[%get3A_204] {strides = array<i32>} : memref<40192xf32, #tpu.memory_space<vmem>>, vector<16xf32>,
        %max3A = arith.maximumf %get3A_201, %get3A_197 : vector<16xf32>
        %sub3A_206 = arith.subf %get3A_201, %max3A : vector<16xf32>
        %exp3A = math.exp %sub3A_206 : vector<16xf32>
        %mul3A_207 = arith.mulf %get3A_205, %exp3A : vector<16xf32>
        %sub3A_208 = arith.subf %get3A_197, %max3A : vector<16xf32>
        %exp3A_209 = math.exp %sub3A_208 : vector<16xf32>
        %add3A_210 = arith.addf %mul3A_207, %exp3A_209 : vector<16xf32>
        %add3A_211 = arith.constant 0 : i32
        %add3A_212 = arith.addi %mul3A_194, %add3A_211 : i32
        %swap3A_213 = arith.index_cast %add3A_212 : i32 to index
        %swap3A_214 = tpu.vector_load %arg13[%swap3A_213] {strides = array<i32>} : memref<40192xf32, #tpu.memory_space<vmem>>, vector<16xf32>,
        tpu.vector_store %arg13[%swap3A_213], %max3A {strides = array<i32>} : memref<40192xf32, #tpu.memory_space<vmem>>, vector<16xf32>,
        %add3A_215 = arith.constant 0 : i32
        %add3A_216 = arith.addi %mul3A_194, %add3A_215 : i32
        %swap3A_217 = arith.index_cast %add3A_216 : i32 to index
        %swap3A_218 = tpu.vector_load %arg14[%swap3A_217] {strides = array<i32>} : memref<40192xf32, #tpu.memory_space<vmem>>, vector<16xf32>,
        tpu.vector_store %arg14[%swap3A_217], %add3A_210 {strides = array<i32>} : memref<40192xf32, #tpu.memory_space<vmem>>, vector<16xf32>,
        %get3A_219 = arith.index_cast %while3A_189 : i32 to index
        %get3A_220 = arith.constant 16 : index
        %get3A_221 = tpu.vector_load %arg11[%get3A_219, %get3A_220] {strides = array<i32>} : memref<64x256xf32, #tpu.memory_space<vmem>>, vector<16xf32>,
        %add3A_222 = arith.constant 16 : i32
        %add3A_223 = arith.addi %mul3A_194, %add3A_222 : i32
        %get3A_224 = arith.index_cast %add3A_223 : i32 to index
        %get3A_225 = tpu.vector_load %arg13[%get3A_224] {strides = array<i32>} : memref<40192xf32, #tpu.memory_space<vmem>>, vector<16xf32>,
        %add3A_226 = arith.constant 16 : i32
        %add3A_227 = arith.addi %mul3A_194, %add3A_226 : i32
        %get3A_228 = arith.index_cast %add3A_227 : i32 to index
        %get3A_229 = tpu.vector_load %arg14[%get3A_228] {strides = array<i32>} : memref<40192xf32, #tpu.memory_space<vmem>>, vector<16xf32>,
        %max3A_230 = arith.maximumf %get3A_225, %get3A_221 : vector<16xf32>
        %sub3A_231 = arith.subf %get3A_225, %max3A_230 : vector<16xf32>
        %exp3A_232 = math.exp %sub3A_231 : vector<16xf32>
        %mul3A_233 = arith.mulf %get3A_229, %exp3A_232 : vector<16xf32>
        %sub3A_234 = arith.subf %get3A_221, %max3A_230 : vector<16xf32>
        %exp3A_235 = math.exp %sub3A_234 : vector<16xf32>
        %add3A_236 = arith.addf %mul3A_233, %exp3A_235 : vector<16xf32>
        %add3A_237 = arith.constant 16 : i32
        %add3A_238 = arith.addi %mul3A_194, %add3A_237 : i32
        %swap3A_239 = arith.index_cast %add3A_238 : i32 to index
        %swap3A_240 = tpu.vector_load %arg13[%swap3A_239] {strides = array<i32>} : memref<40192xf32, #tpu.memory_space<vmem>>, vector<16xf32>,
        tpu.vector_store %arg13[%swap3A_239], %max3A_230 {strides = array<i32>} : memref<40192xf32, #tpu.memory_space<vmem>>, vector<16xf32>,
        %add3A_241 = arith.constant 16 : i32
        %add3A_242 = arith.addi %mul3A_194, %add3A_241 : i32
        %swap3A_243 = arith.index_cast %add3A_242 : i32 to index
        %swap3A_244 = tpu.vector_load %arg14[%swap3A_243] {strides = array<i32>} : memref<40192xf32, #tpu.memory_space<vmem>>, vector<16xf32>,
        tpu.vector_store %arg14[%swap3A_243], %add3A_236 {strides = array<i32>} : memref<40192xf32, #tpu.memory_space<vmem>>, vector<16xf32>,
        %get3A_245 = arith.index_cast %while3A_189 : i32 to index
        %get3A_246 = arith.constant 32 : index
        %get3A_247 = tpu.vector_load %arg11[%get3A_245, %get3A_246] {strides = array<i32>} : memref<64x256xf32, #tpu.memory_space<vmem>>, vector<16xf32>,
        %add3A_248 = arith.constant 32 : i32
        %add3A_249 = arith.addi %mul3A_194, %add3A_248 : i32
        %get3A_250 = arith.index_cast %add3A_249 : i32 to index
        %get3A_251 = tpu.vector_load %arg13[%get3A_250] {strides = array<i32>} : memref<40192xf32, #tpu.memory_space<vmem>>, vector<16xf32>,
        %add3A_252 = arith.constant 32 : i32
        %add3A_253 = arith.addi %mul3A_194, %add3A_252 : i32
        %get3A_254 = arith.index_cast %add3A_253 : i32 to index
        %get3A_255 = tpu.vector_load %arg14[%get3A_254] {strides = array<i32>} : memref<40192xf32, #tpu.memory_space<vmem>>, vector<16xf32>,
        %max3A_256 = arith.maximumf %get3A_251, %get3A_247 : vector<16xf32>
        %sub3A_257 = arith.subf %get3A_251, %max3A_256 : vector<16xf32>
        %exp3A_258 = math.exp %sub3A_257 : vector<16xf32>
        %mul3A_259 = arith.mulf %get3A_255, %exp3A_258 : vector<16xf32>
        %sub3A_260 = arith.subf %get3A_247, %max3A_256 : vector<16xf32>
        %exp3A_261 = math.exp %sub3A_260 : vector<16xf32>
        %add3A_262 = arith.addf %mul3A_259, %exp3A_261 : vector<16xf32>
        %add3A_263 = arith.constant 32 : i32
        %add3A_264 = arith.addi %mul3A_194, %add3A_263 : i32
        %swap3A_265 = arith.index_cast %add3A_264 : i32 to index
        %swap3A_266 = tpu.vector_load %arg13[%swap3A_265] {strides = array<i32>} : memref<40192xf32, #tpu.memory_space<vmem>>, vector<16xf32>,
        tpu.vector_store %arg13[%swap3A_265], %max3A_256 {strides = array<i32>} : memref<40192xf32, #tpu.memory_space<vmem>>, vector<16xf32>,
        %add3A_267 = arith.constant 32 : i32
        %add3A_268 = arith.addi %mul3A_194, %add3A_267 : i32
        %swap3A_269 = arith.index_cast %add3A_268 : i32 to index
        %swap3A_270 = tpu.vector_load %arg14[%swap3A_269] {strides = array<i32>} : memref<40192xf32, #tpu.memory_space<vmem>>, vector<16xf32>,
        tpu.vector_store %arg14[%swap3A_269], %add3A_262 {strides = array<i32>} : memref<40192xf32, #tpu.memory_space<vmem>>, vector<16xf32>,
        %get3A_271 = arith.index_cast %while3A_189 : i32 to index
        %get3A_272 = arith.constant 48 : index
        %get3A_273 = tpu.vector_load %arg11[%get3A_271, %get3A_272] {strides = array<i32>} : memref<64x256xf32, #tpu.memory_space<vmem>>, vector<16xf32>,
        %add3A_274 = arith.constant 48 : i32
        %add3A_275 = arith.addi %mul3A_194, %add3A_274 : i32
        %get3A_276 = arith.index_cast %add3A_275 : i32 to index
        %get3A_277 = tpu.vector_load %arg13[%get3A_276] {strides = array<i32>} : memref<40192xf32, #tpu.memory_space<vmem>>, vector<16xf32>,
        %add3A_278 = arith.constant 48 : i32
        %add3A_279 = arith.addi %mul3A_194, %add3A_278 : i32
        %get3A_280 = arith.index_cast %add3A_279 : i32 to index
        %get3A_281 = tpu.vector_load %arg14[%get3A_280] {strides = array<i32>} : memref<40192xf32, #tpu.memory_space<vmem>>, vector<16xf32>,
        %max3A_282 = arith.maximumf %get3A_277, %get3A_273 : vector<16xf32>
        %sub3A_283 = arith.subf %get3A_277, %max3A_282 : vector<16xf32>
        %exp3A_284 = math.exp %sub3A_283 : vector<16xf32>
        %mul3A_285 = arith.mulf %get3A_281, %exp3A_284 : vector<16xf32>
        %sub3A_286 = arith.subf %get3A_273, %max3A_282 : vector<16xf32>
        %exp3A_287 = math.exp %sub3A_286 : vector<16xf32>
        %add3A_288 = arith.addf %mul3A_285, %exp3A_287 : vector<16xf32>
        %add3A_289 = arith.constant 48 : i32
        %add3A_290 = arith.addi %mul3A_194, %add3A_289 : i32
        %swap3A_291 = arith.index_cast %add3A_290 : i32 to index
        %swap3A_292 = tpu.vector_load %arg13[%swap3A_291] {strides = array<i32>} : memref<40192xf32, #tpu.memory_space<vmem>>, vector<16xf32>,
        tpu.vector_store %arg13[%swap3A_291], %max3A_282 {strides = array<i32>} : memref<40192xf32, #tpu.memory_space<vmem>>, vector<16xf32>,
        %add3A_293 = arith.constant 48 : i32
        %add3A_294 = arith.addi %mul3A_194, %add3A_293 : i32
        %swap3A_295 = arith.index_cast %add3A_294 : i32 to index
        %swap3A_296 = tpu.vector_load %arg14[%swap3A_295] {strides = array<i32>} : memref<40192xf32, #tpu.memory_space<vmem>>, vector<16xf32>,
        tpu.vector_store %arg14[%swap3A_295], %add3A_288 {strides = array<i32>} : memref<40192xf32, #tpu.memory_space<vmem>>, vector<16xf32>,
        %get3A_297 = arith.index_cast %while3A_189 : i32 to index
        %get3A_298 = arith.constant 64 : index
        %get3A_299 = tpu.vector_load %arg11[%get3A_297, %get3A_298] {strides = array<i32>} : memref<64x256xf32, #tpu.memory_space<vmem>>, vector<16xf32>,
        %add3A_300 = arith.constant 64 : i32
        %add3A_301 = arith.addi %mul3A_194, %add3A_300 : i32
        %get3A_302 = arith.index_cast %add3A_301 : i32 to index
        %get3A_303 = tpu.vector_load %arg13[%get3A_302] {strides = array<i32>} : memref<40192xf32, #tpu.memory_space<vmem>>, vector<16xf32>,
        %add3A_304 = arith.constant 64 : i32
        %add3A_305 = arith.addi %mul3A_194, %add3A_304 : i32
        %get3A_306 = arith.index_cast %add3A_305 : i32 to index
        %get3A_307 = tpu.vector_load %arg14[%get3A_306] {strides = array<i32>} : memref<40192xf32, #tpu.memory_space<vmem>>, vector<16xf32>,
        %max3A_308 = arith.maximumf %get3A_303, %get3A_299 : vector<16xf32>
        %sub3A_309 = arith.subf %get3A_303, %max3A_308 : vector<16xf32>
        %exp3A_310 = math.exp %sub3A_309 : vector<16xf32>
        %mul3A_311 = arith.mulf %get3A_307, %exp3A_310 : vector<16xf32>
        %sub3A_312 = arith.subf %get3A_299, %max3A_308 : vector<16xf32>
        %exp3A_313 = math.exp %sub3A_312 : vector<16xf32>
        %add3A_314 = arith.addf %mul3A_311, %exp3A_313 : vector<16xf32>
        %add3A_315 = arith.constant 64 : i32
        %add3A_316 = arith.addi %mul3A_194, %add3A_315 : i32
        %swap3A_317 = arith.index_cast %add3A_316 : i32 to index
        %swap3A_318 = tpu.vector_load %arg13[%swap3A_317] {strides = array<i32>} : memref<40192xf32, #tpu.memory_space<vmem>>, vector<16xf32>,
        tpu.vector_store %arg13[%swap3A_317], %max3A_308 {strides = array<i32>} : memref<40192xf32, #tpu.memory_space<vmem>>, vector<16xf32>,
        %add3A_319 = arith.constant 64 : i32
        %add3A_320 = arith.addi %mul3A_194, %add3A_319 : i32
        %swap3A_321 = arith.index_cast %add3A_320 : i32 to index
        %swap3A_322 = tpu.vector_load %arg14[%swap3A_321] {strides = array<i32>} : memref<40192xf32, #tpu.memory_space<vmem>>, vector<16xf32>,
        tpu.vector_store %arg14[%swap3A_321], %add3A_314 {strides = array<i32>} : memref<40192xf32, #tpu.memory_space<vmem>>, vector<16xf32>,
        %get3A_323 = arith.index_cast %while3A_189 : i32 to index
        %get3A_324 = arith.constant 80 : index
        %get3A_325 = tpu.vector_load %arg11[%get3A_323, %get3A_324] {strides = array<i32>} : memref<64x256xf32, #tpu.memory_space<vmem>>, vector<16xf32>,
        %add3A_326 = arith.constant 80 : i32
        %add3A_327 = arith.addi %mul3A_194, %add3A_326 : i32
        %get3A_328 = arith.index_cast %add3A_327 : i32 to index
        %get3A_329 = tpu.vector_load %arg13[%get3A_328] {strides = array<i32>} : memref<40192xf32, #tpu.memory_space<vmem>>, vector<16xf32>,
        %add3A_330 = arith.constant 80 : i32
        %add3A_331 = arith.addi %mul3A_194, %add3A_330 : i32
        %get3A_332 = arith.index_cast %add3A_331 : i32 to index
        %get3A_333 = tpu.vector_load %arg14[%get3A_332] {strides = array<i32>} : memref<40192xf32, #tpu.memory_space<vmem>>, vector<16xf32>,
        %max3A_334 = arith.maximumf %get3A_329, %get3A_325 : vector<16xf32>
        %sub3A_335 = arith.subf %get3A_329, %max3A_334 : vector<16xf32>
        %exp3A_336 = math.exp %sub3A_335 : vector<16xf32>
        %mul3A_337 = arith.mulf %get3A_333, %exp3A_336 : vector<16xf32>
        %sub3A_338 = arith.subf %get3A_325, %max3A_334 : vector<16xf32>
        %exp3A_339 = math.exp %sub3A_338 : vector<16xf32>
        %add3A_340 = arith.addf %mul3A_337, %exp3A_339 : vector<16xf32>
        %add3A_341 = arith.constant 80 : i32
        %add3A_342 = arith.addi %mul3A_194, %add3A_341 : i32
        %swap3A_343 = arith.index_cast %add3A_342 : i32 to index
        %swap3A_344 = tpu.vector_load %arg13[%swap3A_343] {strides = array<i32>} : memref<40192xf32, #tpu.memory_space<vmem>>, vector<16xf32>,
        tpu.vector_store %arg13[%swap3A_343], %max3A_334 {strides = array<i32>} : memref<40192xf32, #tpu.memory_space<vmem>>, vector<16xf32>,
        %add3A_345 = arith.constant 80 : i32
        %add3A_346 = arith.addi %mul3A_194, %add3A_345 : i32
        %swap3A_347 = arith.index_cast %add3A_346 : i32 to index
        %swap3A_348 = tpu.vector_load %arg14[%swap3A_347] {strides = array<i32>} : memref<40192xf32, #tpu.memory_space<vmem>>, vector<16xf32>,
        tpu.vector_store %arg14[%swap3A_347], %add3A_340 {strides = array<i32>} : memref<40192xf32, #tpu.memory_space<vmem>>, vector<16xf32>,
        %get3A_349 = arith.index_cast %while3A_189 : i32 to index
        %get3A_350 = arith.constant 96 : index
        %get3A_351 = tpu.vector_load %arg11[%get3A_349, %get3A_350] {strides = array<i32>} : memref<64x256xf32, #tpu.memory_space<vmem>>, vector<16xf32>,
        %add3A_352 = arith.constant 96 : i32
        %add3A_353 = arith.addi %mul3A_194, %add3A_352 : i32
        %get3A_354 = arith.index_cast %add3A_353 : i32 to index
        %get3A_355 = tpu.vector_load %arg13[%get3A_354] {strides = array<i32>} : memref<40192xf32, #tpu.memory_space<vmem>>, vector<16xf32>,
        %add3A_356 = arith.constant 96 : i32
        %add3A_357 = arith.addi %mul3A_194, %add3A_356 : i32
        %get3A_358 = arith.index_cast %add3A_357 : i32 to index
        %get3A_359 = tpu.vector_load %arg14[%get3A_358] {strides = array<i32>} : memref<40192xf32, #tpu.memory_space<vmem>>, vector<16xf32>,
        %max3A_360 = arith.maximumf %get3A_355, %get3A_351 : vector<16xf32>
        %sub3A_361 = arith.subf %get3A_355, %max3A_360 : vector<16xf32>
        %exp3A_362 = math.exp %sub3A_361 : vector<16xf32>
        %mul3A_363 = arith.mulf %get3A_359, %exp3A_362 : vector<16xf32>
        %sub3A_364 = arith.subf %get3A_351, %max3A_360 : vector<16xf32>
        %exp3A_365 = math.exp %sub3A_364 : vector<16xf32>
        %add3A_366 = arith.addf %mul3A_363, %exp3A_365 : vector<16xf32>
        %add3A_367 = arith.constant 96 : i32
        %add3A_368 = arith.addi %mul3A_194, %add3A_367 : i32
        %swap3A_369 = arith.index_cast %add3A_368 : i32 to index
        %swap3A_370 = tpu.vector_load %arg13[%swap3A_369] {strides = array<i32>} : memref<40192xf32, #tpu.memory_space<vmem>>, vector<16xf32>,
        tpu.vector_store %arg13[%swap3A_369], %max3A_360 {strides = array<i32>} : memref<40192xf32, #tpu.memory_space<vmem>>, vector<16xf32>,
        %add3A_371 = arith.constant 96 : i32
        %add3A_372 = arith.addi %mul3A_194, %add3A_371 : i32
        %swap3A_373 = arith.index_cast %add3A_372 : i32 to index
        %swap3A_374 = tpu.vector_load %arg14[%swap3A_373] {strides = array<i32>} : memref<40192xf32, #tpu.memory_space<vmem>>, vector<16xf32>,
        tpu.vector_store %arg14[%swap3A_373], %add3A_366 {strides = array<i32>} : memref<40192xf32, #tpu.memory_space<vmem>>, vector<16xf32>,
        %get3A_375 = arith.index_cast %while3A_189 : i32 to index
        %get3A_376 = arith.constant 112 : index
        %get3A_377 = tpu.vector_load %arg11[%get3A_375, %get3A_376] {strides = array<i32>} : memref<64x256xf32, #tpu.memory_space<vmem>>, vector<16xf32>,
        %add3A_378 = arith.constant 112 : i32
        %add3A_379 = arith.addi %mul3A_194, %add3A_378 : i32
        %get3A_380 = arith.index_cast %add3A_379 : i32 to index
        %get3A_381 = tpu.vector_load %arg13[%get3A_380] {strides = array<i32>} : memref<40192xf32, #tpu.memory_space<vmem>>, vector<16xf32>,
        %add3A_382 = arith.constant 112 : i32
        %add3A_383 = arith.addi %mul3A_194, %add3A_382 : i32
        %get3A_384 = arith.index_cast %add3A_383 : i32 to index
        %get3A_385 = tpu.vector_load %arg14[%get3A_384] {strides = array<i32>} : memref<40192xf32, #tpu.memory_space<vmem>>, vector<16xf32>,
        %max3A_386 = arith.maximumf %get3A_381, %get3A_377 : vector<16xf32>
        %sub3A_387 = arith.subf %get3A_381, %max3A_386 : vector<16xf32>
        %exp3A_388 = math.exp %sub3A_387 : vector<16xf32>
        %mul3A_389 = arith.mulf %get3A_385, %exp3A_388 : vector<16xf32>
        %sub3A_390 = arith.subf %get3A_377, %max3A_386 : vector<16xf32>
        %exp3A_391 = math.exp %sub3A_390 : vector<16xf32>
        %add3A_392 = arith.addf %mul3A_389, %exp3A_391 : vector<16xf32>
        %add3A_393 = arith.constant 112 : i32
        %add3A_394 = arith.addi %mul3A_194, %add3A_393 : i32
        %swap3A_395 = arith.index_cast %add3A_394 : i32 to index
        %swap3A_396 = tpu.vector_load %arg13[%swap3A_395] {strides = array<i32>} : memref<40192xf32, #tpu.memory_space<vmem>>, vector<16xf32>,
        tpu.vector_store %arg13[%swap3A_395], %max3A_386 {strides = array<i32>} : memref<40192xf32, #tpu.memory_space<vmem>>, vector<16xf32>,
        %add3A_397 = arith.constant 112 : i32
        %add3A_398 = arith.addi %mul3A_194, %add3A_397 : i32
        %swap3A_399 = arith.index_cast %add3A_398 : i32 to index
        %swap3A_400 = tpu.vector_load %arg14[%swap3A_399] {strides = array<i32>} : memref<40192xf32, #tpu.memory_space<vmem>>, vector<16xf32>,
        tpu.vector_store %arg14[%swap3A_399], %add3A_392 {strides = array<i32>} : memref<40192xf32, #tpu.memory_space<vmem>>, vector<16xf32>,
        %get3A_401 = arith.index_cast %while3A_189 : i32 to index
        %get3A_402 = arith.constant 128 : index
        %get3A_403 = tpu.vector_load %arg11[%get3A_401, %get3A_402] {strides = array<i32>} : memref<64x256xf32, #tpu.memory_space<vmem>>, vector<16xf32>,
        %add3A_404 = arith.constant 128 : i32
        %add3A_405 = arith.addi %mul3A_194, %add3A_404 : i32
        %get3A_406 = arith.index_cast %add3A_405 : i32 to index
        %get3A_407 = tpu.vector_load %arg13[%get3A_406] {strides = array<i32>} : memref<40192xf32, #tpu.memory_space<vmem>>, vector<16xf32>,
        %add3A_408 = arith.constant 128 : i32
        %add3A_409 = arith.addi %mul3A_194, %add3A_408 : i32
        %get3A_410 = arith.index_cast %add3A_409 : i32 to index
        %get3A_411 = tpu.vector_load %arg14[%get3A_410] {strides = array<i32>} : memref<40192xf32, #tpu.memory_space<vmem>>, vector<16xf32>,
        %max3A_412 = arith.maximumf %get3A_407, %get3A_403 : vector<16xf32>
        %sub3A_413 = arith.subf %get3A_407, %max3A_412 : vector<16xf32>
        %exp3A_414 = math.exp %sub3A_413 : vector<16xf32>
        %mul3A_415 = arith.mulf %get3A_411, %exp3A_414 : vector<16xf32>
        %sub3A_416 = arith.subf %get3A_403, %max3A_412 : vector<16xf32>
        %exp3A_417 = math.exp %sub3A_416 : vector<16xf32>
        %add3A_418 = arith.addf %mul3A_415, %exp3A_417 : vector<16xf32>
        %add3A_419 = arith.constant 128 : i32
        %add3A_420 = arith.addi %mul3A_194, %add3A_419 : i32
        %swap3A_421 = arith.index_cast %add3A_420 : i32 to index
        %swap3A_422 = tpu.vector_load %arg13[%swap3A_421] {strides = array<i32>} : memref<40192xf32, #tpu.memory_space<vmem>>, vector<16xf32>,
        tpu.vector_store %arg13[%swap3A_421], %max3A_412 {strides = array<i32>} : memref<40192xf32, #tpu.memory_space<vmem>>, vector<16xf32>,
        %add3A_423 = arith.constant 128 : i32
        %add3A_424 = arith.addi %mul3A_194, %add3A_423 : i32
        %swap3A_425 = arith.index_cast %add3A_424 : i32 to index
        %swap3A_426 = tpu.vector_load %arg14[%swap3A_425] {strides = array<i32>} : memref<40192xf32, #tpu.memory_space<vmem>>, vector<16xf32>,
        tpu.vector_store %arg14[%swap3A_425], %add3A_418 {strides = array<i32>} : memref<40192xf32, #tpu.memory_space<vmem>>, vector<16xf32>,
        %get3A_427 = arith.index_cast %while3A_189 : i32 to index
        %get3A_428 = arith.constant 144 : index
        %get3A_429 = tpu.vector_load %arg11[%get3A_427, %get3A_428] {strides = array<i32>} : memref<64x256xf32, #tpu.memory_space<vmem>>, vector<16xf32>,
        %add3A_430 = arith.constant 144 : i32
        %add3A_431 = arith.addi %mul3A_194, %add3A_430 : i32
        %get3A_432 = arith.index_cast %add3A_431 : i32 to index
        %get3A_433 = tpu.vector_load %arg13[%get3A_432] {strides = array<i32>} : memref<40192xf32, #tpu.memory_space<vmem>>, vector<16xf32>,
        %add3A_434 = arith.constant 144 : i32
        %add3A_435 = arith.addi %mul3A_194, %add3A_434 : i32
        %get3A_436 = arith.index_cast %add3A_435 : i32 to index
        %get3A_437 = tpu.vector_load %arg14[%get3A_436] {strides = array<i32>} : memref<40192xf32, #tpu.memory_space<vmem>>, vector<16xf32>,
        %max3A_438 = arith.maximumf %get3A_433, %get3A_429 : vector<16xf32>
        %sub3A_439 = arith.subf %get3A_433, %max3A_438 : vector<16xf32>
        %exp3A_440 = math.exp %sub3A_439 : vector<16xf32>
        %mul3A_441 = arith.mulf %get3A_437, %exp3A_440 : vector<16xf32>
        %sub3A_442 = arith.subf %get3A_429, %max3A_438 : vector<16xf32>
        %exp3A_443 = math.exp %sub3A_442 : vector<16xf32>
        %add3A_444 = arith.addf %mul3A_441, %exp3A_443 : vector<16xf32>
        %add3A_445 = arith.constant 144 : i32
        %add3A_446 = arith.addi %mul3A_194, %add3A_445 : i32
        %swap3A_447 = arith.index_cast %add3A_446 : i32 to index
        %swap3A_448 = tpu.vector_load %arg13[%swap3A_447] {strides = array<i32>} : memref<40192xf32, #tpu.memory_space<vmem>>, vector<16xf32>,
        tpu.vector_store %arg13[%swap3A_447], %max3A_438 {strides = array<i32>} : memref<40192xf32, #tpu.memory_space<vmem>>, vector<16xf32>,
        %add3A_449 = arith.constant 144 : i32
        %add3A_450 = arith.addi %mul3A_194, %add3A_449 : i32
        %swap3A_451 = arith.index_cast %add3A_450 : i32 to index
        %swap3A_452 = tpu.vector_load %arg14[%swap3A_451] {strides = array<i32>} : memref<40192xf32, #tpu.memory_space<vmem>>, vector<16xf32>,
        tpu.vector_store %arg14[%swap3A_451], %add3A_444 {strides = array<i32>} : memref<40192xf32, #tpu.memory_space<vmem>>, vector<16xf32>,
        %get3A_453 = arith.index_cast %while3A_189 : i32 to index
        %get3A_454 = arith.constant 160 : index
        %get3A_455 = tpu.vector_load %arg11[%get3A_453, %get3A_454] {strides = array<i32>} : memref<64x256xf32, #tpu.memory_space<vmem>>, vector<16xf32>,
        %add3A_456 = arith.constant 160 : i32
        %add3A_457 = arith.addi %mul3A_194, %add3A_456 : i32
        %get3A_458 = arith.index_cast %add3A_457 : i32 to index
        %get3A_459 = tpu.vector_load %arg13[%get3A_458] {strides = array<i32>} : memref<40192xf32, #tpu.memory_space<vmem>>, vector<16xf32>,
        %add3A_460 = arith.constant 160 : i32
        %add3A_461 = arith.addi %mul3A_194, %add3A_460 : i32
        %get3A_462 = arith.index_cast %add3A_461 : i32 to index
        %get3A_463 = tpu.vector_load %arg14[%get3A_462] {strides = array<i32>} : memref<40192xf32, #tpu.memory_space<vmem>>, vector<16xf32>,
        %max3A_464 = arith.maximumf %get3A_459, %get3A_455 : vector<16xf32>
        %sub3A_465 = arith.subf %get3A_459, %max3A_464 : vector<16xf32>
        %exp3A_466 = math.exp %sub3A_465 : vector<16xf32>
        %mul3A_467 = arith.mulf %get3A_463, %exp3A_466 : vector<16xf32>
        %sub3A_468 = arith.subf %get3A_455, %max3A_464 : vector<16xf32>
        %exp3A_469 = math.exp %sub3A_468 : vector<16xf32>
        %add3A_470 = arith.addf %mul3A_467, %exp3A_469 : vector<16xf32>
        %add3A_471 = arith.constant 160 : i32
        %add3A_472 = arith.addi %mul3A_194, %add3A_471 : i32
        %swap3A_473 = arith.index_cast %add3A_472 : i32 to index
        %swap3A_474 = tpu.vector_load %arg13[%swap3A_473] {strides = array<i32>} : memref<40192xf32, #tpu.memory_space<vmem>>, vector<16xf32>,
        tpu.vector_store %arg13[%swap3A_473], %max3A_464 {strides = array<i32>} : memref<40192xf32, #tpu.memory_space<vmem>>, vector<16xf32>,
        %add3A_475 = arith.constant 160 : i32
        %add3A_476 = arith.addi %mul3A_194, %add3A_475 : i32
        %swap3A_477 = arith.index_cast %add3A_476 : i32 to index
        %swap3A_478 = tpu.vector_load %arg14[%swap3A_477] {strides = array<i32>} : memref<40192xf32, #tpu.memory_space<vmem>>, vector<16xf32>,
        tpu.vector_store %arg14[%swap3A_477], %add3A_470 {strides = array<i32>} : memref<40192xf32, #tpu.memory_space<vmem>>, vector<16xf32>,
        %get3A_479 = arith.index_cast %while3A_189 : i32 to index
        %get3A_480 = arith.constant 176 : index
        %get3A_481 = tpu.vector_load %arg11[%get3A_479, %get3A_480] {strides = array<i32>} : memref<64x256xf32, #tpu.memory_space<vmem>>, vector<16xf32>,
        %add3A_482 = arith.constant 176 : i32
        %add3A_483 = arith.addi %mul3A_194, %add3A_482 : i32
        %get3A_484 = arith.index_cast %add3A_483 : i32 to index
        %get3A_485 = tpu.vector_load %arg13[%get3A_484] {strides = array<i32>} : memref<40192xf32, #tpu.memory_space<vmem>>, vector<16xf32>,
        %add3A_486 = arith.constant 176 : i32
        %add3A_487 = arith.addi %mul3A_194, %add3A_486 : i32
        %get3A_488 = arith.index_cast %add3A_487 : i32 to index
        %get3A_489 = tpu.vector_load %arg14[%get3A_488] {strides = array<i32>} : memref<40192xf32, #tpu.memory_space<vmem>>, vector<16xf32>,
        %max3A_490 = arith.maximumf %get3A_485, %get3A_481 : vector<16xf32>
        %sub3A_491 = arith.subf %get3A_485, %max3A_490 : vector<16xf32>
        %exp3A_492 = math.exp %sub3A_491 : vector<16xf32>
        %mul3A_493 = arith.mulf %get3A_489, %exp3A_492 : vector<16xf32>
        %sub3A_494 = arith.subf %get3A_481, %max3A_490 : vector<16xf32>
        %exp3A_495 = math.exp %sub3A_494 : vector<16xf32>
        %add3A_496 = arith.addf %mul3A_493, %exp3A_495 : vector<16xf32>
        %add3A_497 = arith.constant 176 : i32
        %add3A_498 = arith.addi %mul3A_194, %add3A_497 : i32
        %swap3A_499 = arith.index_cast %add3A_498 : i32 to index
        %swap3A_500 = tpu.vector_load %arg13[%swap3A_499] {strides = array<i32>} : memref<40192xf32, #tpu.memory_space<vmem>>, vector<16xf32>,
        tpu.vector_store %arg13[%swap3A_499], %max3A_490 {strides = array<i32>} : memref<40192xf32, #tpu.memory_space<vmem>>, vector<16xf32>,
        %add3A_501 = arith.constant 176 : i32
        %add3A_502 = arith.addi %mul3A_194, %add3A_501 : i32
        %swap3A_503 = arith.index_cast %add3A_502 : i32 to index
        %swap3A_504 = tpu.vector_load %arg14[%swap3A_503] {strides = array<i32>} : memref<40192xf32, #tpu.memory_space<vmem>>, vector<16xf32>,
        tpu.vector_store %arg14[%swap3A_503], %add3A_496 {strides = array<i32>} : memref<40192xf32, #tpu.memory_space<vmem>>, vector<16xf32>,
        %get3A_505 = arith.index_cast %while3A_189 : i32 to index
        %get3A_506 = arith.constant 192 : index
        %get3A_507 = tpu.vector_load %arg11[%get3A_505, %get3A_506] {strides = array<i32>} : memref<64x256xf32, #tpu.memory_space<vmem>>, vector<16xf32>,
        %add3A_508 = arith.constant 192 : i32
        %add3A_509 = arith.addi %mul3A_194, %add3A_508 : i32
        %get3A_510 = arith.index_cast %add3A_509 : i32 to index
        %get3A_511 = tpu.vector_load %arg13[%get3A_510] {strides = array<i32>} : memref<40192xf32, #tpu.memory_space<vmem>>, vector<16xf32>,
        %add3A_512 = arith.constant 192 : i32
        %add3A_513 = arith.addi %mul3A_194, %add3A_512 : i32
        %get3A_514 = arith.index_cast %add3A_513 : i32 to index
        %get3A_515 = tpu.vector_load %arg14[%get3A_514] {strides = array<i32>} : memref<40192xf32, #tpu.memory_space<vmem>>, vector<16xf32>,
        %max3A_516 = arith.maximumf %get3A_511, %get3A_507 : vector<16xf32>
        %sub3A_517 = arith.subf %get3A_511, %max3A_516 : vector<16xf32>
        %exp3A_518 = math.exp %sub3A_517 : vector<16xf32>
        %mul3A_519 = arith.mulf %get3A_515, %exp3A_518 : vector<16xf32>
        %sub3A_520 = arith.subf %get3A_507, %max3A_516 : vector<16xf32>
        %exp3A_521 = math.exp %sub3A_520 : vector<16xf32>
        %add3A_522 = arith.addf %mul3A_519, %exp3A_521 : vector<16xf32>
        %add3A_523 = arith.constant 192 : i32
        %add3A_524 = arith.addi %mul3A_194, %add3A_523 : i32
        %swap3A_525 = arith.index_cast %add3A_524 : i32 to index
        %swap3A_526 = tpu.vector_load %arg13[%swap3A_525] {strides = array<i32>} : memref<40192xf32, #tpu.memory_space<vmem>>, vector<16xf32>,
        tpu.vector_store %arg13[%swap3A_525], %max3A_516 {strides = array<i32>} : memref<40192xf32, #tpu.memory_space<vmem>>, vector<16xf32>,
        %add3A_527 = arith.constant 192 : i32
        %add3A_528 = arith.addi %mul3A_194, %add3A_527 : i32
        %swap3A_529 = arith.index_cast %add3A_528 : i32 to index
        %swap3A_530 = tpu.vector_load %arg14[%swap3A_529] {strides = array<i32>} : memref<40192xf32, #tpu.memory_space<vmem>>, vector<16xf32>,
        tpu.vector_store %arg14[%swap3A_529], %add3A_522 {strides = array<i32>} : memref<40192xf32, #tpu.memory_space<vmem>>, vector<16xf32>,
        %get3A_531 = arith.index_cast %while3A_189 : i32 to index
        %get3A_532 = arith.constant 208 : index
        %get3A_533 = tpu.vector_load %arg11[%get3A_531, %get3A_532] {strides = array<i32>} : memref<64x256xf32, #tpu.memory_space<vmem>>, vector<16xf32>,
        %add3A_534 = arith.constant 208 : i32
        %add3A_535 = arith.addi %mul3A_194, %add3A_534 : i32
        %get3A_536 = arith.index_cast %add3A_535 : i32 to index
        %get3A_537 = tpu.vector_load %arg13[%get3A_536] {strides = array<i32>} : memref<40192xf32, #tpu.memory_space<vmem>>, vector<16xf32>,
        %add3A_538 = arith.constant 208 : i32
        %add3A_539 = arith.addi %mul3A_194, %add3A_538 : i32
        %get3A_540 = arith.index_cast %add3A_539 : i32 to index
        %get3A_541 = tpu.vector_load %arg14[%get3A_540] {strides = array<i32>} : memref<40192xf32, #tpu.memory_space<vmem>>, vector<16xf32>,
        %max3A_542 = arith.maximumf %get3A_537, %get3A_533 : vector<16xf32>
        %sub3A_543 = arith.subf %get3A_537, %max3A_542 : vector<16xf32>
        %exp3A_544 = math.exp %sub3A_543 : vector<16xf32>
        %mul3A_545 = arith.mulf %get3A_541, %exp3A_544 : vector<16xf32>
        %sub3A_546 = arith.subf %get3A_533, %max3A_542 : vector<16xf32>
        %exp3A_547 = math.exp %sub3A_546 : vector<16xf32>
        %add3A_548 = arith.addf %mul3A_545, %exp3A_547 : vector<16xf32>
        %add3A_549 = arith.constant 208 : i32
        %add3A_550 = arith.addi %mul3A_194, %add3A_549 : i32
        %swap3A_551 = arith.index_cast %add3A_550 : i32 to index
        %swap3A_552 = tpu.vector_load %arg13[%swap3A_551] {strides = array<i32>} : memref<40192xf32, #tpu.memory_space<vmem>>, vector<16xf32>,
        tpu.vector_store %arg13[%swap3A_551], %max3A_542 {strides = array<i32>} : memref<40192xf32, #tpu.memory_space<vmem>>, vector<16xf32>,
        %add3A_553 = arith.constant 208 : i32
        %add3A_554 = arith.addi %mul3A_194, %add3A_553 : i32
        %swap3A_555 = arith.index_cast %add3A_554 : i32 to index
        %swap3A_556 = tpu.vector_load %arg14[%swap3A_555] {strides = array<i32>} : memref<40192xf32, #tpu.memory_space<vmem>>, vector<16xf32>,
        tpu.vector_store %arg14[%swap3A_555], %add3A_548 {strides = array<i32>} : memref<40192xf32, #tpu.memory_space<vmem>>, vector<16xf32>,
        %get3A_557 = arith.index_cast %while3A_189 : i32 to index
        %get3A_558 = arith.constant 224 : index
        %get3A_559 = tpu.vector_load %arg11[%get3A_557, %get3A_558] {strides = array<i32>} : memref<64x256xf32, #tpu.memory_space<vmem>>, vector<16xf32>,
        %add3A_560 = arith.constant 224 : i32
        %add3A_561 = arith.addi %mul3A_194, %add3A_560 : i32
        %get3A_562 = arith.index_cast %add3A_561 : i32 to index
        %get3A_563 = tpu.vector_load %arg13[%get3A_562] {strides = array<i32>} : memref<40192xf32, #tpu.memory_space<vmem>>, vector<16xf32>,
        %add3A_564 = arith.constant 224 : i32
        %add3A_565 = arith.addi %mul3A_194, %add3A_564 : i32
        %get3A_566 = arith.index_cast %add3A_565 : i32 to index
        %get3A_567 = tpu.vector_load %arg14[%get3A_566] {strides = array<i32>} : memref<40192xf32, #tpu.memory_space<vmem>>, vector<16xf32>,
        %max3A_568 = arith.maximumf %get3A_563, %get3A_559 : vector<16xf32>
        %sub3A_569 = arith.subf %get3A_563, %max3A_568 : vector<16xf32>
        %exp3A_570 = math.exp %sub3A_569 : vector<16xf32>
        %mul3A_571 = arith.mulf %get3A_567, %exp3A_570 : vector<16xf32>
        %sub3A_572 = arith.subf %get3A_559, %max3A_568 : vector<16xf32>
        %exp3A_573 = math.exp %sub3A_572 : vector<16xf32>
        %add3A_574 = arith.addf %mul3A_571, %exp3A_573 : vector<16xf32>
        %add3A_575 = arith.constant 224 : i32
        %add3A_576 = arith.addi %mul3A_194, %add3A_575 : i32
        %swap3A_577 = arith.index_cast %add3A_576 : i32 to index
        %swap3A_578 = tpu.vector_load %arg13[%swap3A_577] {strides = array<i32>} : memref<40192xf32, #tpu.memory_space<vmem>>, vector<16xf32>,
        tpu.vector_store %arg13[%swap3A_577], %max3A_568 {strides = array<i32>} : memref<40192xf32, #tpu.memory_space<vmem>>, vector<16xf32>,
        %add3A_579 = arith.constant 224 : i32
        %add3A_580 = arith.addi %mul3A_194, %add3A_579 : i32
        %swap3A_581 = arith.index_cast %add3A_580 : i32 to index
        %swap3A_582 = tpu.vector_load %arg14[%swap3A_581] {strides = array<i32>} : memref<40192xf32, #tpu.memory_space<vmem>>, vector<16xf32>,
        tpu.vector_store %arg14[%swap3A_581], %add3A_574 {strides = array<i32>} : memref<40192xf32, #tpu.memory_space<vmem>>, vector<16xf32>,
        %get3A_583 = arith.index_cast %while3A_189 : i32 to index
        %get3A_584 = arith.constant 240 : index
        %get3A_585 = tpu.vector_load %arg11[%get3A_583, %get3A_584] {strides = array<i32>} : memref<64x256xf32, #tpu.memory_space<vmem>>, vector<16xf32>,
        %add3A_586 = arith.constant 240 : i32
        %add3A_587 = arith.addi %mul3A_194, %add3A_586 : i32
        %get3A_588 = arith.index_cast %add3A_587 : i32 to index
        %get3A_589 = tpu.vector_load %arg13[%get3A_588] {strides = array<i32>} : memref<40192xf32, #tpu.memory_space<vmem>>, vector<16xf32>,
        %add3A_590 = arith.constant 240 : i32
        %add3A_591 = arith.addi %mul3A_194, %add3A_590 : i32
        %get3A_592 = arith.index_cast %add3A_591 : i32 to index
        %get3A_593 = tpu.vector_load %arg14[%get3A_592] {strides = array<i32>} : memref<40192xf32, #tpu.memory_space<vmem>>, vector<16xf32>,
        %max3A_594 = arith.maximumf %get3A_589, %get3A_585 : vector<16xf32>
        %sub3A_595 = arith.subf %get3A_589, %max3A_594 : vector<16xf32>
        %exp3A_596 = math.exp %sub3A_595 : vector<16xf32>
        %mul3A_597 = arith.mulf %get3A_593, %exp3A_596 : vector<16xf32>
        %sub3A_598 = arith.subf %get3A_585, %max3A_594 : vector<16xf32>
        %exp3A_599 = math.exp %sub3A_598 : vector<16xf32>
        %add3A_600 = arith.addf %mul3A_597, %exp3A_599 : vector<16xf32>
        %add3A_601 = arith.constant 240 : i32
        %add3A_602 = arith.addi %mul3A_194, %add3A_601 : i32
        %swap3A_603 = arith.index_cast %add3A_602 : i32 to index
        %swap3A_604 = tpu.vector_load %arg13[%swap3A_603] {strides = array<i32>} : memref<40192xf32, #tpu.memory_space<vmem>>, vector<16xf32>,
        tpu.vector_store %arg13[%swap3A_603], %max3A_594 {strides = array<i32>} : memref<40192xf32, #tpu.memory_space<vmem>>, vector<16xf32>,
        %add3A_605 = arith.constant 240 : i32
        %add3A_606 = arith.addi %mul3A_194, %add3A_605 : i32
        %swap3A_607 = arith.index_cast %add3A_606 : i32 to index
        %swap3A_608 = tpu.vector_load %arg14[%swap3A_607] {strides = array<i32>} : memref<40192xf32, #tpu.memory_space<vmem>>, vector<16xf32>,
        tpu.vector_store %arg14[%swap3A_607], %add3A_600 {strides = array<i32>} : memref<40192xf32, #tpu.memory_space<vmem>>, vector<16xf32>,
      }
    }
    "tpu.trace_stop"() : () -> ()
    %add3A_62 = arith.constant 32 : i32
    %add3A_63 = arith.addi %add3A_62, %add3A : i32
    %scan3A_64 = arith.constant 0 : i32
    %scan3A_65 = arith.constant 157 : i32
    %scan3A_66 = arith.addi %scan3A_64, %scan3A_65 : i32
    %scan3A_67 = arith.constant 1 : i32
    scf.for %scan3A_106 = %scan3A_64 to %scan3A_66 step %scan3A_67  : i32 {
      %broadcast_in_dim3A = arith.constant -3.000000e+38 : f32
      %broadcast_in_dim3A_107 = vector.broadcast %broadcast_in_dim3A : f32 to vector<16xf32>
      %mul3A_108 = arith.constant 256 : i32
      %mul3A_109 = arith.muli %scan3A_106, %mul3A_108 : i32
      %add3A_110 = arith.constant 0 : i32
      %add3A_111 = arith.addi %mul3A_109, %add3A_110 : i32
      %swap3A = arith.index_cast %add3A_111 : i32 to index
      %swap3A_112 = tpu.vector_load %arg13[%swap3A] {strides = array<i32>} : memref<40192xf32, #tpu.memory_space<vmem>>, vector<16xf32>,
      tpu.vector_store %arg13[%swap3A], %broadcast_in_dim3A_107 {strides = array<i32>} : memref<40192xf32, #tpu.memory_space<vmem>>, vector<16xf32>,
      %broadcast_in_dim3A_113 = arith.constant 0.000000e+00 : f32
      %broadcast_in_dim3A_114 = vector.broadcast %broadcast_in_dim3A_113 : f32 to vector<16xf32>
      %mul3A_115 = arith.constant 256 : i32
      %mul3A_116 = arith.muli %scan3A_106, %mul3A_115 : i32
      %add3A_117 = arith.constant 0 : i32
      %add3A_118 = arith.addi %mul3A_116, %add3A_117 : i32
      %swap3A_119 = arith.index_cast %add3A_118 : i32 to index
      %swap3A_120 = tpu.vector_load %arg14[%swap3A_119] {strides = array<i32>} : memref<40192xf32, #tpu.memory_space<vmem>>, vector<16xf32>,
      tpu.vector_store %arg14[%swap3A_119], %broadcast_in_dim3A_114 {strides = array<i32>} : memref<40192xf32, #tpu.memory_space<vmem>>, vector<16xf32>,
      %broadcast_in_dim3A_121 = arith.constant -3.000000e+38 : f32
      %broadcast_in_dim3A_122 = vector.broadcast %broadcast_in_dim3A_121 : f32 to vector<16xf32>
      %mul3A_123 = arith.constant 256 : i32
      %mul3A_124 = arith.muli %scan3A_106, %mul3A_123 : i32
      %add3A_125 = arith.constant 16 : i32
      %add3A_126 = arith.addi %mul3A_124, %add3A_125 : i32
      %swap3A_127 = arith.index_cast %add3A_126 : i32 to index
      %swap3A_128 = tpu.vector_load %arg13[%swap3A_127] {strides = array<i32>} : memref<40192xf32, #tpu.memory_space<vmem>>, vector<16xf32>,
      tpu.vector_store %arg13[%swap3A_127], %broadcast_in_dim3A_122 {strides = array<i32>} : memref<40192xf32, #tpu.memory_space<vmem>>, vector<16xf32>,
      %broadcast_in_dim3A_129 = arith.constant 0.000000e+00 : f32
      %broadcast_in_dim3A_130 = vector.broadcast %broadcast_in_dim3A_129 : f32 to vector<16xf32>
      %mul3A_131 = arith.constant 256 : i32
      %mul3A_132 = arith.muli %scan3A_106, %mul3A_131 : i32
      %add3A_133 = arith.constant 16 : i32
      %add3A_134 = arith.addi %mul3A_132, %add3A_133 : i32
      %swap3A_135 = arith.index_cast %add3A_134 : i32 to index
      %swap3A_136 = tpu.vector_load %arg14[%swap3A_135] {strides = array<i32>} : memref<40192xf32, #tpu.memory_space<vmem>>, vector<16xf32>,
      tpu.vector_store %arg14[%swap3A_135], %broadcast_in_dim3A_130 {strides = array<i32>} : memref<40192xf32, #tpu.memory_space<vmem>>, vector<16xf32>,
      %broadcast_in_dim3A_137 = arith.constant -3.000000e+38 : f32
      %broadcast_in_dim3A_138 = vector.broadcast %broadcast_in_dim3A_137 : f32 to vector<16xf32>
      %mul3A_139 = arith.constant 256 : i32
      %mul3A_140 = arith.muli %scan3A_106, %mul3A_139 : i32
      %add3A_141 = arith.constant 32 : i32
      %add3A_142 = arith.addi %mul3A_140, %add3A_141 : i32
      %swap3A_143 = arith.index_cast %add3A_142 : i32 to index
      %swap3A_144 = tpu.vector_load %arg13[%swap3A_143] {strides = array<i32>} : memref<40192xf32, #tpu.memory_space<vmem>>, vector<16xf32>,
      tpu.vector_store %arg13[%swap3A_143], %broadcast_in_dim3A_138 {strides = array<i32>} : memref<40192xf32, #tpu.memory_space<vmem>>, vector<16xf32>,
      %broadcast_in_dim3A_145 = arith.constant 0.000000e+00 : f32
      %broadcast_in_dim3A_146 = vector.broadcast %broadcast_in_dim3A_145 : f32 to vector<16xf32>
      %mul3A_147 = arith.constant 256 : i32
      %mul3A_148 = arith.muli %scan3A_106, %mul3A_147 : i32
      %add3A_149 = arith.constant 32 : i32
      %add3A_150 = arith.addi %mul3A_148, %add3A_149 : i32
      %swap3A_151 = arith.index_cast %add3A_150 : i32 to index
      %swap3A_152 = tpu.vector_load %arg14[%swap3A_151] {strides = array<i32>} : memref<40192xf32, #tpu.memory_space<vmem>>, vector<16xf32>,
      tpu.vector_store %arg14[%swap3A_151], %broadcast_in_dim3A_146 {strides = array<i32>} : memref<40192xf32, #tpu.memory_space<vmem>>, vector<16xf32>,
      %broadcast_in_dim3A_153 = arith.constant -3.000000e+38 : f32
      %broadcast_in_dim3A_154 = vector.broadcast %broadcast_in_dim3A_153 : f32 to vector<16xf32>
      %mul3A_155 = arith.constant 256 : i32
      %mul3A_156 = arith.muli %scan3A_106, %mul3A_155 : i32
      %add3A_157 = arith.constant 48 : i32
      %add3A_158 = arith.addi %mul3A_156, %add3A_157 : i32
      %swap3A_159 = arith.index_cast %add3A_158 : i32 to index
      %swap3A_160 = tpu.vector_load %arg13[%swap3A_159] {strides = array<i32>} : memref<40192xf32, #tpu.memory_space<vmem>>, vector<16xf32>,
      tpu.vector_store %arg13[%swap3A_159], %broadcast_in_dim3A_154 {strides = array<i32>} : memref<40192xf32, #tpu.memory_space<vmem>>, vector<16xf32>,
      %broadcast_in_dim3A_161 = arith.constant 0.000000e+00 : f32
      %broadcast_in_dim3A_162 = vector.broadcast %broadcast_in_dim3A_161 : f32 to vector<16xf32>
      %mul3A_163 = arith.constant 256 : i32
      %mul3A_164 = arith.muli %scan3A_106, %mul3A_163 : i32
      %add3A_165 = arith.constant 48 : i32
      %add3A_166 = arith.addi %mul3A_164, %add3A_165 : i32
      %swap3A_167 = arith.index_cast %add3A_166 : i32 to index
      %swap3A_168 = tpu.vector_load %arg14[%swap3A_167] {strides = array<i32>} : memref<40192xf32, #tpu.memory_space<vmem>>, vector<16xf32>,
      tpu.vector_store %arg14[%swap3A_167], %broadcast_in_dim3A_162 {strides = array<i32>} : memref<40192xf32, #tpu.memory_space<vmem>>, vector<16xf32>,
      %broadcast_in_dim3A_169 = arith.constant -3.000000e+38 : f32
      %broadcast_in_dim3A_170 = vector.broadcast %broadcast_in_dim3A_169 : f32 to vector<16xf32>
      %mul3A_171 = arith.constant 256 : i32
      %mul3A_172 = arith.muli %scan3A_106, %mul3A_171 : i32
      %add3A_173 = arith.constant 64 : i32
      %add3A_174 = arith.addi %mul3A_172, %add3A_173 : i32
      %swap3A_175 = arith.index_cast %add3A_174 : i32 to index
      %swap3A_176 = tpu.vector_load %arg13[%swap3A_175] {strides = array<i32>} : memref<40192xf32, #tpu.memory_space<vmem>>, vector<16xf32>,
      tpu.vector_store %arg13[%swap3A_175], %broadcast_in_dim3A_170 {strides = array<i32>} : memref<40192xf32, #tpu.memory_space<vmem>>, vector<16xf32>,
      %broadcast_in_dim3A_177 = arith.constant 0.000000e+00 : f32
      %broadcast_in_dim3A_178 = vector.broadcast %broadcast_in_dim3A_177 : f32 to vector<16xf32>
      %mul3A_179 = arith.constant 256 : i32
      %mul3A_180 = arith.muli %scan3A_106, %mul3A_179 : i32
      %add3A_181 = arith.constant 64 : i32
      %add3A_182 = arith.addi %mul3A_180, %add3A_181 : i32
      %swap3A_183 = arith.index_cast %add3A_182 : i32 to index
      %swap3A_184 = tpu.vector_load %arg14[%swap3A_183] {strides = array<i32>} : memref<40192xf32, #tpu.memory_space<vmem>>, vector<16xf32>,
      tpu.vector_store %arg14[%swap3A_183], %broadcast_in_dim3A_178 {strides = array<i32>} : memref<40192xf32, #tpu.memory_space<vmem>>, vector<16xf32>,
      %broadcast_in_dim3A_185 = arith.constant -3.000000e+38 : f32
      %broadcast_in_dim3A_186 = vector.broadcast %broadcast_in_dim3A_185 : f32 to vector<16xf32>
      %mul3A_187 = arith.constant 256 : i32
      %mul3A_188 = arith.muli %scan3A_106, %mul3A_187 : i32
      %add3A_189 = arith.constant 80 : i32
      %add3A_190 = arith.addi %mul3A_188, %add3A_189 : i32
      %swap3A_191 = arith.index_cast %add3A_190 : i32 to index
      %swap3A_192 = tpu.vector_load %arg13[%swap3A_191] {strides = array<i32>} : memref<40192xf32, #tpu.memory_space<vmem>>, vector<16xf32>,
      tpu.vector_store %arg13[%swap3A_191], %broadcast_in_dim3A_186 {strides = array<i32>} : memref<40192xf32, #tpu.memory_space<vmem>>, vector<16xf32>,
      %broadcast_in_dim3A_193 = arith.constant 0.000000e+00 : f32
      %broadcast_in_dim3A_194 = vector.broadcast %broadcast_in_dim3A_193 : f32 to vector<16xf32>
      %mul3A_195 = arith.constant 256 : i32
      %mul3A_196 = arith.muli %scan3A_106, %mul3A_195 : i32
      %add3A_197 = arith.constant 80 : i32
      %add3A_198 = arith.addi %mul3A_196, %add3A_197 : i32
      %swap3A_199 = arith.index_cast %add3A_198 : i32 to index
      %swap3A_200 = tpu.vector_load %arg14[%swap3A_199] {strides = array<i32>} : memref<40192xf32, #tpu.memory_space<vmem>>, vector<16xf32>,
      tpu.vector_store %arg14[%swap3A_199], %broadcast_in_dim3A_194 {strides = array<i32>} : memref<40192xf32, #tpu.memory_space<vmem>>, vector<16xf32>,
      %broadcast_in_dim3A_201 = arith.constant -3.000000e+38 : f32
      %broadcast_in_dim3A_202 = vector.broadcast %broadcast_in_dim3A_201 : f32 to vector<16xf32>
      %mul3A_203 = arith.constant 256 : i32
      %mul3A_204 = arith.muli %scan3A_106, %mul3A_203 : i32
      %add3A_205 = arith.constant 96 : i32
      %add3A_206 = arith.addi %mul3A_204, %add3A_205 : i32
      %swap3A_207 = arith.index_cast %add3A_206 : i32 to index
      %swap3A_208 = tpu.vector_load %arg13[%swap3A_207] {strides = array<i32>} : memref<40192xf32, #tpu.memory_space<vmem>>, vector<16xf32>,
      tpu.vector_store %arg13[%swap3A_207], %broadcast_in_dim3A_202 {strides = array<i32>} : memref<40192xf32, #tpu.memory_space<vmem>>, vector<16xf32>,
      %broadcast_in_dim3A_209 = arith.constant 0.000000e+00 : f32
      %broadcast_in_dim3A_210 = vector.broadcast %broadcast_in_dim3A_209 : f32 to vector<16xf32>
      %mul3A_211 = arith.constant 256 : i32
      %mul3A_212 = arith.muli %scan3A_106, %mul3A_211 : i32
      %add3A_213 = arith.constant 96 : i32
      %add3A_214 = arith.addi %mul3A_212, %add3A_213 : i32
      %swap3A_215 = arith.index_cast %add3A_214 : i32 to index
      %swap3A_216 = tpu.vector_load %arg14[%swap3A_215] {strides = array<i32>} : memref<40192xf32, #tpu.memory_space<vmem>>, vector<16xf32>,
      tpu.vector_store %arg14[%swap3A_215], %broadcast_in_dim3A_210 {strides = array<i32>} : memref<40192xf32, #tpu.memory_space<vmem>>, vector<16xf32>,
      %broadcast_in_dim3A_217 = arith.constant -3.000000e+38 : f32
      %broadcast_in_dim3A_218 = vector.broadcast %broadcast_in_dim3A_217 : f32 to vector<16xf32>
      %mul3A_219 = arith.constant 256 : i32
      %mul3A_220 = arith.muli %scan3A_106, %mul3A_219 : i32
      %add3A_221 = arith.constant 112 : i32
      %add3A_222 = arith.addi %mul3A_220, %add3A_221 : i32
      %swap3A_223 = arith.index_cast %add3A_222 : i32 to index
      %swap3A_224 = tpu.vector_load %arg13[%swap3A_223] {strides = array<i32>} : memref<40192xf32, #tpu.memory_space<vmem>>, vector<16xf32>,
      tpu.vector_store %arg13[%swap3A_223], %broadcast_in_dim3A_218 {strides = array<i32>} : memref<40192xf32, #tpu.memory_space<vmem>>, vector<16xf32>,
      %broadcast_in_dim3A_225 = arith.constant 0.000000e+00 : f32
      %broadcast_in_dim3A_226 = vector.broadcast %broadcast_in_dim3A_225 : f32 to vector<16xf32>
      %mul3A_227 = arith.constant 256 : i32
      %mul3A_228 = arith.muli %scan3A_106, %mul3A_227 : i32
      %add3A_229 = arith.constant 112 : i32
      %add3A_230 = arith.addi %mul3A_228, %add3A_229 : i32
      %swap3A_231 = arith.index_cast %add3A_230 : i32 to index
      %swap3A_232 = tpu.vector_load %arg14[%swap3A_231] {strides = array<i32>} : memref<40192xf32, #tpu.memory_space<vmem>>, vector<16xf32>,
      tpu.vector_store %arg14[%swap3A_231], %broadcast_in_dim3A_226 {strides = array<i32>} : memref<40192xf32, #tpu.memory_space<vmem>>, vector<16xf32>,
      %broadcast_in_dim3A_233 = arith.constant -3.000000e+38 : f32
      %broadcast_in_dim3A_234 = vector.broadcast %broadcast_in_dim3A_233 : f32 to vector<16xf32>
      %mul3A_235 = arith.constant 256 : i32
      %mul3A_236 = arith.muli %scan3A_106, %mul3A_235 : i32
      %add3A_237 = arith.constant 128 : i32
      %add3A_238 = arith.addi %mul3A_236, %add3A_237 : i32
      %swap3A_239 = arith.index_cast %add3A_238 : i32 to index
      %swap3A_240 = tpu.vector_load %arg13[%swap3A_239] {strides = array<i32>} : memref<40192xf32, #tpu.memory_space<vmem>>, vector<16xf32>,
      tpu.vector_store %arg13[%swap3A_239], %broadcast_in_dim3A_234 {strides = array<i32>} : memref<40192xf32, #tpu.memory_space<vmem>>, vector<16xf32>,
      %broadcast_in_dim3A_241 = arith.constant 0.000000e+00 : f32
      %broadcast_in_dim3A_242 = vector.broadcast %broadcast_in_dim3A_241 : f32 to vector<16xf32>
      %mul3A_243 = arith.constant 256 : i32
      %mul3A_244 = arith.muli %scan3A_106, %mul3A_243 : i32
      %add3A_245 = arith.constant 128 : i32
      %add3A_246 = arith.addi %mul3A_244, %add3A_245 : i32
      %swap3A_247 = arith.index_cast %add3A_246 : i32 to index
      %swap3A_248 = tpu.vector_load %arg14[%swap3A_247] {strides = array<i32>} : memref<40192xf32, #tpu.memory_space<vmem>>, vector<16xf32>,
      tpu.vector_store %arg14[%swap3A_247], %broadcast_in_dim3A_242 {strides = array<i32>} : memref<40192xf32, #tpu.memory_space<vmem>>, vector<16xf32>,
      %broadcast_in_dim3A_249 = arith.constant -3.000000e+38 : f32
      %broadcast_in_dim3A_250 = vector.broadcast %broadcast_in_dim3A_249 : f32 to vector<16xf32>
      %mul3A_251 = arith.constant 256 : i32
      %mul3A_252 = arith.muli %scan3A_106, %mul3A_251 : i32
      %add3A_253 = arith.constant 144 : i32
      %add3A_254 = arith.addi %mul3A_252, %add3A_253 : i32
      %swap3A_255 = arith.index_cast %add3A_254 : i32 to index
      %swap3A_256 = tpu.vector_load %arg13[%swap3A_255] {strides = array<i32>} : memref<40192xf32, #tpu.memory_space<vmem>>, vector<16xf32>,
      tpu.vector_store %arg13[%swap3A_255], %broadcast_in_dim3A_250 {strides = array<i32>} : memref<40192xf32, #tpu.memory_space<vmem>>, vector<16xf32>,
      %broadcast_in_dim3A_257 = arith.constant 0.000000e+00 : f32
      %broadcast_in_dim3A_258 = vector.broadcast %broadcast_in_dim3A_257 : f32 to vector<16xf32>
      %mul3A_259 = arith.constant 256 : i32
      %mul3A_260 = arith.muli %scan3A_106, %mul3A_259 : i32
      %add3A_261 = arith.constant 144 : i32
      %add3A_262 = arith.addi %mul3A_260, %add3A_261 : i32
      %swap3A_263 = arith.index_cast %add3A_262 : i32 to index
      %swap3A_264 = tpu.vector_load %arg14[%swap3A_263] {strides = array<i32>} : memref<40192xf32, #tpu.memory_space<vmem>>, vector<16xf32>,
      tpu.vector_store %arg14[%swap3A_263], %broadcast_in_dim3A_258 {strides = array<i32>} : memref<40192xf32, #tpu.memory_space<vmem>>, vector<16xf32>,
      %broadcast_in_dim3A_265 = arith.constant -3.000000e+38 : f32
      %broadcast_in_dim3A_266 = vector.broadcast %broadcast_in_dim3A_265 : f32 to vector<16xf32>
      %mul3A_267 = arith.constant 256 : i32
      %mul3A_268 = arith.muli %scan3A_106, %mul3A_267 : i32
      %add3A_269 = arith.constant 160 : i32
      %add3A_270 = arith.addi %mul3A_268, %add3A_269 : i32
      %swap3A_271 = arith.index_cast %add3A_270 : i32 to index
      %swap3A_272 = tpu.vector_load %arg13[%swap3A_271] {strides = array<i32>} : memref<40192xf32, #tpu.memory_space<vmem>>, vector<16xf32>,
      tpu.vector_store %arg13[%swap3A_271], %broadcast_in_dim3A_266 {strides = array<i32>} : memref<40192xf32, #tpu.memory_space<vmem>>, vector<16xf32>,
      %broadcast_in_dim3A_273 = arith.constant 0.000000e+00 : f32
      %broadcast_in_dim3A_274 = vector.broadcast %broadcast_in_dim3A_273 : f32 to vector<16xf32>
      %mul3A_275 = arith.constant 256 : i32
      %mul3A_276 = arith.muli %scan3A_106, %mul3A_275 : i32
      %add3A_277 = arith.constant 160 : i32
      %add3A_278 = arith.addi %mul3A_276, %add3A_277 : i32
      %swap3A_279 = arith.index_cast %add3A_278 : i32 to index
      %swap3A_280 = tpu.vector_load %arg14[%swap3A_279] {strides = array<i32>} : memref<40192xf32, #tpu.memory_space<vmem>>, vector<16xf32>,
      tpu.vector_store %arg14[%swap3A_279], %broadcast_in_dim3A_274 {strides = array<i32>} : memref<40192xf32, #tpu.memory_space<vmem>>, vector<16xf32>,
      %broadcast_in_dim3A_281 = arith.constant -3.000000e+38 : f32
      %broadcast_in_dim3A_282 = vector.broadcast %broadcast_in_dim3A_281 : f32 to vector<16xf32>
      %mul3A_283 = arith.constant 256 : i32
      %mul3A_284 = arith.muli %scan3A_106, %mul3A_283 : i32
      %add3A_285 = arith.constant 176 : i32
      %add3A_286 = arith.addi %mul3A_284, %add3A_285 : i32
      %swap3A_287 = arith.index_cast %add3A_286 : i32 to index
      %swap3A_288 = tpu.vector_load %arg13[%swap3A_287] {strides = array<i32>} : memref<40192xf32, #tpu.memory_space<vmem>>, vector<16xf32>,
      tpu.vector_store %arg13[%swap3A_287], %broadcast_in_dim3A_282 {strides = array<i32>} : memref<40192xf32, #tpu.memory_space<vmem>>, vector<16xf32>,
      %broadcast_in_dim3A_289 = arith.constant 0.000000e+00 : f32
      %broadcast_in_dim3A_290 = vector.broadcast %broadcast_in_dim3A_289 : f32 to vector<16xf32>
      %mul3A_291 = arith.constant 256 : i32
      %mul3A_292 = arith.muli %scan3A_106, %mul3A_291 : i32
      %add3A_293 = arith.constant 176 : i32
      %add3A_294 = arith.addi %mul3A_292, %add3A_293 : i32
      %swap3A_295 = arith.index_cast %add3A_294 : i32 to index
      %swap3A_296 = tpu.vector_load %arg14[%swap3A_295] {strides = array<i32>} : memref<40192xf32, #tpu.memory_space<vmem>>, vector<16xf32>,
      tpu.vector_store %arg14[%swap3A_295], %broadcast_in_dim3A_290 {strides = array<i32>} : memref<40192xf32, #tpu.memory_space<vmem>>, vector<16xf32>,
      %broadcast_in_dim3A_297 = arith.constant -3.000000e+38 : f32
      %broadcast_in_dim3A_298 = vector.broadcast %broadcast_in_dim3A_297 : f32 to vector<16xf32>
      %mul3A_299 = arith.constant 256 : i32
      %mul3A_300 = arith.muli %scan3A_106, %mul3A_299 : i32
      %add3A_301 = arith.constant 192 : i32
      %add3A_302 = arith.addi %mul3A_300, %add3A_301 : i32
      %swap3A_303 = arith.index_cast %add3A_302 : i32 to index
      %swap3A_304 = tpu.vector_load %arg13[%swap3A_303] {strides = array<i32>} : memref<40192xf32, #tpu.memory_space<vmem>>, vector<16xf32>,
      tpu.vector_store %arg13[%swap3A_303], %broadcast_in_dim3A_298 {strides = array<i32>} : memref<40192xf32, #tpu.memory_space<vmem>>, vector<16xf32>,
      %broadcast_in_dim3A_305 = arith.constant 0.000000e+00 : f32
      %broadcast_in_dim3A_306 = vector.broadcast %broadcast_in_dim3A_305 : f32 to vector<16xf32>
      %mul3A_307 = arith.constant 256 : i32
      %mul3A_308 = arith.muli %scan3A_106, %mul3A_307 : i32
      %add3A_309 = arith.constant 192 : i32
      %add3A_310 = arith.addi %mul3A_308, %add3A_309 : i32
      %swap3A_311 = arith.index_cast %add3A_310 : i32 to index
      %swap3A_312 = tpu.vector_load %arg14[%swap3A_311] {strides = array<i32>} : memref<40192xf32, #tpu.memory_space<vmem>>, vector<16xf32>,
      tpu.vector_store %arg14[%swap3A_311], %broadcast_in_dim3A_306 {strides = array<i32>} : memref<40192xf32, #tpu.memory_space<vmem>>, vector<16xf32>,
      %broadcast_in_dim3A_313 = arith.constant -3.000000e+38 : f32
      %broadcast_in_dim3A_314 = vector.broadcast %broadcast_in_dim3A_313 : f32 to vector<16xf32>
      %mul3A_315 = arith.constant 256 : i32
      %mul3A_316 = arith.muli %scan3A_106, %mul3A_315 : i32
      %add3A_317 = arith.constant 208 : i32
      %add3A_318 = arith.addi %mul3A_316, %add3A_317 : i32
      %swap3A_319 = arith.index_cast %add3A_318 : i32 to index
      %swap3A_320 = tpu.vector_load %arg13[%swap3A_319] {strides = array<i32>} : memref<40192xf32, #tpu.memory_space<vmem>>, vector<16xf32>,
      tpu.vector_store %arg13[%swap3A_319], %broadcast_in_dim3A_314 {strides = array<i32>} : memref<40192xf32, #tpu.memory_space<vmem>>, vector<16xf32>,
      %broadcast_in_dim3A_321 = arith.constant 0.000000e+00 : f32
      %broadcast_in_dim3A_322 = vector.broadcast %broadcast_in_dim3A_321 : f32 to vector<16xf32>
      %mul3A_323 = arith.constant 256 : i32
      %mul3A_324 = arith.muli %scan3A_106, %mul3A_323 : i32
      %add3A_325 = arith.constant 208 : i32
      %add3A_326 = arith.addi %mul3A_324, %add3A_325 : i32
      %swap3A_327 = arith.index_cast %add3A_326 : i32 to index
      %swap3A_328 = tpu.vector_load %arg14[%swap3A_327] {strides = array<i32>} : memref<40192xf32, #tpu.memory_space<vmem>>, vector<16xf32>,
      tpu.vector_store %arg14[%swap3A_327], %broadcast_in_dim3A_322 {strides = array<i32>} : memref<40192xf32, #tpu.memory_space<vmem>>, vector<16xf32>,
      %broadcast_in_dim3A_329 = arith.constant -3.000000e+38 : f32
      %broadcast_in_dim3A_330 = vector.broadcast %broadcast_in_dim3A_329 : f32 to vector<16xf32>
      %mul3A_331 = arith.constant 256 : i32
      %mul3A_332 = arith.muli %scan3A_106, %mul3A_331 : i32
      %add3A_333 = arith.constant 224 : i32
      %add3A_334 = arith.addi %mul3A_332, %add3A_333 : i32
      %swap3A_335 = arith.index_cast %add3A_334 : i32 to index
      %swap3A_336 = tpu.vector_load %arg13[%swap3A_335] {strides = array<i32>} : memref<40192xf32, #tpu.memory_space<vmem>>, vector<16xf32>,
      tpu.vector_store %arg13[%swap3A_335], %broadcast_in_dim3A_330 {strides = array<i32>} : memref<40192xf32, #tpu.memory_space<vmem>>, vector<16xf32>,
      %broadcast_in_dim3A_337 = arith.constant 0.000000e+00 : f32
      %broadcast_in_dim3A_338 = vector.broadcast %broadcast_in_dim3A_337 : f32 to vector<16xf32>
      %mul3A_339 = arith.constant 256 : i32
      %mul3A_340 = arith.muli %scan3A_106, %mul3A_339 : i32
      %add3A_341 = arith.constant 224 : i32
      %add3A_342 = arith.addi %mul3A_340, %add3A_341 : i32
      %swap3A_343 = arith.index_cast %add3A_342 : i32 to index
      %swap3A_344 = tpu.vector_load %arg14[%swap3A_343] {strides = array<i32>} : memref<40192xf32, #tpu.memory_space<vmem>>, vector<16xf32>,
      tpu.vector_store %arg14[%swap3A_343], %broadcast_in_dim3A_338 {strides = array<i32>} : memref<40192xf32, #tpu.memory_space<vmem>>, vector<16xf32>,
      %broadcast_in_dim3A_345 = arith.constant -3.000000e+38 : f32
      %broadcast_in_dim3A_346 = vector.broadcast %broadcast_in_dim3A_345 : f32 to vector<16xf32>
      %mul3A_347 = arith.constant 256 : i32
      %mul3A_348 = arith.muli %scan3A_106, %mul3A_347 : i32
      %add3A_349 = arith.constant 240 : i32
      %add3A_350 = arith.addi %mul3A_348, %add3A_349 : i32
      %swap3A_351 = arith.index_cast %add3A_350 : i32 to index
      %swap3A_352 = tpu.vector_load %arg13[%swap3A_351] {strides = array<i32>} : memref<40192xf32, #tpu.memory_space<vmem>>, vector<16xf32>,
      tpu.vector_store %arg13[%swap3A_351], %broadcast_in_dim3A_346 {strides = array<i32>} : memref<40192xf32, #tpu.memory_space<vmem>>, vector<16xf32>,
      %broadcast_in_dim3A_353 = arith.constant 0.000000e+00 : f32
      %broadcast_in_dim3A_354 = vector.broadcast %broadcast_in_dim3A_353 : f32 to vector<16xf32>
      %mul3A_355 = arith.constant 256 : i32
      %mul3A_356 = arith.muli %scan3A_106, %mul3A_355 : i32
      %add3A_357 = arith.constant 240 : i32
      %add3A_358 = arith.addi %mul3A_356, %add3A_357 : i32
      %swap3A_359 = arith.index_cast %add3A_358 : i32 to index
      %swap3A_360 = tpu.vector_load %arg14[%swap3A_359] {strides = array<i32>} : memref<40192xf32, #tpu.memory_space<vmem>>, vector<16xf32>,
      tpu.vector_store %arg14[%swap3A_359], %broadcast_in_dim3A_354 {strides = array<i32>} : memref<40192xf32, #tpu.memory_space<vmem>>, vector<16xf32>,
    }
    %scan3A_68 = arith.constant 157 : i32
    %add3A_69 = arith.constant 64 : i32
    %add3A_70 = arith.addi %add3A_26, %add3A_69 : i32
    %sub3A_71 = arith.constant 1 : i32
    %sub3A_72 = arith.subi %add3A_70, %sub3A_71 : i32
    %jit3A_73 = arith.constant 64 : i32
    %div3A_74 = arith.divsi %sub3A_72, %jit3A_73 : i32
    %sign3A_75 = arith.constant 0 : i32
    %sign3A_76 = arith.cmpi sgt, %sub3A_72, %sign3A_75 : i32
    %sign3A_77 = arith.extui %sign3A_76 : i1 to i32
    %sign3A_78 = arith.constant 0 : i32
    %sign3A_79 = arith.cmpi slt, %sub3A_72, %sign3A_78 : i32
    %sign3A_80 = arith.extui %sign3A_79 : i1 to i32
    %sign3A_81 = arith.subi %sign3A_77, %sign3A_80 : i32
    %sign3A_82 = arith.constant 0 : i32
    %sign3A_83 = arith.cmpi sgt, %jit3A_73, %sign3A_82 : i32
    %sign3A_84 = arith.extui %sign3A_83 : i1 to i32
    %sign3A_85 = arith.constant 0 : i32
    %sign3A_86 = arith.cmpi slt, %jit3A_73, %sign3A_85 : i32
    %sign3A_87 = arith.extui %sign3A_86 : i1 to i32
    %sign3A_88 = arith.subi %sign3A_84, %sign3A_87 : i32
    %ne3A_89 = arith.cmpi ne, %sign3A_81, %sign3A_88 : i32
    %rem3A_90 = arith.remsi %sub3A_72, %jit3A_73 : i32
    %ne3A_91 = arith.constant 0 : i32
    %ne3A_92 = arith.cmpi ne, %rem3A_90, %ne3A_91 : i32
    %and3A_93 = arith.andi %ne3A_89, %ne3A_92 : i1
    %sub3A_94 = arith.constant 1 : i32
    %sub3A_95 = arith.subi %div3A_74, %sub3A_94 : i32
    %select_n3A_96 = arith.select %and3A_93, %sub3A_95, %div3A_74 : i32
    %while3A_97 = arith.constant 0 : i32
    "tpu.trace_start"() <{level = 10 : i32, message = "phaseA"}> : () -> ()
    %while3A_98 = arith.subi %select_n3A_96, %while3A_97 : i32
    %while3A_99 = arith.addi %while3A_97, %while3A_98 : i32
    %while3A_100 = arith.constant 1 : i32
    %while3A_101 = arith.divsi %while3A_98, %while3A_100 : i32
    %while3A_102 = arith.muli %while3A_101, %while3A_100 : i32
    %while3A_103 = arith.addi %while3A_97, %while3A_102 : i32
    %while3A_104 = arith.constant 1 : i32
    scf.for %while3A_106 = %while3A_97 to %while3A_103 step %while3A_104  : i32 {
      %mul3A_107 = arith.constant 64 : i32
      %mul3A_108 = arith.muli %while3A_106, %mul3A_107 : i32
      %mul3A_109 = arith.constant 320064 : i32
      %mul3A_110 = arith.muli %add3A_63, %mul3A_109 : i32
      %add3A_111 = arith.addi %mul3A_110, %mul3A_108 : i32
      %multiple_of3A_112 = tpu.assume_multiple %add3A_111, 64 : i32
      "tpu.region"() ({
        %run_scoped3A = tpu.sem_alloc : memref<!tpu.dma_semaphore, #tpu.memory_space<semaphore_mem>>
        %dma_start3A_189 = arith.constant 0 : i32
        %dma_start3A_190 = tpu.memref_slice %arg9[%dma_start3A_189] : memref<80xi32, #tpu.memory_space<vmem>> -> memref<64xi32, #tpu.memory_space<vmem>>
        %dma_start3A_191 = tpu.memref_slice %arg5[%multiple_of3A_112] : memref<20484096xi32, #tpu.memory_space<hbm>> -> memref<64xi32, #tpu.memory_space<hbm>>
        %dma_start3A_192 = arith.constant 0 : i32
        %dma_start3A_193 = tpu.memref_slice %arg9[%dma_start3A_192] : memref<80xi32, #tpu.memory_space<vmem>> -> memref<64xi32, #tpu.memory_space<vmem>>
        %dma_start3A_194 = tpu.memref_slice %arg5[%multiple_of3A_112] : memref<20484096xi32, #tpu.memory_space<hbm>> -> memref<64xi32, #tpu.memory_space<hbm>>
        tpu.enqueue_dma source(%dma_start3A_194 : memref<64xi32, #tpu.memory_space<hbm>>) target(%dma_start3A_193 : memref<64xi32, #tpu.memory_space<vmem>>) target_semaphore(%run_scoped3A : memref<!tpu.dma_semaphore, #tpu.memory_space<semaphore_mem>>)
        %dma_wait3A_195 = arith.constant 0 : i32
        %dma_wait3A_196 = tpu.memref_slice %arg9[%dma_wait3A_195] : memref<80xi32, #tpu.memory_space<vmem>> -> memref<64xi32, #tpu.memory_space<vmem>>
        %dma_wait3A_197 = tpu.memref_slice %arg5[%multiple_of3A_112] : memref<20484096xi32, #tpu.memory_space<hbm>> -> memref<64xi32, #tpu.memory_space<hbm>>
        %dma_wait3A_198 = arith.constant 0 : i32
        %dma_wait3A_199 = tpu.memref_slice %arg9[%dma_wait3A_198] : memref<80xi32, #tpu.memory_space<vmem>> -> memref<64xi32, #tpu.memory_space<vmem>>
        %dma_wait3A_200 = tpu.memref_slice %arg5[%multiple_of3A_112] : memref<20484096xi32, #tpu.memory_space<hbm>> -> memref<64xi32, #tpu.memory_space<hbm>>
        tpu.wait_dma2 semaphore(%run_scoped3A : memref<!tpu.dma_semaphore, #tpu.memory_space<semaphore_mem>>) src(%dma_wait3A_200 : memref<64xi32, #tpu.memory_space<hbm>>) dst(%dma_wait3A_199 : memref<64xi32, #tpu.memory_space<vmem>>)
        tpu.yield
      }) : () -> ()
      %sub3A_113 = arith.subi %add3A_26, %mul3A_108 : i32
      %get3A = arith.constant 0 : index
      %get3A_114 = tpu.vector_load %arg9[%get3A] {strides = array<i32>} : memref<80xi32, #tpu.memory_space<vmem>>, vector<16xi32>,
      %and3A_115 = arith.constant 524287 : i32
      %and3A_116 = vector.broadcast %and3A_115 : i32 to vector<16xi32>
      %and3A_117 = arith.andi %get3A_114, %and3A_116 : vector<16xi32>
      %add3A_118 = arith.constant 0 : i32
      %add3A_119 = vector.broadcast %add3A_118 : i32 to vector<16xi32>
      %add3A_120 = arith.addi %add3A_119, %iota3A : vector<16xi32>
      %lt3A = vector.broadcast %sub3A_113 : i32 to vector<16xi32>
      %lt3A_121 = arith.cmpi slt, %add3A_120, %lt3A : vector<16xi32>
      %add3A_122 = arith.constant 320000 : i32
      %add3A_123 = vector.broadcast %add3A_122 : i32 to vector<16xi32>
      %add3A_124 = arith.addi %add3A_123, %iota3A : vector<16xi32>
      %select_n3A_125 = arith.select %lt3A_121, %and3A_117, %add3A_124 : vector<16xi1>, vector<16xi32>
      %swap3A = arith.constant 0 : index
      %swap3A_126 = tpu.vector_load %arg10[%swap3A] {strides = array<i32>} : memref<64xi32, #tpu.memory_space<vmem>>, vector<16xi32>,
      tpu.vector_store %arg10[%swap3A], %select_n3A_125 {strides = array<i32>} : memref<64xi32, #tpu.memory_space<vmem>>, vector<16xi32>,
      %get3A_127 = arith.constant 16 : index
      %get3A_128 = tpu.vector_load %arg9[%get3A_127] {strides = array<i32>} : memref<80xi32, #tpu.memory_space<vmem>>, vector<16xi32>,
      %and3A_129 = arith.constant 524287 : i32
      %and3A_130 = vector.broadcast %and3A_129 : i32 to vector<16xi32>
      %and3A_131 = arith.andi %get3A_128, %and3A_130 : vector<16xi32>
      %add3A_132 = arith.constant 16 : i32
      %add3A_133 = vector.broadcast %add3A_132 : i32 to vector<16xi32>
      %add3A_134 = arith.addi %add3A_133, %iota3A : vector<16xi32>
      %lt3A_135 = vector.broadcast %sub3A_113 : i32 to vector<16xi32>
      %lt3A_136 = arith.cmpi slt, %add3A_134, %lt3A_135 : vector<16xi32>
      %add3A_137 = arith.constant 320016 : i32
      %add3A_138 = vector.broadcast %add3A_137 : i32 to vector<16xi32>
      %add3A_139 = arith.addi %add3A_138, %iota3A : vector<16xi32>
      %select_n3A_140 = arith.select %lt3A_136, %and3A_131, %add3A_139 : vector<16xi1>, vector<16xi32>
      %swap3A_141 = arith.constant 16 : index
      %swap3A_142 = tpu.vector_load %arg10[%swap3A_141] {strides = array<i32>} : memref<64xi32, #tpu.memory_space<vmem>>, vector<16xi32>,
      tpu.vector_store %arg10[%swap3A_141], %select_n3A_140 {strides = array<i32>} : memref<64xi32, #tpu.memory_space<vmem>>, vector<16xi32>,
      %get3A_143 = arith.constant 32 : index
      %get3A_144 = tpu.vector_load %arg9[%get3A_143] {strides = array<i32>} : memref<80xi32, #tpu.memory_space<vmem>>, vector<16xi32>,
      %and3A_145 = arith.constant 524287 : i32
      %and3A_146 = vector.broadcast %and3A_145 : i32 to vector<16xi32>
      %and3A_147 = arith.andi %get3A_144, %and3A_146 : vector<16xi32>
      %add3A_148 = arith.constant 32 : i32
      %add3A_149 = vector.broadcast %add3A_148 : i32 to vector<16xi32>
      %add3A_150 = arith.addi %add3A_149, %iota3A : vector<16xi32>
      %lt3A_151 = vector.broadcast %sub3A_113 : i32 to vector<16xi32>
      %lt3A_152 = arith.cmpi slt, %add3A_150, %lt3A_151 : vector<16xi32>
      %add3A_153 = arith.constant 320032 : i32
      %add3A_154 = vector.broadcast %add3A_153 : i32 to vector<16xi32>
      %add3A_155 = arith.addi %add3A_154, %iota3A : vector<16xi32>
      %select_n3A_156 = arith.select %lt3A_152, %and3A_147, %add3A_155 : vector<16xi1>, vector<16xi32>
      %swap3A_157 = arith.constant 32 : index
      %swap3A_158 = tpu.vector_load %arg10[%swap3A_157] {strides = array<i32>} : memref<64xi32, #tpu.memory_space<vmem>>, vector<16xi32>,
      tpu.vector_store %arg10[%swap3A_157], %select_n3A_156 {strides = array<i32>} : memref<64xi32, #tpu.memory_space<vmem>>, vector<16xi32>,
      %get3A_159 = arith.constant 48 : index
      %get3A_160 = tpu.vector_load %arg9[%get3A_159] {strides = array<i32>} : memref<80xi32, #tpu.memory_space<vmem>>, vector<16xi32>,
      %and3A_161 = arith.constant 524287 : i32
      %and3A_162 = vector.broadcast %and3A_161 : i32 to vector<16xi32>
      %and3A_163 = arith.andi %get3A_160, %and3A_162 : vector<16xi32>
      %add3A_164 = arith.constant 48 : i32
      %add3A_165 = vector.broadcast %add3A_164 : i32 to vector<16xi32>
      %add3A_166 = arith.addi %add3A_165, %iota3A : vector<16xi32>
      %lt3A_167 = vector.broadcast %sub3A_113 : i32 to vector<16xi32>
      %lt3A_168 = arith.cmpi slt, %add3A_166, %lt3A_167 : vector<16xi32>
      %add3A_169 = arith.constant 320048 : i32
      %add3A_170 = vector.broadcast %add3A_169 : i32 to vector<16xi32>
      %add3A_171 = arith.addi %add3A_170, %iota3A : vector<16xi32>
      %select_n3A_172 = arith.select %lt3A_168, %and3A_163, %add3A_171 : vector<16xi1>, vector<16xi32>
      %swap3A_173 = arith.constant 48 : index
      %swap3A_174 = tpu.vector_load %arg10[%swap3A_173] {strides = array<i32>} : memref<64xi32, #tpu.memory_space<vmem>>, vector<16xi32>,
      tpu.vector_store %arg10[%swap3A_173], %select_n3A_172 {strides = array<i32>} : memref<64xi32, #tpu.memory_space<vmem>>, vector<16xi32>,
      %dma_start3A = arith.constant 0 : i32
      %dma_start3A_175 = arith.constant 0 : i32
      %dma_start3A_176 = tpu.memref_slice %arg3[%dma_start3A, %dma_start3A_175] : memref<320000x256xf32, #tpu.memory_space<hbm>> -> memref<320000x256xf32, #tpu.memory_space<hbm>>
      tpu.enqueue_indirect_dma source(%dma_start3A_176 : memref<320000x256xf32, #tpu.memory_space<hbm>>) target(%arg11 : memref<64x256xf32, #tpu.memory_space<vmem>>) offsets(%arg10 : memref<64xi32, #tpu.memory_space<vmem>>) semaphore(%arg16 : memref<!tpu.dma_semaphore, #tpu.memory_space<semaphore_mem>>)
      %dma_wait3A = arith.constant 0 : i32
      %dma_wait3A_177 = arith.constant 0 : i32
      %dma_wait3A_178 = tpu.memref_slice %arg3[%dma_wait3A, %dma_wait3A_177] : memref<320000x256xf32, #tpu.memory_space<hbm>> -> memref<320000x256xf32, #tpu.memory_space<hbm>>
      tpu.wait_indirect_dma semaphore(%arg16 : memref<!tpu.dma_semaphore, #tpu.memory_space<semaphore_mem>>) src(%dma_wait3A_178 : memref<320000x256xf32, #tpu.memory_space<hbm>>) dst(%arg11 : memref<64x256xf32, #tpu.memory_space<vmem>>)
      %min3A = arith.constant 64 : i32
      %min3A_179 = arith.minsi %sub3A_113, %min3A : i32
      %while3A_180 = arith.constant 0 : i32
      %while3A_181 = arith.subi %min3A_179, %while3A_180 : i32
      %while3A_182 = arith.addi %while3A_180, %while3A_181 : i32
      %while3A_183 = arith.constant 1 : i32
      %while3A_184 = arith.divsi %while3A_181, %while3A_183 : i32
      %while3A_185 = arith.muli %while3A_184, %while3A_183 : i32
      %while3A_186 = arith.addi %while3A_180, %while3A_185 : i32
      %while3A_187 = arith.constant 1 : i32
      scf.for %while3A_189 = %while3A_180 to %while3A_186 step %while3A_187  : i32 {
        %get3A_190 = arith.index_cast %while3A_189 : i32 to index
        %get3A_191 = tpu.vector_load %arg9[%get3A_190] {strides = array<i32>} : memref<80xi32, #tpu.memory_space<vmem>>, vector<16xi32>,
        %slice3A = vector.extract_strided_slice %get3A_191 {offsets = [0], sizes = [1], strides = [1]} : vector<16xi32> to vector<1xi32>
        %squeeze3A = vector.extract %slice3A[0] : i32 from vector<1xi32>
        %shift_right_arithmetic3A = arith.constant 19 : i32
        %shift_right_arithmetic3A_192 = arith.shrsi %squeeze3A, %shift_right_arithmetic3A : i32
        %mul3A_193 = arith.constant 256 : i32
        %mul3A_194 = arith.muli %shift_right_arithmetic3A_192, %mul3A_193 : i32
        %get3A_195 = arith.index_cast %while3A_189 : i32 to index
        %get3A_196 = arith.constant 0 : index
        %get3A_197 = tpu.vector_load %arg11[%get3A_195, %get3A_196] {strides = array<i32>} : memref<64x256xf32, #tpu.memory_space<vmem>>, vector<16xf32>,
        %add3A_198 = arith.constant 0 : i32
        %add3A_199 = arith.addi %mul3A_194, %add3A_198 : i32
        %get3A_200 = arith.index_cast %add3A_199 : i32 to index
        %get3A_201 = tpu.vector_load %arg13[%get3A_200] {strides = array<i32>} : memref<40192xf32, #tpu.memory_space<vmem>>, vector<16xf32>,
        %add3A_202 = arith.constant 0 : i32
        %add3A_203 = arith.addi %mul3A_194, %add3A_202 : i32
        %get3A_204 = arith.index_cast %add3A_203 : i32 to index
        %get3A_205 = tpu.vector_load %arg14[%get3A_204] {strides = array<i32>} : memref<40192xf32, #tpu.memory_space<vmem>>, vector<16xf32>,
        %max3A = arith.maximumf %get3A_201, %get3A_197 : vector<16xf32>
        %sub3A_206 = arith.subf %get3A_201, %max3A : vector<16xf32>
        %exp3A = math.exp %sub3A_206 : vector<16xf32>
        %mul3A_207 = arith.mulf %get3A_205, %exp3A : vector<16xf32>
        %sub3A_208 = arith.subf %get3A_197, %max3A : vector<16xf32>
        %exp3A_209 = math.exp %sub3A_208 : vector<16xf32>
        %add3A_210 = arith.addf %mul3A_207, %exp3A_209 : vector<16xf32>
        %add3A_211 = arith.constant 0 : i32
        %add3A_212 = arith.addi %mul3A_194, %add3A_211 : i32
        %swap3A_213 = arith.index_cast %add3A_212 : i32 to index
        %swap3A_214 = tpu.vector_load %arg13[%swap3A_213] {strides = array<i32>} : memref<40192xf32, #tpu.memory_space<vmem>>, vector<16xf32>,
        tpu.vector_store %arg13[%swap3A_213], %max3A {strides = array<i32>} : memref<40192xf32, #tpu.memory_space<vmem>>, vector<16xf32>,
        %add3A_215 = arith.constant 0 : i32
        %add3A_216 = arith.addi %mul3A_194, %add3A_215 : i32
        %swap3A_217 = arith.index_cast %add3A_216 : i32 to index
        %swap3A_218 = tpu.vector_load %arg14[%swap3A_217] {strides = array<i32>} : memref<40192xf32, #tpu.memory_space<vmem>>, vector<16xf32>,
        tpu.vector_store %arg14[%swap3A_217], %add3A_210 {strides = array<i32>} : memref<40192xf32, #tpu.memory_space<vmem>>, vector<16xf32>,
        %get3A_219 = arith.index_cast %while3A_189 : i32 to index
        %get3A_220 = arith.constant 16 : index
        %get3A_221 = tpu.vector_load %arg11[%get3A_219, %get3A_220] {strides = array<i32>} : memref<64x256xf32, #tpu.memory_space<vmem>>, vector<16xf32>,
        %add3A_222 = arith.constant 16 : i32
        %add3A_223 = arith.addi %mul3A_194, %add3A_222 : i32
        %get3A_224 = arith.index_cast %add3A_223 : i32 to index
        %get3A_225 = tpu.vector_load %arg13[%get3A_224] {strides = array<i32>} : memref<40192xf32, #tpu.memory_space<vmem>>, vector<16xf32>,
        %add3A_226 = arith.constant 16 : i32
        %add3A_227 = arith.addi %mul3A_194, %add3A_226 : i32
        %get3A_228 = arith.index_cast %add3A_227 : i32 to index
        %get3A_229 = tpu.vector_load %arg14[%get3A_228] {strides = array<i32>} : memref<40192xf32, #tpu.memory_space<vmem>>, vector<16xf32>,
        %max3A_230 = arith.maximumf %get3A_225, %get3A_221 : vector<16xf32>
        %sub3A_231 = arith.subf %get3A_225, %max3A_230 : vector<16xf32>
        %exp3A_232 = math.exp %sub3A_231 : vector<16xf32>
        %mul3A_233 = arith.mulf %get3A_229, %exp3A_232 : vector<16xf32>
        %sub3A_234 = arith.subf %get3A_221, %max3A_230 : vector<16xf32>
        %exp3A_235 = math.exp %sub3A_234 : vector<16xf32>
        %add3A_236 = arith.addf %mul3A_233, %exp3A_235 : vector<16xf32>
        %add3A_237 = arith.constant 16 : i32
        %add3A_238 = arith.addi %mul3A_194, %add3A_237 : i32
        %swap3A_239 = arith.index_cast %add3A_238 : i32 to index
        %swap3A_240 = tpu.vector_load %arg13[%swap3A_239] {strides = array<i32>} : memref<40192xf32, #tpu.memory_space<vmem>>, vector<16xf32>,
        tpu.vector_store %arg13[%swap3A_239], %max3A_230 {strides = array<i32>} : memref<40192xf32, #tpu.memory_space<vmem>>, vector<16xf32>,
        %add3A_241 = arith.constant 16 : i32
        %add3A_242 = arith.addi %mul3A_194, %add3A_241 : i32
        %swap3A_243 = arith.index_cast %add3A_242 : i32 to index
        %swap3A_244 = tpu.vector_load %arg14[%swap3A_243] {strides = array<i32>} : memref<40192xf32, #tpu.memory_space<vmem>>, vector<16xf32>,
        tpu.vector_store %arg14[%swap3A_243], %add3A_236 {strides = array<i32>} : memref<40192xf32, #tpu.memory_space<vmem>>, vector<16xf32>,
        %get3A_245 = arith.index_cast %while3A_189 : i32 to index
        %get3A_246 = arith.constant 32 : index
        %get3A_247 = tpu.vector_load %arg11[%get3A_245, %get3A_246] {strides = array<i32>} : memref<64x256xf32, #tpu.memory_space<vmem>>, vector<16xf32>,
        %add3A_248 = arith.constant 32 : i32
        %add3A_249 = arith.addi %mul3A_194, %add3A_248 : i32
        %get3A_250 = arith.index_cast %add3A_249 : i32 to index
        %get3A_251 = tpu.vector_load %arg13[%get3A_250] {strides = array<i32>} : memref<40192xf32, #tpu.memory_space<vmem>>, vector<16xf32>,
        %add3A_252 = arith.constant 32 : i32
        %add3A_253 = arith.addi %mul3A_194, %add3A_252 : i32
        %get3A_254 = arith.index_cast %add3A_253 : i32 to index
        %get3A_255 = tpu.vector_load %arg14[%get3A_254] {strides = array<i32>} : memref<40192xf32, #tpu.memory_space<vmem>>, vector<16xf32>,
        %max3A_256 = arith.maximumf %get3A_251, %get3A_247 : vector<16xf32>
        %sub3A_257 = arith.subf %get3A_251, %max3A_256 : vector<16xf32>
        %exp3A_258 = math.exp %sub3A_257 : vector<16xf32>
        %mul3A_259 = arith.mulf %get3A_255, %exp3A_258 : vector<16xf32>
        %sub3A_260 = arith.subf %get3A_247, %max3A_256 : vector<16xf32>
        %exp3A_261 = math.exp %sub3A_260 : vector<16xf32>
        %add3A_262 = arith.addf %mul3A_259, %exp3A_261 : vector<16xf32>
        %add3A_263 = arith.constant 32 : i32
        %add3A_264 = arith.addi %mul3A_194, %add3A_263 : i32
        %swap3A_265 = arith.index_cast %add3A_264 : i32 to index
        %swap3A_266 = tpu.vector_load %arg13[%swap3A_265] {strides = array<i32>} : memref<40192xf32, #tpu.memory_space<vmem>>, vector<16xf32>,
        tpu.vector_store %arg13[%swap3A_265], %max3A_256 {strides = array<i32>} : memref<40192xf32, #tpu.memory_space<vmem>>, vector<16xf32>,
        %add3A_267 = arith.constant 32 : i32
        %add3A_268 = arith.addi %mul3A_194, %add3A_267 : i32
        %swap3A_269 = arith.index_cast %add3A_268 : i32 to index
        %swap3A_270 = tpu.vector_load %arg14[%swap3A_269] {strides = array<i32>} : memref<40192xf32, #tpu.memory_space<vmem>>, vector<16xf32>,
        tpu.vector_store %arg14[%swap3A_269], %add3A_262 {strides = array<i32>} : memref<40192xf32, #tpu.memory_space<vmem>>, vector<16xf32>,
        %get3A_271 = arith.index_cast %while3A_189 : i32 to index
        %get3A_272 = arith.constant 48 : index
        %get3A_273 = tpu.vector_load %arg11[%get3A_271, %get3A_272] {strides = array<i32>} : memref<64x256xf32, #tpu.memory_space<vmem>>, vector<16xf32>,
        %add3A_274 = arith.constant 48 : i32
        %add3A_275 = arith.addi %mul3A_194, %add3A_274 : i32
        %get3A_276 = arith.index_cast %add3A_275 : i32 to index
        %get3A_277 = tpu.vector_load %arg13[%get3A_276] {strides = array<i32>} : memref<40192xf32, #tpu.memory_space<vmem>>, vector<16xf32>,
        %add3A_278 = arith.constant 48 : i32
        %add3A_279 = arith.addi %mul3A_194, %add3A_278 : i32
        %get3A_280 = arith.index_cast %add3A_279 : i32 to index
        %get3A_281 = tpu.vector_load %arg14[%get3A_280] {strides = array<i32>} : memref<40192xf32, #tpu.memory_space<vmem>>, vector<16xf32>,
        %max3A_282 = arith.maximumf %get3A_277, %get3A_273 : vector<16xf32>
        %sub3A_283 = arith.subf %get3A_277, %max3A_282 : vector<16xf32>
        %exp3A_284 = math.exp %sub3A_283 : vector<16xf32>
        %mul3A_285 = arith.mulf %get3A_281, %exp3A_284 : vector<16xf32>
        %sub3A_286 = arith.subf %get3A_273, %max3A_282 : vector<16xf32>
        %exp3A_287 = math.exp %sub3A_286 : vector<16xf32>
        %add3A_288 = arith.addf %mul3A_285, %exp3A_287 : vector<16xf32>
        %add3A_289 = arith.constant 48 : i32
        %add3A_290 = arith.addi %mul3A_194, %add3A_289 : i32
        %swap3A_291 = arith.index_cast %add3A_290 : i32 to index
        %swap3A_292 = tpu.vector_load %arg13[%swap3A_291] {strides = array<i32>} : memref<40192xf32, #tpu.memory_space<vmem>>, vector<16xf32>,
        tpu.vector_store %arg13[%swap3A_291], %max3A_282 {strides = array<i32>} : memref<40192xf32, #tpu.memory_space<vmem>>, vector<16xf32>,
        %add3A_293 = arith.constant 48 : i32
        %add3A_294 = arith.addi %mul3A_194, %add3A_293 : i32
        %swap3A_295 = arith.index_cast %add3A_294 : i32 to index
        %swap3A_296 = tpu.vector_load %arg14[%swap3A_295] {strides = array<i32>} : memref<40192xf32, #tpu.memory_space<vmem>>, vector<16xf32>,
        tpu.vector_store %arg14[%swap3A_295], %add3A_288 {strides = array<i32>} : memref<40192xf32, #tpu.memory_space<vmem>>, vector<16xf32>,
        %get3A_297 = arith.index_cast %while3A_189 : i32 to index
        %get3A_298 = arith.constant 64 : index
        %get3A_299 = tpu.vector_load %arg11[%get3A_297, %get3A_298] {strides = array<i32>} : memref<64x256xf32, #tpu.memory_space<vmem>>, vector<16xf32>,
        %add3A_300 = arith.constant 64 : i32
        %add3A_301 = arith.addi %mul3A_194, %add3A_300 : i32
        %get3A_302 = arith.index_cast %add3A_301 : i32 to index
        %get3A_303 = tpu.vector_load %arg13[%get3A_302] {strides = array<i32>} : memref<40192xf32, #tpu.memory_space<vmem>>, vector<16xf32>,
        %add3A_304 = arith.constant 64 : i32
        %add3A_305 = arith.addi %mul3A_194, %add3A_304 : i32
        %get3A_306 = arith.index_cast %add3A_305 : i32 to index
        %get3A_307 = tpu.vector_load %arg14[%get3A_306] {strides = array<i32>} : memref<40192xf32, #tpu.memory_space<vmem>>, vector<16xf32>,
        %max3A_308 = arith.maximumf %get3A_303, %get3A_299 : vector<16xf32>
        %sub3A_309 = arith.subf %get3A_303, %max3A_308 : vector<16xf32>
        %exp3A_310 = math.exp %sub3A_309 : vector<16xf32>
        %mul3A_311 = arith.mulf %get3A_307, %exp3A_310 : vector<16xf32>
        %sub3A_312 = arith.subf %get3A_299, %max3A_308 : vector<16xf32>
        %exp3A_313 = math.exp %sub3A_312 : vector<16xf32>
        %add3A_314 = arith.addf %mul3A_311, %exp3A_313 : vector<16xf32>
        %add3A_315 = arith.constant 64 : i32
        %add3A_316 = arith.addi %mul3A_194, %add3A_315 : i32
        %swap3A_317 = arith.index_cast %add3A_316 : i32 to index
        %swap3A_318 = tpu.vector_load %arg13[%swap3A_317] {strides = array<i32>} : memref<40192xf32, #tpu.memory_space<vmem>>, vector<16xf32>,
        tpu.vector_store %arg13[%swap3A_317], %max3A_308 {strides = array<i32>} : memref<40192xf32, #tpu.memory_space<vmem>>, vector<16xf32>,
        %add3A_319 = arith.constant 64 : i32
        %add3A_320 = arith.addi %mul3A_194, %add3A_319 : i32
        %swap3A_321 = arith.index_cast %add3A_320 : i32 to index
        %swap3A_322 = tpu.vector_load %arg14[%swap3A_321] {strides = array<i32>} : memref<40192xf32, #tpu.memory_space<vmem>>, vector<16xf32>,
        tpu.vector_store %arg14[%swap3A_321], %add3A_314 {strides = array<i32>} : memref<40192xf32, #tpu.memory_space<vmem>>, vector<16xf32>,
        %get3A_323 = arith.index_cast %while3A_189 : i32 to index
        %get3A_324 = arith.constant 80 : index
        %get3A_325 = tpu.vector_load %arg11[%get3A_323, %get3A_324] {strides = array<i32>} : memref<64x256xf32, #tpu.memory_space<vmem>>, vector<16xf32>,
        %add3A_326 = arith.constant 80 : i32
        %add3A_327 = arith.addi %mul3A_194, %add3A_326 : i32
        %get3A_328 = arith.index_cast %add3A_327 : i32 to index
        %get3A_329 = tpu.vector_load %arg13[%get3A_328] {strides = array<i32>} : memref<40192xf32, #tpu.memory_space<vmem>>, vector<16xf32>,
        %add3A_330 = arith.constant 80 : i32
        %add3A_331 = arith.addi %mul3A_194, %add3A_330 : i32
        %get3A_332 = arith.index_cast %add3A_331 : i32 to index
        %get3A_333 = tpu.vector_load %arg14[%get3A_332] {strides = array<i32>} : memref<40192xf32, #tpu.memory_space<vmem>>, vector<16xf32>,
        %max3A_334 = arith.maximumf %get3A_329, %get3A_325 : vector<16xf32>
        %sub3A_335 = arith.subf %get3A_329, %max3A_334 : vector<16xf32>
        %exp3A_336 = math.exp %sub3A_335 : vector<16xf32>
        %mul3A_337 = arith.mulf %get3A_333, %exp3A_336 : vector<16xf32>
        %sub3A_338 = arith.subf %get3A_325, %max3A_334 : vector<16xf32>
        %exp3A_339 = math.exp %sub3A_338 : vector<16xf32>
        %add3A_340 = arith.addf %mul3A_337, %exp3A_339 : vector<16xf32>
        %add3A_341 = arith.constant 80 : i32
        %add3A_342 = arith.addi %mul3A_194, %add3A_341 : i32
        %swap3A_343 = arith.index_cast %add3A_342 : i32 to index
        %swap3A_344 = tpu.vector_load %arg13[%swap3A_343] {strides = array<i32>} : memref<40192xf32, #tpu.memory_space<vmem>>, vector<16xf32>,
        tpu.vector_store %arg13[%swap3A_343], %max3A_334 {strides = array<i32>} : memref<40192xf32, #tpu.memory_space<vmem>>, vector<16xf32>,
        %add3A_345 = arith.constant 80 : i32
        %add3A_346 = arith.addi %mul3A_194, %add3A_345 : i32
        %swap3A_347 = arith.index_cast %add3A_346 : i32 to index
        %swap3A_348 = tpu.vector_load %arg14[%swap3A_347] {strides = array<i32>} : memref<40192xf32, #tpu.memory_space<vmem>>, vector<16xf32>,
        tpu.vector_store %arg14[%swap3A_347], %add3A_340 {strides = array<i32>} : memref<40192xf32, #tpu.memory_space<vmem>>, vector<16xf32>,
        %get3A_349 = arith.index_cast %while3A_189 : i32 to index
        %get3A_350 = arith.constant 96 : index
        %get3A_351 = tpu.vector_load %arg11[%get3A_349, %get3A_350] {strides = array<i32>} : memref<64x256xf32, #tpu.memory_space<vmem>>, vector<16xf32>,
        %add3A_352 = arith.constant 96 : i32
        %add3A_353 = arith.addi %mul3A_194, %add3A_352 : i32
        %get3A_354 = arith.index_cast %add3A_353 : i32 to index
        %get3A_355 = tpu.vector_load %arg13[%get3A_354] {strides = array<i32>} : memref<40192xf32, #tpu.memory_space<vmem>>, vector<16xf32>,
        %add3A_356 = arith.constant 96 : i32
        %add3A_357 = arith.addi %mul3A_194, %add3A_356 : i32
        %get3A_358 = arith.index_cast %add3A_357 : i32 to index
        %get3A_359 = tpu.vector_load %arg14[%get3A_358] {strides = array<i32>} : memref<40192xf32, #tpu.memory_space<vmem>>, vector<16xf32>,
        %max3A_360 = arith.maximumf %get3A_355, %get3A_351 : vector<16xf32>
        %sub3A_361 = arith.subf %get3A_355, %max3A_360 : vector<16xf32>
        %exp3A_362 = math.exp %sub3A_361 : vector<16xf32>
        %mul3A_363 = arith.mulf %get3A_359, %exp3A_362 : vector<16xf32>
        %sub3A_364 = arith.subf %get3A_351, %max3A_360 : vector<16xf32>
        %exp3A_365 = math.exp %sub3A_364 : vector<16xf32>
        %add3A_366 = arith.addf %mul3A_363, %exp3A_365 : vector<16xf32>
        %add3A_367 = arith.constant 96 : i32
        %add3A_368 = arith.addi %mul3A_194, %add3A_367 : i32
        %swap3A_369 = arith.index_cast %add3A_368 : i32 to index
        %swap3A_370 = tpu.vector_load %arg13[%swap3A_369] {strides = array<i32>} : memref<40192xf32, #tpu.memory_space<vmem>>, vector<16xf32>,
        tpu.vector_store %arg13[%swap3A_369], %max3A_360 {strides = array<i32>} : memref<40192xf32, #tpu.memory_space<vmem>>, vector<16xf32>,
        %add3A_371 = arith.constant 96 : i32
        %add3A_372 = arith.addi %mul3A_194, %add3A_371 : i32
        %swap3A_373 = arith.index_cast %add3A_372 : i32 to index
        %swap3A_374 = tpu.vector_load %arg14[%swap3A_373] {strides = array<i32>} : memref<40192xf32, #tpu.memory_space<vmem>>, vector<16xf32>,
        tpu.vector_store %arg14[%swap3A_373], %add3A_366 {strides = array<i32>} : memref<40192xf32, #tpu.memory_space<vmem>>, vector<16xf32>,
        %get3A_375 = arith.index_cast %while3A_189 : i32 to index
        %get3A_376 = arith.constant 112 : index
        %get3A_377 = tpu.vector_load %arg11[%get3A_375, %get3A_376] {strides = array<i32>} : memref<64x256xf32, #tpu.memory_space<vmem>>, vector<16xf32>,
        %add3A_378 = arith.constant 112 : i32
        %add3A_379 = arith.addi %mul3A_194, %add3A_378 : i32
        %get3A_380 = arith.index_cast %add3A_379 : i32 to index
        %get3A_381 = tpu.vector_load %arg13[%get3A_380] {strides = array<i32>} : memref<40192xf32, #tpu.memory_space<vmem>>, vector<16xf32>,
        %add3A_382 = arith.constant 112 : i32
        %add3A_383 = arith.addi %mul3A_194, %add3A_382 : i32
        %get3A_384 = arith.index_cast %add3A_383 : i32 to index
        %get3A_385 = tpu.vector_load %arg14[%get3A_384] {strides = array<i32>} : memref<40192xf32, #tpu.memory_space<vmem>>, vector<16xf32>,
        %max3A_386 = arith.maximumf %get3A_381, %get3A_377 : vector<16xf32>
        %sub3A_387 = arith.subf %get3A_381, %max3A_386 : vector<16xf32>
        %exp3A_388 = math.exp %sub3A_387 : vector<16xf32>
        %mul3A_389 = arith.mulf %get3A_385, %exp3A_388 : vector<16xf32>
        %sub3A_390 = arith.subf %get3A_377, %max3A_386 : vector<16xf32>
        %exp3A_391 = math.exp %sub3A_390 : vector<16xf32>
        %add3A_392 = arith.addf %mul3A_389, %exp3A_391 : vector<16xf32>
        %add3A_393 = arith.constant 112 : i32
        %add3A_394 = arith.addi %mul3A_194, %add3A_393 : i32
        %swap3A_395 = arith.index_cast %add3A_394 : i32 to index
        %swap3A_396 = tpu.vector_load %arg13[%swap3A_395] {strides = array<i32>} : memref<40192xf32, #tpu.memory_space<vmem>>, vector<16xf32>,
        tpu.vector_store %arg13[%swap3A_395], %max3A_386 {strides = array<i32>} : memref<40192xf32, #tpu.memory_space<vmem>>, vector<16xf32>,
        %add3A_397 = arith.constant 112 : i32
        %add3A_398 = arith.addi %mul3A_194, %add3A_397 : i32
        %swap3A_399 = arith.index_cast %add3A_398 : i32 to index
        %swap3A_400 = tpu.vector_load %arg14[%swap3A_399] {strides = array<i32>} : memref<40192xf32, #tpu.memory_space<vmem>>, vector<16xf32>,
        tpu.vector_store %arg14[%swap3A_399], %add3A_392 {strides = array<i32>} : memref<40192xf32, #tpu.memory_space<vmem>>, vector<16xf32>,
        %get3A_401 = arith.index_cast %while3A_189 : i32 to index
        %get3A_402 = arith.constant 128 : index
        %get3A_403 = tpu.vector_load %arg11[%get3A_401, %get3A_402] {strides = array<i32>} : memref<64x256xf32, #tpu.memory_space<vmem>>, vector<16xf32>,
        %add3A_404 = arith.constant 128 : i32
        %add3A_405 = arith.addi %mul3A_194, %add3A_404 : i32
        %get3A_406 = arith.index_cast %add3A_405 : i32 to index
        %get3A_407 = tpu.vector_load %arg13[%get3A_406] {strides = array<i32>} : memref<40192xf32, #tpu.memory_space<vmem>>, vector<16xf32>,
        %add3A_408 = arith.constant 128 : i32
        %add3A_409 = arith.addi %mul3A_194, %add3A_408 : i32
        %get3A_410 = arith.index_cast %add3A_409 : i32 to index
        %get3A_411 = tpu.vector_load %arg14[%get3A_410] {strides = array<i32>} : memref<40192xf32, #tpu.memory_space<vmem>>, vector<16xf32>,
        %max3A_412 = arith.maximumf %get3A_407, %get3A_403 : vector<16xf32>
        %sub3A_413 = arith.subf %get3A_407, %max3A_412 : vector<16xf32>
        %exp3A_414 = math.exp %sub3A_413 : vector<16xf32>
        %mul3A_415 = arith.mulf %get3A_411, %exp3A_414 : vector<16xf32>
        %sub3A_416 = arith.subf %get3A_403, %max3A_412 : vector<16xf32>
        %exp3A_417 = math.exp %sub3A_416 : vector<16xf32>
        %add3A_418 = arith.addf %mul3A_415, %exp3A_417 : vector<16xf32>
        %add3A_419 = arith.constant 128 : i32
        %add3A_420 = arith.addi %mul3A_194, %add3A_419 : i32
        %swap3A_421 = arith.index_cast %add3A_420 : i32 to index
        %swap3A_422 = tpu.vector_load %arg13[%swap3A_421] {strides = array<i32>} : memref<40192xf32, #tpu.memory_space<vmem>>, vector<16xf32>,
        tpu.vector_store %arg13[%swap3A_421], %max3A_412 {strides = array<i32>} : memref<40192xf32, #tpu.memory_space<vmem>>, vector<16xf32>,
        %add3A_423 = arith.constant 128 : i32
        %add3A_424 = arith.addi %mul3A_194, %add3A_423 : i32
        %swap3A_425 = arith.index_cast %add3A_424 : i32 to index
        %swap3A_426 = tpu.vector_load %arg14[%swap3A_425] {strides = array<i32>} : memref<40192xf32, #tpu.memory_space<vmem>>, vector<16xf32>,
        tpu.vector_store %arg14[%swap3A_425], %add3A_418 {strides = array<i32>} : memref<40192xf32, #tpu.memory_space<vmem>>, vector<16xf32>,
        %get3A_427 = arith.index_cast %while3A_189 : i32 to index
        %get3A_428 = arith.constant 144 : index
        %get3A_429 = tpu.vector_load %arg11[%get3A_427, %get3A_428] {strides = array<i32>} : memref<64x256xf32, #tpu.memory_space<vmem>>, vector<16xf32>,
        %add3A_430 = arith.constant 144 : i32
        %add3A_431 = arith.addi %mul3A_194, %add3A_430 : i32
        %get3A_432 = arith.index_cast %add3A_431 : i32 to index
        %get3A_433 = tpu.vector_load %arg13[%get3A_432] {strides = array<i32>} : memref<40192xf32, #tpu.memory_space<vmem>>, vector<16xf32>,
        %add3A_434 = arith.constant 144 : i32
        %add3A_435 = arith.addi %mul3A_194, %add3A_434 : i32
        %get3A_436 = arith.index_cast %add3A_435 : i32 to index
        %get3A_437 = tpu.vector_load %arg14[%get3A_436] {strides = array<i32>} : memref<40192xf32, #tpu.memory_space<vmem>>, vector<16xf32>,
        %max3A_438 = arith.maximumf %get3A_433, %get3A_429 : vector<16xf32>
        %sub3A_439 = arith.subf %get3A_433, %max3A_438 : vector<16xf32>
        %exp3A_440 = math.exp %sub3A_439 : vector<16xf32>
        %mul3A_441 = arith.mulf %get3A_437, %exp3A_440 : vector<16xf32>
        %sub3A_442 = arith.subf %get3A_429, %max3A_438 : vector<16xf32>
        %exp3A_443 = math.exp %sub3A_442 : vector<16xf32>
        %add3A_444 = arith.addf %mul3A_441, %exp3A_443 : vector<16xf32>
        %add3A_445 = arith.constant 144 : i32
        %add3A_446 = arith.addi %mul3A_194, %add3A_445 : i32
        %swap3A_447 = arith.index_cast %add3A_446 : i32 to index
        %swap3A_448 = tpu.vector_load %arg13[%swap3A_447] {strides = array<i32>} : memref<40192xf32, #tpu.memory_space<vmem>>, vector<16xf32>,
        tpu.vector_store %arg13[%swap3A_447], %max3A_438 {strides = array<i32>} : memref<40192xf32, #tpu.memory_space<vmem>>, vector<16xf32>,
        %add3A_449 = arith.constant 144 : i32
        %add3A_450 = arith.addi %mul3A_194, %add3A_449 : i32
        %swap3A_451 = arith.index_cast %add3A_450 : i32 to index
        %swap3A_452 = tpu.vector_load %arg14[%swap3A_451] {strides = array<i32>} : memref<40192xf32, #tpu.memory_space<vmem>>, vector<16xf32>,
        tpu.vector_store %arg14[%swap3A_451], %add3A_444 {strides = array<i32>} : memref<40192xf32, #tpu.memory_space<vmem>>, vector<16xf32>,
        %get3A_453 = arith.index_cast %while3A_189 : i32 to index
        %get3A_454 = arith.constant 160 : index
        %get3A_455 = tpu.vector_load %arg11[%get3A_453, %get3A_454] {strides = array<i32>} : memref<64x256xf32, #tpu.memory_space<vmem>>, vector<16xf32>,
        %add3A_456 = arith.constant 160 : i32
        %add3A_457 = arith.addi %mul3A_194, %add3A_456 : i32
        %get3A_458 = arith.index_cast %add3A_457 : i32 to index
        %get3A_459 = tpu.vector_load %arg13[%get3A_458] {strides = array<i32>} : memref<40192xf32, #tpu.memory_space<vmem>>, vector<16xf32>,
        %add3A_460 = arith.constant 160 : i32
        %add3A_461 = arith.addi %mul3A_194, %add3A_460 : i32
        %get3A_462 = arith.index_cast %add3A_461 : i32 to index
        %get3A_463 = tpu.vector_load %arg14[%get3A_462] {strides = array<i32>} : memref<40192xf32, #tpu.memory_space<vmem>>, vector<16xf32>,
        %max3A_464 = arith.maximumf %get3A_459, %get3A_455 : vector<16xf32>
        %sub3A_465 = arith.subf %get3A_459, %max3A_464 : vector<16xf32>
        %exp3A_466 = math.exp %sub3A_465 : vector<16xf32>
        %mul3A_467 = arith.mulf %get3A_463, %exp3A_466 : vector<16xf32>
        %sub3A_468 = arith.subf %get3A_455, %max3A_464 : vector<16xf32>
        %exp3A_469 = math.exp %sub3A_468 : vector<16xf32>
        %add3A_470 = arith.addf %mul3A_467, %exp3A_469 : vector<16xf32>
        %add3A_471 = arith.constant 160 : i32
        %add3A_472 = arith.addi %mul3A_194, %add3A_471 : i32
        %swap3A_473 = arith.index_cast %add3A_472 : i32 to index
        %swap3A_474 = tpu.vector_load %arg13[%swap3A_473] {strides = array<i32>} : memref<40192xf32, #tpu.memory_space<vmem>>, vector<16xf32>,
        tpu.vector_store %arg13[%swap3A_473], %max3A_464 {strides = array<i32>} : memref<40192xf32, #tpu.memory_space<vmem>>, vector<16xf32>,
        %add3A_475 = arith.constant 160 : i32
        %add3A_476 = arith.addi %mul3A_194, %add3A_475 : i32
        %swap3A_477 = arith.index_cast %add3A_476 : i32 to index
        %swap3A_478 = tpu.vector_load %arg14[%swap3A_477] {strides = array<i32>} : memref<40192xf32, #tpu.memory_space<vmem>>, vector<16xf32>,
        tpu.vector_store %arg14[%swap3A_477], %add3A_470 {strides = array<i32>} : memref<40192xf32, #tpu.memory_space<vmem>>, vector<16xf32>,
        %get3A_479 = arith.index_cast %while3A_189 : i32 to index
        %get3A_480 = arith.constant 176 : index
        %get3A_481 = tpu.vector_load %arg11[%get3A_479, %get3A_480] {strides = array<i32>} : memref<64x256xf32, #tpu.memory_space<vmem>>, vector<16xf32>,
        %add3A_482 = arith.constant 176 : i32
        %add3A_483 = arith.addi %mul3A_194, %add3A_482 : i32
        %get3A_484 = arith.index_cast %add3A_483 : i32 to index
        %get3A_485 = tpu.vector_load %arg13[%get3A_484] {strides = array<i32>} : memref<40192xf32, #tpu.memory_space<vmem>>, vector<16xf32>,
        %add3A_486 = arith.constant 176 : i32
        %add3A_487 = arith.addi %mul3A_194, %add3A_486 : i32
        %get3A_488 = arith.index_cast %add3A_487 : i32 to index
        %get3A_489 = tpu.vector_load %arg14[%get3A_488] {strides = array<i32>} : memref<40192xf32, #tpu.memory_space<vmem>>, vector<16xf32>,
        %max3A_490 = arith.maximumf %get3A_485, %get3A_481 : vector<16xf32>
        %sub3A_491 = arith.subf %get3A_485, %max3A_490 : vector<16xf32>
        %exp3A_492 = math.exp %sub3A_491 : vector<16xf32>
        %mul3A_493 = arith.mulf %get3A_489, %exp3A_492 : vector<16xf32>
        %sub3A_494 = arith.subf %get3A_481, %max3A_490 : vector<16xf32>
        %exp3A_495 = math.exp %sub3A_494 : vector<16xf32>
        %add3A_496 = arith.addf %mul3A_493, %exp3A_495 : vector<16xf32>
        %add3A_497 = arith.constant 176 : i32
        %add3A_498 = arith.addi %mul3A_194, %add3A_497 : i32
        %swap3A_499 = arith.index_cast %add3A_498 : i32 to index
        %swap3A_500 = tpu.vector_load %arg13[%swap3A_499] {strides = array<i32>} : memref<40192xf32, #tpu.memory_space<vmem>>, vector<16xf32>,
        tpu.vector_store %arg13[%swap3A_499], %max3A_490 {strides = array<i32>} : memref<40192xf32, #tpu.memory_space<vmem>>, vector<16xf32>,
        %add3A_501 = arith.constant 176 : i32
        %add3A_502 = arith.addi %mul3A_194, %add3A_501 : i32
        %swap3A_503 = arith.index_cast %add3A_502 : i32 to index
        %swap3A_504 = tpu.vector_load %arg14[%swap3A_503] {strides = array<i32>} : memref<40192xf32, #tpu.memory_space<vmem>>, vector<16xf32>,
        tpu.vector_store %arg14[%swap3A_503], %add3A_496 {strides = array<i32>} : memref<40192xf32, #tpu.memory_space<vmem>>, vector<16xf32>,
        %get3A_505 = arith.index_cast %while3A_189 : i32 to index
        %get3A_506 = arith.constant 192 : index
        %get3A_507 = tpu.vector_load %arg11[%get3A_505, %get3A_506] {strides = array<i32>} : memref<64x256xf32, #tpu.memory_space<vmem>>, vector<16xf32>,
        %add3A_508 = arith.constant 192 : i32
        %add3A_509 = arith.addi %mul3A_194, %add3A_508 : i32
        %get3A_510 = arith.index_cast %add3A_509 : i32 to index
        %get3A_511 = tpu.vector_load %arg13[%get3A_510] {strides = array<i32>} : memref<40192xf32, #tpu.memory_space<vmem>>, vector<16xf32>,
        %add3A_512 = arith.constant 192 : i32
        %add3A_513 = arith.addi %mul3A_194, %add3A_512 : i32
        %get3A_514 = arith.index_cast %add3A_513 : i32 to index
        %get3A_515 = tpu.vector_load %arg14[%get3A_514] {strides = array<i32>} : memref<40192xf32, #tpu.memory_space<vmem>>, vector<16xf32>,
        %max3A_516 = arith.maximumf %get3A_511, %get3A_507 : vector<16xf32>
        %sub3A_517 = arith.subf %get3A_511, %max3A_516 : vector<16xf32>
        %exp3A_518 = math.exp %sub3A_517 : vector<16xf32>
        %mul3A_519 = arith.mulf %get3A_515, %exp3A_518 : vector<16xf32>
        %sub3A_520 = arith.subf %get3A_507, %max3A_516 : vector<16xf32>
        %exp3A_521 = math.exp %sub3A_520 : vector<16xf32>
        %add3A_522 = arith.addf %mul3A_519, %exp3A_521 : vector<16xf32>
        %add3A_523 = arith.constant 192 : i32
        %add3A_524 = arith.addi %mul3A_194, %add3A_523 : i32
        %swap3A_525 = arith.index_cast %add3A_524 : i32 to index
        %swap3A_526 = tpu.vector_load %arg13[%swap3A_525] {strides = array<i32>} : memref<40192xf32, #tpu.memory_space<vmem>>, vector<16xf32>,
        tpu.vector_store %arg13[%swap3A_525], %max3A_516 {strides = array<i32>} : memref<40192xf32, #tpu.memory_space<vmem>>, vector<16xf32>,
        %add3A_527 = arith.constant 192 : i32
        %add3A_528 = arith.addi %mul3A_194, %add3A_527 : i32
        %swap3A_529 = arith.index_cast %add3A_528 : i32 to index
        %swap3A_530 = tpu.vector_load %arg14[%swap3A_529] {strides = array<i32>} : memref<40192xf32, #tpu.memory_space<vmem>>, vector<16xf32>,
        tpu.vector_store %arg14[%swap3A_529], %add3A_522 {strides = array<i32>} : memref<40192xf32, #tpu.memory_space<vmem>>, vector<16xf32>,
        %get3A_531 = arith.index_cast %while3A_189 : i32 to index
        %get3A_532 = arith.constant 208 : index
        %get3A_533 = tpu.vector_load %arg11[%get3A_531, %get3A_532] {strides = array<i32>} : memref<64x256xf32, #tpu.memory_space<vmem>>, vector<16xf32>,
        %add3A_534 = arith.constant 208 : i32
        %add3A_535 = arith.addi %mul3A_194, %add3A_534 : i32
        %get3A_536 = arith.index_cast %add3A_535 : i32 to index
        %get3A_537 = tpu.vector_load %arg13[%get3A_536] {strides = array<i32>} : memref<40192xf32, #tpu.memory_space<vmem>>, vector<16xf32>,
        %add3A_538 = arith.constant 208 : i32
        %add3A_539 = arith.addi %mul3A_194, %add3A_538 : i32
        %get3A_540 = arith.index_cast %add3A_539 : i32 to index
        %get3A_541 = tpu.vector_load %arg14[%get3A_540] {strides = array<i32>} : memref<40192xf32, #tpu.memory_space<vmem>>, vector<16xf32>,
        %max3A_542 = arith.maximumf %get3A_537, %get3A_533 : vector<16xf32>
        %sub3A_543 = arith.subf %get3A_537, %max3A_542 : vector<16xf32>
        %exp3A_544 = math.exp %sub3A_543 : vector<16xf32>
        %mul3A_545 = arith.mulf %get3A_541, %exp3A_544 : vector<16xf32>
        %sub3A_546 = arith.subf %get3A_533, %max3A_542 : vector<16xf32>
        %exp3A_547 = math.exp %sub3A_546 : vector<16xf32>
        %add3A_548 = arith.addf %mul3A_545, %exp3A_547 : vector<16xf32>
        %add3A_549 = arith.constant 208 : i32
        %add3A_550 = arith.addi %mul3A_194, %add3A_549 : i32
        %swap3A_551 = arith.index_cast %add3A_550 : i32 to index
        %swap3A_552 = tpu.vector_load %arg13[%swap3A_551] {strides = array<i32>} : memref<40192xf32, #tpu.memory_space<vmem>>, vector<16xf32>,
        tpu.vector_store %arg13[%swap3A_551], %max3A_542 {strides = array<i32>} : memref<40192xf32, #tpu.memory_space<vmem>>, vector<16xf32>,
        %add3A_553 = arith.constant 208 : i32
        %add3A_554 = arith.addi %mul3A_194, %add3A_553 : i32
        %swap3A_555 = arith.index_cast %add3A_554 : i32 to index
        %swap3A_556 = tpu.vector_load %arg14[%swap3A_555] {strides = array<i32>} : memref<40192xf32, #tpu.memory_space<vmem>>, vector<16xf32>,
        tpu.vector_store %arg14[%swap3A_555], %add3A_548 {strides = array<i32>} : memref<40192xf32, #tpu.memory_space<vmem>>, vector<16xf32>,
        %get3A_557 = arith.index_cast %while3A_189 : i32 to index
        %get3A_558 = arith.constant 224 : index
        %get3A_559 = tpu.vector_load %arg11[%get3A_557, %get3A_558] {strides = array<i32>} : memref<64x256xf32, #tpu.memory_space<vmem>>, vector<16xf32>,
        %add3A_560 = arith.constant 224 : i32
        %add3A_561 = arith.addi %mul3A_194, %add3A_560 : i32
        %get3A_562 = arith.index_cast %add3A_561 : i32 to index
        %get3A_563 = tpu.vector_load %arg13[%get3A_562] {strides = array<i32>} : memref<40192xf32, #tpu.memory_space<vmem>>, vector<16xf32>,
        %add3A_564 = arith.constant 224 : i32
        %add3A_565 = arith.addi %mul3A_194, %add3A_564 : i32
        %get3A_566 = arith.index_cast %add3A_565 : i32 to index
        %get3A_567 = tpu.vector_load %arg14[%get3A_566] {strides = array<i32>} : memref<40192xf32, #tpu.memory_space<vmem>>, vector<16xf32>,
        %max3A_568 = arith.maximumf %get3A_563, %get3A_559 : vector<16xf32>
        %sub3A_569 = arith.subf %get3A_563, %max3A_568 : vector<16xf32>
        %exp3A_570 = math.exp %sub3A_569 : vector<16xf32>
        %mul3A_571 = arith.mulf %get3A_567, %exp3A_570 : vector<16xf32>
        %sub3A_572 = arith.subf %get3A_559, %max3A_568 : vector<16xf32>
        %exp3A_573 = math.exp %sub3A_572 : vector<16xf32>
        %add3A_574 = arith.addf %mul3A_571, %exp3A_573 : vector<16xf32>
        %add3A_575 = arith.constant 224 : i32
        %add3A_576 = arith.addi %mul3A_194, %add3A_575 : i32
        %swap3A_577 = arith.index_cast %add3A_576 : i32 to index
        %swap3A_578 = tpu.vector_load %arg13[%swap3A_577] {strides = array<i32>} : memref<40192xf32, #tpu.memory_space<vmem>>, vector<16xf32>,
        tpu.vector_store %arg13[%swap3A_577], %max3A_568 {strides = array<i32>} : memref<40192xf32, #tpu.memory_space<vmem>>, vector<16xf32>,
        %add3A_579 = arith.constant 224 : i32
        %add3A_580 = arith.addi %mul3A_194, %add3A_579 : i32
        %swap3A_581 = arith.index_cast %add3A_580 : i32 to index
        %swap3A_582 = tpu.vector_load %arg14[%swap3A_581] {strides = array<i32>} : memref<40192xf32, #tpu.memory_space<vmem>>, vector<16xf32>,
        tpu.vector_store %arg14[%swap3A_581], %add3A_574 {strides = array<i32>} : memref<40192xf32, #tpu.memory_space<vmem>>, vector<16xf32>,
        %get3A_583 = arith.index_cast %while3A_189 : i32 to index
        %get3A_584 = arith.constant 240 : index
        %get3A_585 = tpu.vector_load %arg11[%get3A_583, %get3A_584] {strides = array<i32>} : memref<64x256xf32, #tpu.memory_space<vmem>>, vector<16xf32>,
        %add3A_586 = arith.constant 240 : i32
        %add3A_587 = arith.addi %mul3A_194, %add3A_586 : i32
        %get3A_588 = arith.index_cast %add3A_587 : i32 to index
        %get3A_589 = tpu.vector_load %arg13[%get3A_588] {strides = array<i32>} : memref<40192xf32, #tpu.memory_space<vmem>>, vector<16xf32>,
        %add3A_590 = arith.constant 240 : i32
        %add3A_591 = arith.addi %mul3A_194, %add3A_590 : i32
        %get3A_592 = arith.index_cast %add3A_591 : i32 to index
        %get3A_593 = tpu.vector_load %arg14[%get3A_592] {strides = array<i32>} : memref<40192xf32, #tpu.memory_space<vmem>>, vector<16xf32>,
        %max3A_594 = arith.maximumf %get3A_589, %get3A_585 : vector<16xf32>
        %sub3A_595 = arith.subf %get3A_589, %max3A_594 : vector<16xf32>
        %exp3A_596 = math.exp %sub3A_595 : vector<16xf32>
        %mul3A_597 = arith.mulf %get3A_593, %exp3A_596 : vector<16xf32>
        %sub3A_598 = arith.subf %get3A_585, %max3A_594 : vector<16xf32>
        %exp3A_599 = math.exp %sub3A_598 : vector<16xf32>
        %add3A_600 = arith.addf %mul3A_597, %exp3A_599 : vector<16xf32>
        %add3A_601 = arith.constant 240 : i32
        %add3A_602 = arith.addi %mul3A_194, %add3A_601 : i32
        %swap3A_603 = arith.index_cast %add3A_602 : i32 to index
        %swap3A_604 = tpu.vector_load %arg13[%swap3A_603] {strides = array<i32>} : memref<40192xf32, #tpu.memory_space<vmem>>, vector<16xf32>,
        tpu.vector_store %arg13[%swap3A_603], %max3A_594 {strides = array<i32>} : memref<40192xf32, #tpu.memory_space<vmem>>, vector<16xf32>,
        %add3A_605 = arith.constant 240 : i32
        %add3A_606 = arith.addi %mul3A_194, %add3A_605 : i32
        %swap3A_607 = arith.index_cast %add3A_606 : i32 to index
        %swap3A_608 = tpu.vector_load %arg14[%swap3A_607] {strides = array<i32>} : memref<40192xf32, #tpu.memory_space<vmem>>, vector<16xf32>,
        tpu.vector_store %arg14[%swap3A_607], %add3A_600 {strides = array<i32>} : memref<40192xf32, #tpu.memory_space<vmem>>, vector<16xf32>,
      }
      %while3A_188 = arith.constant 1 : i32
      scf.for %while3A_189 = %while3A_186 to %while3A_182 step %while3A_188  : i32 {
        %get3A_190 = arith.index_cast %while3A_189 : i32 to index
        %get3A_191 = tpu.vector_load %arg9[%get3A_190] {strides = array<i32>} : memref<80xi32, #tpu.memory_space<vmem>>, vector<16xi32>,
        %slice3A = vector.extract_strided_slice %get3A_191 {offsets = [0], sizes = [1], strides = [1]} : vector<16xi32> to vector<1xi32>
        %squeeze3A = vector.extract %slice3A[0] : i32 from vector<1xi32>
        %shift_right_arithmetic3A = arith.constant 19 : i32
        %shift_right_arithmetic3A_192 = arith.shrsi %squeeze3A, %shift_right_arithmetic3A : i32
        %mul3A_193 = arith.constant 256 : i32
        %mul3A_194 = arith.muli %shift_right_arithmetic3A_192, %mul3A_193 : i32
        %get3A_195 = arith.index_cast %while3A_189 : i32 to index
        %get3A_196 = arith.constant 0 : index
        %get3A_197 = tpu.vector_load %arg11[%get3A_195, %get3A_196] {strides = array<i32>} : memref<64x256xf32, #tpu.memory_space<vmem>>, vector<16xf32>,
        %add3A_198 = arith.constant 0 : i32
        %add3A_199 = arith.addi %mul3A_194, %add3A_198 : i32
        %get3A_200 = arith.index_cast %add3A_199 : i32 to index
        %get3A_201 = tpu.vector_load %arg13[%get3A_200] {strides = array<i32>} : memref<40192xf32, #tpu.memory_space<vmem>>, vector<16xf32>,
        %add3A_202 = arith.constant 0 : i32
        %add3A_203 = arith.addi %mul3A_194, %add3A_202 : i32
        %get3A_204 = arith.index_cast %add3A_203 : i32 to index
        %get3A_205 = tpu.vector_load %arg14[%get3A_204] {strides = array<i32>} : memref<40192xf32, #tpu.memory_space<vmem>>, vector<16xf32>,
        %max3A = arith.maximumf %get3A_201, %get3A_197 : vector<16xf32>
        %sub3A_206 = arith.subf %get3A_201, %max3A : vector<16xf32>
        %exp3A = math.exp %sub3A_206 : vector<16xf32>
        %mul3A_207 = arith.mulf %get3A_205, %exp3A : vector<16xf32>
        %sub3A_208 = arith.subf %get3A_197, %max3A : vector<16xf32>
        %exp3A_209 = math.exp %sub3A_208 : vector<16xf32>
        %add3A_210 = arith.addf %mul3A_207, %exp3A_209 : vector<16xf32>
        %add3A_211 = arith.constant 0 : i32
        %add3A_212 = arith.addi %mul3A_194, %add3A_211 : i32
        %swap3A_213 = arith.index_cast %add3A_212 : i32 to index
        %swap3A_214 = tpu.vector_load %arg13[%swap3A_213] {strides = array<i32>} : memref<40192xf32, #tpu.memory_space<vmem>>, vector<16xf32>,
        tpu.vector_store %arg13[%swap3A_213], %max3A {strides = array<i32>} : memref<40192xf32, #tpu.memory_space<vmem>>, vector<16xf32>,
        %add3A_215 = arith.constant 0 : i32
        %add3A_216 = arith.addi %mul3A_194, %add3A_215 : i32
        %swap3A_217 = arith.index_cast %add3A_216 : i32 to index
        %swap3A_218 = tpu.vector_load %arg14[%swap3A_217] {strides = array<i32>} : memref<40192xf32, #tpu.memory_space<vmem>>, vector<16xf32>,
        tpu.vector_store %arg14[%swap3A_217], %add3A_210 {strides = array<i32>} : memref<40192xf32, #tpu.memory_space<vmem>>, vector<16xf32>,
        %get3A_219 = arith.index_cast %while3A_189 : i32 to index
        %get3A_220 = arith.constant 16 : index
        %get3A_221 = tpu.vector_load %arg11[%get3A_219, %get3A_220] {strides = array<i32>} : memref<64x256xf32, #tpu.memory_space<vmem>>, vector<16xf32>,
        %add3A_222 = arith.constant 16 : i32
        %add3A_223 = arith.addi %mul3A_194, %add3A_222 : i32
        %get3A_224 = arith.index_cast %add3A_223 : i32 to index
        %get3A_225 = tpu.vector_load %arg13[%get3A_224] {strides = array<i32>} : memref<40192xf32, #tpu.memory_space<vmem>>, vector<16xf32>,
        %add3A_226 = arith.constant 16 : i32
        %add3A_227 = arith.addi %mul3A_194, %add3A_226 : i32
        %get3A_228 = arith.index_cast %add3A_227 : i32 to index
        %get3A_229 = tpu.vector_load %arg14[%get3A_228] {strides = array<i32>} : memref<40192xf32, #tpu.memory_space<vmem>>, vector<16xf32>,
        %max3A_230 = arith.maximumf %get3A_225, %get3A_221 : vector<16xf32>
        %sub3A_231 = arith.subf %get3A_225, %max3A_230 : vector<16xf32>
        %exp3A_232 = math.exp %sub3A_231 : vector<16xf32>
        %mul3A_233 = arith.mulf %get3A_229, %exp3A_232 : vector<16xf32>
        %sub3A_234 = arith.subf %get3A_221, %max3A_230 : vector<16xf32>
        %exp3A_235 = math.exp %sub3A_234 : vector<16xf32>
        %add3A_236 = arith.addf %mul3A_233, %exp3A_235 : vector<16xf32>
        %add3A_237 = arith.constant 16 : i32
        %add3A_238 = arith.addi %mul3A_194, %add3A_237 : i32
        %swap3A_239 = arith.index_cast %add3A_238 : i32 to index
        %swap3A_240 = tpu.vector_load %arg13[%swap3A_239] {strides = array<i32>} : memref<40192xf32, #tpu.memory_space<vmem>>, vector<16xf32>,
        tpu.vector_store %arg13[%swap3A_239], %max3A_230 {strides = array<i32>} : memref<40192xf32, #tpu.memory_space<vmem>>, vector<16xf32>,
        %add3A_241 = arith.constant 16 : i32
        %add3A_242 = arith.addi %mul3A_194, %add3A_241 : i32
        %swap3A_243 = arith.index_cast %add3A_242 : i32 to index
        %swap3A_244 = tpu.vector_load %arg14[%swap3A_243] {strides = array<i32>} : memref<40192xf32, #tpu.memory_space<vmem>>, vector<16xf32>,
        tpu.vector_store %arg14[%swap3A_243], %add3A_236 {strides = array<i32>} : memref<40192xf32, #tpu.memory_space<vmem>>, vector<16xf32>,
        %get3A_245 = arith.index_cast %while3A_189 : i32 to index
        %get3A_246 = arith.constant 32 : index
        %get3A_247 = tpu.vector_load %arg11[%get3A_245, %get3A_246] {strides = array<i32>} : memref<64x256xf32, #tpu.memory_space<vmem>>, vector<16xf32>,
        %add3A_248 = arith.constant 32 : i32
        %add3A_249 = arith.addi %mul3A_194, %add3A_248 : i32
        %get3A_250 = arith.index_cast %add3A_249 : i32 to index
        %get3A_251 = tpu.vector_load %arg13[%get3A_250] {strides = array<i32>} : memref<40192xf32, #tpu.memory_space<vmem>>, vector<16xf32>,
        %add3A_252 = arith.constant 32 : i32
        %add3A_253 = arith.addi %mul3A_194, %add3A_252 : i32
        %get3A_254 = arith.index_cast %add3A_253 : i32 to index
        %get3A_255 = tpu.vector_load %arg14[%get3A_254] {strides = array<i32>} : memref<40192xf32, #tpu.memory_space<vmem>>, vector<16xf32>,
        %max3A_256 = arith.maximumf %get3A_251, %get3A_247 : vector<16xf32>
        %sub3A_257 = arith.subf %get3A_251, %max3A_256 : vector<16xf32>
        %exp3A_258 = math.exp %sub3A_257 : vector<16xf32>
        %mul3A_259 = arith.mulf %get3A_255, %exp3A_258 : vector<16xf32>
        %sub3A_260 = arith.subf %get3A_247, %max3A_256 : vector<16xf32>
        %exp3A_261 = math.exp %sub3A_260 : vector<16xf32>
        %add3A_262 = arith.addf %mul3A_259, %exp3A_261 : vector<16xf32>
        %add3A_263 = arith.constant 32 : i32
        %add3A_264 = arith.addi %mul3A_194, %add3A_263 : i32
        %swap3A_265 = arith.index_cast %add3A_264 : i32 to index
        %swap3A_266 = tpu.vector_load %arg13[%swap3A_265] {strides = array<i32>} : memref<40192xf32, #tpu.memory_space<vmem>>, vector<16xf32>,
        tpu.vector_store %arg13[%swap3A_265], %max3A_256 {strides = array<i32>} : memref<40192xf32, #tpu.memory_space<vmem>>, vector<16xf32>,
        %add3A_267 = arith.constant 32 : i32
        %add3A_268 = arith.addi %mul3A_194, %add3A_267 : i32
        %swap3A_269 = arith.index_cast %add3A_268 : i32 to index
        %swap3A_270 = tpu.vector_load %arg14[%swap3A_269] {strides = array<i32>} : memref<40192xf32, #tpu.memory_space<vmem>>, vector<16xf32>,
        tpu.vector_store %arg14[%swap3A_269], %add3A_262 {strides = array<i32>} : memref<40192xf32, #tpu.memory_space<vmem>>, vector<16xf32>,
        %get3A_271 = arith.index_cast %while3A_189 : i32 to index
        %get3A_272 = arith.constant 48 : index
        %get3A_273 = tpu.vector_load %arg11[%get3A_271, %get3A_272] {strides = array<i32>} : memref<64x256xf32, #tpu.memory_space<vmem>>, vector<16xf32>,
        %add3A_274 = arith.constant 48 : i32
        %add3A_275 = arith.addi %mul3A_194, %add3A_274 : i32
        %get3A_276 = arith.index_cast %add3A_275 : i32 to index
        %get3A_277 = tpu.vector_load %arg13[%get3A_276] {strides = array<i32>} : memref<40192xf32, #tpu.memory_space<vmem>>, vector<16xf32>,
        %add3A_278 = arith.constant 48 : i32
        %add3A_279 = arith.addi %mul3A_194, %add3A_278 : i32
        %get3A_280 = arith.index_cast %add3A_279 : i32 to index
        %get3A_281 = tpu.vector_load %arg14[%get3A_280] {strides = array<i32>} : memref<40192xf32, #tpu.memory_space<vmem>>, vector<16xf32>,
        %max3A_282 = arith.maximumf %get3A_277, %get3A_273 : vector<16xf32>
        %sub3A_283 = arith.subf %get3A_277, %max3A_282 : vector<16xf32>
        %exp3A_284 = math.exp %sub3A_283 : vector<16xf32>
        %mul3A_285 = arith.mulf %get3A_281, %exp3A_284 : vector<16xf32>
        %sub3A_286 = arith.subf %get3A_273, %max3A_282 : vector<16xf32>
        %exp3A_287 = math.exp %sub3A_286 : vector<16xf32>
        %add3A_288 = arith.addf %mul3A_285, %exp3A_287 : vector<16xf32>
        %add3A_289 = arith.constant 48 : i32
        %add3A_290 = arith.addi %mul3A_194, %add3A_289 : i32
        %swap3A_291 = arith.index_cast %add3A_290 : i32 to index
        %swap3A_292 = tpu.vector_load %arg13[%swap3A_291] {strides = array<i32>} : memref<40192xf32, #tpu.memory_space<vmem>>, vector<16xf32>,
        tpu.vector_store %arg13[%swap3A_291], %max3A_282 {strides = array<i32>} : memref<40192xf32, #tpu.memory_space<vmem>>, vector<16xf32>,
        %add3A_293 = arith.constant 48 : i32
        %add3A_294 = arith.addi %mul3A_194, %add3A_293 : i32
        %swap3A_295 = arith.index_cast %add3A_294 : i32 to index
        %swap3A_296 = tpu.vector_load %arg14[%swap3A_295] {strides = array<i32>} : memref<40192xf32, #tpu.memory_space<vmem>>, vector<16xf32>,
        tpu.vector_store %arg14[%swap3A_295], %add3A_288 {strides = array<i32>} : memref<40192xf32, #tpu.memory_space<vmem>>, vector<16xf32>,
        %get3A_297 = arith.index_cast %while3A_189 : i32 to index
        %get3A_298 = arith.constant 64 : index
        %get3A_299 = tpu.vector_load %arg11[%get3A_297, %get3A_298] {strides = array<i32>} : memref<64x256xf32, #tpu.memory_space<vmem>>, vector<16xf32>,
        %add3A_300 = arith.constant 64 : i32
        %add3A_301 = arith.addi %mul3A_194, %add3A_300 : i32
        %get3A_302 = arith.index_cast %add3A_301 : i32 to index
        %get3A_303 = tpu.vector_load %arg13[%get3A_302] {strides = array<i32>} : memref<40192xf32, #tpu.memory_space<vmem>>, vector<16xf32>,
        %add3A_304 = arith.constant 64 : i32
        %add3A_305 = arith.addi %mul3A_194, %add3A_304 : i32
        %get3A_306 = arith.index_cast %add3A_305 : i32 to index
        %get3A_307 = tpu.vector_load %arg14[%get3A_306] {strides = array<i32>} : memref<40192xf32, #tpu.memory_space<vmem>>, vector<16xf32>,
        %max3A_308 = arith.maximumf %get3A_303, %get3A_299 : vector<16xf32>
        %sub3A_309 = arith.subf %get3A_303, %max3A_308 : vector<16xf32>
        %exp3A_310 = math.exp %sub3A_309 : vector<16xf32>
        %mul3A_311 = arith.mulf %get3A_307, %exp3A_310 : vector<16xf32>
        %sub3A_312 = arith.subf %get3A_299, %max3A_308 : vector<16xf32>
        %exp3A_313 = math.exp %sub3A_312 : vector<16xf32>
        %add3A_314 = arith.addf %mul3A_311, %exp3A_313 : vector<16xf32>
        %add3A_315 = arith.constant 64 : i32
        %add3A_316 = arith.addi %mul3A_194, %add3A_315 : i32
        %swap3A_317 = arith.index_cast %add3A_316 : i32 to index
        %swap3A_318 = tpu.vector_load %arg13[%swap3A_317] {strides = array<i32>} : memref<40192xf32, #tpu.memory_space<vmem>>, vector<16xf32>,
        tpu.vector_store %arg13[%swap3A_317], %max3A_308 {strides = array<i32>} : memref<40192xf32, #tpu.memory_space<vmem>>, vector<16xf32>,
        %add3A_319 = arith.constant 64 : i32
        %add3A_320 = arith.addi %mul3A_194, %add3A_319 : i32
        %swap3A_321 = arith.index_cast %add3A_320 : i32 to index
        %swap3A_322 = tpu.vector_load %arg14[%swap3A_321] {strides = array<i32>} : memref<40192xf32, #tpu.memory_space<vmem>>, vector<16xf32>,
        tpu.vector_store %arg14[%swap3A_321], %add3A_314 {strides = array<i32>} : memref<40192xf32, #tpu.memory_space<vmem>>, vector<16xf32>,
        %get3A_323 = arith.index_cast %while3A_189 : i32 to index
        %get3A_324 = arith.constant 80 : index
        %get3A_325 = tpu.vector_load %arg11[%get3A_323, %get3A_324] {strides = array<i32>} : memref<64x256xf32, #tpu.memory_space<vmem>>, vector<16xf32>,
        %add3A_326 = arith.constant 80 : i32
        %add3A_327 = arith.addi %mul3A_194, %add3A_326 : i32
        %get3A_328 = arith.index_cast %add3A_327 : i32 to index
        %get3A_329 = tpu.vector_load %arg13[%get3A_328] {strides = array<i32>} : memref<40192xf32, #tpu.memory_space<vmem>>, vector<16xf32>,
        %add3A_330 = arith.constant 80 : i32
        %add3A_331 = arith.addi %mul3A_194, %add3A_330 : i32
        %get3A_332 = arith.index_cast %add3A_331 : i32 to index
        %get3A_333 = tpu.vector_load %arg14[%get3A_332] {strides = array<i32>} : memref<40192xf32, #tpu.memory_space<vmem>>, vector<16xf32>,
        %max3A_334 = arith.maximumf %get3A_329, %get3A_325 : vector<16xf32>
        %sub3A_335 = arith.subf %get3A_329, %max3A_334 : vector<16xf32>
        %exp3A_336 = math.exp %sub3A_335 : vector<16xf32>
        %mul3A_337 = arith.mulf %get3A_333, %exp3A_336 : vector<16xf32>
        %sub3A_338 = arith.subf %get3A_325, %max3A_334 : vector<16xf32>
        %exp3A_339 = math.exp %sub3A_338 : vector<16xf32>
        %add3A_340 = arith.addf %mul3A_337, %exp3A_339 : vector<16xf32>
        %add3A_341 = arith.constant 80 : i32
        %add3A_342 = arith.addi %mul3A_194, %add3A_341 : i32
        %swap3A_343 = arith.index_cast %add3A_342 : i32 to index
        %swap3A_344 = tpu.vector_load %arg13[%swap3A_343] {strides = array<i32>} : memref<40192xf32, #tpu.memory_space<vmem>>, vector<16xf32>,
        tpu.vector_store %arg13[%swap3A_343], %max3A_334 {strides = array<i32>} : memref<40192xf32, #tpu.memory_space<vmem>>, vector<16xf32>,
        %add3A_345 = arith.constant 80 : i32
        %add3A_346 = arith.addi %mul3A_194, %add3A_345 : i32
        %swap3A_347 = arith.index_cast %add3A_346 : i32 to index
        %swap3A_348 = tpu.vector_load %arg14[%swap3A_347] {strides = array<i32>} : memref<40192xf32, #tpu.memory_space<vmem>>, vector<16xf32>,
        tpu.vector_store %arg14[%swap3A_347], %add3A_340 {strides = array<i32>} : memref<40192xf32, #tpu.memory_space<vmem>>, vector<16xf32>,
        %get3A_349 = arith.index_cast %while3A_189 : i32 to index
        %get3A_350 = arith.constant 96 : index
        %get3A_351 = tpu.vector_load %arg11[%get3A_349, %get3A_350] {strides = array<i32>} : memref<64x256xf32, #tpu.memory_space<vmem>>, vector<16xf32>,
        %add3A_352 = arith.constant 96 : i32
        %add3A_353 = arith.addi %mul3A_194, %add3A_352 : i32
        %get3A_354 = arith.index_cast %add3A_353 : i32 to index
        %get3A_355 = tpu.vector_load %arg13[%get3A_354] {strides = array<i32>} : memref<40192xf32, #tpu.memory_space<vmem>>, vector<16xf32>,
        %add3A_356 = arith.constant 96 : i32
        %add3A_357 = arith.addi %mul3A_194, %add3A_356 : i32
        %get3A_358 = arith.index_cast %add3A_357 : i32 to index
        %get3A_359 = tpu.vector_load %arg14[%get3A_358] {strides = array<i32>} : memref<40192xf32, #tpu.memory_space<vmem>>, vector<16xf32>,
        %max3A_360 = arith.maximumf %get3A_355, %get3A_351 : vector<16xf32>
        %sub3A_361 = arith.subf %get3A_355, %max3A_360 : vector<16xf32>
        %exp3A_362 = math.exp %sub3A_361 : vector<16xf32>
        %mul3A_363 = arith.mulf %get3A_359, %exp3A_362 : vector<16xf32>
        %sub3A_364 = arith.subf %get3A_351, %max3A_360 : vector<16xf32>
        %exp3A_365 = math.exp %sub3A_364 : vector<16xf32>
        %add3A_366 = arith.addf %mul3A_363, %exp3A_365 : vector<16xf32>
        %add3A_367 = arith.constant 96 : i32
        %add3A_368 = arith.addi %mul3A_194, %add3A_367 : i32
        %swap3A_369 = arith.index_cast %add3A_368 : i32 to index
        %swap3A_370 = tpu.vector_load %arg13[%swap3A_369] {strides = array<i32>} : memref<40192xf32, #tpu.memory_space<vmem>>, vector<16xf32>,
        tpu.vector_store %arg13[%swap3A_369], %max3A_360 {strides = array<i32>} : memref<40192xf32, #tpu.memory_space<vmem>>, vector<16xf32>,
        %add3A_371 = arith.constant 96 : i32
        %add3A_372 = arith.addi %mul3A_194, %add3A_371 : i32
        %swap3A_373 = arith.index_cast %add3A_372 : i32 to index
        %swap3A_374 = tpu.vector_load %arg14[%swap3A_373] {strides = array<i32>} : memref<40192xf32, #tpu.memory_space<vmem>>, vector<16xf32>,
        tpu.vector_store %arg14[%swap3A_373], %add3A_366 {strides = array<i32>} : memref<40192xf32, #tpu.memory_space<vmem>>, vector<16xf32>,
        %get3A_375 = arith.index_cast %while3A_189 : i32 to index
        %get3A_376 = arith.constant 112 : index
        %get3A_377 = tpu.vector_load %arg11[%get3A_375, %get3A_376] {strides = array<i32>} : memref<64x256xf32, #tpu.memory_space<vmem>>, vector<16xf32>,
        %add3A_378 = arith.constant 112 : i32
        %add3A_379 = arith.addi %mul3A_194, %add3A_378 : i32
        %get3A_380 = arith.index_cast %add3A_379 : i32 to index
        %get3A_381 = tpu.vector_load %arg13[%get3A_380] {strides = array<i32>} : memref<40192xf32, #tpu.memory_space<vmem>>, vector<16xf32>,
        %add3A_382 = arith.constant 112 : i32
        %add3A_383 = arith.addi %mul3A_194, %add3A_382 : i32
        %get3A_384 = arith.index_cast %add3A_383 : i32 to index
        %get3A_385 = tpu.vector_load %arg14[%get3A_384] {strides = array<i32>} : memref<40192xf32, #tpu.memory_space<vmem>>, vector<16xf32>,
        %max3A_386 = arith.maximumf %get3A_381, %get3A_377 : vector<16xf32>
        %sub3A_387 = arith.subf %get3A_381, %max3A_386 : vector<16xf32>
        %exp3A_388 = math.exp %sub3A_387 : vector<16xf32>
        %mul3A_389 = arith.mulf %get3A_385, %exp3A_388 : vector<16xf32>
        %sub3A_390 = arith.subf %get3A_377, %max3A_386 : vector<16xf32>
        %exp3A_391 = math.exp %sub3A_390 : vector<16xf32>
        %add3A_392 = arith.addf %mul3A_389, %exp3A_391 : vector<16xf32>
        %add3A_393 = arith.constant 112 : i32
        %add3A_394 = arith.addi %mul3A_194, %add3A_393 : i32
        %swap3A_395 = arith.index_cast %add3A_394 : i32 to index
        %swap3A_396 = tpu.vector_load %arg13[%swap3A_395] {strides = array<i32>} : memref<40192xf32, #tpu.memory_space<vmem>>, vector<16xf32>,
        tpu.vector_store %arg13[%swap3A_395], %max3A_386 {strides = array<i32>} : memref<40192xf32, #tpu.memory_space<vmem>>, vector<16xf32>,
        %add3A_397 = arith.constant 112 : i32
        %add3A_398 = arith.addi %mul3A_194, %add3A_397 : i32
        %swap3A_399 = arith.index_cast %add3A_398 : i32 to index
        %swap3A_400 = tpu.vector_load %arg14[%swap3A_399] {strides = array<i32>} : memref<40192xf32, #tpu.memory_space<vmem>>, vector<16xf32>,
        tpu.vector_store %arg14[%swap3A_399], %add3A_392 {strides = array<i32>} : memref<40192xf32, #tpu.memory_space<vmem>>, vector<16xf32>,
        %get3A_401 = arith.index_cast %while3A_189 : i32 to index
        %get3A_402 = arith.constant 128 : index
        %get3A_403 = tpu.vector_load %arg11[%get3A_401, %get3A_402] {strides = array<i32>} : memref<64x256xf32, #tpu.memory_space<vmem>>, vector<16xf32>,
        %add3A_404 = arith.constant 128 : i32
        %add3A_405 = arith.addi %mul3A_194, %add3A_404 : i32
        %get3A_406 = arith.index_cast %add3A_405 : i32 to index
        %get3A_407 = tpu.vector_load %arg13[%get3A_406] {strides = array<i32>} : memref<40192xf32, #tpu.memory_space<vmem>>, vector<16xf32>,
        %add3A_408 = arith.constant 128 : i32
        %add3A_409 = arith.addi %mul3A_194, %add3A_408 : i32
        %get3A_410 = arith.index_cast %add3A_409 : i32 to index
        %get3A_411 = tpu.vector_load %arg14[%get3A_410] {strides = array<i32>} : memref<40192xf32, #tpu.memory_space<vmem>>, vector<16xf32>,
        %max3A_412 = arith.maximumf %get3A_407, %get3A_403 : vector<16xf32>
        %sub3A_413 = arith.subf %get3A_407, %max3A_412 : vector<16xf32>
        %exp3A_414 = math.exp %sub3A_413 : vector<16xf32>
        %mul3A_415 = arith.mulf %get3A_411, %exp3A_414 : vector<16xf32>
        %sub3A_416 = arith.subf %get3A_403, %max3A_412 : vector<16xf32>
        %exp3A_417 = math.exp %sub3A_416 : vector<16xf32>
        %add3A_418 = arith.addf %mul3A_415, %exp3A_417 : vector<16xf32>
        %add3A_419 = arith.constant 128 : i32
        %add3A_420 = arith.addi %mul3A_194, %add3A_419 : i32
        %swap3A_421 = arith.index_cast %add3A_420 : i32 to index
        %swap3A_422 = tpu.vector_load %arg13[%swap3A_421] {strides = array<i32>} : memref<40192xf32, #tpu.memory_space<vmem>>, vector<16xf32>,
        tpu.vector_store %arg13[%swap3A_421], %max3A_412 {strides = array<i32>} : memref<40192xf32, #tpu.memory_space<vmem>>, vector<16xf32>,
        %add3A_423 = arith.constant 128 : i32
        %add3A_424 = arith.addi %mul3A_194, %add3A_423 : i32
        %swap3A_425 = arith.index_cast %add3A_424 : i32 to index
        %swap3A_426 = tpu.vector_load %arg14[%swap3A_425] {strides = array<i32>} : memref<40192xf32, #tpu.memory_space<vmem>>, vector<16xf32>,
        tpu.vector_store %arg14[%swap3A_425], %add3A_418 {strides = array<i32>} : memref<40192xf32, #tpu.memory_space<vmem>>, vector<16xf32>,
        %get3A_427 = arith.index_cast %while3A_189 : i32 to index
        %get3A_428 = arith.constant 144 : index
        %get3A_429 = tpu.vector_load %arg11[%get3A_427, %get3A_428] {strides = array<i32>} : memref<64x256xf32, #tpu.memory_space<vmem>>, vector<16xf32>,
        %add3A_430 = arith.constant 144 : i32
        %add3A_431 = arith.addi %mul3A_194, %add3A_430 : i32
        %get3A_432 = arith.index_cast %add3A_431 : i32 to index
        %get3A_433 = tpu.vector_load %arg13[%get3A_432] {strides = array<i32>} : memref<40192xf32, #tpu.memory_space<vmem>>, vector<16xf32>,
        %add3A_434 = arith.constant 144 : i32
        %add3A_435 = arith.addi %mul3A_194, %add3A_434 : i32
        %get3A_436 = arith.index_cast %add3A_435 : i32 to index
        %get3A_437 = tpu.vector_load %arg14[%get3A_436] {strides = array<i32>} : memref<40192xf32, #tpu.memory_space<vmem>>, vector<16xf32>,
        %max3A_438 = arith.maximumf %get3A_433, %get3A_429 : vector<16xf32>
        %sub3A_439 = arith.subf %get3A_433, %max3A_438 : vector<16xf32>
        %exp3A_440 = math.exp %sub3A_439 : vector<16xf32>
        %mul3A_441 = arith.mulf %get3A_437, %exp3A_440 : vector<16xf32>
        %sub3A_442 = arith.subf %get3A_429, %max3A_438 : vector<16xf32>
        %exp3A_443 = math.exp %sub3A_442 : vector<16xf32>
        %add3A_444 = arith.addf %mul3A_441, %exp3A_443 : vector<16xf32>
        %add3A_445 = arith.constant 144 : i32
        %add3A_446 = arith.addi %mul3A_194, %add3A_445 : i32
        %swap3A_447 = arith.index_cast %add3A_446 : i32 to index
        %swap3A_448 = tpu.vector_load %arg13[%swap3A_447] {strides = array<i32>} : memref<40192xf32, #tpu.memory_space<vmem>>, vector<16xf32>,
        tpu.vector_store %arg13[%swap3A_447], %max3A_438 {strides = array<i32>} : memref<40192xf32, #tpu.memory_space<vmem>>, vector<16xf32>,
        %add3A_449 = arith.constant 144 : i32
        %add3A_450 = arith.addi %mul3A_194, %add3A_449 : i32
        %swap3A_451 = arith.index_cast %add3A_450 : i32 to index
        %swap3A_452 = tpu.vector_load %arg14[%swap3A_451] {strides = array<i32>} : memref<40192xf32, #tpu.memory_space<vmem>>, vector<16xf32>,
        tpu.vector_store %arg14[%swap3A_451], %add3A_444 {strides = array<i32>} : memref<40192xf32, #tpu.memory_space<vmem>>, vector<16xf32>,
        %get3A_453 = arith.index_cast %while3A_189 : i32 to index
        %get3A_454 = arith.constant 160 : index
        %get3A_455 = tpu.vector_load %arg11[%get3A_453, %get3A_454] {strides = array<i32>} : memref<64x256xf32, #tpu.memory_space<vmem>>, vector<16xf32>,
        %add3A_456 = arith.constant 160 : i32
        %add3A_457 = arith.addi %mul3A_194, %add3A_456 : i32
        %get3A_458 = arith.index_cast %add3A_457 : i32 to index
        %get3A_459 = tpu.vector_load %arg13[%get3A_458] {strides = array<i32>} : memref<40192xf32, #tpu.memory_space<vmem>>, vector<16xf32>,
        %add3A_460 = arith.constant 160 : i32
        %add3A_461 = arith.addi %mul3A_194, %add3A_460 : i32
        %get3A_462 = arith.index_cast %add3A_461 : i32 to index
        %get3A_463 = tpu.vector_load %arg14[%get3A_462] {strides = array<i32>} : memref<40192xf32, #tpu.memory_space<vmem>>, vector<16xf32>,
        %max3A_464 = arith.maximumf %get3A_459, %get3A_455 : vector<16xf32>
        %sub3A_465 = arith.subf %get3A_459, %max3A_464 : vector<16xf32>
        %exp3A_466 = math.exp %sub3A_465 : vector<16xf32>
        %mul3A_467 = arith.mulf %get3A_463, %exp3A_466 : vector<16xf32>
        %sub3A_468 = arith.subf %get3A_455, %max3A_464 : vector<16xf32>
        %exp3A_469 = math.exp %sub3A_468 : vector<16xf32>
        %add3A_470 = arith.addf %mul3A_467, %exp3A_469 : vector<16xf32>
        %add3A_471 = arith.constant 160 : i32
        %add3A_472 = arith.addi %mul3A_194, %add3A_471 : i32
        %swap3A_473 = arith.index_cast %add3A_472 : i32 to index
        %swap3A_474 = tpu.vector_load %arg13[%swap3A_473] {strides = array<i32>} : memref<40192xf32, #tpu.memory_space<vmem>>, vector<16xf32>,
        tpu.vector_store %arg13[%swap3A_473], %max3A_464 {strides = array<i32>} : memref<40192xf32, #tpu.memory_space<vmem>>, vector<16xf32>,
        %add3A_475 = arith.constant 160 : i32
        %add3A_476 = arith.addi %mul3A_194, %add3A_475 : i32
        %swap3A_477 = arith.index_cast %add3A_476 : i32 to index
        %swap3A_478 = tpu.vector_load %arg14[%swap3A_477] {strides = array<i32>} : memref<40192xf32, #tpu.memory_space<vmem>>, vector<16xf32>,
        tpu.vector_store %arg14[%swap3A_477], %add3A_470 {strides = array<i32>} : memref<40192xf32, #tpu.memory_space<vmem>>, vector<16xf32>,
        %get3A_479 = arith.index_cast %while3A_189 : i32 to index
        %get3A_480 = arith.constant 176 : index
        %get3A_481 = tpu.vector_load %arg11[%get3A_479, %get3A_480] {strides = array<i32>} : memref<64x256xf32, #tpu.memory_space<vmem>>, vector<16xf32>,
        %add3A_482 = arith.constant 176 : i32
        %add3A_483 = arith.addi %mul3A_194, %add3A_482 : i32
        %get3A_484 = arith.index_cast %add3A_483 : i32 to index
        %get3A_485 = tpu.vector_load %arg13[%get3A_484] {strides = array<i32>} : memref<40192xf32, #tpu.memory_space<vmem>>, vector<16xf32>,
        %add3A_486 = arith.constant 176 : i32
        %add3A_487 = arith.addi %mul3A_194, %add3A_486 : i32
        %get3A_488 = arith.index_cast %add3A_487 : i32 to index
        %get3A_489 = tpu.vector_load %arg14[%get3A_488] {strides = array<i32>} : memref<40192xf32, #tpu.memory_space<vmem>>, vector<16xf32>,
        %max3A_490 = arith.maximumf %get3A_485, %get3A_481 : vector<16xf32>
        %sub3A_491 = arith.subf %get3A_485, %max3A_490 : vector<16xf32>
        %exp3A_492 = math.exp %sub3A_491 : vector<16xf32>
        %mul3A_493 = arith.mulf %get3A_489, %exp3A_492 : vector<16xf32>
        %sub3A_494 = arith.subf %get3A_481, %max3A_490 : vector<16xf32>
        %exp3A_495 = math.exp %sub3A_494 : vector<16xf32>
        %add3A_496 = arith.addf %mul3A_493, %exp3A_495 : vector<16xf32>
        %add3A_497 = arith.constant 176 : i32
        %add3A_498 = arith.addi %mul3A_194, %add3A_497 : i32
        %swap3A_499 = arith.index_cast %add3A_498 : i32 to index
        %swap3A_500 = tpu.vector_load %arg13[%swap3A_499] {strides = array<i32>} : memref<40192xf32, #tpu.memory_space<vmem>>, vector<16xf32>,
        tpu.vector_store %arg13[%swap3A_499], %max3A_490 {strides = array<i32>} : memref<40192xf32, #tpu.memory_space<vmem>>, vector<16xf32>,
        %add3A_501 = arith.constant 176 : i32
        %add3A_502 = arith.addi %mul3A_194, %add3A_501 : i32
        %swap3A_503 = arith.index_cast %add3A_502 : i32 to index
        %swap3A_504 = tpu.vector_load %arg14[%swap3A_503] {strides = array<i32>} : memref<40192xf32, #tpu.memory_space<vmem>>, vector<16xf32>,
        tpu.vector_store %arg14[%swap3A_503], %add3A_496 {strides = array<i32>} : memref<40192xf32, #tpu.memory_space<vmem>>, vector<16xf32>,
        %get3A_505 = arith.index_cast %while3A_189 : i32 to index
        %get3A_506 = arith.constant 192 : index
        %get3A_507 = tpu.vector_load %arg11[%get3A_505, %get3A_506] {strides = array<i32>} : memref<64x256xf32, #tpu.memory_space<vmem>>, vector<16xf32>,
        %add3A_508 = arith.constant 192 : i32
        %add3A_509 = arith.addi %mul3A_194, %add3A_508 : i32
        %get3A_510 = arith.index_cast %add3A_509 : i32 to index
        %get3A_511 = tpu.vector_load %arg13[%get3A_510] {strides = array<i32>} : memref<40192xf32, #tpu.memory_space<vmem>>, vector<16xf32>,
        %add3A_512 = arith.constant 192 : i32
        %add3A_513 = arith.addi %mul3A_194, %add3A_512 : i32
        %get3A_514 = arith.index_cast %add3A_513 : i32 to index
        %get3A_515 = tpu.vector_load %arg14[%get3A_514] {strides = array<i32>} : memref<40192xf32, #tpu.memory_space<vmem>>, vector<16xf32>,
        %max3A_516 = arith.maximumf %get3A_511, %get3A_507 : vector<16xf32>
        %sub3A_517 = arith.subf %get3A_511, %max3A_516 : vector<16xf32>
        %exp3A_518 = math.exp %sub3A_517 : vector<16xf32>
        %mul3A_519 = arith.mulf %get3A_515, %exp3A_518 : vector<16xf32>
        %sub3A_520 = arith.subf %get3A_507, %max3A_516 : vector<16xf32>
        %exp3A_521 = math.exp %sub3A_520 : vector<16xf32>
        %add3A_522 = arith.addf %mul3A_519, %exp3A_521 : vector<16xf32>
        %add3A_523 = arith.constant 192 : i32
        %add3A_524 = arith.addi %mul3A_194, %add3A_523 : i32
        %swap3A_525 = arith.index_cast %add3A_524 : i32 to index
        %swap3A_526 = tpu.vector_load %arg13[%swap3A_525] {strides = array<i32>} : memref<40192xf32, #tpu.memory_space<vmem>>, vector<16xf32>,
        tpu.vector_store %arg13[%swap3A_525], %max3A_516 {strides = array<i32>} : memref<40192xf32, #tpu.memory_space<vmem>>, vector<16xf32>,
        %add3A_527 = arith.constant 192 : i32
        %add3A_528 = arith.addi %mul3A_194, %add3A_527 : i32
        %swap3A_529 = arith.index_cast %add3A_528 : i32 to index
        %swap3A_530 = tpu.vector_load %arg14[%swap3A_529] {strides = array<i32>} : memref<40192xf32, #tpu.memory_space<vmem>>, vector<16xf32>,
        tpu.vector_store %arg14[%swap3A_529], %add3A_522 {strides = array<i32>} : memref<40192xf32, #tpu.memory_space<vmem>>, vector<16xf32>,
        %get3A_531 = arith.index_cast %while3A_189 : i32 to index
        %get3A_532 = arith.constant 208 : index
        %get3A_533 = tpu.vector_load %arg11[%get3A_531, %get3A_532] {strides = array<i32>} : memref<64x256xf32, #tpu.memory_space<vmem>>, vector<16xf32>,
        %add3A_534 = arith.constant 208 : i32
        %add3A_535 = arith.addi %mul3A_194, %add3A_534 : i32
        %get3A_536 = arith.index_cast %add3A_535 : i32 to index
        %get3A_537 = tpu.vector_load %arg13[%get3A_536] {strides = array<i32>} : memref<40192xf32, #tpu.memory_space<vmem>>, vector<16xf32>,
        %add3A_538 = arith.constant 208 : i32
        %add3A_539 = arith.addi %mul3A_194, %add3A_538 : i32
        %get3A_540 = arith.index_cast %add3A_539 : i32 to index
        %get3A_541 = tpu.vector_load %arg14[%get3A_540] {strides = array<i32>} : memref<40192xf32, #tpu.memory_space<vmem>>, vector<16xf32>,
        %max3A_542 = arith.maximumf %get3A_537, %get3A_533 : vector<16xf32>
        %sub3A_543 = arith.subf %get3A_537, %max3A_542 : vector<16xf32>
        %exp3A_544 = math.exp %sub3A_543 : vector<16xf32>
        %mul3A_545 = arith.mulf %get3A_541, %exp3A_544 : vector<16xf32>
        %sub3A_546 = arith.subf %get3A_533, %max3A_542 : vector<16xf32>
        %exp3A_547 = math.exp %sub3A_546 : vector<16xf32>
        %add3A_548 = arith.addf %mul3A_545, %exp3A_547 : vector<16xf32>
        %add3A_549 = arith.constant 208 : i32
        %add3A_550 = arith.addi %mul3A_194, %add3A_549 : i32
        %swap3A_551 = arith.index_cast %add3A_550 : i32 to index
        %swap3A_552 = tpu.vector_load %arg13[%swap3A_551] {strides = array<i32>} : memref<40192xf32, #tpu.memory_space<vmem>>, vector<16xf32>,
        tpu.vector_store %arg13[%swap3A_551], %max3A_542 {strides = array<i32>} : memref<40192xf32, #tpu.memory_space<vmem>>, vector<16xf32>,
        %add3A_553 = arith.constant 208 : i32
        %add3A_554 = arith.addi %mul3A_194, %add3A_553 : i32
        %swap3A_555 = arith.index_cast %add3A_554 : i32 to index
        %swap3A_556 = tpu.vector_load %arg14[%swap3A_555] {strides = array<i32>} : memref<40192xf32, #tpu.memory_space<vmem>>, vector<16xf32>,
        tpu.vector_store %arg14[%swap3A_555], %add3A_548 {strides = array<i32>} : memref<40192xf32, #tpu.memory_space<vmem>>, vector<16xf32>,
        %get3A_557 = arith.index_cast %while3A_189 : i32 to index
        %get3A_558 = arith.constant 224 : index
        %get3A_559 = tpu.vector_load %arg11[%get3A_557, %get3A_558] {strides = array<i32>} : memref<64x256xf32, #tpu.memory_space<vmem>>, vector<16xf32>,
        %add3A_560 = arith.constant 224 : i32
        %add3A_561 = arith.addi %mul3A_194, %add3A_560 : i32
        %get3A_562 = arith.index_cast %add3A_561 : i32 to index
        %get3A_563 = tpu.vector_load %arg13[%get3A_562] {strides = array<i32>} : memref<40192xf32, #tpu.memory_space<vmem>>, vector<16xf32>,
        %add3A_564 = arith.constant 224 : i32
        %add3A_565 = arith.addi %mul3A_194, %add3A_564 : i32
        %get3A_566 = arith.index_cast %add3A_565 : i32 to index
        %get3A_567 = tpu.vector_load %arg14[%get3A_566] {strides = array<i32>} : memref<40192xf32, #tpu.memory_space<vmem>>, vector<16xf32>,
        %max3A_568 = arith.maximumf %get3A_563, %get3A_559 : vector<16xf32>
        %sub3A_569 = arith.subf %get3A_563, %max3A_568 : vector<16xf32>
        %exp3A_570 = math.exp %sub3A_569 : vector<16xf32>
        %mul3A_571 = arith.mulf %get3A_567, %exp3A_570 : vector<16xf32>
        %sub3A_572 = arith.subf %get3A_559, %max3A_568 : vector<16xf32>
        %exp3A_573 = math.exp %sub3A_572 : vector<16xf32>
        %add3A_574 = arith.addf %mul3A_571, %exp3A_573 : vector<16xf32>
        %add3A_575 = arith.constant 224 : i32
        %add3A_576 = arith.addi %mul3A_194, %add3A_575 : i32
        %swap3A_577 = arith.index_cast %add3A_576 : i32 to index
        %swap3A_578 = tpu.vector_load %arg13[%swap3A_577] {strides = array<i32>} : memref<40192xf32, #tpu.memory_space<vmem>>, vector<16xf32>,
        tpu.vector_store %arg13[%swap3A_577], %max3A_568 {strides = array<i32>} : memref<40192xf32, #tpu.memory_space<vmem>>, vector<16xf32>,
        %add3A_579 = arith.constant 224 : i32
        %add3A_580 = arith.addi %mul3A_194, %add3A_579 : i32
        %swap3A_581 = arith.index_cast %add3A_580 : i32 to index
        %swap3A_582 = tpu.vector_load %arg14[%swap3A_581] {strides = array<i32>} : memref<40192xf32, #tpu.memory_space<vmem>>, vector<16xf32>,
        tpu.vector_store %arg14[%swap3A_581], %add3A_574 {strides = array<i32>} : memref<40192xf32, #tpu.memory_space<vmem>>, vector<16xf32>,
        %get3A_583 = arith.index_cast %while3A_189 : i32 to index
        %get3A_584 = arith.constant 240 : index
        %get3A_585 = tpu.vector_load %arg11[%get3A_583, %get3A_584] {strides = array<i32>} : memref<64x256xf32, #tpu.memory_space<vmem>>, vector<16xf32>,
        %add3A_586 = arith.constant 240 : i32
        %add3A_587 = arith.addi %mul3A_194, %add3A_586 : i32
        %get3A_588 = arith.index_cast %add3A_587 : i32 to index
        %get3A_589 = tpu.vector_load %arg13[%get3A_588] {strides = array<i32>} : memref<40192xf32, #tpu.memory_space<vmem>>, vector<16xf32>,
        %add3A_590 = arith.constant 240 : i32
        %add3A_591 = arith.addi %mul3A_194, %add3A_590 : i32
        %get3A_592 = arith.index_cast %add3A_591 : i32 to index
        %get3A_593 = tpu.vector_load %arg14[%get3A_592] {strides = array<i32>} : memref<40192xf32, #tpu.memory_space<vmem>>, vector<16xf32>,
        %max3A_594 = arith.maximumf %get3A_589, %get3A_585 : vector<16xf32>
        %sub3A_595 = arith.subf %get3A_589, %max3A_594 : vector<16xf32>
        %exp3A_596 = math.exp %sub3A_595 : vector<16xf32>
        %mul3A_597 = arith.mulf %get3A_593, %exp3A_596 : vector<16xf32>
        %sub3A_598 = arith.subf %get3A_585, %max3A_594 : vector<16xf32>
        %exp3A_599 = math.exp %sub3A_598 : vector<16xf32>
        %add3A_600 = arith.addf %mul3A_597, %exp3A_599 : vector<16xf32>
        %add3A_601 = arith.constant 240 : i32
        %add3A_602 = arith.addi %mul3A_194, %add3A_601 : i32
        %swap3A_603 = arith.index_cast %add3A_602 : i32 to index
        %swap3A_604 = tpu.vector_load %arg13[%swap3A_603] {strides = array<i32>} : memref<40192xf32, #tpu.memory_space<vmem>>, vector<16xf32>,
        tpu.vector_store %arg13[%swap3A_603], %max3A_594 {strides = array<i32>} : memref<40192xf32, #tpu.memory_space<vmem>>, vector<16xf32>,
        %add3A_605 = arith.constant 240 : i32
        %add3A_606 = arith.addi %mul3A_194, %add3A_605 : i32
        %swap3A_607 = arith.index_cast %add3A_606 : i32 to index
        %swap3A_608 = tpu.vector_load %arg14[%swap3A_607] {strides = array<i32>} : memref<40192xf32, #tpu.memory_space<vmem>>, vector<16xf32>,
        tpu.vector_store %arg14[%swap3A_607], %add3A_600 {strides = array<i32>} : memref<40192xf32, #tpu.memory_space<vmem>>, vector<16xf32>,
      }
    }
    %while3A_105 = arith.constant 1 : i32
    scf.for %while3A_106 = %while3A_103 to %while3A_99 step %while3A_105  : i32 {
      %mul3A_107 = arith.constant 64 : i32
      %mul3A_108 = arith.muli %while3A_106, %mul3A_107 : i32
      %mul3A_109 = arith.constant 320064 : i32
      %mul3A_110 = arith.muli %add3A_63, %mul3A_109 : i32
      %add3A_111 = arith.addi %mul3A_110, %mul3A_108 : i32
      %multiple_of3A_112 = tpu.assume_multiple %add3A_111, 64 : i32
      "tpu.region"() ({
        %run_scoped3A = tpu.sem_alloc : memref<!tpu.dma_semaphore, #tpu.memory_space<semaphore_mem>>
        %dma_start3A_189 = arith.constant 0 : i32
        %dma_start3A_190 = tpu.memref_slice %arg9[%dma_start3A_189] : memref<80xi32, #tpu.memory_space<vmem>> -> memref<64xi32, #tpu.memory_space<vmem>>
        %dma_start3A_191 = tpu.memref_slice %arg5[%multiple_of3A_112] : memref<20484096xi32, #tpu.memory_space<hbm>> -> memref<64xi32, #tpu.memory_space<hbm>>
        %dma_start3A_192 = arith.constant 0 : i32
        %dma_start3A_193 = tpu.memref_slice %arg9[%dma_start3A_192] : memref<80xi32, #tpu.memory_space<vmem>> -> memref<64xi32, #tpu.memory_space<vmem>>
        %dma_start3A_194 = tpu.memref_slice %arg5[%multiple_of3A_112] : memref<20484096xi32, #tpu.memory_space<hbm>> -> memref<64xi32, #tpu.memory_space<hbm>>
        tpu.enqueue_dma source(%dma_start3A_194 : memref<64xi32, #tpu.memory_space<hbm>>) target(%dma_start3A_193 : memref<64xi32, #tpu.memory_space<vmem>>) target_semaphore(%run_scoped3A : memref<!tpu.dma_semaphore, #tpu.memory_space<semaphore_mem>>)
        %dma_wait3A_195 = arith.constant 0 : i32
        %dma_wait3A_196 = tpu.memref_slice %arg9[%dma_wait3A_195] : memref<80xi32, #tpu.memory_space<vmem>> -> memref<64xi32, #tpu.memory_space<vmem>>
        %dma_wait3A_197 = tpu.memref_slice %arg5[%multiple_of3A_112] : memref<20484096xi32, #tpu.memory_space<hbm>> -> memref<64xi32, #tpu.memory_space<hbm>>
        %dma_wait3A_198 = arith.constant 0 : i32
        %dma_wait3A_199 = tpu.memref_slice %arg9[%dma_wait3A_198] : memref<80xi32, #tpu.memory_space<vmem>> -> memref<64xi32, #tpu.memory_space<vmem>>
        %dma_wait3A_200 = tpu.memref_slice %arg5[%multiple_of3A_112] : memref<20484096xi32, #tpu.memory_space<hbm>> -> memref<64xi32, #tpu.memory_space<hbm>>
        tpu.wait_dma2 semaphore(%run_scoped3A : memref<!tpu.dma_semaphore, #tpu.memory_space<semaphore_mem>>) src(%dma_wait3A_200 : memref<64xi32, #tpu.memory_space<hbm>>) dst(%dma_wait3A_199 : memref<64xi32, #tpu.memory_space<vmem>>)
        tpu.yield
      }) : () -> ()
      %sub3A_113 = arith.subi %add3A_26, %mul3A_108 : i32
      %get3A = arith.constant 0 : index
      %get3A_114 = tpu.vector_load %arg9[%get3A] {strides = array<i32>} : memref<80xi32, #tpu.memory_space<vmem>>, vector<16xi32>,
      %and3A_115 = arith.constant 524287 : i32
      %and3A_116 = vector.broadcast %and3A_115 : i32 to vector<16xi32>
      %and3A_117 = arith.andi %get3A_114, %and3A_116 : vector<16xi32>
      %add3A_118 = arith.constant 0 : i32
      %add3A_119 = vector.broadcast %add3A_118 : i32 to vector<16xi32>
      %add3A_120 = arith.addi %add3A_119, %iota3A : vector<16xi32>
      %lt3A = vector.broadcast %sub3A_113 : i32 to vector<16xi32>
      %lt3A_121 = arith.cmpi slt, %add3A_120, %lt3A : vector<16xi32>
      %add3A_122 = arith.constant 320000 : i32
      %add3A_123 = vector.broadcast %add3A_122 : i32 to vector<16xi32>
      %add3A_124 = arith.addi %add3A_123, %iota3A : vector<16xi32>
      %select_n3A_125 = arith.select %lt3A_121, %and3A_117, %add3A_124 : vector<16xi1>, vector<16xi32>
      %swap3A = arith.constant 0 : index
      %swap3A_126 = tpu.vector_load %arg10[%swap3A] {strides = array<i32>} : memref<64xi32, #tpu.memory_space<vmem>>, vector<16xi32>,
      tpu.vector_store %arg10[%swap3A], %select_n3A_125 {strides = array<i32>} : memref<64xi32, #tpu.memory_space<vmem>>, vector<16xi32>,
      %get3A_127 = arith.constant 16 : index
      %get3A_128 = tpu.vector_load %arg9[%get3A_127] {strides = array<i32>} : memref<80xi32, #tpu.memory_space<vmem>>, vector<16xi32>,
      %and3A_129 = arith.constant 524287 : i32
      %and3A_130 = vector.broadcast %and3A_129 : i32 to vector<16xi32>
      %and3A_131 = arith.andi %get3A_128, %and3A_130 : vector<16xi32>
      %add3A_132 = arith.constant 16 : i32
      %add3A_133 = vector.broadcast %add3A_132 : i32 to vector<16xi32>
      %add3A_134 = arith.addi %add3A_133, %iota3A : vector<16xi32>
      %lt3A_135 = vector.broadcast %sub3A_113 : i32 to vector<16xi32>
      %lt3A_136 = arith.cmpi slt, %add3A_134, %lt3A_135 : vector<16xi32>
      %add3A_137 = arith.constant 320016 : i32
      %add3A_138 = vector.broadcast %add3A_137 : i32 to vector<16xi32>
      %add3A_139 = arith.addi %add3A_138, %iota3A : vector<16xi32>
      %select_n3A_140 = arith.select %lt3A_136, %and3A_131, %add3A_139 : vector<16xi1>, vector<16xi32>
      %swap3A_141 = arith.constant 16 : index
      %swap3A_142 = tpu.vector_load %arg10[%swap3A_141] {strides = array<i32>} : memref<64xi32, #tpu.memory_space<vmem>>, vector<16xi32>,
      tpu.vector_store %arg10[%swap3A_141], %select_n3A_140 {strides = array<i32>} : memref<64xi32, #tpu.memory_space<vmem>>, vector<16xi32>,
      %get3A_143 = arith.constant 32 : index
      %get3A_144 = tpu.vector_load %arg9[%get3A_143] {strides = array<i32>} : memref<80xi32, #tpu.memory_space<vmem>>, vector<16xi32>,
      %and3A_145 = arith.constant 524287 : i32
      %and3A_146 = vector.broadcast %and3A_145 : i32 to vector<16xi32>
      %and3A_147 = arith.andi %get3A_144, %and3A_146 : vector<16xi32>
      %add3A_148 = arith.constant 32 : i32
      %add3A_149 = vector.broadcast %add3A_148 : i32 to vector<16xi32>
      %add3A_150 = arith.addi %add3A_149, %iota3A : vector<16xi32>
      %lt3A_151 = vector.broadcast %sub3A_113 : i32 to vector<16xi32>
      %lt3A_152 = arith.cmpi slt, %add3A_150, %lt3A_151 : vector<16xi32>
      %add3A_153 = arith.constant 320032 : i32
      %add3A_154 = vector.broadcast %add3A_153 : i32 to vector<16xi32>
      %add3A_155 = arith.addi %add3A_154, %iota3A : vector<16xi32>
      %select_n3A_156 = arith.select %lt3A_152, %and3A_147, %add3A_155 : vector<16xi1>, vector<16xi32>
      %swap3A_157 = arith.constant 32 : index
      %swap3A_158 = tpu.vector_load %arg10[%swap3A_157] {strides = array<i32>} : memref<64xi32, #tpu.memory_space<vmem>>, vector<16xi32>,
      tpu.vector_store %arg10[%swap3A_157], %select_n3A_156 {strides = array<i32>} : memref<64xi32, #tpu.memory_space<vmem>>, vector<16xi32>,
      %get3A_159 = arith.constant 48 : index
      %get3A_160 = tpu.vector_load %arg9[%get3A_159] {strides = array<i32>} : memref<80xi32, #tpu.memory_space<vmem>>, vector<16xi32>,
      %and3A_161 = arith.constant 524287 : i32
      %and3A_162 = vector.broadcast %and3A_161 : i32 to vector<16xi32>
      %and3A_163 = arith.andi %get3A_160, %and3A_162 : vector<16xi32>
      %add3A_164 = arith.constant 48 : i32
      %add3A_165 = vector.broadcast %add3A_164 : i32 to vector<16xi32>
      %add3A_166 = arith.addi %add3A_165, %iota3A : vector<16xi32>
      %lt3A_167 = vector.broadcast %sub3A_113 : i32 to vector<16xi32>
      %lt3A_168 = arith.cmpi slt, %add3A_166, %lt3A_167 : vector<16xi32>
      %add3A_169 = arith.constant 320048 : i32
      %add3A_170 = vector.broadcast %add3A_169 : i32 to vector<16xi32>
      %add3A_171 = arith.addi %add3A_170, %iota3A : vector<16xi32>
      %select_n3A_172 = arith.select %lt3A_168, %and3A_163, %add3A_171 : vector<16xi1>, vector<16xi32>
      %swap3A_173 = arith.constant 48 : index
      %swap3A_174 = tpu.vector_load %arg10[%swap3A_173] {strides = array<i32>} : memref<64xi32, #tpu.memory_space<vmem>>, vector<16xi32>,
      tpu.vector_store %arg10[%swap3A_173], %select_n3A_172 {strides = array<i32>} : memref<64xi32, #tpu.memory_space<vmem>>, vector<16xi32>,
      %dma_start3A = arith.constant 0 : i32
      %dma_start3A_175 = arith.constant 0 : i32
      %dma_start3A_176 = tpu.memref_slice %arg3[%dma_start3A, %dma_start3A_175] : memref<320000x256xf32, #tpu.memory_space<hbm>> -> memref<320000x256xf32, #tpu.memory_space<hbm>>
      tpu.enqueue_indirect_dma source(%dma_start3A_176 : memref<320000x256xf32, #tpu.memory_space<hbm>>) target(%arg11 : memref<64x256xf32, #tpu.memory_space<vmem>>) offsets(%arg10 : memref<64xi32, #tpu.memory_space<vmem>>) semaphore(%arg16 : memref<!tpu.dma_semaphore, #tpu.memory_space<semaphore_mem>>)
      %dma_wait3A = arith.constant 0 : i32
      %dma_wait3A_177 = arith.constant 0 : i32
      %dma_wait3A_178 = tpu.memref_slice %arg3[%dma_wait3A, %dma_wait3A_177] : memref<320000x256xf32, #tpu.memory_space<hbm>> -> memref<320000x256xf32, #tpu.memory_space<hbm>>
      tpu.wait_indirect_dma semaphore(%arg16 : memref<!tpu.dma_semaphore, #tpu.memory_space<semaphore_mem>>) src(%dma_wait3A_178 : memref<320000x256xf32, #tpu.memory_space<hbm>>) dst(%arg11 : memref<64x256xf32, #tpu.memory_space<vmem>>)
      %min3A = arith.constant 64 : i32
      %min3A_179 = arith.minsi %sub3A_113, %min3A : i32
      %while3A_180 = arith.constant 0 : i32
      %while3A_181 = arith.subi %min3A_179, %while3A_180 : i32
      %while3A_182 = arith.addi %while3A_180, %while3A_181 : i32
      %while3A_183 = arith.constant 1 : i32
      %while3A_184 = arith.divsi %while3A_181, %while3A_183 : i32
      %while3A_185 = arith.muli %while3A_184, %while3A_183 : i32
      %while3A_186 = arith.addi %while3A_180, %while3A_185 : i32
      %while3A_187 = arith.constant 1 : i32
      scf.for %while3A_189 = %while3A_180 to %while3A_186 step %while3A_187  : i32 {
        %get3A_190 = arith.index_cast %while3A_189 : i32 to index
        %get3A_191 = tpu.vector_load %arg9[%get3A_190] {strides = array<i32>} : memref<80xi32, #tpu.memory_space<vmem>>, vector<16xi32>,
        %slice3A = vector.extract_strided_slice %get3A_191 {offsets = [0], sizes = [1], strides = [1]} : vector<16xi32> to vector<1xi32>
        %squeeze3A = vector.extract %slice3A[0] : i32 from vector<1xi32>
        %shift_right_arithmetic3A = arith.constant 19 : i32
        %shift_right_arithmetic3A_192 = arith.shrsi %squeeze3A, %shift_right_arithmetic3A : i32
        %mul3A_193 = arith.constant 256 : i32
        %mul3A_194 = arith.muli %shift_right_arithmetic3A_192, %mul3A_193 : i32
        %get3A_195 = arith.index_cast %while3A_189 : i32 to index
        %get3A_196 = arith.constant 0 : index
        %get3A_197 = tpu.vector_load %arg11[%get3A_195, %get3A_196] {strides = array<i32>} : memref<64x256xf32, #tpu.memory_space<vmem>>, vector<16xf32>,
        %add3A_198 = arith.constant 0 : i32
        %add3A_199 = arith.addi %mul3A_194, %add3A_198 : i32
        %get3A_200 = arith.index_cast %add3A_199 : i32 to index
        %get3A_201 = tpu.vector_load %arg13[%get3A_200] {strides = array<i32>} : memref<40192xf32, #tpu.memory_space<vmem>>, vector<16xf32>,
        %add3A_202 = arith.constant 0 : i32
        %add3A_203 = arith.addi %mul3A_194, %add3A_202 : i32
        %get3A_204 = arith.index_cast %add3A_203 : i32 to index
        %get3A_205 = tpu.vector_load %arg14[%get3A_204] {strides = array<i32>} : memref<40192xf32, #tpu.memory_space<vmem>>, vector<16xf32>,
        %max3A = arith.maximumf %get3A_201, %get3A_197 : vector<16xf32>
        %sub3A_206 = arith.subf %get3A_201, %max3A : vector<16xf32>
        %exp3A = math.exp %sub3A_206 : vector<16xf32>
        %mul3A_207 = arith.mulf %get3A_205, %exp3A : vector<16xf32>
        %sub3A_208 = arith.subf %get3A_197, %max3A : vector<16xf32>
        %exp3A_209 = math.exp %sub3A_208 : vector<16xf32>
        %add3A_210 = arith.addf %mul3A_207, %exp3A_209 : vector<16xf32>
        %add3A_211 = arith.constant 0 : i32
        %add3A_212 = arith.addi %mul3A_194, %add3A_211 : i32
        %swap3A_213 = arith.index_cast %add3A_212 : i32 to index
        %swap3A_214 = tpu.vector_load %arg13[%swap3A_213] {strides = array<i32>} : memref<40192xf32, #tpu.memory_space<vmem>>, vector<16xf32>,
        tpu.vector_store %arg13[%swap3A_213], %max3A {strides = array<i32>} : memref<40192xf32, #tpu.memory_space<vmem>>, vector<16xf32>,
        %add3A_215 = arith.constant 0 : i32
        %add3A_216 = arith.addi %mul3A_194, %add3A_215 : i32
        %swap3A_217 = arith.index_cast %add3A_216 : i32 to index
        %swap3A_218 = tpu.vector_load %arg14[%swap3A_217] {strides = array<i32>} : memref<40192xf32, #tpu.memory_space<vmem>>, vector<16xf32>,
        tpu.vector_store %arg14[%swap3A_217], %add3A_210 {strides = array<i32>} : memref<40192xf32, #tpu.memory_space<vmem>>, vector<16xf32>,
        %get3A_219 = arith.index_cast %while3A_189 : i32 to index
        %get3A_220 = arith.constant 16 : index
        %get3A_221 = tpu.vector_load %arg11[%get3A_219, %get3A_220] {strides = array<i32>} : memref<64x256xf32, #tpu.memory_space<vmem>>, vector<16xf32>,
        %add3A_222 = arith.constant 16 : i32
        %add3A_223 = arith.addi %mul3A_194, %add3A_222 : i32
        %get3A_224 = arith.index_cast %add3A_223 : i32 to index
        %get3A_225 = tpu.vector_load %arg13[%get3A_224] {strides = array<i32>} : memref<40192xf32, #tpu.memory_space<vmem>>, vector<16xf32>,
        %add3A_226 = arith.constant 16 : i32
        %add3A_227 = arith.addi %mul3A_194, %add3A_226 : i32
        %get3A_228 = arith.index_cast %add3A_227 : i32 to index
        %get3A_229 = tpu.vector_load %arg14[%get3A_228] {strides = array<i32>} : memref<40192xf32, #tpu.memory_space<vmem>>, vector<16xf32>,
        %max3A_230 = arith.maximumf %get3A_225, %get3A_221 : vector<16xf32>
        %sub3A_231 = arith.subf %get3A_225, %max3A_230 : vector<16xf32>
        %exp3A_232 = math.exp %sub3A_231 : vector<16xf32>
        %mul3A_233 = arith.mulf %get3A_229, %exp3A_232 : vector<16xf32>
        %sub3A_234 = arith.subf %get3A_221, %max3A_230 : vector<16xf32>
        %exp3A_235 = math.exp %sub3A_234 : vector<16xf32>
        %add3A_236 = arith.addf %mul3A_233, %exp3A_235 : vector<16xf32>
        %add3A_237 = arith.constant 16 : i32
        %add3A_238 = arith.addi %mul3A_194, %add3A_237 : i32
        %swap3A_239 = arith.index_cast %add3A_238 : i32 to index
        %swap3A_240 = tpu.vector_load %arg13[%swap3A_239] {strides = array<i32>} : memref<40192xf32, #tpu.memory_space<vmem>>, vector<16xf32>,
        tpu.vector_store %arg13[%swap3A_239], %max3A_230 {strides = array<i32>} : memref<40192xf32, #tpu.memory_space<vmem>>, vector<16xf32>,
        %add3A_241 = arith.constant 16 : i32
        %add3A_242 = arith.addi %mul3A_194, %add3A_241 : i32
        %swap3A_243 = arith.index_cast %add3A_242 : i32 to index
        %swap3A_244 = tpu.vector_load %arg14[%swap3A_243] {strides = array<i32>} : memref<40192xf32, #tpu.memory_space<vmem>>, vector<16xf32>,
        tpu.vector_store %arg14[%swap3A_243], %add3A_236 {strides = array<i32>} : memref<40192xf32, #tpu.memory_space<vmem>>, vector<16xf32>,
        %get3A_245 = arith.index_cast %while3A_189 : i32 to index
        %get3A_246 = arith.constant 32 : index
        %get3A_247 = tpu.vector_load %arg11[%get3A_245, %get3A_246] {strides = array<i32>} : memref<64x256xf32, #tpu.memory_space<vmem>>, vector<16xf32>,
        %add3A_248 = arith.constant 32 : i32
        %add3A_249 = arith.addi %mul3A_194, %add3A_248 : i32
        %get3A_250 = arith.index_cast %add3A_249 : i32 to index
        %get3A_251 = tpu.vector_load %arg13[%get3A_250] {strides = array<i32>} : memref<40192xf32, #tpu.memory_space<vmem>>, vector<16xf32>,
        %add3A_252 = arith.constant 32 : i32
        %add3A_253 = arith.addi %mul3A_194, %add3A_252 : i32
        %get3A_254 = arith.index_cast %add3A_253 : i32 to index
        %get3A_255 = tpu.vector_load %arg14[%get3A_254] {strides = array<i32>} : memref<40192xf32, #tpu.memory_space<vmem>>, vector<16xf32>,
        %max3A_256 = arith.maximumf %get3A_251, %get3A_247 : vector<16xf32>
        %sub3A_257 = arith.subf %get3A_251, %max3A_256 : vector<16xf32>
        %exp3A_258 = math.exp %sub3A_257 : vector<16xf32>
        %mul3A_259 = arith.mulf %get3A_255, %exp3A_258 : vector<16xf32>
        %sub3A_260 = arith.subf %get3A_247, %max3A_256 : vector<16xf32>
        %exp3A_261 = math.exp %sub3A_260 : vector<16xf32>
        %add3A_262 = arith.addf %mul3A_259, %exp3A_261 : vector<16xf32>
        %add3A_263 = arith.constant 32 : i32
        %add3A_264 = arith.addi %mul3A_194, %add3A_263 : i32
        %swap3A_265 = arith.index_cast %add3A_264 : i32 to index
        %swap3A_266 = tpu.vector_load %arg13[%swap3A_265] {strides = array<i32>} : memref<40192xf32, #tpu.memory_space<vmem>>, vector<16xf32>,
        tpu.vector_store %arg13[%swap3A_265], %max3A_256 {strides = array<i32>} : memref<40192xf32, #tpu.memory_space<vmem>>, vector<16xf32>,
        %add3A_267 = arith.constant 32 : i32
        %add3A_268 = arith.addi %mul3A_194, %add3A_267 : i32
        %swap3A_269 = arith.index_cast %add3A_268 : i32 to index
        %swap3A_270 = tpu.vector_load %arg14[%swap3A_269] {strides = array<i32>} : memref<40192xf32, #tpu.memory_space<vmem>>, vector<16xf32>,
        tpu.vector_store %arg14[%swap3A_269], %add3A_262 {strides = array<i32>} : memref<40192xf32, #tpu.memory_space<vmem>>, vector<16xf32>,
        %get3A_271 = arith.index_cast %while3A_189 : i32 to index
        %get3A_272 = arith.constant 48 : index
        %get3A_273 = tpu.vector_load %arg11[%get3A_271, %get3A_272] {strides = array<i32>} : memref<64x256xf32, #tpu.memory_space<vmem>>, vector<16xf32>,
        %add3A_274 = arith.constant 48 : i32
        %add3A_275 = arith.addi %mul3A_194, %add3A_274 : i32
        %get3A_276 = arith.index_cast %add3A_275 : i32 to index
        %get3A_277 = tpu.vector_load %arg13[%get3A_276] {strides = array<i32>} : memref<40192xf32, #tpu.memory_space<vmem>>, vector<16xf32>,
        %add3A_278 = arith.constant 48 : i32
        %add3A_279 = arith.addi %mul3A_194, %add3A_278 : i32
        %get3A_280 = arith.index_cast %add3A_279 : i32 to index
        %get3A_281 = tpu.vector_load %arg14[%get3A_280] {strides = array<i32>} : memref<40192xf32, #tpu.memory_space<vmem>>, vector<16xf32>,
        %max3A_282 = arith.maximumf %get3A_277, %get3A_273 : vector<16xf32>
        %sub3A_283 = arith.subf %get3A_277, %max3A_282 : vector<16xf32>
        %exp3A_284 = math.exp %sub3A_283 : vector<16xf32>
        %mul3A_285 = arith.mulf %get3A_281, %exp3A_284 : vector<16xf32>
        %sub3A_286 = arith.subf %get3A_273, %max3A_282 : vector<16xf32>
        %exp3A_287 = math.exp %sub3A_286 : vector<16xf32>
        %add3A_288 = arith.addf %mul3A_285, %exp3A_287 : vector<16xf32>
        %add3A_289 = arith.constant 48 : i32
        %add3A_290 = arith.addi %mul3A_194, %add3A_289 : i32
        %swap3A_291 = arith.index_cast %add3A_290 : i32 to index
        %swap3A_292 = tpu.vector_load %arg13[%swap3A_291] {strides = array<i32>} : memref<40192xf32, #tpu.memory_space<vmem>>, vector<16xf32>,
        tpu.vector_store %arg13[%swap3A_291], %max3A_282 {strides = array<i32>} : memref<40192xf32, #tpu.memory_space<vmem>>, vector<16xf32>,
        %add3A_293 = arith.constant 48 : i32
        %add3A_294 = arith.addi %mul3A_194, %add3A_293 : i32
        %swap3A_295 = arith.index_cast %add3A_294 : i32 to index
        %swap3A_296 = tpu.vector_load %arg14[%swap3A_295] {strides = array<i32>} : memref<40192xf32, #tpu.memory_space<vmem>>, vector<16xf32>,
        tpu.vector_store %arg14[%swap3A_295], %add3A_288 {strides = array<i32>} : memref<40192xf32, #tpu.memory_space<vmem>>, vector<16xf32>,
        %get3A_297 = arith.index_cast %while3A_189 : i32 to index
        %get3A_298 = arith.constant 64 : index
        %get3A_299 = tpu.vector_load %arg11[%get3A_297, %get3A_298] {strides = array<i32>} : memref<64x256xf32, #tpu.memory_space<vmem>>, vector<16xf32>,
        %add3A_300 = arith.constant 64 : i32
        %add3A_301 = arith.addi %mul3A_194, %add3A_300 : i32
        %get3A_302 = arith.index_cast %add3A_301 : i32 to index
        %get3A_303 = tpu.vector_load %arg13[%get3A_302] {strides = array<i32>} : memref<40192xf32, #tpu.memory_space<vmem>>, vector<16xf32>,
        %add3A_304 = arith.constant 64 : i32
        %add3A_305 = arith.addi %mul3A_194, %add3A_304 : i32
        %get3A_306 = arith.index_cast %add3A_305 : i32 to index
        %get3A_307 = tpu.vector_load %arg14[%get3A_306] {strides = array<i32>} : memref<40192xf32, #tpu.memory_space<vmem>>, vector<16xf32>,
        %max3A_308 = arith.maximumf %get3A_303, %get3A_299 : vector<16xf32>
        %sub3A_309 = arith.subf %get3A_303, %max3A_308 : vector<16xf32>
        %exp3A_310 = math.exp %sub3A_309 : vector<16xf32>
        %mul3A_311 = arith.mulf %get3A_307, %exp3A_310 : vector<16xf32>
        %sub3A_312 = arith.subf %get3A_299, %max3A_308 : vector<16xf32>
        %exp3A_313 = math.exp %sub3A_312 : vector<16xf32>
        %add3A_314 = arith.addf %mul3A_311, %exp3A_313 : vector<16xf32>
        %add3A_315 = arith.constant 64 : i32
        %add3A_316 = arith.addi %mul3A_194, %add3A_315 : i32
        %swap3A_317 = arith.index_cast %add3A_316 : i32 to index
        %swap3A_318 = tpu.vector_load %arg13[%swap3A_317] {strides = array<i32>} : memref<40192xf32, #tpu.memory_space<vmem>>, vector<16xf32>,
        tpu.vector_store %arg13[%swap3A_317], %max3A_308 {strides = array<i32>} : memref<40192xf32, #tpu.memory_space<vmem>>, vector<16xf32>,
        %add3A_319 = arith.constant 64 : i32
        %add3A_320 = arith.addi %mul3A_194, %add3A_319 : i32
        %swap3A_321 = arith.index_cast %add3A_320 : i32 to index
        %swap3A_322 = tpu.vector_load %arg14[%swap3A_321] {strides = array<i32>} : memref<40192xf32, #tpu.memory_space<vmem>>, vector<16xf32>,
        tpu.vector_store %arg14[%swap3A_321], %add3A_314 {strides = array<i32>} : memref<40192xf32, #tpu.memory_space<vmem>>, vector<16xf32>,
        %get3A_323 = arith.index_cast %while3A_189 : i32 to index
        %get3A_324 = arith.constant 80 : index
        %get3A_325 = tpu.vector_load %arg11[%get3A_323, %get3A_324] {strides = array<i32>} : memref<64x256xf32, #tpu.memory_space<vmem>>, vector<16xf32>,
        %add3A_326 = arith.constant 80 : i32
        %add3A_327 = arith.addi %mul3A_194, %add3A_326 : i32
        %get3A_328 = arith.index_cast %add3A_327 : i32 to index
        %get3A_329 = tpu.vector_load %arg13[%get3A_328] {strides = array<i32>} : memref<40192xf32, #tpu.memory_space<vmem>>, vector<16xf32>,
        %add3A_330 = arith.constant 80 : i32
        %add3A_331 = arith.addi %mul3A_194, %add3A_330 : i32
        %get3A_332 = arith.index_cast %add3A_331 : i32 to index
        %get3A_333 = tpu.vector_load %arg14[%get3A_332] {strides = array<i32>} : memref<40192xf32, #tpu.memory_space<vmem>>, vector<16xf32>,
        %max3A_334 = arith.maximumf %get3A_329, %get3A_325 : vector<16xf32>
        %sub3A_335 = arith.subf %get3A_329, %max3A_334 : vector<16xf32>
        %exp3A_336 = math.exp %sub3A_335 : vector<16xf32>
        %mul3A_337 = arith.mulf %get3A_333, %exp3A_336 : vector<16xf32>
        %sub3A_338 = arith.subf %get3A_325, %max3A_334 : vector<16xf32>
        %exp3A_339 = math.exp %sub3A_338 : vector<16xf32>
        %add3A_340 = arith.addf %mul3A_337, %exp3A_339 : vector<16xf32>
        %add3A_341 = arith.constant 80 : i32
        %add3A_342 = arith.addi %mul3A_194, %add3A_341 : i32
        %swap3A_343 = arith.index_cast %add3A_342 : i32 to index
        %swap3A_344 = tpu.vector_load %arg13[%swap3A_343] {strides = array<i32>} : memref<40192xf32, #tpu.memory_space<vmem>>, vector<16xf32>,
        tpu.vector_store %arg13[%swap3A_343], %max3A_334 {strides = array<i32>} : memref<40192xf32, #tpu.memory_space<vmem>>, vector<16xf32>,
        %add3A_345 = arith.constant 80 : i32
        %add3A_346 = arith.addi %mul3A_194, %add3A_345 : i32
        %swap3A_347 = arith.index_cast %add3A_346 : i32 to index
        %swap3A_348 = tpu.vector_load %arg14[%swap3A_347] {strides = array<i32>} : memref<40192xf32, #tpu.memory_space<vmem>>, vector<16xf32>,
        tpu.vector_store %arg14[%swap3A_347], %add3A_340 {strides = array<i32>} : memref<40192xf32, #tpu.memory_space<vmem>>, vector<16xf32>,
        %get3A_349 = arith.index_cast %while3A_189 : i32 to index
        %get3A_350 = arith.constant 96 : index
        %get3A_351 = tpu.vector_load %arg11[%get3A_349, %get3A_350] {strides = array<i32>} : memref<64x256xf32, #tpu.memory_space<vmem>>, vector<16xf32>,
        %add3A_352 = arith.constant 96 : i32
        %add3A_353 = arith.addi %mul3A_194, %add3A_352 : i32
        %get3A_354 = arith.index_cast %add3A_353 : i32 to index
        %get3A_355 = tpu.vector_load %arg13[%get3A_354] {strides = array<i32>} : memref<40192xf32, #tpu.memory_space<vmem>>, vector<16xf32>,
        %add3A_356 = arith.constant 96 : i32
        %add3A_357 = arith.addi %mul3A_194, %add3A_356 : i32
        %get3A_358 = arith.index_cast %add3A_357 : i32 to index
        %get3A_359 = tpu.vector_load %arg14[%get3A_358] {strides = array<i32>} : memref<40192xf32, #tpu.memory_space<vmem>>, vector<16xf32>,
        %max3A_360 = arith.maximumf %get3A_355, %get3A_351 : vector<16xf32>
        %sub3A_361 = arith.subf %get3A_355, %max3A_360 : vector<16xf32>
        %exp3A_362 = math.exp %sub3A_361 : vector<16xf32>
        %mul3A_363 = arith.mulf %get3A_359, %exp3A_362 : vector<16xf32>
        %sub3A_364 = arith.subf %get3A_351, %max3A_360 : vector<16xf32>
        %exp3A_365 = math.exp %sub3A_364 : vector<16xf32>
        %add3A_366 = arith.addf %mul3A_363, %exp3A_365 : vector<16xf32>
        %add3A_367 = arith.constant 96 : i32
        %add3A_368 = arith.addi %mul3A_194, %add3A_367 : i32
        %swap3A_369 = arith.index_cast %add3A_368 : i32 to index
        %swap3A_370 = tpu.vector_load %arg13[%swap3A_369] {strides = array<i32>} : memref<40192xf32, #tpu.memory_space<vmem>>, vector<16xf32>,
        tpu.vector_store %arg13[%swap3A_369], %max3A_360 {strides = array<i32>} : memref<40192xf32, #tpu.memory_space<vmem>>, vector<16xf32>,
        %add3A_371 = arith.constant 96 : i32
        %add3A_372 = arith.addi %mul3A_194, %add3A_371 : i32
        %swap3A_373 = arith.index_cast %add3A_372 : i32 to index
        %swap3A_374 = tpu.vector_load %arg14[%swap3A_373] {strides = array<i32>} : memref<40192xf32, #tpu.memory_space<vmem>>, vector<16xf32>,
        tpu.vector_store %arg14[%swap3A_373], %add3A_366 {strides = array<i32>} : memref<40192xf32, #tpu.memory_space<vmem>>, vector<16xf32>,
        %get3A_375 = arith.index_cast %while3A_189 : i32 to index
        %get3A_376 = arith.constant 112 : index
        %get3A_377 = tpu.vector_load %arg11[%get3A_375, %get3A_376] {strides = array<i32>} : memref<64x256xf32, #tpu.memory_space<vmem>>, vector<16xf32>,
        %add3A_378 = arith.constant 112 : i32
        %add3A_379 = arith.addi %mul3A_194, %add3A_378 : i32
        %get3A_380 = arith.index_cast %add3A_379 : i32 to index
        %get3A_381 = tpu.vector_load %arg13[%get3A_380] {strides = array<i32>} : memref<40192xf32, #tpu.memory_space<vmem>>, vector<16xf32>,
        %add3A_382 = arith.constant 112 : i32
        %add3A_383 = arith.addi %mul3A_194, %add3A_382 : i32
        %get3A_384 = arith.index_cast %add3A_383 : i32 to index
        %get3A_385 = tpu.vector_load %arg14[%get3A_384] {strides = array<i32>} : memref<40192xf32, #tpu.memory_space<vmem>>, vector<16xf32>,
        %max3A_386 = arith.maximumf %get3A_381, %get3A_377 : vector<16xf32>
        %sub3A_387 = arith.subf %get3A_381, %max3A_386 : vector<16xf32>
        %exp3A_388 = math.exp %sub3A_387 : vector<16xf32>
        %mul3A_389 = arith.mulf %get3A_385, %exp3A_388 : vector<16xf32>
        %sub3A_390 = arith.subf %get3A_377, %max3A_386 : vector<16xf32>
        %exp3A_391 = math.exp %sub3A_390 : vector<16xf32>
        %add3A_392 = arith.addf %mul3A_389, %exp3A_391 : vector<16xf32>
        %add3A_393 = arith.constant 112 : i32
        %add3A_394 = arith.addi %mul3A_194, %add3A_393 : i32
        %swap3A_395 = arith.index_cast %add3A_394 : i32 to index
        %swap3A_396 = tpu.vector_load %arg13[%swap3A_395] {strides = array<i32>} : memref<40192xf32, #tpu.memory_space<vmem>>, vector<16xf32>,
        tpu.vector_store %arg13[%swap3A_395], %max3A_386 {strides = array<i32>} : memref<40192xf32, #tpu.memory_space<vmem>>, vector<16xf32>,
        %add3A_397 = arith.constant 112 : i32
        %add3A_398 = arith.addi %mul3A_194, %add3A_397 : i32
        %swap3A_399 = arith.index_cast %add3A_398 : i32 to index
        %swap3A_400 = tpu.vector_load %arg14[%swap3A_399] {strides = array<i32>} : memref<40192xf32, #tpu.memory_space<vmem>>, vector<16xf32>,
        tpu.vector_store %arg14[%swap3A_399], %add3A_392 {strides = array<i32>} : memref<40192xf32, #tpu.memory_space<vmem>>, vector<16xf32>,
        %get3A_401 = arith.index_cast %while3A_189 : i32 to index
        %get3A_402 = arith.constant 128 : index
        %get3A_403 = tpu.vector_load %arg11[%get3A_401, %get3A_402] {strides = array<i32>} : memref<64x256xf32, #tpu.memory_space<vmem>>, vector<16xf32>,
        %add3A_404 = arith.constant 128 : i32
        %add3A_405 = arith.addi %mul3A_194, %add3A_404 : i32
        %get3A_406 = arith.index_cast %add3A_405 : i32 to index
        %get3A_407 = tpu.vector_load %arg13[%get3A_406] {strides = array<i32>} : memref<40192xf32, #tpu.memory_space<vmem>>, vector<16xf32>,
        %add3A_408 = arith.constant 128 : i32
        %add3A_409 = arith.addi %mul3A_194, %add3A_408 : i32
        %get3A_410 = arith.index_cast %add3A_409 : i32 to index
        %get3A_411 = tpu.vector_load %arg14[%get3A_410] {strides = array<i32>} : memref<40192xf32, #tpu.memory_space<vmem>>, vector<16xf32>,
        %max3A_412 = arith.maximumf %get3A_407, %get3A_403 : vector<16xf32>
        %sub3A_413 = arith.subf %get3A_407, %max3A_412 : vector<16xf32>
        %exp3A_414 = math.exp %sub3A_413 : vector<16xf32>
        %mul3A_415 = arith.mulf %get3A_411, %exp3A_414 : vector<16xf32>
        %sub3A_416 = arith.subf %get3A_403, %max3A_412 : vector<16xf32>
        %exp3A_417 = math.exp %sub3A_416 : vector<16xf32>
        %add3A_418 = arith.addf %mul3A_415, %exp3A_417 : vector<16xf32>
        %add3A_419 = arith.constant 128 : i32
        %add3A_420 = arith.addi %mul3A_194, %add3A_419 : i32
        %swap3A_421 = arith.index_cast %add3A_420 : i32 to index
        %swap3A_422 = tpu.vector_load %arg13[%swap3A_421] {strides = array<i32>} : memref<40192xf32, #tpu.memory_space<vmem>>, vector<16xf32>,
        tpu.vector_store %arg13[%swap3A_421], %max3A_412 {strides = array<i32>} : memref<40192xf32, #tpu.memory_space<vmem>>, vector<16xf32>,
        %add3A_423 = arith.constant 128 : i32
        %add3A_424 = arith.addi %mul3A_194, %add3A_423 : i32
        %swap3A_425 = arith.index_cast %add3A_424 : i32 to index
        %swap3A_426 = tpu.vector_load %arg14[%swap3A_425] {strides = array<i32>} : memref<40192xf32, #tpu.memory_space<vmem>>, vector<16xf32>,
        tpu.vector_store %arg14[%swap3A_425], %add3A_418 {strides = array<i32>} : memref<40192xf32, #tpu.memory_space<vmem>>, vector<16xf32>,
        %get3A_427 = arith.index_cast %while3A_189 : i32 to index
        %get3A_428 = arith.constant 144 : index
        %get3A_429 = tpu.vector_load %arg11[%get3A_427, %get3A_428] {strides = array<i32>} : memref<64x256xf32, #tpu.memory_space<vmem>>, vector<16xf32>,
        %add3A_430 = arith.constant 144 : i32
        %add3A_431 = arith.addi %mul3A_194, %add3A_430 : i32
        %get3A_432 = arith.index_cast %add3A_431 : i32 to index
        %get3A_433 = tpu.vector_load %arg13[%get3A_432] {strides = array<i32>} : memref<40192xf32, #tpu.memory_space<vmem>>, vector<16xf32>,
        %add3A_434 = arith.constant 144 : i32
        %add3A_435 = arith.addi %mul3A_194, %add3A_434 : i32
        %get3A_436 = arith.index_cast %add3A_435 : i32 to index
        %get3A_437 = tpu.vector_load %arg14[%get3A_436] {strides = array<i32>} : memref<40192xf32, #tpu.memory_space<vmem>>, vector<16xf32>,
        %max3A_438 = arith.maximumf %get3A_433, %get3A_429 : vector<16xf32>
        %sub3A_439 = arith.subf %get3A_433, %max3A_438 : vector<16xf32>
        %exp3A_440 = math.exp %sub3A_439 : vector<16xf32>
        %mul3A_441 = arith.mulf %get3A_437, %exp3A_440 : vector<16xf32>
        %sub3A_442 = arith.subf %get3A_429, %max3A_438 : vector<16xf32>
        %exp3A_443 = math.exp %sub3A_442 : vector<16xf32>
        %add3A_444 = arith.addf %mul3A_441, %exp3A_443 : vector<16xf32>
        %add3A_445 = arith.constant 144 : i32
        %add3A_446 = arith.addi %mul3A_194, %add3A_445 : i32
        %swap3A_447 = arith.index_cast %add3A_446 : i32 to index
        %swap3A_448 = tpu.vector_load %arg13[%swap3A_447] {strides = array<i32>} : memref<40192xf32, #tpu.memory_space<vmem>>, vector<16xf32>,
        tpu.vector_store %arg13[%swap3A_447], %max3A_438 {strides = array<i32>} : memref<40192xf32, #tpu.memory_space<vmem>>, vector<16xf32>,
        %add3A_449 = arith.constant 144 : i32
        %add3A_450 = arith.addi %mul3A_194, %add3A_449 : i32
        %swap3A_451 = arith.index_cast %add3A_450 : i32 to index
        %swap3A_452 = tpu.vector_load %arg14[%swap3A_451] {strides = array<i32>} : memref<40192xf32, #tpu.memory_space<vmem>>, vector<16xf32>,
        tpu.vector_store %arg14[%swap3A_451], %add3A_444 {strides = array<i32>} : memref<40192xf32, #tpu.memory_space<vmem>>, vector<16xf32>,
        %get3A_453 = arith.index_cast %while3A_189 : i32 to index
        %get3A_454 = arith.constant 160 : index
        %get3A_455 = tpu.vector_load %arg11[%get3A_453, %get3A_454] {strides = array<i32>} : memref<64x256xf32, #tpu.memory_space<vmem>>, vector<16xf32>,
        %add3A_456 = arith.constant 160 : i32
        %add3A_457 = arith.addi %mul3A_194, %add3A_456 : i32
        %get3A_458 = arith.index_cast %add3A_457 : i32 to index
        %get3A_459 = tpu.vector_load %arg13[%get3A_458] {strides = array<i32>} : memref<40192xf32, #tpu.memory_space<vmem>>, vector<16xf32>,
        %add3A_460 = arith.constant 160 : i32
        %add3A_461 = arith.addi %mul3A_194, %add3A_460 : i32
        %get3A_462 = arith.index_cast %add3A_461 : i32 to index
        %get3A_463 = tpu.vector_load %arg14[%get3A_462] {strides = array<i32>} : memref<40192xf32, #tpu.memory_space<vmem>>, vector<16xf32>,
        %max3A_464 = arith.maximumf %get3A_459, %get3A_455 : vector<16xf32>
        %sub3A_465 = arith.subf %get3A_459, %max3A_464 : vector<16xf32>
        %exp3A_466 = math.exp %sub3A_465 : vector<16xf32>
        %mul3A_467 = arith.mulf %get3A_463, %exp3A_466 : vector<16xf32>
        %sub3A_468 = arith.subf %get3A_455, %max3A_464 : vector<16xf32>
        %exp3A_469 = math.exp %sub3A_468 : vector<16xf32>
        %add3A_470 = arith.addf %mul3A_467, %exp3A_469 : vector<16xf32>
        %add3A_471 = arith.constant 160 : i32
        %add3A_472 = arith.addi %mul3A_194, %add3A_471 : i32
        %swap3A_473 = arith.index_cast %add3A_472 : i32 to index
        %swap3A_474 = tpu.vector_load %arg13[%swap3A_473] {strides = array<i32>} : memref<40192xf32, #tpu.memory_space<vmem>>, vector<16xf32>,
        tpu.vector_store %arg13[%swap3A_473], %max3A_464 {strides = array<i32>} : memref<40192xf32, #tpu.memory_space<vmem>>, vector<16xf32>,
        %add3A_475 = arith.constant 160 : i32
        %add3A_476 = arith.addi %mul3A_194, %add3A_475 : i32
        %swap3A_477 = arith.index_cast %add3A_476 : i32 to index
        %swap3A_478 = tpu.vector_load %arg14[%swap3A_477] {strides = array<i32>} : memref<40192xf32, #tpu.memory_space<vmem>>, vector<16xf32>,
        tpu.vector_store %arg14[%swap3A_477], %add3A_470 {strides = array<i32>} : memref<40192xf32, #tpu.memory_space<vmem>>, vector<16xf32>,
        %get3A_479 = arith.index_cast %while3A_189 : i32 to index
        %get3A_480 = arith.constant 176 : index
        %get3A_481 = tpu.vector_load %arg11[%get3A_479, %get3A_480] {strides = array<i32>} : memref<64x256xf32, #tpu.memory_space<vmem>>, vector<16xf32>,
        %add3A_482 = arith.constant 176 : i32
        %add3A_483 = arith.addi %mul3A_194, %add3A_482 : i32
        %get3A_484 = arith.index_cast %add3A_483 : i32 to index
        %get3A_485 = tpu.vector_load %arg13[%get3A_484] {strides = array<i32>} : memref<40192xf32, #tpu.memory_space<vmem>>, vector<16xf32>,
        %add3A_486 = arith.constant 176 : i32
        %add3A_487 = arith.addi %mul3A_194, %add3A_486 : i32
        %get3A_488 = arith.index_cast %add3A_487 : i32 to index
        %get3A_489 = tpu.vector_load %arg14[%get3A_488] {strides = array<i32>} : memref<40192xf32, #tpu.memory_space<vmem>>, vector<16xf32>,
        %max3A_490 = arith.maximumf %get3A_485, %get3A_481 : vector<16xf32>
        %sub3A_491 = arith.subf %get3A_485, %max3A_490 : vector<16xf32>
        %exp3A_492 = math.exp %sub3A_491 : vector<16xf32>
        %mul3A_493 = arith.mulf %get3A_489, %exp3A_492 : vector<16xf32>
        %sub3A_494 = arith.subf %get3A_481, %max3A_490 : vector<16xf32>
        %exp3A_495 = math.exp %sub3A_494 : vector<16xf32>
        %add3A_496 = arith.addf %mul3A_493, %exp3A_495 : vector<16xf32>
        %add3A_497 = arith.constant 176 : i32
        %add3A_498 = arith.addi %mul3A_194, %add3A_497 : i32
        %swap3A_499 = arith.index_cast %add3A_498 : i32 to index
        %swap3A_500 = tpu.vector_load %arg13[%swap3A_499] {strides = array<i32>} : memref<40192xf32, #tpu.memory_space<vmem>>, vector<16xf32>,
        tpu.vector_store %arg13[%swap3A_499], %max3A_490 {strides = array<i32>} : memref<40192xf32, #tpu.memory_space<vmem>>, vector<16xf32>,
        %add3A_501 = arith.constant 176 : i32
        %add3A_502 = arith.addi %mul3A_194, %add3A_501 : i32
        %swap3A_503 = arith.index_cast %add3A_502 : i32 to index
        %swap3A_504 = tpu.vector_load %arg14[%swap3A_503] {strides = array<i32>} : memref<40192xf32, #tpu.memory_space<vmem>>, vector<16xf32>,
        tpu.vector_store %arg14[%swap3A_503], %add3A_496 {strides = array<i32>} : memref<40192xf32, #tpu.memory_space<vmem>>, vector<16xf32>,
        %get3A_505 = arith.index_cast %while3A_189 : i32 to index
        %get3A_506 = arith.constant 192 : index
        %get3A_507 = tpu.vector_load %arg11[%get3A_505, %get3A_506] {strides = array<i32>} : memref<64x256xf32, #tpu.memory_space<vmem>>, vector<16xf32>,
        %add3A_508 = arith.constant 192 : i32
        %add3A_509 = arith.addi %mul3A_194, %add3A_508 : i32
        %get3A_510 = arith.index_cast %add3A_509 : i32 to index
        %get3A_511 = tpu.vector_load %arg13[%get3A_510] {strides = array<i32>} : memref<40192xf32, #tpu.memory_space<vmem>>, vector<16xf32>,
        %add3A_512 = arith.constant 192 : i32
        %add3A_513 = arith.addi %mul3A_194, %add3A_512 : i32
        %get3A_514 = arith.index_cast %add3A_513 : i32 to index
        %get3A_515 = tpu.vector_load %arg14[%get3A_514] {strides = array<i32>} : memref<40192xf32, #tpu.memory_space<vmem>>, vector<16xf32>,
        %max3A_516 = arith.maximumf %get3A_511, %get3A_507 : vector<16xf32>
        %sub3A_517 = arith.subf %get3A_511, %max3A_516 : vector<16xf32>
        %exp3A_518 = math.exp %sub3A_517 : vector<16xf32>
        %mul3A_519 = arith.mulf %get3A_515, %exp3A_518 : vector<16xf32>
        %sub3A_520 = arith.subf %get3A_507, %max3A_516 : vector<16xf32>
        %exp3A_521 = math.exp %sub3A_520 : vector<16xf32>
        %add3A_522 = arith.addf %mul3A_519, %exp3A_521 : vector<16xf32>
        %add3A_523 = arith.constant 192 : i32
        %add3A_524 = arith.addi %mul3A_194, %add3A_523 : i32
        %swap3A_525 = arith.index_cast %add3A_524 : i32 to index
        %swap3A_526 = tpu.vector_load %arg13[%swap3A_525] {strides = array<i32>} : memref<40192xf32, #tpu.memory_space<vmem>>, vector<16xf32>,
        tpu.vector_store %arg13[%swap3A_525], %max3A_516 {strides = array<i32>} : memref<40192xf32, #tpu.memory_space<vmem>>, vector<16xf32>,
        %add3A_527 = arith.constant 192 : i32
        %add3A_528 = arith.addi %mul3A_194, %add3A_527 : i32
        %swap3A_529 = arith.index_cast %add3A_528 : i32 to index
        %swap3A_530 = tpu.vector_load %arg14[%swap3A_529] {strides = array<i32>} : memref<40192xf32, #tpu.memory_space<vmem>>, vector<16xf32>,
        tpu.vector_store %arg14[%swap3A_529], %add3A_522 {strides = array<i32>} : memref<40192xf32, #tpu.memory_space<vmem>>, vector<16xf32>,
        %get3A_531 = arith.index_cast %while3A_189 : i32 to index
        %get3A_532 = arith.constant 208 : index
        %get3A_533 = tpu.vector_load %arg11[%get3A_531, %get3A_532] {strides = array<i32>} : memref<64x256xf32, #tpu.memory_space<vmem>>, vector<16xf32>,
        %add3A_534 = arith.constant 208 : i32
        %add3A_535 = arith.addi %mul3A_194, %add3A_534 : i32
        %get3A_536 = arith.index_cast %add3A_535 : i32 to index
        %get3A_537 = tpu.vector_load %arg13[%get3A_536] {strides = array<i32>} : memref<40192xf32, #tpu.memory_space<vmem>>, vector<16xf32>,
        %add3A_538 = arith.constant 208 : i32
        %add3A_539 = arith.addi %mul3A_194, %add3A_538 : i32
        %get3A_540 = arith.index_cast %add3A_539 : i32 to index
        %get3A_541 = tpu.vector_load %arg14[%get3A_540] {strides = array<i32>} : memref<40192xf32, #tpu.memory_space<vmem>>, vector<16xf32>,
        %max3A_542 = arith.maximumf %get3A_537, %get3A_533 : vector<16xf32>
        %sub3A_543 = arith.subf %get3A_537, %max3A_542 : vector<16xf32>
        %exp3A_544 = math.exp %sub3A_543 : vector<16xf32>
        %mul3A_545 = arith.mulf %get3A_541, %exp3A_544 : vector<16xf32>
        %sub3A_546 = arith.subf %get3A_533, %max3A_542 : vector<16xf32>
        %exp3A_547 = math.exp %sub3A_546 : vector<16xf32>
        %add3A_548 = arith.addf %mul3A_545, %exp3A_547 : vector<16xf32>
        %add3A_549 = arith.constant 208 : i32
        %add3A_550 = arith.addi %mul3A_194, %add3A_549 : i32
        %swap3A_551 = arith.index_cast %add3A_550 : i32 to index
        %swap3A_552 = tpu.vector_load %arg13[%swap3A_551] {strides = array<i32>} : memref<40192xf32, #tpu.memory_space<vmem>>, vector<16xf32>,
        tpu.vector_store %arg13[%swap3A_551], %max3A_542 {strides = array<i32>} : memref<40192xf32, #tpu.memory_space<vmem>>, vector<16xf32>,
        %add3A_553 = arith.constant 208 : i32
        %add3A_554 = arith.addi %mul3A_194, %add3A_553 : i32
        %swap3A_555 = arith.index_cast %add3A_554 : i32 to index
        %swap3A_556 = tpu.vector_load %arg14[%swap3A_555] {strides = array<i32>} : memref<40192xf32, #tpu.memory_space<vmem>>, vector<16xf32>,
        tpu.vector_store %arg14[%swap3A_555], %add3A_548 {strides = array<i32>} : memref<40192xf32, #tpu.memory_space<vmem>>, vector<16xf32>,
        %get3A_557 = arith.index_cast %while3A_189 : i32 to index
        %get3A_558 = arith.constant 224 : index
        %get3A_559 = tpu.vector_load %arg11[%get3A_557, %get3A_558] {strides = array<i32>} : memref<64x256xf32, #tpu.memory_space<vmem>>, vector<16xf32>,
        %add3A_560 = arith.constant 224 : i32
        %add3A_561 = arith.addi %mul3A_194, %add3A_560 : i32
        %get3A_562 = arith.index_cast %add3A_561 : i32 to index
        %get3A_563 = tpu.vector_load %arg13[%get3A_562] {strides = array<i32>} : memref<40192xf32, #tpu.memory_space<vmem>>, vector<16xf32>,
        %add3A_564 = arith.constant 224 : i32
        %add3A_565 = arith.addi %mul3A_194, %add3A_564 : i32
        %get3A_566 = arith.index_cast %add3A_565 : i32 to index
        %get3A_567 = tpu.vector_load %arg14[%get3A_566] {strides = array<i32>} : memref<40192xf32, #tpu.memory_space<vmem>>, vector<16xf32>,
        %max3A_568 = arith.maximumf %get3A_563, %get3A_559 : vector<16xf32>
        %sub3A_569 = arith.subf %get3A_563, %max3A_568 : vector<16xf32>
        %exp3A_570 = math.exp %sub3A_569 : vector<16xf32>
        %mul3A_571 = arith.mulf %get3A_567, %exp3A_570 : vector<16xf32>
        %sub3A_572 = arith.subf %get3A_559, %max3A_568 : vector<16xf32>
        %exp3A_573 = math.exp %sub3A_572 : vector<16xf32>
        %add3A_574 = arith.addf %mul3A_571, %exp3A_573 : vector<16xf32>
        %add3A_575 = arith.constant 224 : i32
        %add3A_576 = arith.addi %mul3A_194, %add3A_575 : i32
        %swap3A_577 = arith.index_cast %add3A_576 : i32 to index
        %swap3A_578 = tpu.vector_load %arg13[%swap3A_577] {strides = array<i32>} : memref<40192xf32, #tpu.memory_space<vmem>>, vector<16xf32>,
        tpu.vector_store %arg13[%swap3A_577], %max3A_568 {strides = array<i32>} : memref<40192xf32, #tpu.memory_space<vmem>>, vector<16xf32>,
        %add3A_579 = arith.constant 224 : i32
        %add3A_580 = arith.addi %mul3A_194, %add3A_579 : i32
        %swap3A_581 = arith.index_cast %add3A_580 : i32 to index
        %swap3A_582 = tpu.vector_load %arg14[%swap3A_581] {strides = array<i32>} : memref<40192xf32, #tpu.memory_space<vmem>>, vector<16xf32>,
        tpu.vector_store %arg14[%swap3A_581], %add3A_574 {strides = array<i32>} : memref<40192xf32, #tpu.memory_space<vmem>>, vector<16xf32>,
        %get3A_583 = arith.index_cast %while3A_189 : i32 to index
        %get3A_584 = arith.constant 240 : index
        %get3A_585 = tpu.vector_load %arg11[%get3A_583, %get3A_584] {strides = array<i32>} : memref<64x256xf32, #tpu.memory_space<vmem>>, vector<16xf32>,
        %add3A_586 = arith.constant 240 : i32
        %add3A_587 = arith.addi %mul3A_194, %add3A_586 : i32
        %get3A_588 = arith.index_cast %add3A_587 : i32 to index
        %get3A_589 = tpu.vector_load %arg13[%get3A_588] {strides = array<i32>} : memref<40192xf32, #tpu.memory_space<vmem>>, vector<16xf32>,
        %add3A_590 = arith.constant 240 : i32
        %add3A_591 = arith.addi %mul3A_194, %add3A_590 : i32
        %get3A_592 = arith.index_cast %add3A_591 : i32 to index
        %get3A_593 = tpu.vector_load %arg14[%get3A_592] {strides = array<i32>} : memref<40192xf32, #tpu.memory_space<vmem>>, vector<16xf32>,
        %max3A_594 = arith.maximumf %get3A_589, %get3A_585 : vector<16xf32>
        %sub3A_595 = arith.subf %get3A_589, %max3A_594 : vector<16xf32>
        %exp3A_596 = math.exp %sub3A_595 : vector<16xf32>
        %mul3A_597 = arith.mulf %get3A_593, %exp3A_596 : vector<16xf32>
        %sub3A_598 = arith.subf %get3A_585, %max3A_594 : vector<16xf32>
        %exp3A_599 = math.exp %sub3A_598 : vector<16xf32>
        %add3A_600 = arith.addf %mul3A_597, %exp3A_599 : vector<16xf32>
        %add3A_601 = arith.constant 240 : i32
        %add3A_602 = arith.addi %mul3A_194, %add3A_601 : i32
        %swap3A_603 = arith.index_cast %add3A_602 : i32 to index
        %swap3A_604 = tpu.vector_load %arg13[%swap3A_603] {strides = array<i32>} : memref<40192xf32, #tpu.memory_space<vmem>>, vector<16xf32>,
        tpu.vector_store %arg13[%swap3A_603], %max3A_594 {strides = array<i32>} : memref<40192xf32, #tpu.memory_space<vmem>>, vector<16xf32>,
        %add3A_605 = arith.constant 240 : i32
        %add3A_606 = arith.addi %mul3A_194, %add3A_605 : i32
        %swap3A_607 = arith.index_cast %add3A_606 : i32 to index
        %swap3A_608 = tpu.vector_load %arg14[%swap3A_607] {strides = array<i32>} : memref<40192xf32, #tpu.memory_space<vmem>>, vector<16xf32>,
        tpu.vector_store %arg14[%swap3A_607], %add3A_600 {strides = array<i32>} : memref<40192xf32, #tpu.memory_space<vmem>>, vector<16xf32>,
      }
      %while3A_188 = arith.constant 1 : i32
      scf.for %while3A_189 = %while3A_186 to %while3A_182 step %while3A_188  : i32 {
        %get3A_190 = arith.index_cast %while3A_189 : i32 to index
        %get3A_191 = tpu.vector_load %arg9[%get3A_190] {strides = array<i32>} : memref<80xi32, #tpu.memory_space<vmem>>, vector<16xi32>,
        %slice3A = vector.extract_strided_slice %get3A_191 {offsets = [0], sizes = [1], strides = [1]} : vector<16xi32> to vector<1xi32>
        %squeeze3A = vector.extract %slice3A[0] : i32 from vector<1xi32>
        %shift_right_arithmetic3A = arith.constant 19 : i32
        %shift_right_arithmetic3A_192 = arith.shrsi %squeeze3A, %shift_right_arithmetic3A : i32
        %mul3A_193 = arith.constant 256 : i32
        %mul3A_194 = arith.muli %shift_right_arithmetic3A_192, %mul3A_193 : i32
        %get3A_195 = arith.index_cast %while3A_189 : i32 to index
        %get3A_196 = arith.constant 0 : index
        %get3A_197 = tpu.vector_load %arg11[%get3A_195, %get3A_196] {strides = array<i32>} : memref<64x256xf32, #tpu.memory_space<vmem>>, vector<16xf32>,
        %add3A_198 = arith.constant 0 : i32
        %add3A_199 = arith.addi %mul3A_194, %add3A_198 : i32
        %get3A_200 = arith.index_cast %add3A_199 : i32 to index
        %get3A_201 = tpu.vector_load %arg13[%get3A_200] {strides = array<i32>} : memref<40192xf32, #tpu.memory_space<vmem>>, vector<16xf32>,
        %add3A_202 = arith.constant 0 : i32
        %add3A_203 = arith.addi %mul3A_194, %add3A_202 : i32
        %get3A_204 = arith.index_cast %add3A_203 : i32 to index
        %get3A_205 = tpu.vector_load %arg14[%get3A_204] {strides = array<i32>} : memref<40192xf32, #tpu.memory_space<vmem>>, vector<16xf32>,
        %max3A = arith.maximumf %get3A_201, %get3A_197 : vector<16xf32>
        %sub3A_206 = arith.subf %get3A_201, %max3A : vector<16xf32>
        %exp3A = math.exp %sub3A_206 : vector<16xf32>
        %mul3A_207 = arith.mulf %get3A_205, %exp3A : vector<16xf32>
        %sub3A_208 = arith.subf %get3A_197, %max3A : vector<16xf32>
        %exp3A_209 = math.exp %sub3A_208 : vector<16xf32>
        %add3A_210 = arith.addf %mul3A_207, %exp3A_209 : vector<16xf32>
        %add3A_211 = arith.constant 0 : i32
        %add3A_212 = arith.addi %mul3A_194, %add3A_211 : i32
        %swap3A_213 = arith.index_cast %add3A_212 : i32 to index
        %swap3A_214 = tpu.vector_load %arg13[%swap3A_213] {strides = array<i32>} : memref<40192xf32, #tpu.memory_space<vmem>>, vector<16xf32>,
        tpu.vector_store %arg13[%swap3A_213], %max3A {strides = array<i32>} : memref<40192xf32, #tpu.memory_space<vmem>>, vector<16xf32>,
        %add3A_215 = arith.constant 0 : i32
        %add3A_216 = arith.addi %mul3A_194, %add3A_215 : i32
        %swap3A_217 = arith.index_cast %add3A_216 : i32 to index
        %swap3A_218 = tpu.vector_load %arg14[%swap3A_217] {strides = array<i32>} : memref<40192xf32, #tpu.memory_space<vmem>>, vector<16xf32>,
        tpu.vector_store %arg14[%swap3A_217], %add3A_210 {strides = array<i32>} : memref<40192xf32, #tpu.memory_space<vmem>>, vector<16xf32>,
        %get3A_219 = arith.index_cast %while3A_189 : i32 to index
        %get3A_220 = arith.constant 16 : index
        %get3A_221 = tpu.vector_load %arg11[%get3A_219, %get3A_220] {strides = array<i32>} : memref<64x256xf32, #tpu.memory_space<vmem>>, vector<16xf32>,
        %add3A_222 = arith.constant 16 : i32
        %add3A_223 = arith.addi %mul3A_194, %add3A_222 : i32
        %get3A_224 = arith.index_cast %add3A_223 : i32 to index
        %get3A_225 = tpu.vector_load %arg13[%get3A_224] {strides = array<i32>} : memref<40192xf32, #tpu.memory_space<vmem>>, vector<16xf32>,
        %add3A_226 = arith.constant 16 : i32
        %add3A_227 = arith.addi %mul3A_194, %add3A_226 : i32
        %get3A_228 = arith.index_cast %add3A_227 : i32 to index
        %get3A_229 = tpu.vector_load %arg14[%get3A_228] {strides = array<i32>} : memref<40192xf32, #tpu.memory_space<vmem>>, vector<16xf32>,
        %max3A_230 = arith.maximumf %get3A_225, %get3A_221 : vector<16xf32>
        %sub3A_231 = arith.subf %get3A_225, %max3A_230 : vector<16xf32>
        %exp3A_232 = math.exp %sub3A_231 : vector<16xf32>
        %mul3A_233 = arith.mulf %get3A_229, %exp3A_232 : vector<16xf32>
        %sub3A_234 = arith.subf %get3A_221, %max3A_230 : vector<16xf32>
        %exp3A_235 = math.exp %sub3A_234 : vector<16xf32>
        %add3A_236 = arith.addf %mul3A_233, %exp3A_235 : vector<16xf32>
        %add3A_237 = arith.constant 16 : i32
        %add3A_238 = arith.addi %mul3A_194, %add3A_237 : i32
        %swap3A_239 = arith.index_cast %add3A_238 : i32 to index
        %swap3A_240 = tpu.vector_load %arg13[%swap3A_239] {strides = array<i32>} : memref<40192xf32, #tpu.memory_space<vmem>>, vector<16xf32>,
        tpu.vector_store %arg13[%swap3A_239], %max3A_230 {strides = array<i32>} : memref<40192xf32, #tpu.memory_space<vmem>>, vector<16xf32>,
        %add3A_241 = arith.constant 16 : i32
        %add3A_242 = arith.addi %mul3A_194, %add3A_241 : i32
        %swap3A_243 = arith.index_cast %add3A_242 : i32 to index
        %swap3A_244 = tpu.vector_load %arg14[%swap3A_243] {strides = array<i32>} : memref<40192xf32, #tpu.memory_space<vmem>>, vector<16xf32>,
        tpu.vector_store %arg14[%swap3A_243], %add3A_236 {strides = array<i32>} : memref<40192xf32, #tpu.memory_space<vmem>>, vector<16xf32>,
        %get3A_245 = arith.index_cast %while3A_189 : i32 to index
        %get3A_246 = arith.constant 32 : index
        %get3A_247 = tpu.vector_load %arg11[%get3A_245, %get3A_246] {strides = array<i32>} : memref<64x256xf32, #tpu.memory_space<vmem>>, vector<16xf32>,
        %add3A_248 = arith.constant 32 : i32
        %add3A_249 = arith.addi %mul3A_194, %add3A_248 : i32
        %get3A_250 = arith.index_cast %add3A_249 : i32 to index
        %get3A_251 = tpu.vector_load %arg13[%get3A_250] {strides = array<i32>} : memref<40192xf32, #tpu.memory_space<vmem>>, vector<16xf32>,
        %add3A_252 = arith.constant 32 : i32
        %add3A_253 = arith.addi %mul3A_194, %add3A_252 : i32
        %get3A_254 = arith.index_cast %add3A_253 : i32 to index
        %get3A_255 = tpu.vector_load %arg14[%get3A_254] {strides = array<i32>} : memref<40192xf32, #tpu.memory_space<vmem>>, vector<16xf32>,
        %max3A_256 = arith.maximumf %get3A_251, %get3A_247 : vector<16xf32>
        %sub3A_257 = arith.subf %get3A_251, %max3A_256 : vector<16xf32>
        %exp3A_258 = math.exp %sub3A_257 : vector<16xf32>
        %mul3A_259 = arith.mulf %get3A_255, %exp3A_258 : vector<16xf32>
        %sub3A_260 = arith.subf %get3A_247, %max3A_256 : vector<16xf32>
        %exp3A_261 = math.exp %sub3A_260 : vector<16xf32>
        %add3A_262 = arith.addf %mul3A_259, %exp3A_261 : vector<16xf32>
        %add3A_263 = arith.constant 32 : i32
        %add3A_264 = arith.addi %mul3A_194, %add3A_263 : i32
        %swap3A_265 = arith.index_cast %add3A_264 : i32 to index
        %swap3A_266 = tpu.vector_load %arg13[%swap3A_265] {strides = array<i32>} : memref<40192xf32, #tpu.memory_space<vmem>>, vector<16xf32>,
        tpu.vector_store %arg13[%swap3A_265], %max3A_256 {strides = array<i32>} : memref<40192xf32, #tpu.memory_space<vmem>>, vector<16xf32>,
        %add3A_267 = arith.constant 32 : i32
        %add3A_268 = arith.addi %mul3A_194, %add3A_267 : i32
        %swap3A_269 = arith.index_cast %add3A_268 : i32 to index
        %swap3A_270 = tpu.vector_load %arg14[%swap3A_269] {strides = array<i32>} : memref<40192xf32, #tpu.memory_space<vmem>>, vector<16xf32>,
        tpu.vector_store %arg14[%swap3A_269], %add3A_262 {strides = array<i32>} : memref<40192xf32, #tpu.memory_space<vmem>>, vector<16xf32>,
        %get3A_271 = arith.index_cast %while3A_189 : i32 to index
        %get3A_272 = arith.constant 48 : index
        %get3A_273 = tpu.vector_load %arg11[%get3A_271, %get3A_272] {strides = array<i32>} : memref<64x256xf32, #tpu.memory_space<vmem>>, vector<16xf32>,
        %add3A_274 = arith.constant 48 : i32
        %add3A_275 = arith.addi %mul3A_194, %add3A_274 : i32
        %get3A_276 = arith.index_cast %add3A_275 : i32 to index
        %get3A_277 = tpu.vector_load %arg13[%get3A_276] {strides = array<i32>} : memref<40192xf32, #tpu.memory_space<vmem>>, vector<16xf32>,
        %add3A_278 = arith.constant 48 : i32
        %add3A_279 = arith.addi %mul3A_194, %add3A_278 : i32
        %get3A_280 = arith.index_cast %add3A_279 : i32 to index
        %get3A_281 = tpu.vector_load %arg14[%get3A_280] {strides = array<i32>} : memref<40192xf32, #tpu.memory_space<vmem>>, vector<16xf32>,
        %max3A_282 = arith.maximumf %get3A_277, %get3A_273 : vector<16xf32>
        %sub3A_283 = arith.subf %get3A_277, %max3A_282 : vector<16xf32>
        %exp3A_284 = math.exp %sub3A_283 : vector<16xf32>
        %mul3A_285 = arith.mulf %get3A_281, %exp3A_284 : vector<16xf32>
        %sub3A_286 = arith.subf %get3A_273, %max3A_282 : vector<16xf32>
        %exp3A_287 = math.exp %sub3A_286 : vector<16xf32>
        %add3A_288 = arith.addf %mul3A_285, %exp3A_287 : vector<16xf32>
        %add3A_289 = arith.constant 48 : i32
        %add3A_290 = arith.addi %mul3A_194, %add3A_289 : i32
        %swap3A_291 = arith.index_cast %add3A_290 : i32 to index
        %swap3A_292 = tpu.vector_load %arg13[%swap3A_291] {strides = array<i32>} : memref<40192xf32, #tpu.memory_space<vmem>>, vector<16xf32>,
        tpu.vector_store %arg13[%swap3A_291], %max3A_282 {strides = array<i32>} : memref<40192xf32, #tpu.memory_space<vmem>>, vector<16xf32>,
        %add3A_293 = arith.constant 48 : i32
        %add3A_294 = arith.addi %mul3A_194, %add3A_293 : i32
        %swap3A_295 = arith.index_cast %add3A_294 : i32 to index
        %swap3A_296 = tpu.vector_load %arg14[%swap3A_295] {strides = array<i32>} : memref<40192xf32, #tpu.memory_space<vmem>>, vector<16xf32>,
        tpu.vector_store %arg14[%swap3A_295], %add3A_288 {strides = array<i32>} : memref<40192xf32, #tpu.memory_space<vmem>>, vector<16xf32>,
        %get3A_297 = arith.index_cast %while3A_189 : i32 to index
        %get3A_298 = arith.constant 64 : index
        %get3A_299 = tpu.vector_load %arg11[%get3A_297, %get3A_298] {strides = array<i32>} : memref<64x256xf32, #tpu.memory_space<vmem>>, vector<16xf32>,
        %add3A_300 = arith.constant 64 : i32
        %add3A_301 = arith.addi %mul3A_194, %add3A_300 : i32
        %get3A_302 = arith.index_cast %add3A_301 : i32 to index
        %get3A_303 = tpu.vector_load %arg13[%get3A_302] {strides = array<i32>} : memref<40192xf32, #tpu.memory_space<vmem>>, vector<16xf32>,
        %add3A_304 = arith.constant 64 : i32
        %add3A_305 = arith.addi %mul3A_194, %add3A_304 : i32
        %get3A_306 = arith.index_cast %add3A_305 : i32 to index
        %get3A_307 = tpu.vector_load %arg14[%get3A_306] {strides = array<i32>} : memref<40192xf32, #tpu.memory_space<vmem>>, vector<16xf32>,
        %max3A_308 = arith.maximumf %get3A_303, %get3A_299 : vector<16xf32>
        %sub3A_309 = arith.subf %get3A_303, %max3A_308 : vector<16xf32>
        %exp3A_310 = math.exp %sub3A_309 : vector<16xf32>
        %mul3A_311 = arith.mulf %get3A_307, %exp3A_310 : vector<16xf32>
        %sub3A_312 = arith.subf %get3A_299, %max3A_308 : vector<16xf32>
        %exp3A_313 = math.exp %sub3A_312 : vector<16xf32>
        %add3A_314 = arith.addf %mul3A_311, %exp3A_313 : vector<16xf32>
        %add3A_315 = arith.constant 64 : i32
        %add3A_316 = arith.addi %mul3A_194, %add3A_315 : i32
        %swap3A_317 = arith.index_cast %add3A_316 : i32 to index
        %swap3A_318 = tpu.vector_load %arg13[%swap3A_317] {strides = array<i32>} : memref<40192xf32, #tpu.memory_space<vmem>>, vector<16xf32>,
        tpu.vector_store %arg13[%swap3A_317], %max3A_308 {strides = array<i32>} : memref<40192xf32, #tpu.memory_space<vmem>>, vector<16xf32>,
        %add3A_319 = arith.constant 64 : i32
        %add3A_320 = arith.addi %mul3A_194, %add3A_319 : i32
        %swap3A_321 = arith.index_cast %add3A_320 : i32 to index
        %swap3A_322 = tpu.vector_load %arg14[%swap3A_321] {strides = array<i32>} : memref<40192xf32, #tpu.memory_space<vmem>>, vector<16xf32>,
        tpu.vector_store %arg14[%swap3A_321], %add3A_314 {strides = array<i32>} : memref<40192xf32, #tpu.memory_space<vmem>>, vector<16xf32>,
        %get3A_323 = arith.index_cast %while3A_189 : i32 to index
        %get3A_324 = arith.constant 80 : index
        %get3A_325 = tpu.vector_load %arg11[%get3A_323, %get3A_324] {strides = array<i32>} : memref<64x256xf32, #tpu.memory_space<vmem>>, vector<16xf32>,
        %add3A_326 = arith.constant 80 : i32
        %add3A_327 = arith.addi %mul3A_194, %add3A_326 : i32
        %get3A_328 = arith.index_cast %add3A_327 : i32 to index
        %get3A_329 = tpu.vector_load %arg13[%get3A_328] {strides = array<i32>} : memref<40192xf32, #tpu.memory_space<vmem>>, vector<16xf32>,
        %add3A_330 = arith.constant 80 : i32
        %add3A_331 = arith.addi %mul3A_194, %add3A_330 : i32
        %get3A_332 = arith.index_cast %add3A_331 : i32 to index
        %get3A_333 = tpu.vector_load %arg14[%get3A_332] {strides = array<i32>} : memref<40192xf32, #tpu.memory_space<vmem>>, vector<16xf32>,
        %max3A_334 = arith.maximumf %get3A_329, %get3A_325 : vector<16xf32>
        %sub3A_335 = arith.subf %get3A_329, %max3A_334 : vector<16xf32>
        %exp3A_336 = math.exp %sub3A_335 : vector<16xf32>
        %mul3A_337 = arith.mulf %get3A_333, %exp3A_336 : vector<16xf32>
        %sub3A_338 = arith.subf %get3A_325, %max3A_334 : vector<16xf32>
        %exp3A_339 = math.exp %sub3A_338 : vector<16xf32>
        %add3A_340 = arith.addf %mul3A_337, %exp3A_339 : vector<16xf32>
        %add3A_341 = arith.constant 80 : i32
        %add3A_342 = arith.addi %mul3A_194, %add3A_341 : i32
        %swap3A_343 = arith.index_cast %add3A_342 : i32 to index
        %swap3A_344 = tpu.vector_load %arg13[%swap3A_343] {strides = array<i32>} : memref<40192xf32, #tpu.memory_space<vmem>>, vector<16xf32>,
        tpu.vector_store %arg13[%swap3A_343], %max3A_334 {strides = array<i32>} : memref<40192xf32, #tpu.memory_space<vmem>>, vector<16xf32>,
        %add3A_345 = arith.constant 80 : i32
        %add3A_346 = arith.addi %mul3A_194, %add3A_345 : i32
        %swap3A_347 = arith.index_cast %add3A_346 : i32 to index
        %swap3A_348 = tpu.vector_load %arg14[%swap3A_347] {strides = array<i32>} : memref<40192xf32, #tpu.memory_space<vmem>>, vector<16xf32>,
        tpu.vector_store %arg14[%swap3A_347], %add3A_340 {strides = array<i32>} : memref<40192xf32, #tpu.memory_space<vmem>>, vector<16xf32>,
        %get3A_349 = arith.index_cast %while3A_189 : i32 to index
        %get3A_350 = arith.constant 96 : index
        %get3A_351 = tpu.vector_load %arg11[%get3A_349, %get3A_350] {strides = array<i32>} : memref<64x256xf32, #tpu.memory_space<vmem>>, vector<16xf32>,
        %add3A_352 = arith.constant 96 : i32
        %add3A_353 = arith.addi %mul3A_194, %add3A_352 : i32
        %get3A_354 = arith.index_cast %add3A_353 : i32 to index
        %get3A_355 = tpu.vector_load %arg13[%get3A_354] {strides = array<i32>} : memref<40192xf32, #tpu.memory_space<vmem>>, vector<16xf32>,
        %add3A_356 = arith.constant 96 : i32
        %add3A_357 = arith.addi %mul3A_194, %add3A_356 : i32
        %get3A_358 = arith.index_cast %add3A_357 : i32 to index
        %get3A_359 = tpu.vector_load %arg14[%get3A_358] {strides = array<i32>} : memref<40192xf32, #tpu.memory_space<vmem>>, vector<16xf32>,
        %max3A_360 = arith.maximumf %get3A_355, %get3A_351 : vector<16xf32>
        %sub3A_361 = arith.subf %get3A_355, %max3A_360 : vector<16xf32>
        %exp3A_362 = math.exp %sub3A_361 : vector<16xf32>
        %mul3A_363 = arith.mulf %get3A_359, %exp3A_362 : vector<16xf32>
        %sub3A_364 = arith.subf %get3A_351, %max3A_360 : vector<16xf32>
        %exp3A_365 = math.exp %sub3A_364 : vector<16xf32>
        %add3A_366 = arith.addf %mul3A_363, %exp3A_365 : vector<16xf32>
        %add3A_367 = arith.constant 96 : i32
        %add3A_368 = arith.addi %mul3A_194, %add3A_367 : i32
        %swap3A_369 = arith.index_cast %add3A_368 : i32 to index
        %swap3A_370 = tpu.vector_load %arg13[%swap3A_369] {strides = array<i32>} : memref<40192xf32, #tpu.memory_space<vmem>>, vector<16xf32>,
        tpu.vector_store %arg13[%swap3A_369], %max3A_360 {strides = array<i32>} : memref<40192xf32, #tpu.memory_space<vmem>>, vector<16xf32>,
        %add3A_371 = arith.constant 96 : i32
        %add3A_372 = arith.addi %mul3A_194, %add3A_371 : i32
        %swap3A_373 = arith.index_cast %add3A_372 : i32 to index
        %swap3A_374 = tpu.vector_load %arg14[%swap3A_373] {strides = array<i32>} : memref<40192xf32, #tpu.memory_space<vmem>>, vector<16xf32>,
        tpu.vector_store %arg14[%swap3A_373], %add3A_366 {strides = array<i32>} : memref<40192xf32, #tpu.memory_space<vmem>>, vector<16xf32>,
        %get3A_375 = arith.index_cast %while3A_189 : i32 to index
        %get3A_376 = arith.constant 112 : index
        %get3A_377 = tpu.vector_load %arg11[%get3A_375, %get3A_376] {strides = array<i32>} : memref<64x256xf32, #tpu.memory_space<vmem>>, vector<16xf32>,
        %add3A_378 = arith.constant 112 : i32
        %add3A_379 = arith.addi %mul3A_194, %add3A_378 : i32
        %get3A_380 = arith.index_cast %add3A_379 : i32 to index
        %get3A_381 = tpu.vector_load %arg13[%get3A_380] {strides = array<i32>} : memref<40192xf32, #tpu.memory_space<vmem>>, vector<16xf32>,
        %add3A_382 = arith.constant 112 : i32
        %add3A_383 = arith.addi %mul3A_194, %add3A_382 : i32
        %get3A_384 = arith.index_cast %add3A_383 : i32 to index
        %get3A_385 = tpu.vector_load %arg14[%get3A_384] {strides = array<i32>} : memref<40192xf32, #tpu.memory_space<vmem>>, vector<16xf32>,
        %max3A_386 = arith.maximumf %get3A_381, %get3A_377 : vector<16xf32>
        %sub3A_387 = arith.subf %get3A_381, %max3A_386 : vector<16xf32>
        %exp3A_388 = math.exp %sub3A_387 : vector<16xf32>
        %mul3A_389 = arith.mulf %get3A_385, %exp3A_388 : vector<16xf32>
        %sub3A_390 = arith.subf %get3A_377, %max3A_386 : vector<16xf32>
        %exp3A_391 = math.exp %sub3A_390 : vector<16xf32>
        %add3A_392 = arith.addf %mul3A_389, %exp3A_391 : vector<16xf32>
        %add3A_393 = arith.constant 112 : i32
        %add3A_394 = arith.addi %mul3A_194, %add3A_393 : i32
        %swap3A_395 = arith.index_cast %add3A_394 : i32 to index
        %swap3A_396 = tpu.vector_load %arg13[%swap3A_395] {strides = array<i32>} : memref<40192xf32, #tpu.memory_space<vmem>>, vector<16xf32>,
        tpu.vector_store %arg13[%swap3A_395], %max3A_386 {strides = array<i32>} : memref<40192xf32, #tpu.memory_space<vmem>>, vector<16xf32>,
        %add3A_397 = arith.constant 112 : i32
        %add3A_398 = arith.addi %mul3A_194, %add3A_397 : i32
        %swap3A_399 = arith.index_cast %add3A_398 : i32 to index
        %swap3A_400 = tpu.vector_load %arg14[%swap3A_399] {strides = array<i32>} : memref<40192xf32, #tpu.memory_space<vmem>>, vector<16xf32>,
        tpu.vector_store %arg14[%swap3A_399], %add3A_392 {strides = array<i32>} : memref<40192xf32, #tpu.memory_space<vmem>>, vector<16xf32>,
        %get3A_401 = arith.index_cast %while3A_189 : i32 to index
        %get3A_402 = arith.constant 128 : index
        %get3A_403 = tpu.vector_load %arg11[%get3A_401, %get3A_402] {strides = array<i32>} : memref<64x256xf32, #tpu.memory_space<vmem>>, vector<16xf32>,
        %add3A_404 = arith.constant 128 : i32
        %add3A_405 = arith.addi %mul3A_194, %add3A_404 : i32
        %get3A_406 = arith.index_cast %add3A_405 : i32 to index
        %get3A_407 = tpu.vector_load %arg13[%get3A_406] {strides = array<i32>} : memref<40192xf32, #tpu.memory_space<vmem>>, vector<16xf32>,
        %add3A_408 = arith.constant 128 : i32
        %add3A_409 = arith.addi %mul3A_194, %add3A_408 : i32
        %get3A_410 = arith.index_cast %add3A_409 : i32 to index
        %get3A_411 = tpu.vector_load %arg14[%get3A_410] {strides = array<i32>} : memref<40192xf32, #tpu.memory_space<vmem>>, vector<16xf32>,
        %max3A_412 = arith.maximumf %get3A_407, %get3A_403 : vector<16xf32>
        %sub3A_413 = arith.subf %get3A_407, %max3A_412 : vector<16xf32>
        %exp3A_414 = math.exp %sub3A_413 : vector<16xf32>
        %mul3A_415 = arith.mulf %get3A_411, %exp3A_414 : vector<16xf32>
        %sub3A_416 = arith.subf %get3A_403, %max3A_412 : vector<16xf32>
        %exp3A_417 = math.exp %sub3A_416 : vector<16xf32>
        %add3A_418 = arith.addf %mul3A_415, %exp3A_417 : vector<16xf32>
        %add3A_419 = arith.constant 128 : i32
        %add3A_420 = arith.addi %mul3A_194, %add3A_419 : i32
        %swap3A_421 = arith.index_cast %add3A_420 : i32 to index
        %swap3A_422 = tpu.vector_load %arg13[%swap3A_421] {strides = array<i32>} : memref<40192xf32, #tpu.memory_space<vmem>>, vector<16xf32>,
        tpu.vector_store %arg13[%swap3A_421], %max3A_412 {strides = array<i32>} : memref<40192xf32, #tpu.memory_space<vmem>>, vector<16xf32>,
        %add3A_423 = arith.constant 128 : i32
        %add3A_424 = arith.addi %mul3A_194, %add3A_423 : i32
        %swap3A_425 = arith.index_cast %add3A_424 : i32 to index
        %swap3A_426 = tpu.vector_load %arg14[%swap3A_425] {strides = array<i32>} : memref<40192xf32, #tpu.memory_space<vmem>>, vector<16xf32>,
        tpu.vector_store %arg14[%swap3A_425], %add3A_418 {strides = array<i32>} : memref<40192xf32, #tpu.memory_space<vmem>>, vector<16xf32>,
        %get3A_427 = arith.index_cast %while3A_189 : i32 to index
        %get3A_428 = arith.constant 144 : index
        %get3A_429 = tpu.vector_load %arg11[%get3A_427, %get3A_428] {strides = array<i32>} : memref<64x256xf32, #tpu.memory_space<vmem>>, vector<16xf32>,
        %add3A_430 = arith.constant 144 : i32
        %add3A_431 = arith.addi %mul3A_194, %add3A_430 : i32
        %get3A_432 = arith.index_cast %add3A_431 : i32 to index
        %get3A_433 = tpu.vector_load %arg13[%get3A_432] {strides = array<i32>} : memref<40192xf32, #tpu.memory_space<vmem>>, vector<16xf32>,
        %add3A_434 = arith.constant 144 : i32
        %add3A_435 = arith.addi %mul3A_194, %add3A_434 : i32
        %get3A_436 = arith.index_cast %add3A_435 : i32 to index
        %get3A_437 = tpu.vector_load %arg14[%get3A_436] {strides = array<i32>} : memref<40192xf32, #tpu.memory_space<vmem>>, vector<16xf32>,
        %max3A_438 = arith.maximumf %get3A_433, %get3A_429 : vector<16xf32>
        %sub3A_439 = arith.subf %get3A_433, %max3A_438 : vector<16xf32>
        %exp3A_440 = math.exp %sub3A_439 : vector<16xf32>
        %mul3A_441 = arith.mulf %get3A_437, %exp3A_440 : vector<16xf32>
        %sub3A_442 = arith.subf %get3A_429, %max3A_438 : vector<16xf32>
        %exp3A_443 = math.exp %sub3A_442 : vector<16xf32>
        %add3A_444 = arith.addf %mul3A_441, %exp3A_443 : vector<16xf32>
        %add3A_445 = arith.constant 144 : i32
        %add3A_446 = arith.addi %mul3A_194, %add3A_445 : i32
        %swap3A_447 = arith.index_cast %add3A_446 : i32 to index
        %swap3A_448 = tpu.vector_load %arg13[%swap3A_447] {strides = array<i32>} : memref<40192xf32, #tpu.memory_space<vmem>>, vector<16xf32>,
        tpu.vector_store %arg13[%swap3A_447], %max3A_438 {strides = array<i32>} : memref<40192xf32, #tpu.memory_space<vmem>>, vector<16xf32>,
        %add3A_449 = arith.constant 144 : i32
        %add3A_450 = arith.addi %mul3A_194, %add3A_449 : i32
        %swap3A_451 = arith.index_cast %add3A_450 : i32 to index
        %swap3A_452 = tpu.vector_load %arg14[%swap3A_451] {strides = array<i32>} : memref<40192xf32, #tpu.memory_space<vmem>>, vector<16xf32>,
        tpu.vector_store %arg14[%swap3A_451], %add3A_444 {strides = array<i32>} : memref<40192xf32, #tpu.memory_space<vmem>>, vector<16xf32>,
        %get3A_453 = arith.index_cast %while3A_189 : i32 to index
        %get3A_454 = arith.constant 160 : index
        %get3A_455 = tpu.vector_load %arg11[%get3A_453, %get3A_454] {strides = array<i32>} : memref<64x256xf32, #tpu.memory_space<vmem>>, vector<16xf32>,
        %add3A_456 = arith.constant 160 : i32
        %add3A_457 = arith.addi %mul3A_194, %add3A_456 : i32
        %get3A_458 = arith.index_cast %add3A_457 : i32 to index
        %get3A_459 = tpu.vector_load %arg13[%get3A_458] {strides = array<i32>} : memref<40192xf32, #tpu.memory_space<vmem>>, vector<16xf32>,
        %add3A_460 = arith.constant 160 : i32
        %add3A_461 = arith.addi %mul3A_194, %add3A_460 : i32
        %get3A_462 = arith.index_cast %add3A_461 : i32 to index
        %get3A_463 = tpu.vector_load %arg14[%get3A_462] {strides = array<i32>} : memref<40192xf32, #tpu.memory_space<vmem>>, vector<16xf32>,
        %max3A_464 = arith.maximumf %get3A_459, %get3A_455 : vector<16xf32>
        %sub3A_465 = arith.subf %get3A_459, %max3A_464 : vector<16xf32>
        %exp3A_466 = math.exp %sub3A_465 : vector<16xf32>
        %mul3A_467 = arith.mulf %get3A_463, %exp3A_466 : vector<16xf32>
        %sub3A_468 = arith.subf %get3A_455, %max3A_464 : vector<16xf32>
        %exp3A_469 = math.exp %sub3A_468 : vector<16xf32>
        %add3A_470 = arith.addf %mul3A_467, %exp3A_469 : vector<16xf32>
        %add3A_471 = arith.constant 160 : i32
        %add3A_472 = arith.addi %mul3A_194, %add3A_471 : i32
        %swap3A_473 = arith.index_cast %add3A_472 : i32 to index
        %swap3A_474 = tpu.vector_load %arg13[%swap3A_473] {strides = array<i32>} : memref<40192xf32, #tpu.memory_space<vmem>>, vector<16xf32>,
        tpu.vector_store %arg13[%swap3A_473], %max3A_464 {strides = array<i32>} : memref<40192xf32, #tpu.memory_space<vmem>>, vector<16xf32>,
        %add3A_475 = arith.constant 160 : i32
        %add3A_476 = arith.addi %mul3A_194, %add3A_475 : i32
        %swap3A_477 = arith.index_cast %add3A_476 : i32 to index
        %swap3A_478 = tpu.vector_load %arg14[%swap3A_477] {strides = array<i32>} : memref<40192xf32, #tpu.memory_space<vmem>>, vector<16xf32>,
        tpu.vector_store %arg14[%swap3A_477], %add3A_470 {strides = array<i32>} : memref<40192xf32, #tpu.memory_space<vmem>>, vector<16xf32>,
        %get3A_479 = arith.index_cast %while3A_189 : i32 to index
        %get3A_480 = arith.constant 176 : index
        %get3A_481 = tpu.vector_load %arg11[%get3A_479, %get3A_480] {strides = array<i32>} : memref<64x256xf32, #tpu.memory_space<vmem>>, vector<16xf32>,
        %add3A_482 = arith.constant 176 : i32
        %add3A_483 = arith.addi %mul3A_194, %add3A_482 : i32
        %get3A_484 = arith.index_cast %add3A_483 : i32 to index
        %get3A_485 = tpu.vector_load %arg13[%get3A_484] {strides = array<i32>} : memref<40192xf32, #tpu.memory_space<vmem>>, vector<16xf32>,
        %add3A_486 = arith.constant 176 : i32
        %add3A_487 = arith.addi %mul3A_194, %add3A_486 : i32
        %get3A_488 = arith.index_cast %add3A_487 : i32 to index
        %get3A_489 = tpu.vector_load %arg14[%get3A_488] {strides = array<i32>} : memref<40192xf32, #tpu.memory_space<vmem>>, vector<16xf32>,
        %max3A_490 = arith.maximumf %get3A_485, %get3A_481 : vector<16xf32>
        %sub3A_491 = arith.subf %get3A_485, %max3A_490 : vector<16xf32>
        %exp3A_492 = math.exp %sub3A_491 : vector<16xf32>
        %mul3A_493 = arith.mulf %get3A_489, %exp3A_492 : vector<16xf32>
        %sub3A_494 = arith.subf %get3A_481, %max3A_490 : vector<16xf32>
        %exp3A_495 = math.exp %sub3A_494 : vector<16xf32>
        %add3A_496 = arith.addf %mul3A_493, %exp3A_495 : vector<16xf32>
        %add3A_497 = arith.constant 176 : i32
        %add3A_498 = arith.addi %mul3A_194, %add3A_497 : i32
        %swap3A_499 = arith.index_cast %add3A_498 : i32 to index
        %swap3A_500 = tpu.vector_load %arg13[%swap3A_499] {strides = array<i32>} : memref<40192xf32, #tpu.memory_space<vmem>>, vector<16xf32>,
        tpu.vector_store %arg13[%swap3A_499], %max3A_490 {strides = array<i32>} : memref<40192xf32, #tpu.memory_space<vmem>>, vector<16xf32>,
        %add3A_501 = arith.constant 176 : i32
        %add3A_502 = arith.addi %mul3A_194, %add3A_501 : i32
        %swap3A_503 = arith.index_cast %add3A_502 : i32 to index
        %swap3A_504 = tpu.vector_load %arg14[%swap3A_503] {strides = array<i32>} : memref<40192xf32, #tpu.memory_space<vmem>>, vector<16xf32>,
        tpu.vector_store %arg14[%swap3A_503], %add3A_496 {strides = array<i32>} : memref<40192xf32, #tpu.memory_space<vmem>>, vector<16xf32>,
        %get3A_505 = arith.index_cast %while3A_189 : i32 to index
        %get3A_506 = arith.constant 192 : index
        %get3A_507 = tpu.vector_load %arg11[%get3A_505, %get3A_506] {strides = array<i32>} : memref<64x256xf32, #tpu.memory_space<vmem>>, vector<16xf32>,
        %add3A_508 = arith.constant 192 : i32
        %add3A_509 = arith.addi %mul3A_194, %add3A_508 : i32
        %get3A_510 = arith.index_cast %add3A_509 : i32 to index
        %get3A_511 = tpu.vector_load %arg13[%get3A_510] {strides = array<i32>} : memref<40192xf32, #tpu.memory_space<vmem>>, vector<16xf32>,
        %add3A_512 = arith.constant 192 : i32
        %add3A_513 = arith.addi %mul3A_194, %add3A_512 : i32
        %get3A_514 = arith.index_cast %add3A_513 : i32 to index
        %get3A_515 = tpu.vector_load %arg14[%get3A_514] {strides = array<i32>} : memref<40192xf32, #tpu.memory_space<vmem>>, vector<16xf32>,
        %max3A_516 = arith.maximumf %get3A_511, %get3A_507 : vector<16xf32>
        %sub3A_517 = arith.subf %get3A_511, %max3A_516 : vector<16xf32>
        %exp3A_518 = math.exp %sub3A_517 : vector<16xf32>
        %mul3A_519 = arith.mulf %get3A_515, %exp3A_518 : vector<16xf32>
        %sub3A_520 = arith.subf %get3A_507, %max3A_516 : vector<16xf32>
        %exp3A_521 = math.exp %sub3A_520 : vector<16xf32>
        %add3A_522 = arith.addf %mul3A_519, %exp3A_521 : vector<16xf32>
        %add3A_523 = arith.constant 192 : i32
        %add3A_524 = arith.addi %mul3A_194, %add3A_523 : i32
        %swap3A_525 = arith.index_cast %add3A_524 : i32 to index
        %swap3A_526 = tpu.vector_load %arg13[%swap3A_525] {strides = array<i32>} : memref<40192xf32, #tpu.memory_space<vmem>>, vector<16xf32>,
        tpu.vector_store %arg13[%swap3A_525], %max3A_516 {strides = array<i32>} : memref<40192xf32, #tpu.memory_space<vmem>>, vector<16xf32>,
        %add3A_527 = arith.constant 192 : i32
        %add3A_528 = arith.addi %mul3A_194, %add3A_527 : i32
        %swap3A_529 = arith.index_cast %add3A_528 : i32 to index
        %swap3A_530 = tpu.vector_load %arg14[%swap3A_529] {strides = array<i32>} : memref<40192xf32, #tpu.memory_space<vmem>>, vector<16xf32>,
        tpu.vector_store %arg14[%swap3A_529], %add3A_522 {strides = array<i32>} : memref<40192xf32, #tpu.memory_space<vmem>>, vector<16xf32>,
        %get3A_531 = arith.index_cast %while3A_189 : i32 to index
        %get3A_532 = arith.constant 208 : index
        %get3A_533 = tpu.vector_load %arg11[%get3A_531, %get3A_532] {strides = array<i32>} : memref<64x256xf32, #tpu.memory_space<vmem>>, vector<16xf32>,
        %add3A_534 = arith.constant 208 : i32
        %add3A_535 = arith.addi %mul3A_194, %add3A_534 : i32
        %get3A_536 = arith.index_cast %add3A_535 : i32 to index
        %get3A_537 = tpu.vector_load %arg13[%get3A_536] {strides = array<i32>} : memref<40192xf32, #tpu.memory_space<vmem>>, vector<16xf32>,
        %add3A_538 = arith.constant 208 : i32
        %add3A_539 = arith.addi %mul3A_194, %add3A_538 : i32
        %get3A_540 = arith.index_cast %add3A_539 : i32 to index
        %get3A_541 = tpu.vector_load %arg14[%get3A_540] {strides = array<i32>} : memref<40192xf32, #tpu.memory_space<vmem>>, vector<16xf32>,
        %max3A_542 = arith.maximumf %get3A_537, %get3A_533 : vector<16xf32>
        %sub3A_543 = arith.subf %get3A_537, %max3A_542 : vector<16xf32>
        %exp3A_544 = math.exp %sub3A_543 : vector<16xf32>
        %mul3A_545 = arith.mulf %get3A_541, %exp3A_544 : vector<16xf32>
        %sub3A_546 = arith.subf %get3A_533, %max3A_542 : vector<16xf32>
        %exp3A_547 = math.exp %sub3A_546 : vector<16xf32>
        %add3A_548 = arith.addf %mul3A_545, %exp3A_547 : vector<16xf32>
        %add3A_549 = arith.constant 208 : i32
        %add3A_550 = arith.addi %mul3A_194, %add3A_549 : i32
        %swap3A_551 = arith.index_cast %add3A_550 : i32 to index
        %swap3A_552 = tpu.vector_load %arg13[%swap3A_551] {strides = array<i32>} : memref<40192xf32, #tpu.memory_space<vmem>>, vector<16xf32>,
        tpu.vector_store %arg13[%swap3A_551], %max3A_542 {strides = array<i32>} : memref<40192xf32, #tpu.memory_space<vmem>>, vector<16xf32>,
        %add3A_553 = arith.constant 208 : i32
        %add3A_554 = arith.addi %mul3A_194, %add3A_553 : i32
        %swap3A_555 = arith.index_cast %add3A_554 : i32 to index
        %swap3A_556 = tpu.vector_load %arg14[%swap3A_555] {strides = array<i32>} : memref<40192xf32, #tpu.memory_space<vmem>>, vector<16xf32>,
        tpu.vector_store %arg14[%swap3A_555], %add3A_548 {strides = array<i32>} : memref<40192xf32, #tpu.memory_space<vmem>>, vector<16xf32>,
        %get3A_557 = arith.index_cast %while3A_189 : i32 to index
        %get3A_558 = arith.constant 224 : index
        %get3A_559 = tpu.vector_load %arg11[%get3A_557, %get3A_558] {strides = array<i32>} : memref<64x256xf32, #tpu.memory_space<vmem>>, vector<16xf32>,
        %add3A_560 = arith.constant 224 : i32
        %add3A_561 = arith.addi %mul3A_194, %add3A_560 : i32
        %get3A_562 = arith.index_cast %add3A_561 : i32 to index
        %get3A_563 = tpu.vector_load %arg13[%get3A_562] {strides = array<i32>} : memref<40192xf32, #tpu.memory_space<vmem>>, vector<16xf32>,
        %add3A_564 = arith.constant 224 : i32
        %add3A_565 = arith.addi %mul3A_194, %add3A_564 : i32
        %get3A_566 = arith.index_cast %add3A_565 : i32 to index
        %get3A_567 = tpu.vector_load %arg14[%get3A_566] {strides = array<i32>} : memref<40192xf32, #tpu.memory_space<vmem>>, vector<16xf32>,
        %max3A_568 = arith.maximumf %get3A_563, %get3A_559 : vector<16xf32>
        %sub3A_569 = arith.subf %get3A_563, %max3A_568 : vector<16xf32>
        %exp3A_570 = math.exp %sub3A_569 : vector<16xf32>
        %mul3A_571 = arith.mulf %get3A_567, %exp3A_570 : vector<16xf32>
        %sub3A_572 = arith.subf %get3A_559, %max3A_568 : vector<16xf32>
        %exp3A_573 = math.exp %sub3A_572 : vector<16xf32>
        %add3A_574 = arith.addf %mul3A_571, %exp3A_573 : vector<16xf32>
        %add3A_575 = arith.constant 224 : i32
        %add3A_576 = arith.addi %mul3A_194, %add3A_575 : i32
        %swap3A_577 = arith.index_cast %add3A_576 : i32 to index
        %swap3A_578 = tpu.vector_load %arg13[%swap3A_577] {strides = array<i32>} : memref<40192xf32, #tpu.memory_space<vmem>>, vector<16xf32>,
        tpu.vector_store %arg13[%swap3A_577], %max3A_568 {strides = array<i32>} : memref<40192xf32, #tpu.memory_space<vmem>>, vector<16xf32>,
        %add3A_579 = arith.constant 224 : i32
        %add3A_580 = arith.addi %mul3A_194, %add3A_579 : i32
        %swap3A_581 = arith.index_cast %add3A_580 : i32 to index
        %swap3A_582 = tpu.vector_load %arg14[%swap3A_581] {strides = array<i32>} : memref<40192xf32, #tpu.memory_space<vmem>>, vector<16xf32>,
        tpu.vector_store %arg14[%swap3A_581], %add3A_574 {strides = array<i32>} : memref<40192xf32, #tpu.memory_space<vmem>>, vector<16xf32>,
        %get3A_583 = arith.index_cast %while3A_189 : i32 to index
        %get3A_584 = arith.constant 240 : index
        %get3A_585 = tpu.vector_load %arg11[%get3A_583, %get3A_584] {strides = array<i32>} : memref<64x256xf32, #tpu.memory_space<vmem>>, vector<16xf32>,
        %add3A_586 = arith.constant 240 : i32
        %add3A_587 = arith.addi %mul3A_194, %add3A_586 : i32
        %get3A_588 = arith.index_cast %add3A_587 : i32 to index
        %get3A_589 = tpu.vector_load %arg13[%get3A_588] {strides = array<i32>} : memref<40192xf32, #tpu.memory_space<vmem>>, vector<16xf32>,
        %add3A_590 = arith.constant 240 : i32
        %add3A_591 = arith.addi %mul3A_194, %add3A_590 : i32
        %get3A_592 = arith.index_cast %add3A_591 : i32 to index
        %get3A_593 = tpu.vector_load %arg14[%get3A_592] {strides = array<i32>} : memref<40192xf32, #tpu.memory_space<vmem>>, vector<16xf32>,
        %max3A_594 = arith.maximumf %get3A_589, %get3A_585 : vector<16xf32>
        %sub3A_595 = arith.subf %get3A_589, %max3A_594 : vector<16xf32>
        %exp3A_596 = math.exp %sub3A_595 : vector<16xf32>
        %mul3A_597 = arith.mulf %get3A_593, %exp3A_596 : vector<16xf32>
        %sub3A_598 = arith.subf %get3A_585, %max3A_594 : vector<16xf32>
        %exp3A_599 = math.exp %sub3A_598 : vector<16xf32>
        %add3A_600 = arith.addf %mul3A_597, %exp3A_599 : vector<16xf32>
        %add3A_601 = arith.constant 240 : i32
        %add3A_602 = arith.addi %mul3A_194, %add3A_601 : i32
        %swap3A_603 = arith.index_cast %add3A_602 : i32 to index
        %swap3A_604 = tpu.vector_load %arg13[%swap3A_603] {strides = array<i32>} : memref<40192xf32, #tpu.memory_space<vmem>>, vector<16xf32>,
        tpu.vector_store %arg13[%swap3A_603], %max3A_594 {strides = array<i32>} : memref<40192xf32, #tpu.memory_space<vmem>>, vector<16xf32>,
        %add3A_605 = arith.constant 240 : i32
        %add3A_606 = arith.addi %mul3A_194, %add3A_605 : i32
        %swap3A_607 = arith.index_cast %add3A_606 : i32 to index
        %swap3A_608 = tpu.vector_load %arg14[%swap3A_607] {strides = array<i32>} : memref<40192xf32, #tpu.memory_space<vmem>>, vector<16xf32>,
        tpu.vector_store %arg14[%swap3A_607], %add3A_600 {strides = array<i32>} : memref<40192xf32, #tpu.memory_space<vmem>>, vector<16xf32>,
      }
    }
    "tpu.trace_stop"() : () -> ()
    return
  }
}

module attributes {stable_mosaic.version = 14 : i64} {
  func.func @_matmul_body(%arg0: i32, %arg1: memref<2000x128xf32, #tpu.memory_space<vmem>>, %arg2: memref<128x256xf32, #tpu.memory_space<vmem>>, %arg3: memref<2000x256xf32, #tpu.memory_space<vmem>>) attributes {dimension_semantics = [#tpu.dimension_semantics<arbitrary>], iteration_bounds = array<i64: 160>, scalar_prefetch = 0 : i64, scratch_operands = 0 : i64, tpu.core_type = #tpu.core_type<tc>, window_params = [{transform_indices = @transform_0, window_bounds = array<i64: 2000, 128>}, {pipeline_mode = #tpu.pipeline_mode<synchronous>, transform_indices = @transform_1, window_bounds = array<i64: 128, 256>}, {transform_indices = @transform_2, window_bounds = array<i64: 2000, 256>}]} {
    %get3A = arith.constant 0 : index
    %get3A_0 = arith.constant 0 : index
    %get3A_1 = vector.load %arg1[%get3A, %get3A_0] : memref<2000x128xf32, #tpu.memory_space<vmem>>, vector<2000x128xf32>
    %get3A_2 = arith.constant 0 : index
    %get3A_3 = arith.constant 0 : index
    %get3A_4 = vector.load %arg2[%get3A_2, %get3A_3] : memref<128x256xf32, #tpu.memory_space<vmem>>, vector<128x256xf32>
    %dot_general3A = arith.constant dense<0.000000e+00> : vector<2000x256xf32>
    %dot_general3A_5 = tpu.matmul %get3A_1, %get3A_4, %dot_general3A {dimension_numbers = #tpu.dot_dimension_numbers<[1], [0], [0], [1], [0, 0, 1, 1], [], []>, transpose_lhs_hint = false} : vector<2000x128xf32>, vector<128x256xf32>, vector<2000x256xf32> -> vector<2000x256xf32>
    %swap3A = arith.constant 0 : index
    %swap3A_6 = arith.constant 0 : index
    %swap3A_7 = vector.load %arg3[%swap3A, %swap3A_6] : memref<2000x256xf32, #tpu.memory_space<vmem>>, vector<2000x256xf32>
    tpu.vector_store %arg3[%swap3A, %swap3A_6], %dot_general3A_5 {strides = array<i32>} : memref<2000x256xf32, #tpu.memory_space<vmem>>, vector<2000x256xf32>,
    return
  }
  func.func @transform_0(%arg0: i32) -> (i32, i32) {
    %c0_i32 = arith.constant 0 : i32
    %c0_i32_0 = arith.constant 0 : i32
    return %arg0, %c0_i32 : i32, i32
  }
  func.func @transform_1(%arg0: i32) -> (i32, i32) {
    %c0_i32 = arith.constant 0 : i32
    %c0_i32_0 = arith.constant 0 : i32
    %c0_i32_1 = arith.constant 0 : i32
    return %c0_i32, %c0_i32_0 : i32, i32
  }
  func.func @transform_2(%arg0: i32) -> (i32, i32) {
    %c0_i32 = arith.constant 0 : i32
    %c0_i32_0 = arith.constant 0 : i32
    return %arg0, %c0_i32 : i32, i32
  }
}

</mosaic_0001>

<sc_bundles>
// kernel: kernel.4.cloned.1.call-start
scs
__scs_entry_jumppad:
0x0: {  	(pc) =	sbr.rel $0x88, $3  }
0x1: {  	(tag) =	ssettag $0x0;
	lr =	simm.s32 $0x1  }
0x2: {  	[smem:$0x3F9E] =	sst lr;
	_ =	strace $0xD0000000  }
0x3: {  	_ = 	snop  }
0x4: {  	_ = 	snop  }
0x5: {  	_ = 	snop  }
0x6: {  	_ = 	snop  }
0x7: {  	_ = 	snop  }
__scs_overlays_trampoline_lowered:
0x8: {  	[smem:$0x3FAD] =	sst s0  }
0x9: {  	[smem:$0x3FAE] =	sst s1  }
0xa: {  	[smem:$0x3FAF] =	sst s2  }
0xb: {  	[smem:$0x3FB0] =	sst s3  }
0xc: {  	[smem:$0x3FB1] =	sst s4  }
0xd: {  	[smem:$0x3FB2] =	sst s5  }
0xe: {  	[smem:$0x3FB3] =	sst s6  }
0xf: {  	[smem:$0x3FB4] =	sst s7  }
0x10: {  	[smem:$0x3FB5] =	sst s8  }
0x11: {  	[smem:$0x3FB6] =	sst s9;
	s0 =	simm.s32 @!p0 $0x0  }
0x12: {  	s1 =	sld [smem:$0x3F9C];
	s0 =	simm.s32 @p0 $0x1  }
0x13: {  	[smem:$0x3FB7] =	sst s0;
	s0 =	simm.s32 @!p1 $0x0  }
0x14: {  	s2 =	sld [smem:$0x3F9B];
	s0 =	simm.s32 @p1 $0x1  }
0x15: {  	[smem:$0x3FB8] =	sst s0;
	s0 =	simm.s32 @!p2 $0x0  }
0x16: {  	s3 =	sld [smem:$0x3FDB];
	s0 =	simm.s32 @p2 $0x1  }
0x17: {  	s4 =	simm.s32 $0x1BF5;
	[smem:$0x3FBA] =	sst s0  }
0x18: {  	s0 =	sld [smem:$0x3F9D];
	_ =	swait.ge [sflag:s4], $0x0  }
0x19: {  	s7 =	sld [smem:$0x3F9E]  }
0x1a: {  	s8 =	sadd.s32 $0xFFFFE003, lr  }
0x1b: {  	s9 =	sadd.s32 $0xFFFFFEF7, lr;
	s5 =	simm.s32 $0xFFFFFFFF;
	p2 =	slt.u32 s8, $0xFFFFF086  }
0x1c: {  	p1 =	slt.u32 s9, $0xF7A;
	s5 =	simm.s32 @!p2 $0x0  }
0x1d: {  	s5 =	simm.s32 @p1 $0x1;
	p0 =	seq.s32 s7, s2  }
0x1e: {  	s7 =	smul.u32 @!p0 $0xF7A, s2;
	p2 =	seq.s32 @!p0 s5, $0x0  }
0x1f: {  	s9 =	smul.u32 $0xF7A, s1;
	s8 =	simm.s32 @!p0 $0x1BF5;
	p2 =	por !p2, p0  }
0x20: {  	[sflag:s8] =	ssyncset.s32 @!p0 $0xFFFFF086;
	s6 =	sadd.s32 @!p0 s3, s7;
	s7 =	simm.s32 @!p0 $0x108  }
0x21: {  	s3 =	sadd.s32 s3, s9;
	s6 =	sadd.s32 @!p0 $0x88, s6;
	s7 =	simm.s32 @p2 $0x1082  }
0x22: {  	[simem:s7], [sflag:s8] =	dma.local @!p0 [hbm:s6], $0xF7A  }
0x23: {  	s9 =	sor.u32 $0xD0000000, s2;
	s6 =	simm.s32 $0x108;
	_ =	swait.ge @!p0 [sflag:s8], $0x0  }
0x24: {  	s3 =	sadd.s32 $0x88, s3;
	s6 =	simm.s32 @!p1 $0x1082;
	[sflag:s4] =	ssyncset.s32 $0xFFFFF086  }
0x25: {  	[simem:s6], [sflag:s4] =	dma.local [hbm:s3], $0xF7A  }
0x26: {  	[smem:$0x3F9E] =	sst s1;
	(tag) =	ssettag s2;
	_ =	strace s9  }
0x27: {  	s1 =	sld [smem:$0x3FAE]  }
0x28: {  	s2 =	sld [smem:$0x3FAF]  }
0x29: {  	s4 =	sld [smem:$0x3FB1]  }
0x2a: {  	p0 =	seq.s32 s5, $0x0;
	s5 =	sld [smem:$0x3FB2]  }
0x2b: {  	s6 =	sld [smem:$0x3FB3]  }
0x2c: {  	s7 =	sld [smem:$0x3FB4]  }
0x2d: {  	s3 =	simm.s32 $0x108;
	s8 =	sld [smem:$0x3FB5]  }
0x2e: {  	s3 =	simm.s32 @!p0 $0x1082;
	s9 =	sld [smem:$0x3FB6]  }
0x2f: {  	lr =	sadd.s32 s0, s3;
	s0 =	sld [smem:$0x3FAD]  }
0x30: {  	s3 =	sld [smem:$0x3FB0]  }
0x31: {  	[smem:$0x3FB9] =	sst s10  }
0x32: {  	s10 =	sld [smem:$0x3FB7];
	_ =	sdelay $0x3  }
0x33: {  	p0 =	seq.s32 s10, $0x1;
	s10 =	sld [smem:$0x3FB9];
	_ =	sdelay $0x3  }
0x34: {  	[smem:$0x3FB9] =	sst s10  }
0x35: {  	s10 =	sld [smem:$0x3FB8];
	_ =	sdelay $0x3  }
0x36: {  	p1 =	seq.s32 s10, $0x1;
	s10 =	sld [smem:$0x3FB9];
	_ =	sdelay $0x3  }
0x37: {  	[smem:$0x3FB9] =	sst s10  }
0x38: {  	s10 =	sld [smem:$0x3FBA]  }
0x39: {  	_ = 	snop;
	(pc) =	sbr.ind lr, $3  }
0x3a: {  	_ = 	snop  }
0x3b: {  	_ = 	snop  }
0x3c: {  	p2 =	seq.s32 s10, $0x1;
	s10 =	sld [smem:$0x3FB9]  }
0x3d: {  	_ =	shalt  }
0x3e: {  	_ =	shalt  }
0x3f: {  	_ =	shalt  }
0x40: {  	_ =	shalt  }
0x41: {  	_ =	shalt  }
0x42: {  	_ =	shalt  }
0x43: {  	_ =	shalt  }
0x44: {  	_ =	shalt  }
0x45: {  	_ =	shalt  }
0x46: {  	_ =	shalt  }
0x47: {  	_ =	shalt  }
0x48: {  	_ =	shalt  }
0x49: {  	_ =	shalt  }
0x4a: {  	_ =	shalt  }
0x4b: {  	_ =	shalt  }
0x4c: {  	_ =	shalt  }
0x4d: {  	_ =	shalt  }
0x4e: {  	_ =	shalt  }
0x4f: {  	_ =	shalt  }
0x50: {  	_ =	shalt  }
0x51: {  	_ =	shalt  }
0x52: {  	_ =	shalt  }
0x53: {  	_ =	shalt  }
0x54: {  	_ =	shalt  }
0x55: {  	_ =	shalt  }
0x56: {  	_ =	shalt  }
0x57: {  	_ =	shalt  }
0x58: {  	_ =	shalt  }
0x59: {  	_ =	shalt  }
0x5a: {  	_ =	shalt  }
0x5b: {  	_ =	shalt  }
0x5c: {  	_ =	shalt  }
0x5d: {  	_ =	shalt  }
0x5e: {  	_ =	shalt  }
0x5f: {  	_ =	shalt  }
0x60: {  	_ =	shalt  }
0x61: {  	_ =	shalt  }
0x62: {  	_ =	shalt  }
0x63: {  	_ =	shalt  }
0x64: {  	_ =	shalt  }
0x65: {  	_ =	shalt  }
0x66: {  	_ =	shalt  }
0x67: {  	_ =	shalt  }
0x68: {  	_ =	shalt  }
0x69: {  	_ =	shalt  }
0x6a: {  	_ =	shalt  }
0x6b: {  	_ =	shalt  }
0x6c: {  	_ =	shalt  }
0x6d: {  	_ =	shalt  }
0x6e: {  	_ =	shalt  }
0x6f: {  	_ =	shalt  }
0x70: {  	_ =	shalt  }
0x71: {  	_ =	shalt  }
0x72: {  	_ =	shalt  }
0x73: {  	_ =	shalt  }
0x74: {  	_ =	shalt  }
0x75: {  	_ =	shalt  }
0x76: {  	_ =	shalt  }
0x77: {  	_ =	shalt  }
0x78: {  	_ =	shalt  }
0x79: {  	_ =	shalt  }
0x7a: {  	_ =	shalt  }
0x7b: {  	_ =	shalt  }
0x7c: {  	_ =	shalt  }
0x7d: {  	_ =	shalt  }
0x7e: {  	_ =	shalt  }
0x7f: {  	_ =	shalt  }
0x80: {  	_ =	shalt  }
0x81: {  	_ =	shalt  }
0x82: {  	_ =	shalt  }
0x83: {  	_ =	shalt  }
0x84: {  	_ =	shalt  }
0x85: {  	_ =	shalt  }
0x86: {  	_ =	shalt  }
0x87: {  	_ =	shalt  }
.Lfunc_end0:
.L_simem_size_0:
called_computation_lowered:
.L_overlay_start_0:
0x88: {  	s2 =	sld [smem:$0x3FD9]  }
0x89: {  	s3 =	sld [smem:$0x3FFE];
	_ =	sdelay $0x1  }
0x8a: {  	s1 =	srdreg.scid  }
0x8b: {  	s0 =	sand.u32 $0x1, s1  }
0x8c: {  	s18 =	sshll.u32 s0, $0xA;
	s2 =	sadd.s32 s3, s2  }
0x8d: {  	s3 =	sadd.s32 s2, s18  }
0x8e: {  	[smem:$0x3FC5] =	sst s3  }
0x8f: {  	_ = 	snop  }
0x90: {  	s3 =	sld [smem:$0x3FD0];
	(tm) =	ssettm $0x1  }
0x91: {  	s4 =	sld [smem:$0x3FFB];
	_ =	sdelay $0x3  }
0x92: {  	_ =	strace s4  }
0x93: {  	s4 =	sld [smem:$0x3FFC];
	_ =	sdelay $0x3  }
0x94: {  	_ =	strace s4  }
0x95: {  	s4 =	sld [smem:$0x3FFD];
	_ =	sdelay $0x3  }
0x96: {  	_ =	strace s4  }
0x97: {  	_ =	strace $0x8FFFFFFF  }
0x98: {  	s19 =	sld [smem:$0x3FDB];
	_ =	sdelay $0x1  }
0x99: {  	s5 =	simm.s32 $_scs_section_size  }
0x9a: {  	s6 =	simm.s32 $_size__tile_overlayer_lowered;
	s7 =	simm.s32 $_tile_overlayer_lowered  }
0x9b: {  	s22 =	simm.s32 $0x1BFF;
	s21 =	sshll.u32 s7, $0x1;
	s4 =	sadd.s32 s5, s19  }
0x9c: {  	s8 =	simm.s32 $0x0;
	s20 =	sshll.u32 s6, $0x1;
	s6 =	sadd.s32 s21, s4  }
0x9d: {  	[timem:s8], [sflag:s22] =	dma.local [hbm:s6], s20  }
0x9e: {  	_ =	swait.ge [sflag:s22], s20  }
0x9f: {  	s5 =	ssub.s32 $0x0, s20;
	[sflag:s22] =	ssyncset.done $0x0  }
0xa0: {  	[sflag:s22] =	ssyncadd.s32 s5;
	_ =	sdelay $0x1  }
0xa1: {  	s23 =	simm.s32 $0x1B8B  }
0xa2: {  	_ =	swait.ge [sflag:s23], $0x1  }
0xa3: {  	[sflag:s23] =	ssyncset.done $0x0  }
0xa4: {  	s25 =	simm.s32 $0x1B8E;
	s24 =	sld [smem:$0x3FFE];
	[sflag:s23] =	ssyncadd.s32 $0xFFFFFFFF  }
0xa5: {  	s26 =	simm.s32 $execute0_lowered;
	[smem:$0x3FD2] =	sst s25  }
0xa6: {  	s6 =	sshll.u32 s26, $0x1;
	_ =	strace $0x80000046;
	[dreg:$0x1] =	wrdreg $0xFFFFFFFF  }
0xa7: {  	s28 =	simm.s32 $_size_execute0_lowered;
	s4 =	sadd.s32 s4, s6;
	[dreg:$0x0] =	wrdreg $0x0  }
0xa8: {  	s6 =	sshll.u32 s28, $0x1;
	[dreg:$0x2] =	wrdreg s4  }
0xa9: {  	[dreg:$0x3] =	wrdreg s6  }
0xaa: {  	[dreg:$0x4] =	wrdreg $0xC0  }
0xab: {  	_ =	task [dreg:s8], $0x5FFFF  }
0xac: {  	[dreg:$0x1] =	wrdreg $0xFFFFFFFF  }
0xad: {  	[dreg:$0x0] =	wrdreg $0x60  }
0xae: {  	[dreg:$0x2] =	wrdreg s24  }
0xaf: {  	s2 =	sadd.s32 $0x800, s2;
	[dreg:$0x3] =	wrdreg s3  }
0xb0: {  	[dreg:$0x4] =	wrdreg s2  }
0xb1: {  	[dreg:$0x5] =	wrdreg $0x9  }
0xb2: {  	_ =	task.clear_ibuf [dreg:s8], $0x6FFFF;
	_ =	strace $0x90000046  }
0xb3: {  	s29 =	simm.s32 $0x9;
	_ =	strace $0x8000004B  }
0xb4: {  	_ =	swait.ge [sflag:s29], $0x1  }
0xb5: {  	[sflag:s29] =	ssyncadd.s32 $0xFFFFFFFF  }
0xb6: {  	_ =	strace $0x9000004B  }
0xb7: {  	_ =	sfence  }
0xb8: {  	s30 =	sld [smem:$0x0];
	_ =	sdelay $0x2  }
0xb9: {  	s31 =	sshll.u32 s1, $0xD;
	s1 =	sshrl.u32 s1, $0x2  }
0xba: {  	s3 =	sand.u32 $0x4000, s31;
	s1 =	sadd.s32 s1, s30  }
0xbb: {  	s0 =	sor.u32 s3, s0;
	s1 =	sshll.u32 s1, $0x11  }
0xbc: {  	s0 =	sor.u32 s1, s0  }
0xbd: {  	s0 =	sadd.s32 $0x8F2B, s0  }
0xbe: {  	[sflag:s0] =	ssyncadd.remote.s32 $0x1  }
0xbf: {  	_ =	sfence.sel $0xFFFF  }
0xc0: {  	[dreg:$0x0] =	wrdreg $0xFFFFFFFF;
	(pc) =	sbr.abs _section_cstart, $3  }
0xc1: {  	[dreg:$0x1] =	wrdreg $0xFFFFFFFF  }
0xc2: {  	_ =	task.clear_ibuf [dreg:s8], $0x2FFFF;
	_ =	strace $0x9FFFFFFF  }
0xc3: {  	(tm) =	ssettm $0x7FFFFFFF  }
tec
execute0_lowered:
.L_overlay_start_1:
0x0: {  	(tag) =	ssettag $0x1  }
0x1: {  	s0 =	rddreg [dreg:$0x0];
	s1 =	srdreg.scid  }
0x2: {  	s3 =	stileid.u32;
	s2 =	rddreg [dreg:$0x1];
	s12 =	simm.s32 $0x1  }
0x3: {  	s13 =	simm.s32 $0xE80;
	s14 =	simm.s32 $0x1680;
	s15 =	simm.s32 $0x1E80  }
0x4: {  	s16 =	simm.s32 $0x2680;
	s1 =	sand.u32 $0x1, s1;
	s4 =	sshll.u32 s3, $0x1  }
0x5: {  	s17 =	simm.s32 $0x2E80;
	s18 =	simm.s32 $0x3680;
	s5 =	sor.u32 s1, s4  }
0x6: {  	v2 =	vlaneseq.u32;
	v3 =	vimm.s32 $0x0;
	v4 =	vimm.f32 $-3.000000010e+38;
	s19 =	simm.s32 $0x3E80;
	s20 =	simm.s32 $0x4680;
	s6 =	smul.u32 $0xFFFFFF63, s5  }
.Ltmp0:
0x7: {  	v5 =	vimm.f32 $0.0e+00;
	vm0 =	vmmov $0xffff;
	s3 =	rddreg [dreg:$0x2];
	v6 =	vor.u32 $0x4E200, v2;
	s4 =	simm.s32 $0x0;
	(pc) =	sbr.rel .LBB2_1-.Ltmp0, $4  }
0x8: {  	v7 =	vor.u32 $0x10, v2;
	v8 =	vor.u32 $0x4E210, v2;
	v9 =	vor.u32 $0x20, v2;
	s1 =	ssub.s32 $0x2, s1;
	s7 =	sor.u32 $0x20, s5;
	s5 =	smul.u32 $0x4E240, s5  }
0x9: {  	v10 =	vor.u32 $0x4E220, v2;
	v11 =	vor.u32 $0x30, v2;
	v12 =	vor.u32 $0x4E230, v2;
	[smem:$0x7FF] =	sst s4;
	s9 =	sshrl.u32 s1, $0x1;
	s8 =	smul.u32 $0xFFFFFF63, s7  }
0xa: {  	v13 =	vand.u32 $0x7, v2;
	v14 =	vshrl.u32 v2, $0x3;
	v15 =	vor.u32 $0x8, v2;
	_ =	strace $0x80000047;
	s1 =	ssub.s32 s1, s9;
	s7 =	smul.u32 $0x4E240, s7  }
0xb: {  	v14 =	vmul.u32 $0x8, v14;
	s9 =	simm.s32 $0x2;
	v0 =	vmov s6;
	s6 =	sadd.s32 $0x200, s0;
	v1 =	vmov s8;
	s8 =	smax.u32 s1, $0x1  }
.LBB2_19:
0xc: {  	s4 =	sadd.s32 $0x1, s4  }
0xd: {  	p0 =	sne.s32 s4, s8  }
.Ltmp1:
0xe: {  	_ = 	snop;
	(pc) =	sbr.rel @!p0 .LBB2_20-.Ltmp1, $2  }
0xf: {  	_ =	sdelay $0x2  }
0x10: {  	_ =	strace $0x9000004A  }
.LBB2_1:
0x11: {  	_ =	strace $0x80000048  }
0x12: {  	s1 =	simm.s32 $0x0;
	s28 =	simm.s32 $0x0;
	s25 =	simm.s32 $0x0  }
0x13: {  	s24 =	simm.s32 $0x0;
	s26 =	simm.s32 $0x0;
	s0 =	simm.s32 $0x0  }
.LBB2_2:
0x14: {  	s10 =	smul.u32 $0xC80, s0;
	_ =	sdelay $0x1  }
0x15: {  	s10 =	sshrl.u32 s10, $0x3  }
0x16: {  	s21 =	simm.s32 $0x0;
	s10 =	sadd.s32 s6, s10  }
0x17: {  	[tilespmem:s21], [sflag:$0x2] =	stream.linear.gather [hbm4b:s10+s21], $0xC80, $0x200038;
	[tilespmem:$0x18880] =	vst v63  }
0x18: {  	_ =	swait.ge [sflag:s9], $0xC80  }
0x19: {  	[sflag:s9] =	ssyncset.done $0x0  }
0x1a: {  	s30 =	simm.s32 $0x0;
	[sflag:s9] =	ssyncadd.s32 $0xFFFFF380  }
0x1b: {  	v16 =	vld [tilespmem:s30+$0x0];
	_ =	sdelay $0x4  }
0x1c: {  	v17 =	vadd.s32 v0, v16  }
0x1d: {  	vm2 =	vlt.u32 v17, $0x9D  }
0x1e: {  	v18 =	vsel vm2, $0x1, v3  }
0x1f: {  	(xrf0) =	vadd.scan.msk.s32 $0xffff, v18;
	_ =	sdelay $0x5  }
0x20: {  	v18, _, _ =	vpop (xrf0)  }
0x21: {  	(v2sf) =	vpush v18, $0xF  }
0x22: {  	v16 =	vadd.s32 v1, v16  }
0x23: {  	vm1 =	vlt.u32 v16, $0x9D  }
0x24: {  	v18 =	vsel vm1, $0x1, v3  }
0x25: {  	(xrf0) =	vadd.scan.msk.s32 $0xffff, v18;
	_ =	sdelay $0x5  }
0x26: {  	v18, _, _ =	vpop (xrf0)  }
0x27: {  	(v2sf) =	vpush v18, $0xF;
	_ =	sdelay $0x3  }
0x28: {  	s31 =	spop (v2sf)  }
0x29: {  	s11 =	sadd.s32 s26, s31  }
0x2a: {  	p0 =	slt.s32 s11, $0x40  }
0x2b: {  	v17 =	vshll.u32 v17, $0x13;
	v18 =	vor.u32 s1, v2;
	s10 =	sadd.s32 @!p0 s5, s24  }
0x2c: {  	v17 =	vor.u32 v18, v17;
	s22 =	simm.s32 @!p0 $0x2;
	s10 =	sshrl.u32 @!p0 s10, $0x3  }
0x2d: {  	[tilespmem:s26+$0xC80] =	vst.msk vm2, v17;
	s23 =	simm.s32 @!p0 $0x0;
	s26 =	simm.s32 @!p0 $0xC80;
	s10 =	sadd.s32 @!p0 s10, s3  }
0x2e: {  	[hbm4b:s10+s23] =	stream.linear.scatter @!p0 [tilespmem:s26], [sflag:$0x2], $0x40, $0x200038;
	[tilespmem:$0x18880] =	vst v63  }
0x2f: {  	_ =	swait.ge @!p0 [sflag:s22], $0x40  }
0x30: {  	[sflag:s22] =	ssyncset.done @!p0 $0x0  }
0x31: {  	[sflag:s22] =	ssyncadd.s32 @!p0 $0xFFFFFFC0  }
0x32: {  	v17 =	vld @!p0 [tilespmem:$0xCC0]  }
0x33: {  	s30 =	spop (v2sf)  }
0x34: {  	s31 =	sadd.s32 s25, s30  }
0x35: {  	p1 =	slt.s32 s31, $0x40  }
0x36: {  	v16 =	vshll.u32 v16, $0x13;
	s10 =	simm.s32 $0x40;
	s23 =	sadd.s32 @!p1 s7, s28  }
0x37: {  	v16 =	vor.u32 v18, v16;
	s29 =	simm.s32 @!p1 $0x2;
	s26 =	simm.s32 @!p1 $0xD00;
	s23 =	sshrl.u32 @!p1 s23, $0x3;
	[tilespmem:$0xC80] =	vst @!p0 v17  }
0x38: {  	s30 =	simm.s32 @!p1 $0x40;
	s23 =	sadd.s32 @!p1 s23, s3;
	[tilespmem:s25+$0xD00] =	vst.msk vm1, v16;
	s25 =	simm.s32 @!p1 $0x0  }
0x39: {  	[hbm4b:s23+s25] =	stream.linear.scatter @!p1 [tilespmem:s26], [sflag:$0x2], $0x40, $0x200038;
	[tilespmem:$0x18880] =	vst v63  }
0x3a: {  	s22 =	smov.u32 s1;
	s30 =	simm.s32 @p1 $0x0;
	_ =	swait.ge @!p1 [sflag:s29], $0x40  }
0x3b: {  	s21 =	sadd.s32 s28, s30;
	s23 =	simm.s32 @!p0 $0x40;
	[sflag:s29] =	ssyncset.done @!p1 $0x0  }
0x3c: {  	s26 =	simm.s32 $0x80;
	s23 =	simm.s32 @p0 $0x0;
	[sflag:s29] =	ssyncadd.s32 @!p1 $0xFFFFFFC0  }
0x3d: {  	s25 =	ssub.s32 s11, s23;
	s23 =	sadd.s32 s24, s23;
	s24 =	ssub.s32 s31, s30;
	v16 =	vld @!p1 [tilespmem:$0xD40]  }
.LBB2_3:
0x3e: {  	_ =	sdelay $0x2  }
0x3f: {  	s28 =	sshra.s32 s10, $0x2  }
0x40: {  	s22 =	sadd.s32 $0x10, s22;
	s10 =	smov.u32 s26;
	s26 =	sadd.s32 $0x40, s26;
	[tilespmem:$0xD00] =	vst @!p1 v16  }
0x41: {  	p0 =	sne.s32 s26, $0x3200;
	v16 =	vld [tilespmem:s28+$0x0];
	_ =	sdelay $0x4  }
0x42: {  	v17 =	vor.u32 s22, v2;
	v18 =	vadd.s32 v0, v16;
	v16 =	vadd.s32 v1, v16  }
0x43: {  	vm1 =	vlt.u32 v18, $0x9D;
	v18 =	vshll.u32 v18, $0x13;
	v19 =	vshll.u32 v16, $0x13  }
0x44: {  	v18 =	vor.u32 v17, v18;
	v20 =	vsel vm1, $0x1, v3  }
0x45: {  	[tilespmem:s25+$0xC80] =	vst.msk vm1, v18;
	(xrf0) =	vadd.scan.msk.s32 $0xffff, v20;
	_ =	sdelay $0x5  }
0x46: {  	v18, _, _ =	vpop (xrf0)  }
0x47: {  	(v2sf) =	vpush v18, $0xF;
	_ =	sdelay $0x1  }
0x48: {  	vm1 =	vlt.u32 v16, $0x9D  }
0x49: {  	v16 =	vsel vm1, $0x1, v3  }
0x4a: {  	(xrf0) =	vadd.scan.msk.s32 $0xffff, v16;
	_ =	sdelay $0x5  }
0x4b: {  	v16, _, _ =	vpop (xrf0)  }
0x4c: {  	(v2sf) =	vpush v16, $0xF;
	_ =	sdelay $0x3  }
0x4d: {  	s28 =	spop (v2sf)  }
0x4e: {  	s25 =	sadd.s32 s25, s28  }
0x4f: {  	p2 =	slt.s32 s25, $0x40  }
0x50: {  	s28 =	sadd.s32 @!p2 s5, s23;
	s29 =	simm.s32 @!p2 $0x40  }
0x51: {  	s30 =	simm.s32 @!p2 $0x2;
	s28 =	sshrl.u32 @!p2 s28, $0x3;
	s29 =	simm.s32 @p2 $0x0  }
0x52: {  	s31 =	simm.s32 @!p2 $0x0;
	s11 =	simm.s32 @!p2 $0xC80;
	s28 =	sadd.s32 @!p2 s28, s3  }
0x53: {  	[hbm4b:s28+s31] =	stream.linear.scatter @!p2 [tilespmem:s11], [sflag:$0x2], $0x40, $0x200038;
	[tilespmem:$0x18880] =	vst v63  }
0x54: {  	s25 =	ssub.s32 s25, s29;
	s23 =	sadd.s32 s23, s29;
	_ =	swait.ge @!p2 [sflag:s30], $0x40  }
0x55: {  	[sflag:s30] =	ssyncset.done @!p2 $0x0  }
0x56: {  	[sflag:s30] =	ssyncadd.s32 @!p2 $0xFFFFFFC0  }
0x57: {  	v16 =	vld @!p2 [tilespmem:$0xCC0]  }
0x58: {  	s11 =	spop (v2sf)  }
0x59: {  	s11 =	sadd.s32 s24, s11  }
0x5a: {  	p1 =	slt.s32 s11, $0x40  }
0x5b: {  	s28 =	sadd.s32 @!p1 s7, s21;
	s29 =	simm.s32 @!p1 $0x40  }
0x5c: {  	s30 =	simm.s32 @!p1 $0x2;
	[tilespmem:$0xC80] =	vst @!p2 v16;
	v16 =	vor.u32 v17, v19;
	s28 =	sshrl.u32 @!p1 s28, $0x3;
	s29 =	simm.s32 @p1 $0x0  }
0x5d: {  	s31 =	simm.s32 @!p1 $0xD00;
	[tilespmem:s24+$0xD00] =	vst.msk vm1, v16;
	s24 =	sadd.s32 @!p1 s28, s3;
	s28 =	simm.s32 @!p1 $0x0  }
0x5e: {  	[hbm4b:s24+s28] =	stream.linear.scatter @!p1 [tilespmem:s31], [sflag:$0x2], $0x40, $0x200038;
	[tilespmem:$0x18880] =	vst v63  }
.Ltmp2:
0x5f: {  	_ = 	snop;
	(pc) =	sbr.rel @p0 .LBB2_3-.Ltmp2, $4  }
0x60: {  	s21 =	sadd.s32 s21, s29;
	s24 =	ssub.s32 s11, s29;
	_ =	swait.ge @!p1 [sflag:s30], $0x40  }
0x61: {  	[sflag:s30] =	ssyncset.done @!p1 $0x0  }
0x62: {  	[sflag:s30] =	ssyncadd.s32 @!p1 $0xFFFFFFC0  }
0x63: {  	v16 =	vld @!p1 [tilespmem:$0xD40]  }
0x64: {  	_ =	sdelay $0x3  }
0x65: {  	s10 =	sshra.s32 s10, $0x2;
	[tilespmem:$0xD00] =	vst @!p1 v16  }
0x66: {  	v16 =	vld [tilespmem:s10+$0x0];
	_ =	sdelay $0x4  }
0x67: {  	v17 =	vadd.s32 v0, v16  }
0x68: {  	vm2 =	vlt.u32 v17, $0x9D  }
0x69: {  	v18 =	vsel vm2, $0x1, v3  }
0x6a: {  	(xrf0) =	vadd.scan.msk.s32 $0xffff, v18;
	_ =	sdelay $0x5  }
0x6b: {  	v18, _, _ =	vpop (xrf0)  }
0x6c: {  	(v2sf) =	vpush v18, $0xF  }
0x6d: {  	v16 =	vadd.s32 v1, v16  }
0x6e: {  	vm1 =	vlt.u32 v16, $0x9D  }
0x6f: {  	v62 =	vsel vm1, $0x1, v3  }
0x70: {  	(xrf0) =	vadd.scan.msk.s32 $0xffff, v62;
	_ =	sdelay $0x5  }
0x71: {  	v18, _, _ =	vpop (xrf0)  }
0x72: {  	(v2sf) =	vpush v18, $0xF;
	_ =	sdelay $0x3  }
0x73: {  	s30 =	spop (v2sf)  }
0x74: {  	s10 =	sadd.s32 s25, s30  }
0x75: {  	s11 =	sadd.s32 $0x10, s22;
	p0 =	slt.s32 s10, $0x40  }
0x76: {  	v63 =	vor.u32 s11, v2;
	v17 =	vshll.u32 v17, $0x13;
	s11 =	sadd.s32 @!p0 s5, s23  }
0x77: {  	v17 =	vor.u32 v63, v17;
	s22 =	simm.s32 @!p0 $0x2;
	s11 =	sshrl.u32 @!p0 s11, $0x3  }
0x78: {  	[tilespmem:s25+$0xC80] =	vst.msk vm2, v17;
	s25 =	simm.s32 @!p0 $0x0;
	s26 =	simm.s32 @!p0 $0xC80;
	s11 =	sadd.s32 @!p0 s11, s3  }
0x79: {  	[hbm4b:s11+s25] =	stream.linear.scatter @!p0 [tilespmem:s26], [sflag:$0x2], $0x40, $0x200038;
	[tilespmem:$0x18880] =	vst v63  }
0x7a: {  	_ =	swait.ge @!p0 [sflag:s22], $0x40  }
0x7b: {  	[sflag:s22] =	ssyncset.done @!p0 $0x0  }
0x7c: {  	[sflag:s22] =	ssyncadd.s32 @!p0 $0xFFFFFFC0  }
0x7d: {  	v17 =	vld @!p0 [tilespmem:$0xCC0]  }
0x7e: {  	s31 =	spop (v2sf)  }
0x7f: {  	s22 =	sadd.s32 s24, s31  }
0x80: {  	p1 =	slt.s32 s22, $0x40  }
0x81: {  	v16 =	vshll.u32 v16, $0x13;
	s11 =	sadd.s32 @!p1 s7, s21  }
0x82: {  	v16 =	vor.u32 v63, v16;
	s25 =	simm.s32 @!p1 $0x2;
	s11 =	sshrl.u32 @!p1 s11, $0x3;
	[tilespmem:$0xC80] =	vst @!p0 v17  }
0x83: {  	s26 =	simm.s32 @!p1 $0xD00;
	s11 =	sadd.s32 @!p1 s11, s3;
	[tilespmem:s24+$0xD00] =	vst.msk vm1, v16;
	s24 =	simm.s32 @!p1 $0x0  }
0x84: {  	[hbm4b:s11+s24] =	stream.linear.scatter @!p1 [tilespmem:s26], [sflag:$0x2], $0x40, $0x200038;
	[tilespmem:$0x18880] =	vst v63  }
0x85: {  	_ =	swait.ge @!p1 [sflag:s25], $0x40  }
0x86: {  	[sflag:s25] =	ssyncset.done @!p1 $0x0  }
0x87: {  	s0 =	sadd.s32 $0x1, s0;
	s11 =	simm.s32 @!p0 $0x40;
	[sflag:s25] =	ssyncadd.s32 @!p1 $0xFFFFFFC0  }
0x88: {  	s11 =	simm.s32 @p0 $0x0;
	p0 =	sne.s32 s0, $0x64;
	v16 =	vld @!p1 [tilespmem:$0xD40]  }
.Ltmp3:
0x89: {  	_ = 	snop;
	(pc) =	sbr.rel @p0 .LBB2_2-.Ltmp3, $4  }
0x8a: {  	_ = 	snop  }
0x8b: {  	s28 =	simm.s32 @!p1 $0x40  }
0x8c: {  	s1 =	sadd.s32 $0xC80, s1;
	s28 =	simm.s32 @p1 $0x0;
	s26 =	ssub.s32 s10, s11  }
0x8d: {  	s24 =	sadd.s32 s23, s11;
	s25 =	ssub.s32 s22, s28;
	s28 =	sadd.s32 s21, s28;
	[tilespmem:$0xD00] =	vst @!p1 v16  }
0x8e: {  	s0 =	sadd.s32 s5, s24  }
0x8f: {  	_ =	strace $0x90000048;
	s0 =	sshrl.u32 s0, $0x3  }
0x90: {  	s1 =	simm.s32 $0x0;
	s11 =	simm.s32 $0xC80;
	s0 =	sadd.s32 s0, s3  }
0x91: {  	[hbm4b:s0+s1] =	stream.linear.scatter [tilespmem:s11], [sflag:$0x2], $0x40, $0x38;
	[tilespmem:$0x18880] =	vst v63  }
0x92: {  	s30 =	sadd.s32 s7, s28;
	_ =	swait.ge [sflag:s9], $0x40  }
0x93: {  	s0 =	sshrl.u32 s30, $0x3;
	[sflag:s9] =	ssyncset.done $0x0  }
0x94: {  	s31 =	simm.s32 $0xD00;
	s0 =	sadd.s32 s0, s3;
	[sflag:s9] =	ssyncadd.s32 $0xFFFFFFC0  }
0x95: {  	[hbm4b:s0+s1] =	stream.linear.scatter [tilespmem:s31], [sflag:$0x2], $0x40, $0x38;
	[tilespmem:$0x18880] =	vst v63  }
0x96: {  	_ =	swait.ge [sflag:s9], $0x40  }
0x97: {  	[sflag:s9] =	ssyncset.done $0x0  }
0x98: {  	s0 =	simm.s32 $0x0;
	s1 =	simm.s32 $0x400;
	[sflag:s9] =	ssyncadd.s32 $0xFFFFFFC0  }
.LBB2_6:
0x99: {  	p0 =	sne.s32 s1, $0x27000;
	[tilespmem:s0+$0xEC70] =	vst v5  }
0x9a: {  	[tilespmem:s0+$0x4E80] =	vst v4  }
0x9b: {  	[tilespmem:s0+$0xEB80] =	vst v5  }
0x9c: {  	[tilespmem:s0+$0x4E90] =	vst v4  }
0x9d: {  	[tilespmem:s0+$0xEB90] =	vst v5  }
0x9e: {  	[tilespmem:s0+$0x4EA0] =	vst v4  }
0x9f: {  	[tilespmem:s0+$0xEBA0] =	vst v5  }
0xa0: {  	[tilespmem:s0+$0x4EB0] =	vst v4  }
0xa1: {  	[tilespmem:s0+$0xEBB0] =	vst v5  }
0xa2: {  	[tilespmem:s0+$0x4EC0] =	vst v4  }
0xa3: {  	[tilespmem:s0+$0xEBC0] =	vst v5  }
0xa4: {  	[tilespmem:s0+$0x4ED0] =	vst v4  }
0xa5: {  	[tilespmem:s0+$0xEBD0] =	vst v5  }
0xa6: {  	[tilespmem:s0+$0x4EE0] =	vst v4  }
0xa7: {  	[tilespmem:s0+$0xEBE0] =	vst v5  }
0xa8: {  	[tilespmem:s0+$0x4EF0] =	vst v4  }
0xa9: {  	[tilespmem:s0+$0xEBF0] =	vst v5  }
0xaa: {  	[tilespmem:s0+$0x4F00] =	vst v4  }
0xab: {  	[tilespmem:s0+$0xEC00] =	vst v5  }
0xac: {  	[tilespmem:s0+$0x4F10] =	vst v4  }
0xad: {  	[tilespmem:s0+$0xEC10] =	vst v5  }
0xae: {  	[tilespmem:s0+$0x4F20] =	vst v4  }
0xaf: {  	[tilespmem:s0+$0xEC20] =	vst v5  }
0xb0: {  	[tilespmem:s0+$0x4F30] =	vst v4  }
0xb1: {  	[tilespmem:s0+$0xEC30] =	vst v5  }
0xb2: {  	[tilespmem:s0+$0x4F40] =	vst v4  }
0xb3: {  	[tilespmem:s0+$0xEC40] =	vst v5  }
.Ltmp4:
0xb4: {  	[tilespmem:s0+$0x4F50] =	vst v4;
	(pc) =	sbr.rel @p0 .LBB2_6-.Ltmp4, $4  }
0xb5: {  	[tilespmem:s0+$0xEC50] =	vst v5  }
0xb6: {  	[tilespmem:s0+$0x4F60] =	vst v4  }
0xb7: {  	[tilespmem:s0+$0xEC60] =	vst v5  }
0xb8: {  	[tilespmem:s0+$0x4F70] =	vst v4;
	s0 =	sshra.s32 s1, $0x2;
	s1 =	sadd.s32 $0x400, s1  }
0xb9: {  	[tilespmem:s0+$0xEC70] =	vst v5  }
0xba: {  	[tilespmem:s0+$0x4E80] =	vst v4  }
0xbb: {  	[tilespmem:s0+$0xEB80] =	vst v5  }
0xbc: {  	[tilespmem:s0+$0x4E90] =	vst v4  }
0xbd: {  	[tilespmem:s0+$0xEB90] =	vst v5  }
0xbe: {  	[tilespmem:s0+$0x4EA0] =	vst v4  }
0xbf: {  	[tilespmem:s0+$0xEBA0] =	vst v5  }
0xc0: {  	[tilespmem:s0+$0x4EB0] =	vst v4  }
0xc1: {  	[tilespmem:s0+$0xEBB0] =	vst v5  }
0xc2: {  	[tilespmem:s0+$0x4EC0] =	vst v4  }
0xc3: {  	[tilespmem:s0+$0xEBC0] =	vst v5  }
0xc4: {  	[tilespmem:s0+$0x4ED0] =	vst v4  }
0xc5: {  	[tilespmem:s0+$0xEBD0] =	vst v5  }
0xc6: {  	[tilespmem:s0+$0x4EE0] =	vst v4  }
0xc7: {  	[tilespmem:s0+$0xEBE0] =	vst v5  }
0xc8: {  	[tilespmem:s0+$0x4EF0] =	vst v4  }
0xc9: {  	[tilespmem:s0+$0xEBF0] =	vst v5  }
0xca: {  	[tilespmem:s0+$0x4F00] =	vst v4  }
0xcb: {  	[tilespmem:s0+$0xEC00] =	vst v5  }
0xcc: {  	[tilespmem:s0+$0x4F10] =	vst v4;
	s23 =	sadd.s32 s23, s10  }
0xcd: {  	[tilespmem:s0+$0xEC10] =	vst v5;
	s1 =	sadd.s32 $0x3F, s23  }
0xce: {  	[tilespmem:s0+$0x4F20] =	vst v4;
	s30 =	sand.u32 $0x3F, s1  }
0xcf: {  	[tilespmem:s0+$0xEC20] =	vst v5;
	s11 =	sshra.s32 s1, $0x1F;
	p0 =	slt.s32 s1, $0x1;
	p1 =	sne.s32 s30, $0x0  }
0xd0: {  	[tilespmem:s0+$0x4F30] =	vst v4;
	s31 =	sshrl.u32 s11, $0x1A;
	p0 =	por !p0, !p1  }
0xd1: {  	[tilespmem:s0+$0xEC30] =	vst v5;
	s10 =	simm.s32 $0x1;
	s1 =	sadd.s32 s31, s1;
	p0 =	por !p0, !p0  }
0xd2: {  	[tilespmem:s0+$0x4F40] =	vst v4;
	s1 =	sshra.s32 s1, $0x6;
	s10 =	simm.s32 @!p0 $0x0  }
0xd3: {  	[tilespmem:s0+$0xEC40] =	vst v5;
	s24 =	ssub.s32 s1, s10  }
0xd4: {  	[tilespmem:s0+$0x4F50] =	vst v4;
	p0 =	slt.s32 s24, $0x1  }
.Ltmp5:
0xd5: {  	[tilespmem:s0+$0xEC50] =	vst v5;
	(pc) =	sbr.rel @!p0 .LBB2_8-.Ltmp5, $4  }
0xd6: {  	[tilespmem:s0+$0x4F60] =	vst v4  }
0xd7: {  	[tilespmem:s0+$0xEC60] =	vst v5  }
0xd8: {  	[tilespmem:s0+$0x4F70] =	vst v4;
	s25 =	simm.s32 $0x0  }
0xd9: {  	s28 =	simm.s32 $0x0;
	_ =	strace $0x80000049;
	s26 =	smov.u32 s23  }
.LBB2_12:
0xda: {  	s21 =	sadd.s32 s21, s22  }
0xdb: {  	_ =	strace $0x90000049;
	s0 =	simm.s32 $0x0;
	s1 =	simm.s32 $0x400  }
.LBB2_13:
0xdc: {  	p0 =	sne.s32 s1, $0x27000;
	[tilespmem:s0+$0xEC70] =	vst v5  }
0xdd: {  	[tilespmem:s0+$0x4E80] =	vst v4  }
0xde: {  	[tilespmem:s0+$0xEB80] =	vst v5  }
0xdf: {  	[tilespmem:s0+$0x4E90] =	vst v4  }
0xe0: {  	[tilespmem:s0+$0xEB90] =	vst v5  }
0xe1: {  	[tilespmem:s0+$0x4EA0] =	vst v4  }
0xe2: {  	[tilespmem:s0+$0xEBA0] =	vst v5  }
0xe3: {  	[tilespmem:s0+$0x4EB0] =	vst v4  }
0xe4: {  	[tilespmem:s0+$0xEBB0] =	vst v5  }
0xe5: {  	[tilespmem:s0+$0x4EC0] =	vst v4  }
0xe6: {  	[tilespmem:s0+$0xEBC0] =	vst v5  }
0xe7: {  	[tilespmem:s0+$0x4ED0] =	vst v4  }
0xe8: {  	[tilespmem:s0+$0xEBD0] =	vst v5  }
0xe9: {  	[tilespmem:s0+$0x4EE0] =	vst v4  }
0xea: {  	[tilespmem:s0+$0xEBE0] =	vst v5  }
0xeb: {  	[tilespmem:s0+$0x4EF0] =	vst v4  }
0xec: {  	[tilespmem:s0+$0xEBF0] =	vst v5  }
0xed: {  	[tilespmem:s0+$0x4F00] =	vst v4  }
0xee: {  	[tilespmem:s0+$0xEC00] =	vst v5  }
0xef: {  	[tilespmem:s0+$0x4F10] =	vst v4  }
0xf0: {  	[tilespmem:s0+$0xEC10] =	vst v5  }
0xf1: {  	[tilespmem:s0+$0x4F20] =	vst v4  }
0xf2: {  	[tilespmem:s0+$0xEC20] =	vst v5  }
0xf3: {  	[tilespmem:s0+$0x4F30] =	vst v4  }
0xf4: {  	[tilespmem:s0+$0xEC30] =	vst v5  }
0xf5: {  	[tilespmem:s0+$0x4F40] =	vst v4  }
0xf6: {  	[tilespmem:s0+$0xEC40] =	vst v5  }
.Ltmp6:
0xf7: {  	[tilespmem:s0+$0x4F50] =	vst v4;
	(pc) =	sbr.rel @p0 .LBB2_13-.Ltmp6, $4  }
0xf8: {  	[tilespmem:s0+$0xEC50] =	vst v5  }
0xf9: {  	[tilespmem:s0+$0x4F60] =	vst v4  }
0xfa: {  	[tilespmem:s0+$0xEC60] =	vst v5  }
0xfb: {  	[tilespmem:s0+$0x4F70] =	vst v4;
	s0 =	sshra.s32 s1, $0x2;
	s1 =	sadd.s32 $0x400, s1  }
0xfc: {  	[tilespmem:s0+$0xEC70] =	vst v5  }
0xfd: {  	[tilespmem:s0+$0x4E80] =	vst v4  }
0xfe: {  	[tilespmem:s0+$0xEB80] =	vst v5  }
0xff: {  	[tilespmem:s0+$0x4E90] =	vst v4  }
0x100: {  	[tilespmem:s0+$0xEB90] =	vst v5  }
0x101: {  	[tilespmem:s0+$0x4EA0] =	vst v4  }
0x102: {  	[tilespmem:s0+$0xEBA0] =	vst v5  }
0x103: {  	[tilespmem:s0+$0x4EB0] =	vst v4  }
0x104: {  	[tilespmem:s0+$0xEBB0] =	vst v5  }
0x105: {  	[tilespmem:s0+$0x4EC0] =	vst v4  }
0x106: {  	[tilespmem:s0+$0xEBC0] =	vst v5  }
0x107: {  	[tilespmem:s0+$0x4ED0] =	vst v4  }
0x108: {  	[tilespmem:s0+$0xEBD0] =	vst v5  }
0x109: {  	[tilespmem:s0+$0x4EE0] =	vst v4  }
0x10a: {  	[tilespmem:s0+$0xEBE0] =	vst v5  }
0x10b: {  	[tilespmem:s0+$0x4EF0] =	vst v4  }
0x10c: {  	[tilespmem:s0+$0xEBF0] =	vst v5  }
0x10d: {  	[tilespmem:s0+$0x4F00] =	vst v4  }
0x10e: {  	[tilespmem:s0+$0xEC00] =	vst v5  }
0x10f: {  	[tilespmem:s0+$0x4F10] =	vst v4  }
0x110: {  	[tilespmem:s0+$0xEC10] =	vst v5;
	s1 =	sadd.s32 $0x3F, s21  }
0x111: {  	[tilespmem:s0+$0x4F20] =	vst v4;
	s10 =	sand.u32 $0x3F, s1  }
0x112: {  	[tilespmem:s0+$0xEC20] =	vst v5;
	s11 =	sshra.s32 s1, $0x1F;
	p0 =	slt.s32 s1, $0x1;
	p1 =	sne.s32 s10, $0x0  }
0x113: {  	[tilespmem:s0+$0x4F30] =	vst v4;
	s31 =	sshrl.u32 s11, $0x1A;
	p0 =	por !p0, !p1  }
0x114: {  	[tilespmem:s0+$0xEC30] =	vst v5;
	s10 =	simm.s32 $0x1;
	s1 =	sadd.s32 s31, s1;
	p0 =	por !p0, !p0  }
0x115: {  	[tilespmem:s0+$0x4F40] =	vst v4;
	s1 =	sshra.s32 s1, $0x6;
	s10 =	simm.s32 @!p0 $0x0  }
0x116: {  	[tilespmem:s0+$0xEC40] =	vst v5;
	s22 =	ssub.s32 s1, s10  }
0x117: {  	[tilespmem:s0+$0x4F50] =	vst v4;
	p0 =	slt.s32 s22, $0x1  }
.Ltmp7:
0x118: {  	[tilespmem:s0+$0xEC50] =	vst v5;
	(pc) =	sbr.rel @!p0 .LBB2_15-.Ltmp7, $4  }
.Ltmp8:
0x119: {  	[tilespmem:s0+$0x4F60] =	vst v4;
	(pc) =	sbr.rel @p0 .LBB2_19-.Ltmp8, $4  }
0x11a: {  	[tilespmem:s0+$0xEC60] =	vst v5  }
0x11b: {  	[tilespmem:s0+$0x4F70] =	vst v4;
	s23 =	simm.s32 $0x0  }
0x11c: {  	s24 =	smov.u32 s21;
	s25 =	simm.s32 $0x0;
	_ =	strace $0x8000004A  }
0x11d: {  	_ = 	snop  }
.LBB2_11:
0x11e: {  	s28 =	sadd.s32 $0x1, s28  }
0x11f: {  	p0 =	sne.s32 s28, s24  }
.Ltmp9:
0x120: {  	_ = 	snop;
	(pc) =	sbr.rel @!p0 .LBB2_12-.Ltmp9, $2  }
0x121: {  	_ =	sdelay $0x2  }
0x122: {  	s26 =	sadd.s32 $0xFFFFFFC0, s26  }
.LBB2_8:
0x123: {  	s0 =	sshll.u32 s28, $0x6  }
0x124: {  	s1 =	sadd.s32 s5, s0  }
0x125: {  	s1 =	sshrl.u32 s1, $0x3  }
0x126: {  	s29 =	simm.s32 $0xD80;
	s1 =	sadd.s32 s3, s1  }
0x127: {  	[tilespmem:s29], [sflag:$0x2] =	stream.linear.gather [hbm4b:s1+s25], $0x40, $0x200038;
	[tilespmem:$0x18880] =	vst v63  }
0x128: {  	_ =	swait.ge [sflag:s9], $0x40  }
0x129: {  	[sflag:s9] =	ssyncset.done $0x0  }
0x12a: {  	[sflag:s9] =	ssyncadd.s32 $0xFFFFFFC0  }
0x12b: {  	v16 =	vld [tilespmem:$0xD80];
	_ =	sdelay $0x2  }
0x12c: {  	s0 =	ssub.s32 s23, s0  }
0x12d: {  	v17 =	vmov s0  }
0x12e: {  	vm1 =	vgt.s32 v17, v2;
	v18 =	vld [tilespmem:$0xD90];
	v16 =	vand.u32 $0x7FFFF, v16  }
0x12f: {  	v19 =	vld [tilespmem:$0xDA0];
	v16 =	vsel vm1, v16, v6  }
0x130: {  	v20 =	vshll.u32 v16, $0x1  }
0x131: {  	v21 =	vand.u32 $0x7, v16;
	v20 =	vand.u32 $0xFFFF0, v20  }
0x132: {  	v22 =	vld [tilespmem:$0xDB0];
	v20 =	vor.u32 v21, v20  }
0x133: {  	v21 =	vperm.xlane v20, v13  }
0x134: {  	vm2 =	vgt.s32 v17, v9;
	v18 =	vand.u32 $0x7FFFF, v18;
	v19 =	vand.u32 $0x7FFFF, v19  }
0x135: {  	vm1 =	vgt.s32 v17, v7;
	v20 =	vperm.xlane v20, v15;
	v21 =	vadd.s32 v14, v21  }
0x136: {  	v18 =	vsel vm1, v18, v8;
	[tilespmem:$0xE00] =	vst v16;
	v16 =	vsel vm2, v19, v10  }
0x137: {  	vm1 =	vgt.s32 v17, v11;
	v17 =	vand.u32 $0x7FFFF, v22;
	[tilespmem:$0xE10] =	vst v18;
	v63 =	vadd.s32 v14, v20  }
0x138: {  	[tilespmem:$0xE20] =	vst v16;
	v16 =	vsel vm1, v17, v12  }
0x139: {  	[tilespmem:$0xE30] =	vst v16  }
0x13a: {  	[tilespmem:s13], [sflag:$0x1] =	stream.indirect_vreg.gather [hbm4b:s2+s25], $0x80, v21, vm0, $0x2000b8;
	[tilespmem:$0x18880] =	vst v63  }
0x13b: {  	_ = 	snop  }
0x13c: {  	[tilespmem:s14], [sflag:$0x1] =	stream.indirect_vreg.gather [hbm4b:s2+s25], $0x80, v63, vm0, $0x2000b8;
	[tilespmem:$0x18880] =	vst v63  }
0x13d: {  	v16 =	vld [tilespmem:$0xE10];
	_ =	sdelay $0x4  }
0x13e: {  	v17 =	vshll.u32 v16, $0x1  }
0x13f: {  	v16 =	vand.u32 $0x7, v16;
	v17 =	vand.u32 $0xFFFFFFF0, v17  }
0x140: {  	v16 =	vor.u32 v16, v17  }
0x141: {  	v17 =	vperm.xlane v16, v13;
	_ =	sdelay $0x1  }
0x142: {  	v16 =	vperm.xlane v16, v15;
	v17 =	vadd.s32 v14, v17;
	_ =	sdelay $0x1  }
0x143: {  	v16 =	vadd.s32 v14, v16;
	_ =	sdelay $0x2  }
0x144: {  	[tilespmem:s15], [sflag:$0x1] =	stream.indirect_vreg.gather [hbm4b:s2+s25], $0x80, v17, vm0, $0x2000b8;
	[tilespmem:$0x18880] =	vst v63  }
0x145: {  	_ = 	snop  }
0x146: {  	[tilespmem:s16], [sflag:$0x1] =	stream.indirect_vreg.gather [hbm4b:s2+s25], $0x80, v16, vm0, $0x2000b8;
	[tilespmem:$0x18880] =	vst v63  }
0x147: {  	v16 =	vld [tilespmem:$0xE20];
	_ =	sdelay $0x4  }
0x148: {  	v17 =	vshll.u32 v16, $0x1  }
0x149: {  	v16 =	vand.u32 $0x7, v16;
	v17 =	vand.u32 $0xFFFFFFF0, v17  }
0x14a: {  	v16 =	vor.u32 v16, v17  }
0x14b: {  	v17 =	vperm.xlane v16, v13;
	_ =	sdelay $0x1  }
0x14c: {  	v16 =	vperm.xlane v16, v15;
	v17 =	vadd.s32 v14, v17;
	_ =	sdelay $0x1  }
0x14d: {  	v16 =	vadd.s32 v14, v16;
	_ =	sdelay $0x2  }
0x14e: {  	[tilespmem:s17], [sflag:$0x1] =	stream.indirect_vreg.gather [hbm4b:s2+s25], $0x80, v17, vm0, $0x2000b8;
	[tilespmem:$0x18880] =	vst v63  }
0x14f: {  	_ = 	snop  }
0x150: {  	[tilespmem:s18], [sflag:$0x1] =	stream.indirect_vreg.gather [hbm4b:s2+s25], $0x80, v16, vm0, $0x2000b8;
	[tilespmem:$0x18880] =	vst v63  }
0x151: {  	v16 =	vld [tilespmem:$0xE30];
	_ =	sdelay $0x4  }
0x152: {  	v17 =	vshll.u32 v16, $0x1  }
0x153: {  	v16 =	vand.u32 $0x7, v16;
	v17 =	vand.u32 $0xFFFFFFF0, v17  }
0x154: {  	v16 =	vor.u32 v16, v17  }
0x155: {  	v17 =	vperm.xlane v16, v13;
	_ =	sdelay $0x1  }
0x156: {  	v16 =	vperm.xlane v16, v15;
	v17 =	vadd.s32 v14, v17;
	_ =	sdelay $0x1  }
0x157: {  	v16 =	vadd.s32 v14, v16;
	_ =	sdelay $0x1  }
0x158: {  	p0 =	slt.s32 s0, $0x1  }
0x159: {  	[tilespmem:s19], [sflag:$0x1] =	stream.indirect_vreg.gather [hbm4b:s2+s25], $0x80, v17, vm0, $0x2000b8;
	[tilespmem:$0x18880] =	vst v63  }
.Ltmp10:
0x15a: {  	_ = 	snop;
	(pc) =	sbr.rel @p0 .LBB2_11-.Ltmp10, $4  }
0x15b: {  	[tilespmem:s20], [sflag:$0x1] =	stream.indirect_vreg.gather [hbm4b:s2+s25], $0x80, v16, vm0, $0x2000b8;
	[tilespmem:$0x18880] =	vst v63  }
0x15c: {  	_ =	swait.ge [sflag:s12], $0x4000  }
0x15d: {  	[sflag:s12] =	ssyncset.done $0x0  }
0x15e: {  	[sflag:s12] =	ssyncadd.s32 $0xFFFFC000  }
0x15f: {  	p0 =	sgt.s32 s26, $0x1;
	s0 =	smov.u32 s26  }
0x160: {  	s0 =	simm.s32 @!p0 $0x1  }
0x161: {  	s0 =	smin.u32 s0, $0x40  }
0x162: {  	s31 =	simm.s32 $0x0;
	s1 =	simm.s32 $0x0;
	s30 =	sshll.u32 s0, $0x8  }
.LBB2_10:
0x163: {  	v16 =	vld [tilespmem:s29+$0x0];
	_ =	sdelay $0x4  }
0x164: {  	(v2sf) =	vpush v16, $0x0;
	_ =	sdelay $0xe  }
0x165: {  	s10 =	sand.u32 $0xFFFFF800, s1;
	s11 =	sand.u32 $0x380, s31;
	s0 =	spop (v2sf)  }
0x166: {  	s10 =	sor.u32 s11, s10;
	s0 =	sshra.s32 s0, $0xB  }
0x167: {  	v16 =	vld [tilespmem:s10+$0xE80];
	s0 =	sand.u32 $0xFFFFFF00, s0  }
0x168: {  	v17 =	vld [tilespmem:s0+$0x4E80];
	_ =	sdelay $0x4  }
0x169: {  	v18 =	vmax.f32 v17, v16  }
0x16a: {  	v17 =	vsub.f32 v17, v18;
	_ =	sdelay $0x1  }
0x16b: {  	v16 =	vsub.f32 v16, v18;
	v17 =	vmul.f32 $1.442695020e+00, v17;
	_ =	sdelay $0x1  }
0x16c: {  	v16 =	vmul.f32 $1.442695020e+00, v16;
	(erf) = vpow2.f32 v17;
	_ =	sdelay $0x1  }
0x16d: {  	(erf) = vpow2.f32 v16;
	_ =	sdelay $0x2  }
0x16e: {  	v16 =	vld [tilespmem:s0+$0xEB80];
	_ =	sdelay $0x3  }
0x16f: {  	v17 =	vpop (erf)  }
0x170: {  	v16 =	vmul.f32 v17, v16  }
0x171: {  	v17 =	vpop (erf)  }
0x172: {  	v16 =	vadd.f32 v16, v17  }
0x173: {  	[tilespmem:s0+$0x4E80] =	vst v18  }
0x174: {  	v17 =	vld [tilespmem:s0+$0x4E90];
	[tilespmem:s0+$0xEB80] =	vst v16  }
0x175: {  	v16 =	vld [tilespmem:s10+$0xE90];
	_ =	sdelay $0x4  }
0x176: {  	v49 =	vmax.f32 v17, v16  }
0x177: {  	v17 =	vsub.f32 v17, v49;
	_ =	sdelay $0x1  }
0x178: {  	v16 =	vsub.f32 v16, v49;
	v17 =	vmul.f32 $1.442695020e+00, v17;
	_ =	sdelay $0x1  }
0x179: {  	v16 =	vmul.f32 $1.442695020e+00, v16;
	(erf) = vpow2.f32 v17;
	_ =	sdelay $0x1  }
0x17a: {  	(erf) = vpow2.f32 v16;
	_ =	sdelay $0x2  }
0x17b: {  	v16 =	vld [tilespmem:s0+$0xEB90];
	_ =	sdelay $0x3  }
0x17c: {  	v17 =	vpop (erf)  }
0x17d: {  	v16 =	vmul.f32 v17, v16  }
0x17e: {  	v17 =	vpop (erf)  }
0x17f: {  	v16 =	vadd.f32 v16, v17  }
0x180: {  	[tilespmem:s0+$0x4E90] =	vst v49  }
0x181: {  	v17 =	vld [tilespmem:s0+$0x4EA0];
	[tilespmem:s0+$0xEB90] =	vst v16  }
0x182: {  	v16 =	vld [tilespmem:s10+$0xEA0];
	_ =	sdelay $0x4  }
0x183: {  	v50 =	vmax.f32 v17, v16  }
0x184: {  	v17 =	vsub.f32 v17, v50;
	_ =	sdelay $0x1  }
0x185: {  	v16 =	vsub.f32 v16, v50;
	v17 =	vmul.f32 $1.442695020e+00, v17;
	_ =	sdelay $0x1  }
0x186: {  	v16 =	vmul.f32 $1.442695020e+00, v16;
	(erf) = vpow2.f32 v17;
	_ =	sdelay $0x1  }
0x187: {  	(erf) = vpow2.f32 v16;
	_ =	sdelay $0x2  }
0x188: {  	v16 =	vld [tilespmem:s0+$0xEBA0];
	_ =	sdelay $0x3  }
0x189: {  	v17 =	vpop (erf)  }
0x18a: {  	v16 =	vmul.f32 v17, v16  }
0x18b: {  	v17 =	vpop (erf)  }
0x18c: {  	v16 =	vadd.f32 v16, v17  }
0x18d: {  	[tilespmem:s0+$0x4EA0] =	vst v50  }
0x18e: {  	v17 =	vld [tilespmem:s0+$0x4EB0];
	[tilespmem:s0+$0xEBA0] =	vst v16  }
0x18f: {  	v16 =	vld [tilespmem:s10+$0xEB0];
	_ =	sdelay $0x4  }
0x190: {  	v51 =	vmax.f32 v17, v16  }
0x191: {  	v17 =	vsub.f32 v17, v51;
	_ =	sdelay $0x1  }
0x192: {  	v16 =	vsub.f32 v16, v51;
	v17 =	vmul.f32 $1.442695020e+00, v17;
	_ =	sdelay $0x1  }
0x193: {  	v16 =	vmul.f32 $1.442695020e+00, v16;
	(erf) = vpow2.f32 v17;
	_ =	sdelay $0x1  }
0x194: {  	(erf) = vpow2.f32 v16;
	_ =	sdelay $0x2  }
0x195: {  	v16 =	vld [tilespmem:s0+$0xEBB0];
	_ =	sdelay $0x3  }
0x196: {  	v17 =	vpop (erf)  }
0x197: {  	v16 =	vmul.f32 v17, v16  }
0x198: {  	v17 =	vpop (erf)  }
0x199: {  	v16 =	vadd.f32 v16, v17  }
0x19a: {  	[tilespmem:s0+$0x4EB0] =	vst v51  }
0x19b: {  	v17 =	vld [tilespmem:s0+$0x4EC0];
	[tilespmem:s0+$0xEBB0] =	vst v16  }
0x19c: {  	v16 =	vld [tilespmem:s10+$0xEC0];
	_ =	sdelay $0x4  }
0x19d: {  	v52 =	vmax.f32 v17, v16  }
0x19e: {  	v17 =	vsub.f32 v17, v52;
	_ =	sdelay $0x1  }
0x19f: {  	v16 =	vsub.f32 v16, v52;
	v17 =	vmul.f32 $1.442695020e+00, v17;
	_ =	sdelay $0x1  }
0x1a0: {  	v16 =	vmul.f32 $1.442695020e+00, v16;
	(erf) = vpow2.f32 v17;
	_ =	sdelay $0x1  }
0x1a1: {  	(erf) = vpow2.f32 v16;
	_ =	sdelay $0x2  }
0x1a2: {  	v16 =	vld [tilespmem:s0+$0xEBC0];
	_ =	sdelay $0x3  }
0x1a3: {  	v17 =	vpop (erf)  }
0x1a4: {  	v16 =	vmul.f32 v17, v16  }
0x1a5: {  	v17 =	vpop (erf)  }
0x1a6: {  	v16 =	vadd.f32 v16, v17  }
0x1a7: {  	[tilespmem:s0+$0x4EC0] =	vst v52  }
0x1a8: {  	v17 =	vld [tilespmem:s0+$0x4ED0];
	[tilespmem:s0+$0xEBC0] =	vst v16  }
0x1a9: {  	v16 =	vld [tilespmem:s10+$0xED0];
	_ =	sdelay $0x4  }
0x1aa: {  	v53 =	vmax.f32 v17, v16  }
0x1ab: {  	v17 =	vsub.f32 v17, v53;
	_ =	sdelay $0x1  }
0x1ac: {  	v16 =	vsub.f32 v16, v53;
	v17 =	vmul.f32 $1.442695020e+00, v17;
	_ =	sdelay $0x1  }
0x1ad: {  	v16 =	vmul.f32 $1.442695020e+00, v16;
	(erf) = vpow2.f32 v17;
	_ =	sdelay $0x1  }
0x1ae: {  	(erf) = vpow2.f32 v16;
	_ =	sdelay $0x2  }
0x1af: {  	v16 =	vld [tilespmem:s0+$0xEBD0];
	_ =	sdelay $0x3  }
0x1b0: {  	v17 =	vpop (erf)  }
0x1b1: {  	v16 =	vmul.f32 v17, v16  }
0x1b2: {  	v17 =	vpop (erf)  }
0x1b3: {  	v16 =	vadd.f32 v16, v17  }
0x1b4: {  	[tilespmem:s0+$0x4ED0] =	vst v53  }
0x1b5: {  	v17 =	vld [tilespmem:s0+$0x4EE0];
	[tilespmem:s0+$0xEBD0] =	vst v16  }
0x1b6: {  	v16 =	vld [tilespmem:s10+$0xEE0];
	_ =	sdelay $0x4  }
0x1b7: {  	v54 =	vmax.f32 v17, v16  }
0x1b8: {  	v17 =	vsub.f32 v17, v54;
	_ =	sdelay $0x1  }
0x1b9: {  	v16 =	vsub.f32 v16, v54;
	v17 =	vmul.f32 $1.442695020e+00, v17;
	_ =	sdelay $0x1  }
0x1ba: {  	v16 =	vmul.f32 $1.442695020e+00, v16;
	(erf) = vpow2.f32 v17;
	_ =	sdelay $0x1  }
0x1bb: {  	(erf) = vpow2.f32 v16;
	_ =	sdelay $0x2  }
0x1bc: {  	v16 =	vld [tilespmem:s0+$0xEBE0];
	_ =	sdelay $0x3  }
0x1bd: {  	v17 =	vpop (erf)  }
0x1be: {  	v16 =	vmul.f32 v17, v16  }
0x1bf: {  	v17 =	vpop (erf)  }
0x1c0: {  	v16 =	vadd.f32 v16, v17  }
0x1c1: {  	[tilespmem:s0+$0x4EE0] =	vst v54  }
0x1c2: {  	v17 =	vld [tilespmem:s0+$0x4EF0];
	[tilespmem:s0+$0xEBE0] =	vst v16  }
0x1c3: {  	v16 =	vld [tilespmem:s10+$0xEF0];
	_ =	sdelay $0x4  }
0x1c4: {  	v55 =	vmax.f32 v17, v16  }
0x1c5: {  	v17 =	vsub.f32 v17, v55;
	_ =	sdelay $0x1  }
0x1c6: {  	v16 =	vsub.f32 v16, v55;
	v17 =	vmul.f32 $1.442695020e+00, v17;
	_ =	sdelay $0x1  }
0x1c7: {  	v16 =	vmul.f32 $1.442695020e+00, v16;
	(erf) = vpow2.f32 v17;
	_ =	sdelay $0x1  }
0x1c8: {  	(erf) = vpow2.f32 v16;
	_ =	sdelay $0x2  }
0x1c9: {  	v16 =	vld [tilespmem:s0+$0xEBF0];
	_ =	sdelay $0x3  }
0x1ca: {  	v17 =	vpop (erf)  }
0x1cb: {  	v16 =	vmul.f32 v17, v16  }
0x1cc: {  	v17 =	vpop (erf)  }
0x1cd: {  	v16 =	vadd.f32 v16, v17  }
0x1ce: {  	[tilespmem:s0+$0x4EF0] =	vst v55  }
0x1cf: {  	v17 =	vld [tilespmem:s0+$0x4F00];
	[tilespmem:s0+$0xEBF0] =	vst v16  }
0x1d0: {  	v16 =	vld [tilespmem:s10+$0x1280];
	_ =	sdelay $0x4  }
0x1d1: {  	v56 =	vmax.f32 v17, v16  }
0x1d2: {  	v17 =	vsub.f32 v17, v56;
	_ =	sdelay $0x1  }
0x1d3: {  	v16 =	vsub.f32 v16, v56;
	v17 =	vmul.f32 $1.442695020e+00, v17;
	_ =	sdelay $0x1  }
0x1d4: {  	v16 =	vmul.f32 $1.442695020e+00, v16;
	(erf) = vpow2.f32 v17;
	_ =	sdelay $0x1  }
0x1d5: {  	(erf) = vpow2.f32 v16;
	_ =	sdelay $0x2  }
0x1d6: {  	v16 =	vld [tilespmem:s0+$0xEC00];
	_ =	sdelay $0x3  }
0x1d7: {  	v17 =	vpop (erf)  }
0x1d8: {  	v16 =	vmul.f32 v17, v16  }
0x1d9: {  	v17 =	vpop (erf)  }
0x1da: {  	v16 =	vadd.f32 v16, v17  }
0x1db: {  	[tilespmem:s0+$0x4F00] =	vst v56  }
0x1dc: {  	v17 =	vld [tilespmem:s0+$0x4F10];
	[tilespmem:s0+$0xEC00] =	vst v16  }
0x1dd: {  	v16 =	vld [tilespmem:s10+$0x1290];
	_ =	sdelay $0x4  }
0x1de: {  	v57 =	vmax.f32 v17, v16  }
0x1df: {  	v17 =	vsub.f32 v17, v57;
	_ =	sdelay $0x1  }
0x1e0: {  	v16 =	vsub.f32 v16, v57;
	v17 =	vmul.f32 $1.442695020e+00, v17;
	_ =	sdelay $0x1  }
0x1e1: {  	v16 =	vmul.f32 $1.442695020e+00, v16;
	(erf) = vpow2.f32 v17;
	_ =	sdelay $0x1  }
0x1e2: {  	(erf) = vpow2.f32 v16;
	_ =	sdelay $0x2  }
0x1e3: {  	v16 =	vld [tilespmem:s0+$0xEC10];
	_ =	sdelay $0x3  }
0x1e4: {  	v17 =	vpop (erf)  }
0x1e5: {  	v16 =	vmul.f32 v17, v16  }
0x1e6: {  	v17 =	vpop (erf)  }
0x1e7: {  	v16 =	vadd.f32 v16, v17  }
0x1e8: {  	[tilespmem:s0+$0x4F10] =	vst v57  }
0x1e9: {  	v17 =	vld [tilespmem:s0+$0x4F20];
	[tilespmem:s0+$0xEC10] =	vst v16  }
0x1ea: {  	v16 =	vld [tilespmem:s10+$0x12A0];
	_ =	sdelay $0x4  }
0x1eb: {  	v58 =	vmax.f32 v17, v16  }
0x1ec: {  	v17 =	vsub.f32 v17, v58;
	_ =	sdelay $0x1  }
0x1ed: {  	v16 =	vsub.f32 v16, v58;
	v17 =	vmul.f32 $1.442695020e+00, v17;
	_ =	sdelay $0x1  }
0x1ee: {  	v16 =	vmul.f32 $1.442695020e+00, v16;
	(erf) = vpow2.f32 v17;
	_ =	sdelay $0x1  }
0x1ef: {  	(erf) = vpow2.f32 v16;
	_ =	sdelay $0x2  }
0x1f0: {  	v16 =	vld [tilespmem:s0+$0xEC20];
	_ =	sdelay $0x3  }
0x1f1: {  	v17 =	vpop (erf)  }
0x1f2: {  	v16 =	vmul.f32 v17, v16  }
0x1f3: {  	v17 =	vpop (erf)  }
0x1f4: {  	v16 =	vadd.f32 v16, v17  }
0x1f5: {  	[tilespmem:s0+$0x4F20] =	vst v58  }
0x1f6: {  	v17 =	vld [tilespmem:s0+$0x4F30];
	[tilespmem:s0+$0xEC20] =	vst v16  }
0x1f7: {  	v16 =	vld [tilespmem:s10+$0x12B0];
	_ =	sdelay $0x4  }
0x1f8: {  	v59 =	vmax.f32 v17, v16  }
0x1f9: {  	v17 =	vsub.f32 v17, v59;
	_ =	sdelay $0x1  }
0x1fa: {  	v16 =	vsub.f32 v16, v59;
	v17 =	vmul.f32 $1.442695020e+00, v17;
	_ =	sdelay $0x1  }
0x1fb: {  	v16 =	vmul.f32 $1.442695020e+00, v16;
	(erf) = vpow2.f32 v17;
	_ =	sdelay $0x1  }
0x1fc: {  	(erf) = vpow2.f32 v16;
	_ =	sdelay $0x2  }
0x1fd: {  	v16 =	vld [tilespmem:s0+$0xEC30];
	_ =	sdelay $0x3  }
0x1fe: {  	v17 =	vpop (erf)  }
0x1ff: {  	v16 =	vmul.f32 v17, v16  }
0x200: {  	v17 =	vpop (erf)  }
0x201: {  	v16 =	vadd.f32 v16, v17  }
0x202: {  	[tilespmem:s0+$0x4F30] =	vst v59  }
0x203: {  	v17 =	vld [tilespmem:s0+$0x4F40];
	[tilespmem:s0+$0xEC30] =	vst v16  }
0x204: {  	v16 =	vld [tilespmem:s10+$0x12C0];
	_ =	sdelay $0x4  }
0x205: {  	v60 =	vmax.f32 v17, v16  }
0x206: {  	v17 =	vsub.f32 v17, v60;
	_ =	sdelay $0x1  }
0x207: {  	v16 =	vsub.f32 v16, v60;
	v17 =	vmul.f32 $1.442695020e+00, v17;
	_ =	sdelay $0x1  }
0x208: {  	v16 =	vmul.f32 $1.442695020e+00, v16;
	(erf) = vpow2.f32 v17;
	_ =	sdelay $0x1  }
0x209: {  	(erf) = vpow2.f32 v16;
	_ =	sdelay $0x2  }
0x20a: {  	v16 =	vld [tilespmem:s0+$0xEC40];
	_ =	sdelay $0x3  }
0x20b: {  	v17 =	vpop (erf)  }
0x20c: {  	v16 =	vmul.f32 v17, v16  }
0x20d: {  	v17 =	vpop (erf)  }
0x20e: {  	v16 =	vadd.f32 v16, v17  }
0x20f: {  	[tilespmem:s0+$0x4F40] =	vst v60  }
0x210: {  	v17 =	vld [tilespmem:s0+$0x4F50];
	[tilespmem:s0+$0xEC40] =	vst v16  }
0x211: {  	v16 =	vld [tilespmem:s10+$0x12D0];
	_ =	sdelay $0x4  }
0x212: {  	v61 =	vmax.f32 v17, v16  }
0x213: {  	v17 =	vsub.f32 v17, v61;
	_ =	sdelay $0x1  }
0x214: {  	v16 =	vsub.f32 v16, v61;
	v17 =	vmul.f32 $1.442695020e+00, v17;
	_ =	sdelay $0x1  }
0x215: {  	v16 =	vmul.f32 $1.442695020e+00, v16;
	(erf) = vpow2.f32 v17;
	_ =	sdelay $0x1  }
0x216: {  	(erf) = vpow2.f32 v16;
	_ =	sdelay $0x2  }
0x217: {  	v16 =	vld [tilespmem:s0+$0xEC50];
	_ =	sdelay $0x3  }
0x218: {  	v17 =	vpop (erf)  }
0x219: {  	v16 =	vmul.f32 v17, v16  }
0x21a: {  	v17 =	vpop (erf)  }
0x21b: {  	v16 =	vadd.f32 v16, v17  }
0x21c: {  	[tilespmem:s0+$0x4F50] =	vst v61  }
0x21d: {  	v17 =	vld [tilespmem:s0+$0x4F60];
	[tilespmem:s0+$0xEC50] =	vst v16  }
0x21e: {  	v16 =	vld [tilespmem:s10+$0x12E0];
	_ =	sdelay $0x4  }
0x21f: {  	v62 =	vmax.f32 v17, v16  }
0x220: {  	v17 =	vsub.f32 v17, v62;
	_ =	sdelay $0x1  }
0x221: {  	v16 =	vsub.f32 v16, v62;
	v17 =	vmul.f32 $1.442695020e+00, v17;
	_ =	sdelay $0x1  }
0x222: {  	v16 =	vmul.f32 $1.442695020e+00, v16;
	(erf) = vpow2.f32 v17;
	_ =	sdelay $0x1  }
0x223: {  	(erf) = vpow2.f32 v16;
	_ =	sdelay $0x2  }
0x224: {  	v16 =	vld [tilespmem:s0+$0xEC60];
	_ =	sdelay $0x3  }
0x225: {  	v17 =	vpop (erf)  }
0x226: {  	v16 =	vmul.f32 v17, v16  }
0x227: {  	v17 =	vpop (erf)  }
0x228: {  	v16 =	vadd.f32 v16, v17  }
0x229: {  	[tilespmem:s0+$0x4F60] =	vst v62  }
0x22a: {  	v17 =	vld [tilespmem:s0+$0x4F70];
	[tilespmem:s0+$0xEC60] =	vst v16  }
0x22b: {  	v16 =	vld [tilespmem:s10+$0x12F0];
	_ =	sdelay $0x4  }
0x22c: {  	v63 =	vmax.f32 v17, v16  }
0x22d: {  	v17 =	vsub.f32 v17, v63;
	_ =	sdelay $0x1  }
0x22e: {  	v16 =	vsub.f32 v16, v63;
	v17 =	vmul.f32 $1.442695020e+00, v17;
	_ =	sdelay $0x1  }
0x22f: {  	v16 =	vmul.f32 $1.442695020e+00, v16;
	(erf) = vpow2.f32 v17;
	_ =	sdelay $0x1  }
0x230: {  	(erf) = vpow2.f32 v16;
	_ =	sdelay $0x2  }
0x231: {  	v16 =	vld [tilespmem:s0+$0xEC70];
	_ =	sdelay $0x2  }
0x232: {  	s1 =	sadd.s32 $0x100, s1  }
0x233: {  	p0 =	sne.s32 s30, s1;
	v17 =	vpop (erf)  }
.Ltmp11:
0x234: {  	v16 =	vmul.f32 v17, v16;
	(pc) =	sbr.rel @p0 .LBB2_10-.Ltmp11, $4  }
0x235: {  	v17 =	vpop (erf)  }
0x236: {  	v16 =	vadd.f32 v16, v17  }
0x237: {  	[tilespmem:s0+$0x4F70] =	vst v63  }
0x238: {  	s31 =	sadd.s32 $0x80, s31;
	s29 =	sadd.s32 $0x1, s29;
	[tilespmem:s0+$0xEC70] =	vst v16  }
.Ltmp12:
0x239: {  	_ = 	snop;
	(pc) =	sbr.rel .LBB2_11-.Ltmp12, $1  }
0x23a: {  	_ =	sdelay $0x3  }
.LBB2_18:
0x23b: {  	s25 =	sadd.s32 $0x1, s25  }
0x23c: {  	p0 =	sne.s32 s25, s22  }
.Ltmp13:
0x23d: {  	_ = 	snop;
	(pc) =	sbr.rel @!p0 .LBB2_19-.Ltmp13, $2  }
0x23e: {  	_ =	sdelay $0x2  }
0x23f: {  	s24 =	sadd.s32 $0xFFFFFFC0, s24  }
.LBB2_15:
0x240: {  	s0 =	sshll.u32 s25, $0x6  }
0x241: {  	s1 =	sadd.s32 s7, s0  }
0x242: {  	s1 =	sshrl.u32 s1, $0x3  }
0x243: {  	s26 =	simm.s32 $0xD80;
	s1 =	sadd.s32 s3, s1  }
0x244: {  	[tilespmem:s26], [sflag:$0x2] =	stream.linear.gather [hbm4b:s1+s23], $0x40, $0x200038;
	[tilespmem:$0x18880] =	vst v63  }
0x245: {  	_ =	swait.ge [sflag:s9], $0x40  }
0x246: {  	[sflag:s9] =	ssyncset.done $0x0  }
0x247: {  	[sflag:s9] =	ssyncadd.s32 $0xFFFFFFC0  }
0x248: {  	v16 =	vld [tilespmem:$0xD80];
	_ =	sdelay $0x2  }
0x249: {  	s0 =	ssub.s32 s21, s0  }
0x24a: {  	v17 =	vmov s0  }
0x24b: {  	vm1 =	vgt.s32 v17, v2;
	v18 =	vld [tilespmem:$0xD90];
	v16 =	vand.u32 $0x7FFFF, v16  }
0x24c: {  	v19 =	vld [tilespmem:$0xDA0];
	v16 =	vsel vm1, v16, v6  }
0x24d: {  	v20 =	vshll.u32 v16, $0x1  }
0x24e: {  	v21 =	vand.u32 $0x7, v16;
	v20 =	vand.u32 $0xFFFF0, v20  }
0x24f: {  	v22 =	vld [tilespmem:$0xDB0];
	v20 =	vor.u32 v21, v20  }
0x250: {  	v21 =	vperm.xlane v20, v13  }
0x251: {  	vm2 =	vgt.s32 v17, v9;
	v18 =	vand.u32 $0x7FFFF, v18;
	v19 =	vand.u32 $0x7FFFF, v19  }
0x252: {  	vm1 =	vgt.s32 v17, v7;
	v20 =	vperm.xlane v20, v15;
	v21 =	vadd.s32 v14, v21  }
0x253: {  	v18 =	vsel vm1, v18, v8;
	[tilespmem:$0xE00] =	vst v16;
	v16 =	vsel vm2, v19, v10  }
0x254: {  	vm1 =	vgt.s32 v17, v11;
	v17 =	vand.u32 $0x7FFFF, v22;
	[tilespmem:$0xE10] =	vst v18;
	v63 =	vadd.s32 v14, v20  }
0x255: {  	[tilespmem:$0xE20] =	vst v16;
	v16 =	vsel vm1, v17, v12  }
0x256: {  	[tilespmem:$0xE30] =	vst v16  }
0x257: {  	[tilespmem:s13], [sflag:$0x1] =	stream.indirect_vreg.gather [hbm4b:s2+s23], $0x80, v21, vm0, $0x2000b8;
	[tilespmem:$0x18880] =	vst v63  }
0x258: {  	_ = 	snop  }
0x259: {  	[tilespmem:s14], [sflag:$0x1] =	stream.indirect_vreg.gather [hbm4b:s2+s23], $0x80, v63, vm0, $0x2000b8;
	[tilespmem:$0x18880] =	vst v63  }
0x25a: {  	v16 =	vld [tilespmem:$0xE10];
	_ =	sdelay $0x4  }
0x25b: {  	v17 =	vshll.u32 v16, $0x1  }
0x25c: {  	v16 =	vand.u32 $0x7, v16;
	v17 =	vand.u32 $0xFFFFFFF0, v17  }
0x25d: {  	v16 =	vor.u32 v16, v17  }
0x25e: {  	v17 =	vperm.xlane v16, v13;
	_ =	sdelay $0x1  }
0x25f: {  	v16 =	vperm.xlane v16, v15;
	v17 =	vadd.s32 v14, v17;
	_ =	sdelay $0x1  }
0x260: {  	v16 =	vadd.s32 v14, v16;
	_ =	sdelay $0x2  }
0x261: {  	[tilespmem:s15], [sflag:$0x1] =	stream.indirect_vreg.gather [hbm4b:s2+s23], $0x80, v17, vm0, $0x2000b8;
	[tilespmem:$0x18880] =	vst v63  }
0x262: {  	_ = 	snop  }
0x263: {  	[tilespmem:s16], [sflag:$0x1] =	stream.indirect_vreg.gather [hbm4b:s2+s23], $0x80, v16, vm0, $0x2000b8;
	[tilespmem:$0x18880] =	vst v63  }
0x264: {  	v16 =	vld [tilespmem:$0xE20];
	_ =	sdelay $0x4  }
0x265: {  	v17 =	vshll.u32 v16, $0x1  }
0x266: {  	v16 =	vand.u32 $0x7, v16;
	v17 =	vand.u32 $0xFFFFFFF0, v17  }
0x267: {  	v16 =	vor.u32 v16, v17  }
0x268: {  	v17 =	vperm.xlane v16, v13;
	_ =	sdelay $0x1  }
0x269: {  	v16 =	vperm.xlane v16, v15;
	v17 =	vadd.s32 v14, v17;
	_ =	sdelay $0x1  }
0x26a: {  	v16 =	vadd.s32 v14, v16;
	_ =	sdelay $0x2  }
0x26b: {  	[tilespmem:s17], [sflag:$0x1] =	stream.indirect_vreg.gather [hbm4b:s2+s23], $0x80, v17, vm0, $0x2000b8;
	[tilespmem:$0x18880] =	vst v63  }
0x26c: {  	_ = 	snop  }
0x26d: {  	[tilespmem:s18], [sflag:$0x1] =	stream.indirect_vreg.gather [hbm4b:s2+s23], $0x80, v16, vm0, $0x2000b8;
	[tilespmem:$0x18880] =	vst v63  }
0x26e: {  	v16 =	vld [tilespmem:$0xE30];
	_ =	sdelay $0x4  }
0x26f: {  	v17 =	vshll.u32 v16, $0x1  }
0x270: {  	v16 =	vand.u32 $0x7, v16;
	v17 =	vand.u32 $0xFFFFFFF0, v17  }
0x271: {  	v16 =	vor.u32 v16, v17  }
0x272: {  	v17 =	vperm.xlane v16, v13;
	_ =	sdelay $0x1  }
0x273: {  	v16 =	vperm.xlane v16, v15;
	v17 =	vadd.s32 v14, v17;
	_ =	sdelay $0x1  }
0x274: {  	v16 =	vadd.s32 v14, v16;
	_ =	sdelay $0x1  }
0x275: {  	p0 =	slt.s32 s0, $0x1  }
0x276: {  	[tilespmem:s19], [sflag:$0x1] =	stream.indirect_vreg.gather [hbm4b:s2+s23], $0x80, v17, vm0, $0x2000b8;
	[tilespmem:$0x18880] =	vst v63  }
.Ltmp14:
0x277: {  	_ = 	snop;
	(pc) =	sbr.rel @p0 .LBB2_18-.Ltmp14, $4  }
0x278: {  	[tilespmem:s20], [sflag:$0x1] =	stream.indirect_vreg.gather [hbm4b:s2+s23], $0x80, v16, vm0, $0x2000b8;
	[tilespmem:$0x18880] =	vst v63  }
0x279: {  	_ =	swait.ge [sflag:s12], $0x4000  }
0x27a: {  	[sflag:s12] =	ssyncset.done $0x0  }
0x27b: {  	[sflag:s12] =	ssyncadd.s32 $0xFFFFC000  }
0x27c: {  	p0 =	sgt.s32 s24, $0x1;
	s0 =	smov.u32 s24  }
0x27d: {  	s0 =	simm.s32 @!p0 $0x1  }
0x27e: {  	s0 =	smin.u32 s0, $0x40  }
0x27f: {  	s29 =	simm.s32 $0x0;
	s1 =	simm.s32 $0x0;
	s28 =	sshll.u32 s0, $0x8  }
.LBB2_17:
0x280: {  	v16 =	vld [tilespmem:s26+$0x0];
	_ =	sdelay $0x4  }
0x281: {  	(v2sf) =	vpush v16, $0x0;
	_ =	sdelay $0xe  }
0x282: {  	s10 =	sand.u32 $0xFFFFF800, s1;
	s11 =	sand.u32 $0x380, s29;
	s0 =	spop (v2sf)  }
0x283: {  	s10 =	sor.u32 s11, s10;
	s0 =	sshra.s32 s0, $0xB  }
0x284: {  	v16 =	vld [tilespmem:s10+$0xE80];
	s0 =	sand.u32 $0xFFFFFF00, s0  }
0x285: {  	v17 =	vld [tilespmem:s0+$0x4E80];
	_ =	sdelay $0x4  }
0x286: {  	v18 =	vmax.f32 v17, v16  }
0x287: {  	v17 =	vsub.f32 v17, v18;
	_ =	sdelay $0x1  }
0x288: {  	v16 =	vsub.f32 v16, v18;
	v17 =	vmul.f32 $1.442695020e+00, v17;
	_ =	sdelay $0x1  }
0x289: {  	v16 =	vmul.f32 $1.442695020e+00, v16;
	(erf) = vpow2.f32 v17;
	_ =	sdelay $0x1  }
0x28a: {  	(erf) = vpow2.f32 v16;
	_ =	sdelay $0x2  }
0x28b: {  	v16 =	vld [tilespmem:s0+$0xEB80];
	_ =	sdelay $0x3  }
0x28c: {  	v17 =	vpop (erf)  }
0x28d: {  	v16 =	vmul.f32 v17, v16  }
0x28e: {  	v17 =	vpop (erf)  }
0x28f: {  	v16 =	vadd.f32 v16, v17  }
0x290: {  	[tilespmem:s0+$0x4E80] =	vst v18  }
0x291: {  	v17 =	vld [tilespmem:s0+$0x4E90];
	[tilespmem:s0+$0xEB80] =	vst v16  }
0x292: {  	v16 =	vld [tilespmem:s10+$0xE90];
	_ =	sdelay $0x4  }
0x293: {  	v49 =	vmax.f32 v17, v16  }
0x294: {  	v17 =	vsub.f32 v17, v49;
	_ =	sdelay $0x1  }
0x295: {  	v16 =	vsub.f32 v16, v49;
	v17 =	vmul.f32 $1.442695020e+00, v17;
	_ =	sdelay $0x1  }
0x296: {  	v16 =	vmul.f32 $1.442695020e+00, v16;
	(erf) = vpow2.f32 v17;
	_ =	sdelay $0x1  }
0x297: {  	(erf) = vpow2.f32 v16;
	_ =	sdelay $0x2  }
0x298: {  	v16 =	vld [tilespmem:s0+$0xEB90];
	_ =	sdelay $0x3  }
0x299: {  	v17 =	vpop (erf)  }
0x29a: {  	v16 =	vmul.f32 v17, v16  }
0x29b: {  	v17 =	vpop (erf)  }
0x29c: {  	v16 =	vadd.f32 v16, v17  }
0x29d: {  	[tilespmem:s0+$0x4E90] =	vst v49  }
0x29e: {  	v17 =	vld [tilespmem:s0+$0x4EA0];
	[tilespmem:s0+$0xEB90] =	vst v16  }
0x29f: {  	v16 =	vld [tilespmem:s10+$0xEA0];
	_ =	sdelay $0x4  }
0x2a0: {  	v50 =	vmax.f32 v17, v16  }
0x2a1: {  	v17 =	vsub.f32 v17, v50;
	_ =	sdelay $0x1  }
0x2a2: {  	v16 =	vsub.f32 v16, v50;
	v17 =	vmul.f32 $1.442695020e+00, v17;
	_ =	sdelay $0x1  }
0x2a3: {  	v16 =	vmul.f32 $1.442695020e+00, v16;
	(erf) = vpow2.f32 v17;
	_ =	sdelay $0x1  }
0x2a4: {  	(erf) = vpow2.f32 v16;
	_ =	sdelay $0x2  }
0x2a5: {  	v16 =	vld [tilespmem:s0+$0xEBA0];
	_ =	sdelay $0x3  }
0x2a6: {  	v17 =	vpop (erf)  }
0x2a7: {  	v16 =	vmul.f32 v17, v16  }
0x2a8: {  	v17 =	vpop (erf)  }
0x2a9: {  	v16 =	vadd.f32 v16, v17  }
0x2aa: {  	[tilespmem:s0+$0x4EA0] =	vst v50  }
0x2ab: {  	v17 =	vld [tilespmem:s0+$0x4EB0];
	[tilespmem:s0+$0xEBA0] =	vst v16  }
0x2ac: {  	v16 =	vld [tilespmem:s10+$0xEB0];
	_ =	sdelay $0x4  }
0x2ad: {  	v51 =	vmax.f32 v17, v16  }
0x2ae: {  	v17 =	vsub.f32 v17, v51;
	_ =	sdelay $0x1  }
0x2af: {  	v16 =	vsub.f32 v16, v51;
	v17 =	vmul.f32 $1.442695020e+00, v17;
	_ =	sdelay $0x1  }
0x2b0: {  	v16 =	vmul.f32 $1.442695020e+00, v16;
	(erf) = vpow2.f32 v17;
	_ =	sdelay $0x1  }
0x2b1: {  	(erf) = vpow2.f32 v16;
	_ =	sdelay $0x2  }
0x2b2: {  	v16 =	vld [tilespmem:s0+$0xEBB0];
	_ =	sdelay $0x3  }
0x2b3: {  	v17 =	vpop (erf)  }
0x2b4: {  	v16 =	vmul.f32 v17, v16  }
0x2b5: {  	v17 =	vpop (erf)  }
0x2b6: {  	v16 =	vadd.f32 v16, v17  }
0x2b7: {  	[tilespmem:s0+$0x4EB0] =	vst v51  }
0x2b8: {  	v17 =	vld [tilespmem:s0+$0x4EC0];
	[tilespmem:s0+$0xEBB0] =	vst v16  }
0x2b9: {  	v16 =	vld [tilespmem:s10+$0xEC0];
	_ =	sdelay $0x4  }
0x2ba: {  	v52 =	vmax.f32 v17, v16  }
0x2bb: {  	v17 =	vsub.f32 v17, v52;
	_ =	sdelay $0x1  }
0x2bc: {  	v16 =	vsub.f32 v16, v52;
	v17 =	vmul.f32 $1.442695020e+00, v17;
	_ =	sdelay $0x1  }
0x2bd: {  	v16 =	vmul.f32 $1.442695020e+00, v16;
	(erf) = vpow2.f32 v17;
	_ =	sdelay $0x1  }
0x2be: {  	(erf) = vpow2.f32 v16;
	_ =	sdelay $0x2  }
0x2bf: {  	v16 =	vld [tilespmem:s0+$0xEBC0];
	_ =	sdelay $0x3  }
0x2c0: {  	v17 =	vpop (erf)  }
0x2c1: {  	v16 =	vmul.f32 v17, v16  }
0x2c2: {  	v17 =	vpop (erf)  }
0x2c3: {  	v16 =	vadd.f32 v16, v17  }
0x2c4: {  	[tilespmem:s0+$0x4EC0] =	vst v52  }
0x2c5: {  	v17 =	vld [tilespmem:s0+$0x4ED0];
	[tilespmem:s0+$0xEBC0] =	vst v16  }
0x2c6: {  	v16 =	vld [tilespmem:s10+$0xED0];
	_ =	sdelay $0x4  }
0x2c7: {  	v53 =	vmax.f32 v17, v16  }
0x2c8: {  	v17 =	vsub.f32 v17, v53;
	_ =	sdelay $0x1  }
0x2c9: {  	v16 =	vsub.f32 v16, v53;
	v17 =	vmul.f32 $1.442695020e+00, v17;
	_ =	sdelay $0x1  }
0x2ca: {  	v16 =	vmul.f32 $1.442695020e+00, v16;
	(erf) = vpow2.f32 v17;
	_ =	sdelay $0x1  }
0x2cb: {  	(erf) = vpow2.f32 v16;
	_ =	sdelay $0x2  }
0x2cc: {  	v16 =	vld [tilespmem:s0+$0xEBD0];
	_ =	sdelay $0x3  }
0x2cd: {  	v17 =	vpop (erf)  }
0x2ce: {  	v16 =	vmul.f32 v17, v16  }
0x2cf: {  	v17 =	vpop (erf)  }
0x2d0: {  	v16 =	vadd.f32 v16, v17  }
0x2d1: {  	[tilespmem:s0+$0x4ED0] =	vst v53  }
0x2d2: {  	v17 =	vld [tilespmem:s0+$0x4EE0];
	[tilespmem:s0+$0xEBD0] =	vst v16  }
0x2d3: {  	v16 =	vld [tilespmem:s10+$0xEE0];
	_ =	sdelay $0x4  }
0x2d4: {  	v54 =	vmax.f32 v17, v16  }
0x2d5: {  	v17 =	vsub.f32 v17, v54;
	_ =	sdelay $0x1  }
0x2d6: {  	v16 =	vsub.f32 v16, v54;
	v17 =	vmul.f32 $1.442695020e+00, v17;
	_ =	sdelay $0x1  }
0x2d7: {  	v16 =	vmul.f32 $1.442695020e+00, v16;
	(erf) = vpow2.f32 v17;
	_ =	sdelay $0x1  }
0x2d8: {  	(erf) = vpow2.f32 v16;
	_ =	sdelay $0x2  }
0x2d9: {  	v16 =	vld [tilespmem:s0+$0xEBE0];
	_ =	sdelay $0x3  }
0x2da: {  	v17 =	vpop (erf)  }
0x2db: {  	v16 =	vmul.f32 v17, v16  }
0x2dc: {  	v17 =	vpop (erf)  }
0x2dd: {  	v16 =	vadd.f32 v16, v17  }
0x2de: {  	[tilespmem:s0+$0x4EE0] =	vst v54  }
0x2df: {  	v17 =	vld [tilespmem:s0+$0x4EF0];
	[tilespmem:s0+$0xEBE0] =	vst v16  }
0x2e0: {  	v16 =	vld [tilespmem:s10+$0xEF0];
	_ =	sdelay $0x4  }
0x2e1: {  	v55 =	vmax.f32 v17, v16  }
0x2e2: {  	v17 =	vsub.f32 v17, v55;
	_ =	sdelay $0x1  }
0x2e3: {  	v16 =	vsub.f32 v16, v55;
	v17 =	vmul.f32 $1.442695020e+00, v17;
	_ =	sdelay $0x1  }
0x2e4: {  	v16 =	vmul.f32 $1.442695020e+00, v16;
	(erf) = vpow2.f32 v17;
	_ =	sdelay $0x1  }
0x2e5: {  	(erf) = vpow2.f32 v16;
	_ =	sdelay $0x2  }
0x2e6: {  	v16 =	vld [tilespmem:s0+$0xEBF0];
	_ =	sdelay $0x3  }
0x2e7: {  	v17 =	vpop (erf)  }
0x2e8: {  	v16 =	vmul.f32 v17, v16  }
0x2e9: {  	v17 =	vpop (erf)  }
0x2ea: {  	v16 =	vadd.f32 v16, v17  }
0x2eb: {  	[tilespmem:s0+$0x4EF0] =	vst v55  }
0x2ec: {  	v17 =	vld [tilespmem:s0+$0x4F00];
	[tilespmem:s0+$0xEBF0] =	vst v16  }
0x2ed: {  	v16 =	vld [tilespmem:s10+$0x1280];
	_ =	sdelay $0x4  }
0x2ee: {  	v56 =	vmax.f32 v17, v16  }
0x2ef: {  	v17 =	vsub.f32 v17, v56;
	_ =	sdelay $0x1  }
0x2f0: {  	v16 =	vsub.f32 v16, v56;
	v17 =	vmul.f32 $1.442695020e+00, v17;
	_ =	sdelay $0x1  }
0x2f1: {  	v16 =	vmul.f32 $1.442695020e+00, v16;
	(erf) = vpow2.f32 v17;
	_ =	sdelay $0x1  }
0x2f2: {  	(erf) = vpow2.f32 v16;
	_ =	sdelay $0x2  }
0x2f3: {  	v16 =	vld [tilespmem:s0+$0xEC00];
	_ =	sdelay $0x3  }
0x2f4: {  	v17 =	vpop (erf)  }
0x2f5: {  	v16 =	vmul.f32 v17, v16  }
0x2f6: {  	v17 =	vpop (erf)  }
0x2f7: {  	v16 =	vadd.f32 v16, v17  }
0x2f8: {  	[tilespmem:s0+$0x4F00] =	vst v56  }
0x2f9: {  	v17 =	vld [tilespmem:s0+$0x4F10];
	[tilespmem:s0+$0xEC00] =	vst v16  }
0x2fa: {  	v16 =	vld [tilespmem:s10+$0x1290];
	_ =	sdelay $0x4  }
0x2fb: {  	v57 =	vmax.f32 v17, v16  }
0x2fc: {  	v17 =	vsub.f32 v17, v57;
	_ =	sdelay $0x1  }
0x2fd: {  	v16 =	vsub.f32 v16, v57;
	v17 =	vmul.f32 $1.442695020e+00, v17;
	_ =	sdelay $0x1  }
0x2fe: {  	v16 =	vmul.f32 $1.442695020e+00, v16;
	(erf) = vpow2.f32 v17;
	_ =	sdelay $0x1  }
0x2ff: {  	(erf) = vpow2.f32 v16;
	_ =	sdelay $0x2  }
0x300: {  	v16 =	vld [tilespmem:s0+$0xEC10];
	_ =	sdelay $0x3  }
0x301: {  	v17 =	vpop (erf)  }
0x302: {  	v16 =	vmul.f32 v17, v16  }
0x303: {  	v17 =	vpop (erf)  }
0x304: {  	v16 =	vadd.f32 v16, v17  }
0x305: {  	[tilespmem:s0+$0x4F10] =	vst v57  }
0x306: {  	v17 =	vld [tilespmem:s0+$0x4F20];
	[tilespmem:s0+$0xEC10] =	vst v16  }
0x307: {  	v16 =	vld [tilespmem:s10+$0x12A0];
	_ =	sdelay $0x4  }
0x308: {  	v58 =	vmax.f32 v17, v16  }
0x309: {  	v17 =	vsub.f32 v17, v58;
	_ =	sdelay $0x1  }
0x30a: {  	v16 =	vsub.f32 v16, v58;
	v17 =	vmul.f32 $1.442695020e+00, v17;
	_ =	sdelay $0x1  }
0x30b: {  	v16 =	vmul.f32 $1.442695020e+00, v16;
	(erf) = vpow2.f32 v17;
	_ =	sdelay $0x1  }
0x30c: {  	(erf) = vpow2.f32 v16;
	_ =	sdelay $0x2  }
0x30d: {  	v16 =	vld [tilespmem:s0+$0xEC20];
	_ =	sdelay $0x3  }
0x30e: {  	v17 =	vpop (erf)  }
0x30f: {  	v16 =	vmul.f32 v17, v16  }
0x310: {  	v17 =	vpop (erf)  }
0x311: {  	v16 =	vadd.f32 v16, v17  }
0x312: {  	[tilespmem:s0+$0x4F20] =	vst v58  }
0x313: {  	v17 =	vld [tilespmem:s0+$0x4F30];
	[tilespmem:s0+$0xEC20] =	vst v16  }
0x314: {  	v16 =	vld [tilespmem:s10+$0x12B0];
	_ =	sdelay $0x4  }
0x315: {  	v59 =	vmax.f32 v17, v16  }
0x316: {  	v17 =	vsub.f32 v17, v59;
	_ =	sdelay $0x1  }
0x317: {  	v16 =	vsub.f32 v16, v59;
	v17 =	vmul.f32 $1.442695020e+00, v17;
	_ =	sdelay $0x1  }
0x318: {  	v16 =	vmul.f32 $1.442695020e+00, v16;
	(erf) = vpow2.f32 v17;
	_ =	sdelay $0x1  }
0x319: {  	(erf) = vpow2.f32 v16;
	_ =	sdelay $0x2  }
0x31a: {  	v16 =	vld [tilespmem:s0+$0xEC30];
	_ =	sdelay $0x3  }
0x31b: {  	v17 =	vpop (erf)  }
0x31c: {  	v16 =	vmul.f32 v17, v16  }
0x31d: {  	v17 =	vpop (erf)  }
0x31e: {  	v16 =	vadd.f32 v16, v17  }
0x31f: {  	[tilespmem:s0+$0x4F30] =	vst v59  }
0x320: {  	v17 =	vld [tilespmem:s0+$0x4F40];
	[tilespmem:s0+$0xEC30] =	vst v16  }
0x321: {  	v16 =	vld [tilespmem:s10+$0x12C0];
	_ =	sdelay $0x4  }
0x322: {  	v60 =	vmax.f32 v17, v16  }
0x323: {  	v17 =	vsub.f32 v17, v60;
	_ =	sdelay $0x1  }
0x324: {  	v16 =	vsub.f32 v16, v60;
	v17 =	vmul.f32 $1.442695020e+00, v17;
	_ =	sdelay $0x1  }
0x325: {  	v16 =	vmul.f32 $1.442695020e+00, v16;
	(erf) = vpow2.f32 v17;
	_ =	sdelay $0x1  }
0x326: {  	(erf) = vpow2.f32 v16;
	_ =	sdelay $0x2  }
0x327: {  	v16 =	vld [tilespmem:s0+$0xEC40];
	_ =	sdelay $0x3  }
0x328: {  	v17 =	vpop (erf)  }
0x329: {  	v16 =	vmul.f32 v17, v16  }
0x32a: {  	v17 =	vpop (erf)  }
0x32b: {  	v16 =	vadd.f32 v16, v17  }
0x32c: {  	[tilespmem:s0+$0x4F40] =	vst v60  }
0x32d: {  	v17 =	vld [tilespmem:s0+$0x4F50];
	[tilespmem:s0+$0xEC40] =	vst v16  }
0x32e: {  	v16 =	vld [tilespmem:s10+$0x12D0];
	_ =	sdelay $0x4  }
0x32f: {  	v61 =	vmax.f32 v17, v16  }
0x330: {  	v17 =	vsub.f32 v17, v61;
	_ =	sdelay $0x1  }
0x331: {  	v16 =	vsub.f32 v16, v61;
	v17 =	vmul.f32 $1.442695020e+00, v17;
	_ =	sdelay $0x1  }
0x332: {  	v16 =	vmul.f32 $1.442695020e+00, v16;
	(erf) = vpow2.f32 v17;
	_ =	sdelay $0x1  }
0x333: {  	(erf) = vpow2.f32 v16;
	_ =	sdelay $0x2  }
0x334: {  	v16 =	vld [tilespmem:s0+$0xEC50];
	_ =	sdelay $0x3  }
0x335: {  	v17 =	vpop (erf)  }
0x336: {  	v16 =	vmul.f32 v17, v16  }
0x337: {  	v17 =	vpop (erf)  }
0x338: {  	v16 =	vadd.f32 v16, v17  }
0x339: {  	[tilespmem:s0+$0x4F50] =	vst v61  }
0x33a: {  	v17 =	vld [tilespmem:s0+$0x4F60];
	[tilespmem:s0+$0xEC50] =	vst v16  }
0x33b: {  	v16 =	vld [tilespmem:s10+$0x12E0];
	_ =	sdelay $0x4  }
0x33c: {  	v62 =	vmax.f32 v17, v16  }
0x33d: {  	v17 =	vsub.f32 v17, v62;
	_ =	sdelay $0x1  }
0x33e: {  	v16 =	vsub.f32 v16, v62;
	v17 =	vmul.f32 $1.442695020e+00, v17;
	_ =	sdelay $0x1  }
0x33f: {  	v16 =	vmul.f32 $1.442695020e+00, v16;
	(erf) = vpow2.f32 v17;
	_ =	sdelay $0x1  }
0x340: {  	(erf) = vpow2.f32 v16;
	_ =	sdelay $0x2  }
0x341: {  	v16 =	vld [tilespmem:s0+$0xEC60];
	_ =	sdelay $0x3  }
0x342: {  	v17 =	vpop (erf)  }
0x343: {  	v16 =	vmul.f32 v17, v16  }
0x344: {  	v17 =	vpop (erf)  }
0x345: {  	v16 =	vadd.f32 v16, v17  }
0x346: {  	[tilespmem:s0+$0x4F60] =	vst v62  }
0x347: {  	v17 =	vld [tilespmem:s0+$0x4F70];
	[tilespmem:s0+$0xEC60] =	vst v16  }
0x348: {  	v16 =	vld [tilespmem:s10+$0x12F0];
	_ =	sdelay $0x4  }
0x349: {  	v63 =	vmax.f32 v17, v16  }
0x34a: {  	v17 =	vsub.f32 v17, v63;
	_ =	sdelay $0x1  }
0x34b: {  	v16 =	vsub.f32 v16, v63;
	v17 =	vmul.f32 $1.442695020e+00, v17;
	_ =	sdelay $0x1  }
0x34c: {  	v16 =	vmul.f32 $1.442695020e+00, v16;
	(erf) = vpow2.f32 v17;
	_ =	sdelay $0x1  }
0x34d: {  	(erf) = vpow2.f32 v16;
	_ =	sdelay $0x2  }
0x34e: {  	v16 =	vld [tilespmem:s0+$0xEC70];
	_ =	sdelay $0x2  }
0x34f: {  	s1 =	sadd.s32 $0x100, s1  }
0x350: {  	p0 =	sne.s32 s28, s1;
	v17 =	vpop (erf)  }
.Ltmp15:
0x351: {  	v16 =	vmul.f32 v17, v16;
	(pc) =	sbr.rel @p0 .LBB2_17-.Ltmp15, $4  }
0x352: {  	v17 =	vpop (erf)  }
0x353: {  	v16 =	vadd.f32 v16, v17  }
0x354: {  	[tilespmem:s0+$0x4F70] =	vst v63  }
0x355: {  	s29 =	sadd.s32 $0x80, s29;
	s26 =	sadd.s32 $0x1, s26;
	[tilespmem:s0+$0xEC70] =	vst v16  }
.Ltmp16:
0x356: {  	_ = 	snop;
	(pc) =	sbr.rel .LBB2_18-.Ltmp16, $1  }
0x357: {  	_ =	sdelay $0x3  }
.LBB2_20:
0x358: {  	_ =	sfence.sel $0x180000  }
0x359: {  	[bflag:$0x0] =	sbarrier.arrive $0xFFFF  }
0x35a: {  	_ =	strace $0x90000047  }
0x35b: {  	s0 =	stileid.u32;
	[bflag:$0x2] =	sbarrier.arrive $0xFFFF  }
0x35c: {  	p0 =	sne.s32 s0, $0x0;
	s0 =	rddreg [dreg:$0x3]  }
0x35d: {  	s0 =	sadd.s32 @!p0 $0x100000, s0  }
0x35e: {  	[sflag:s0] =	ssyncadd.tile.s32 @!p0 $0x1;
	_ =	shalt  }
.Lfunc_end2:
_tile_overlayer_lowered:
.L_overlay_start_2:
0x35f: {  	(tag) =	ssettag $0x2  }
0x360: {  	s0 =	rddreg [dreg:$0x0];
	s2 =	stileid.u32  }
0x361: {  	s1 =	rddreg [dreg:$0x1];
	p0 =	sne.s32 s2, $0x0  }
0x362: {  	s3 =	rddreg [dreg:$0x2];
	[bflag:$0x3] =	sbarrier.arrive $0xFFFF;
	s2 =	simm.s32 @!p0 $0x1C02  }
0x363: {  	[timem:s3], [sflag:s2] =	dma.local @!p0 [hbm:s0], s1  }
0x364: {  	s0 =	simm.s32 @!p0 $0x2  }
0x365: {  	_ =	swait.ge @!p0 [sflag:s0], s1  }
0x366: {  	s1 =	ssub.s32 @!p0 $0x0, s1;
	[sflag:s0] =	ssyncset.done @!p0 $0x0  }
0x367: {  	[sflag:s0] =	ssyncadd.s32 @!p0 s1  }
0x368: {  	[bflag:$0x3] =	sbarrier.arrive $0xFFFF  }
0x369: {  	_ =	shalt  }

</sc_bundles>
